<compile_context>
chip_gen: v7x
topology: tpu7x:2x2x1
jax: 0.10.2.dev20260603
libtpu: 0.0.44.dev20260713+nightly
codegen_flags: <defaults>
</compile_context>

<pallas_src>
import functools
import math

import jax
import jax.numpy as jnp
from jax import lax
from jax.experimental import pallas as pl
from jax.experimental.pallas import tpu as pltpu
from jax.experimental.pallas import tpu_sc as plsc

NC = 2
NS = 16
NW = NC * NS
L = 16
NBUF = 4


@functools.partial(jax.jit, static_argnames=("n", "j", "d"))
def _embed(x, lut, *, n, j, d):
    ipw = n // NW
    ch = ipw // 128
    assert ch == 4
    ng = j * ch
    scale = jnp.float32(math.sqrt(d))

    mesh = plsc.VectorSubcoreMesh(
        core_axis_name="c", subcore_axis_name="s",
        num_cores=NC, num_subcores=NS)

    def body(x_hbm, lut_hbm, out_hbm, idx_scr, idx_t, ins, stages, sins, souts):
        wid = lax.axis_index("s") * NC + lax.axis_index("c")
        ibase = wid * ipw
        itbase = wid * ch
        pltpu.sync_copy(x_hbm.at[pl.ds(ibase, ipw)], idx_scr)

        iota = lax.iota(jnp.int32, L)
        @pl.loop(0, j)
        def _(jj):
            jv = jnp.full((L,), jj, jnp.int32)
            for m in range(ipw // L):
                v = plsc.load_gather(idx_scr, [iota + (m * L), jv])
                idx_t[jj, pl.ds(m * L, L)] = v

        koffs = [(iota + m * L) >> 3 for m in range(d // L)]
        kiffs = [(iota + m * L) & 7 for m in range(d // L)]
        zero = jnp.zeros((L,), jnp.int32)

        def start_gather(g, b):
            jg = g >> 2
            cg = g & 3
            pltpu.async_copy(
                lut_hbm.at[idx_t.at[jg, pl.ds(cg * 128, 128)]], ins[b], sins[b])

        def wait_gather(b):
            pltpu.make_async_copy(
                lut_hbm.at[idx_t.at[0, pl.ds(0, 128)]], ins[b], sins[b]).wait()

        def start_out(g, b):
            jg = g >> 2
            cg = g & 3
            pltpu.async_copy(
                stages[b],
                out_hbm.at[jg, :, pl.ds(itbase + cg, 1)], souts[b])

        def wait_out(b):
            pltpu.make_async_copy(
                stages[b], out_hbm.at[0, :, pl.ds(0, 1)], souts[b]).wait()

        def transform(b):
            src, dst = ins[b], stages[b]

            @plsc.parallel_loop(0, 128, unroll=2)
            def _(il):
                ilv = zero + il
                for m in range(d // L):
                    v = src[il, pl.ds(m * L, L)] * scale
                    plsc.store_scatter(dst, [koffs[m], zero, kiffs[m], ilv], v)

        def do_group(g, b, first, last):
            wait_gather(b)
            if not first:
                wait_out(b)
            transform(b)
            if not last:
                start_gather(g + NBUF, b)
            start_out(g, b)

        for b in range(NBUF):
            start_gather(b, b)
        for b in range(NBUF):
            do_group(b, b, True, False)
        nr = ng // NBUF

        @pl.loop(1, nr - 1)
        def _(rr):
            for b in range(NBUF):
                do_group(rr * NBUF + b, b, False, False)

        for b in range(NBUF):
            do_group((nr - 1) * NBUF + b, b, False, True)
        for b in range(NBUF):
            wait_out(b)

    f32 = jnp.float32
    run = pl.kernel(
        body,
        out_type=jax.ShapeDtypeStruct((j, d // 8, n // 128, 8, 128), f32),
        mesh=mesh,
        scratch_types=[
            pltpu.VMEM((ipw, j), jnp.int32),
            pltpu.VMEM((j, ipw), jnp.int32),
            tuple(pltpu.VMEM((128, d), f32) for _ in range(NBUF)),
            tuple(pltpu.VMEM((d // 8, 1, 8, 128), f32) for _ in range(NBUF)),
            tuple(pltpu.SemaphoreType.DMA for _ in range(NBUF)),
            tuple(pltpu.SemaphoreType.DMA for _ in range(NBUF)),
        ],
        compiler_params=pltpu.CompilerParams(use_tc_tiling_on_sc=False, needs_layout_passes=False),
    )
    return run(x, lut)


def kernel(x, lut):
    n, j = x.shape
    d = lut.shape[1]
    assert n % (NW * 128) == 0 and d % L == 0, (n, d)
    if x.dtype != jnp.int32:
        x = x.astype(jnp.int32)
    out5 = _embed(x, lut, n=n, j=j, d=d)
    return out5.transpose(2, 4, 0, 1, 3).reshape(n, j, d)

# --- scband reference (transcript-rebuilt; emitter-appended) ---
"""Pipeline reference for scband-word-embedding-15917148799230 (READ-ONLY COPY).

The authoritative reference and input builder live on the scoring server;
editing this copy changes nothing except your own understanding.
"""

import math
import jax, jax.numpy as jnp
import numpy as np

VOCAB = 1000000
N_UNITS = 64


def setup_inputs(seed: int = 0) -> dict:
    key = jax.random.key(seed)
    k_idx, k_tab = jax.random.split(key)
    x = jax.random.randint(k_idx, (16384, 50), 0, VOCAB, dtype=jnp.int64 if jax.config.read('jax_enable_x64') else jnp.int32)
    lut = jax.random.normal(k_tab, (VOCAB, N_UNITS), dtype=jnp.float32) * 0.02
    return {"x": x, "lut": lut}


def reference(x, lut):
    # WordEmbedding.forward: self.lut(x) * sqrt(n_units)
    emb = jnp.take(lut, x, axis=0)
    return emb * math.sqrt(N_UNITS)

if __name__ == "__main__":
    import jax
    _d = setup_inputs()
    print(jax.jit(kernel)(*tuple(_d.values())))

</pallas_src>

<mosaic_0001>
#map = affine_map<(d0, d1) -> (0, 0)>
#map1 = affine_map<(d0, d1) -> (0)>
#map2 = affine_map<(d0, d1) -> (0, 0, 0, 0, 0)>
module attributes {stable_mosaic.version = 14 : i64} {
  func.func @_rewritten_body(%arg0: i32, %arg1: i32, %arg2: memref<16384x50xi32, #tpu.memory_space<hbm>>, %arg3: memref<1000000x64xf32, #tpu.memory_space<hbm>>, %arg4: memref<1xf32, #tpu.memory_space<hbm>>, %arg5: memref<50x8x128x8x128xf32, #tpu.memory_space<hbm>>, %arg6: memref<512x50xi32, #tpu.memory_space<vmem>>, %arg7: memref<50x512xi32, #tpu.memory_space<vmem>>, %arg8: memref<128x64xf32, #tpu.memory_space<vmem>>, %arg9: memref<128x64xf32, #tpu.memory_space<vmem>>, %arg10: memref<128x64xf32, #tpu.memory_space<vmem>>, %arg11: memref<128x64xf32, #tpu.memory_space<vmem>>, %arg12: memref<8x1x8x128xf32, #tpu.memory_space<vmem>>, %arg13: memref<8x1x8x128xf32, #tpu.memory_space<vmem>>, %arg14: memref<8x1x8x128xf32, #tpu.memory_space<vmem>>, %arg15: memref<8x1x8x128xf32, #tpu.memory_space<vmem>>, %arg16: memref<!tpu.dma_semaphore, #tpu.memory_space<semaphore_mem>>, %arg17: memref<!tpu.dma_semaphore, #tpu.memory_space<semaphore_mem>>, %arg18: memref<!tpu.dma_semaphore, #tpu.memory_space<semaphore_mem>>, %arg19: memref<!tpu.dma_semaphore, #tpu.memory_space<semaphore_mem>>, %arg20: memref<!tpu.dma_semaphore, #tpu.memory_space<semaphore_mem>>, %arg21: memref<!tpu.dma_semaphore, #tpu.memory_space<semaphore_mem>>, %arg22: memref<!tpu.dma_semaphore, #tpu.memory_space<semaphore_mem>>, %arg23: memref<!tpu.dma_semaphore, #tpu.memory_space<semaphore_mem>>) attributes {dimension_semantics = [#tpu.dimension_semantics<core_parallel>, #tpu.dimension_semantics<subcore_parallel>], iteration_bounds = array<i64: 2, 16>, scalar_prefetch = 0 : i64, scratch_operands = 18 : i64, tpu.core_type = #tpu.core_type<sc_vector_subcore>, window_params = [{transform_indices = #map}, {transform_indices = #map}, {transform_indices = #map1}, {transform_indices = #map2}]} {
    %empty_ref3A = memref.alloca() : memref<16xf32, #tpu.memory_space<vmem>>
    "tpu.region"() ({
      %run_scoped3A = tpu.sem_alloc : memref<!tpu.dma_semaphore, #tpu.memory_space<semaphore_mem>>
      %dma_start3A_403 = arith.constant 0 : i32
      %dma_start3A_404 = tpu.memref_slice %empty_ref3A[%dma_start3A_403] : memref<16xf32, #tpu.memory_space<vmem>> -> memref<1xf32, #tpu.memory_space<vmem>>
      %dma_start3A_405 = arith.constant 0 : i32
      %dma_start3A_406 = tpu.memref_slice %empty_ref3A[%dma_start3A_405] : memref<16xf32, #tpu.memory_space<vmem>> -> memref<1xf32, #tpu.memory_space<vmem>>
      tpu.enqueue_dma source(%arg4 : memref<1xf32, #tpu.memory_space<hbm>>) target(%dma_start3A_406 : memref<1xf32, #tpu.memory_space<vmem>>) target_semaphore(%run_scoped3A : memref<!tpu.dma_semaphore, #tpu.memory_space<semaphore_mem>>)
      %dma_wait3A_407 = arith.constant 0 : i32
      %dma_wait3A_408 = tpu.memref_slice %empty_ref3A[%dma_wait3A_407] : memref<16xf32, #tpu.memory_space<vmem>> -> memref<1xf32, #tpu.memory_space<vmem>>
      %dma_wait3A_409 = arith.constant 0 : i32
      %dma_wait3A_410 = tpu.memref_slice %empty_ref3A[%dma_wait3A_409] : memref<16xf32, #tpu.memory_space<vmem>> -> memref<1xf32, #tpu.memory_space<vmem>>
      tpu.wait_dma2 semaphore(%run_scoped3A : memref<!tpu.dma_semaphore, #tpu.memory_space<semaphore_mem>>) src(%arg4 : memref<1xf32, #tpu.memory_space<hbm>>) dst(%dma_wait3A_410 : memref<1xf32, #tpu.memory_space<vmem>>)
      tpu.yield
    }) : () -> ()
    %get3A = arith.constant 0 : index
    %get3A_0 = tpu.vector_load %empty_ref3A[%get3A] {strides = array<i32>} : memref<16xf32, #tpu.memory_space<vmem>>, vector<16xf32>,
    %slice3A = vector.extract_strided_slice %get3A_0 {offsets = [0], sizes = [1], strides = [1]} : vector<16xf32> to vector<1xf32>
    %squeeze3A = vector.extract %slice3A[0] : f32 from vector<1xf32>
    %mul3A = arith.constant 2 : i32
    %mul3A_1 = arith.muli %arg1, %mul3A : i32
    %add3A = arith.addi %mul3A_1, %arg0 : i32
    %mul3A_2 = arith.constant 512 : i32
    %mul3A_3 = arith.muli %add3A, %mul3A_2 : i32
    %mul3A_4 = arith.constant 4 : i32
    %mul3A_5 = arith.muli %add3A, %mul3A_4 : i32
    "tpu.region"() ({
      %run_scoped3A = tpu.sem_alloc : memref<!tpu.dma_semaphore, #tpu.memory_space<semaphore_mem>>
      %dma_start3A_403 = arith.constant 0 : i32
      %dma_start3A_404 = tpu.memref_slice %arg2[%mul3A_3, %dma_start3A_403] : memref<16384x50xi32, #tpu.memory_space<hbm>> -> memref<512x50xi32, #tpu.memory_space<hbm>>
      %dma_start3A_405 = arith.constant 0 : i32
      %dma_start3A_406 = tpu.memref_slice %arg2[%mul3A_3, %dma_start3A_405] : memref<16384x50xi32, #tpu.memory_space<hbm>> -> memref<512x50xi32, #tpu.memory_space<hbm>>
      tpu.enqueue_dma source(%dma_start3A_406 : memref<512x50xi32, #tpu.memory_space<hbm>>) target(%arg6 : memref<512x50xi32, #tpu.memory_space<vmem>>) target_semaphore(%run_scoped3A : memref<!tpu.dma_semaphore, #tpu.memory_space<semaphore_mem>>)
      %dma_wait3A_407 = arith.constant 0 : i32
      %dma_wait3A_408 = tpu.memref_slice %arg2[%mul3A_3, %dma_wait3A_407] : memref<16384x50xi32, #tpu.memory_space<hbm>> -> memref<512x50xi32, #tpu.memory_space<hbm>>
      %dma_wait3A_409 = arith.constant 0 : i32
      %dma_wait3A_410 = tpu.memref_slice %arg2[%mul3A_3, %dma_wait3A_409] : memref<16384x50xi32, #tpu.memory_space<hbm>> -> memref<512x50xi32, #tpu.memory_space<hbm>>
      tpu.wait_dma2 semaphore(%run_scoped3A : memref<!tpu.dma_semaphore, #tpu.memory_space<semaphore_mem>>) src(%dma_wait3A_410 : memref<512x50xi32, #tpu.memory_space<hbm>>) dst(%arg6 : memref<512x50xi32, #tpu.memory_space<vmem>>)
      tpu.yield
    }) : () -> ()
    %iota3A = tpu.iota {dimensions = array<i32: 0>} : vector<16xi32>
    %scan3A = arith.constant 0 : i32
    %scan3A_6 = arith.constant 50 : i32
    %scan3A_7 = arith.addi %scan3A, %scan3A_6 : i32
    %scan3A_8 = arith.constant 1 : i32
    scf.for %scan3A_403 = %scan3A to %scan3A_7 step %scan3A_8  : i32 {
      %mul3A_404 = arith.constant 1 : i32
      %mul3A_405 = arith.muli %scan3A_403, %mul3A_404 : i32
      %add3A_406 = arith.constant 0 : i32
      %add3A_407 = arith.addi %add3A_406, %mul3A_405 : i32
      %broadcast_in_dim3A_408 = vector.broadcast %add3A_407 : i32 to vector<16xi32>
      %add3A_409 = arith.constant 0 : i32
      %add3A_410 = vector.broadcast %add3A_409 : i32 to vector<16xi32>
      %add3A_411 = arith.addi %iota3A, %add3A_410 : vector<16xi32>
      %gather3A = tpu.vector_load_idx %arg6[%add3A_411, %broadcast_in_dim3A_408] : memref<512x50xi32, #tpu.memory_space<vmem>>[vector<16xi32>, vector<16xi32>], vector<16xi32>,
      %swap3A = arith.index_cast %add3A_407 : i32 to index
      %swap3A_412 = arith.constant 0 : index
      %swap3A_413 = tpu.vector_load %arg7[%swap3A, %swap3A_412] {strides = array<i32>} : memref<50x512xi32, #tpu.memory_space<vmem>>, vector<16xi32>,
      tpu.vector_store %arg7[%swap3A, %swap3A_412], %gather3A {strides = array<i32>} : memref<50x512xi32, #tpu.memory_space<vmem>>, vector<16xi32>,
      %add3A_414 = arith.constant 16 : i32
      %add3A_415 = vector.broadcast %add3A_414 : i32 to vector<16xi32>
      %add3A_416 = arith.addi %iota3A, %add3A_415 : vector<16xi32>
      %gather3A_417 = tpu.vector_load_idx %arg6[%add3A_416, %broadcast_in_dim3A_408] : memref<512x50xi32, #tpu.memory_space<vmem>>[vector<16xi32>, vector<16xi32>], vector<16xi32>,
      %swap3A_418 = arith.index_cast %add3A_407 : i32 to index
      %swap3A_419 = arith.constant 16 : index
      %swap3A_420 = tpu.vector_load %arg7[%swap3A_418, %swap3A_419] {strides = array<i32>} : memref<50x512xi32, #tpu.memory_space<vmem>>, vector<16xi32>,
      tpu.vector_store %arg7[%swap3A_418, %swap3A_419], %gather3A_417 {strides = array<i32>} : memref<50x512xi32, #tpu.memory_space<vmem>>, vector<16xi32>,
      %add3A_421 = arith.constant 32 : i32
      %add3A_422 = vector.broadcast %add3A_421 : i32 to vector<16xi32>
      %add3A_423 = arith.addi %iota3A, %add3A_422 : vector<16xi32>
      %gather3A_424 = tpu.vector_load_idx %arg6[%add3A_423, %broadcast_in_dim3A_408] : memref<512x50xi32, #tpu.memory_space<vmem>>[vector<16xi32>, vector<16xi32>], vector<16xi32>,
      %swap3A_425 = arith.index_cast %add3A_407 : i32 to index
      %swap3A_426 = arith.constant 32 : index
      %swap3A_427 = tpu.vector_load %arg7[%swap3A_425, %swap3A_426] {strides = array<i32>} : memref<50x512xi32, #tpu.memory_space<vmem>>, vector<16xi32>,
      tpu.vector_store %arg7[%swap3A_425, %swap3A_426], %gather3A_424 {strides = array<i32>} : memref<50x512xi32, #tpu.memory_space<vmem>>, vector<16xi32>,
      %add3A_428 = arith.constant 48 : i32
      %add3A_429 = vector.broadcast %add3A_428 : i32 to vector<16xi32>
      %add3A_430 = arith.addi %iota3A, %add3A_429 : vector<16xi32>
      %gather3A_431 = tpu.vector_load_idx %arg6[%add3A_430, %broadcast_in_dim3A_408] : memref<512x50xi32, #tpu.memory_space<vmem>>[vector<16xi32>, vector<16xi32>], vector<16xi32>,
      %swap3A_432 = arith.index_cast %add3A_407 : i32 to index
      %swap3A_433 = arith.constant 48 : index
      %swap3A_434 = tpu.vector_load %arg7[%swap3A_432, %swap3A_433] {strides = array<i32>} : memref<50x512xi32, #tpu.memory_space<vmem>>, vector<16xi32>,
      tpu.vector_store %arg7[%swap3A_432, %swap3A_433], %gather3A_431 {strides = array<i32>} : memref<50x512xi32, #tpu.memory_space<vmem>>, vector<16xi32>,
      %add3A_435 = arith.constant 64 : i32
      %add3A_436 = vector.broadcast %add3A_435 : i32 to vector<16xi32>
      %add3A_437 = arith.addi %iota3A, %add3A_436 : vector<16xi32>
      %gather3A_438 = tpu.vector_load_idx %arg6[%add3A_437, %broadcast_in_dim3A_408] : memref<512x50xi32, #tpu.memory_space<vmem>>[vector<16xi32>, vector<16xi32>], vector<16xi32>,
      %swap3A_439 = arith.index_cast %add3A_407 : i32 to index
      %swap3A_440 = arith.constant 64 : index
      %swap3A_441 = tpu.vector_load %arg7[%swap3A_439, %swap3A_440] {strides = array<i32>} : memref<50x512xi32, #tpu.memory_space<vmem>>, vector<16xi32>,
      tpu.vector_store %arg7[%swap3A_439, %swap3A_440], %gather3A_438 {strides = array<i32>} : memref<50x512xi32, #tpu.memory_space<vmem>>, vector<16xi32>,
      %add3A_442 = arith.constant 80 : i32
      %add3A_443 = vector.broadcast %add3A_442 : i32 to vector<16xi32>
      %add3A_444 = arith.addi %iota3A, %add3A_443 : vector<16xi32>
      %gather3A_445 = tpu.vector_load_idx %arg6[%add3A_444, %broadcast_in_dim3A_408] : memref<512x50xi32, #tpu.memory_space<vmem>>[vector<16xi32>, vector<16xi32>], vector<16xi32>,
      %swap3A_446 = arith.index_cast %add3A_407 : i32 to index
      %swap3A_447 = arith.constant 80 : index
      %swap3A_448 = tpu.vector_load %arg7[%swap3A_446, %swap3A_447] {strides = array<i32>} : memref<50x512xi32, #tpu.memory_space<vmem>>, vector<16xi32>,
      tpu.vector_store %arg7[%swap3A_446, %swap3A_447], %gather3A_445 {strides = array<i32>} : memref<50x512xi32, #tpu.memory_space<vmem>>, vector<16xi32>,
      %add3A_449 = arith.constant 96 : i32
      %add3A_450 = vector.broadcast %add3A_449 : i32 to vector<16xi32>
      %add3A_451 = arith.addi %iota3A, %add3A_450 : vector<16xi32>
      %gather3A_452 = tpu.vector_load_idx %arg6[%add3A_451, %broadcast_in_dim3A_408] : memref<512x50xi32, #tpu.memory_space<vmem>>[vector<16xi32>, vector<16xi32>], vector<16xi32>,
      %swap3A_453 = arith.index_cast %add3A_407 : i32 to index
      %swap3A_454 = arith.constant 96 : index
      %swap3A_455 = tpu.vector_load %arg7[%swap3A_453, %swap3A_454] {strides = array<i32>} : memref<50x512xi32, #tpu.memory_space<vmem>>, vector<16xi32>,
      tpu.vector_store %arg7[%swap3A_453, %swap3A_454], %gather3A_452 {strides = array<i32>} : memref<50x512xi32, #tpu.memory_space<vmem>>, vector<16xi32>,
      %add3A_456 = arith.constant 112 : i32
      %add3A_457 = vector.broadcast %add3A_456 : i32 to vector<16xi32>
      %add3A_458 = arith.addi %iota3A, %add3A_457 : vector<16xi32>
      %gather3A_459 = tpu.vector_load_idx %arg6[%add3A_458, %broadcast_in_dim3A_408] : memref<512x50xi32, #tpu.memory_space<vmem>>[vector<16xi32>, vector<16xi32>], vector<16xi32>,
      %swap3A_460 = arith.index_cast %add3A_407 : i32 to index
      %swap3A_461 = arith.constant 112 : index
      %swap3A_462 = tpu.vector_load %arg7[%swap3A_460, %swap3A_461] {strides = array<i32>} : memref<50x512xi32, #tpu.memory_space<vmem>>, vector<16xi32>,
      tpu.vector_store %arg7[%swap3A_460, %swap3A_461], %gather3A_459 {strides = array<i32>} : memref<50x512xi32, #tpu.memory_space<vmem>>, vector<16xi32>,
      %add3A_463 = arith.constant 128 : i32
      %add3A_464 = vector.broadcast %add3A_463 : i32 to vector<16xi32>
      %add3A_465 = arith.addi %iota3A, %add3A_464 : vector<16xi32>
      %gather3A_466 = tpu.vector_load_idx %arg6[%add3A_465, %broadcast_in_dim3A_408] : memref<512x50xi32, #tpu.memory_space<vmem>>[vector<16xi32>, vector<16xi32>], vector<16xi32>,
      %swap3A_467 = arith.index_cast %add3A_407 : i32 to index
      %swap3A_468 = arith.constant 128 : index
      %swap3A_469 = tpu.vector_load %arg7[%swap3A_467, %swap3A_468] {strides = array<i32>} : memref<50x512xi32, #tpu.memory_space<vmem>>, vector<16xi32>,
      tpu.vector_store %arg7[%swap3A_467, %swap3A_468], %gather3A_466 {strides = array<i32>} : memref<50x512xi32, #tpu.memory_space<vmem>>, vector<16xi32>,
      %add3A_470 = arith.constant 144 : i32
      %add3A_471 = vector.broadcast %add3A_470 : i32 to vector<16xi32>
      %add3A_472 = arith.addi %iota3A, %add3A_471 : vector<16xi32>
      %gather3A_473 = tpu.vector_load_idx %arg6[%add3A_472, %broadcast_in_dim3A_408] : memref<512x50xi32, #tpu.memory_space<vmem>>[vector<16xi32>, vector<16xi32>], vector<16xi32>,
      %swap3A_474 = arith.index_cast %add3A_407 : i32 to index
      %swap3A_475 = arith.constant 144 : index
      %swap3A_476 = tpu.vector_load %arg7[%swap3A_474, %swap3A_475] {strides = array<i32>} : memref<50x512xi32, #tpu.memory_space<vmem>>, vector<16xi32>,
      tpu.vector_store %arg7[%swap3A_474, %swap3A_475], %gather3A_473 {strides = array<i32>} : memref<50x512xi32, #tpu.memory_space<vmem>>, vector<16xi32>,
      %add3A_477 = arith.constant 160 : i32
      %add3A_478 = vector.broadcast %add3A_477 : i32 to vector<16xi32>
      %add3A_479 = arith.addi %iota3A, %add3A_478 : vector<16xi32>
      %gather3A_480 = tpu.vector_load_idx %arg6[%add3A_479, %broadcast_in_dim3A_408] : memref<512x50xi32, #tpu.memory_space<vmem>>[vector<16xi32>, vector<16xi32>], vector<16xi32>,
      %swap3A_481 = arith.index_cast %add3A_407 : i32 to index
      %swap3A_482 = arith.constant 160 : index
      %swap3A_483 = tpu.vector_load %arg7[%swap3A_481, %swap3A_482] {strides = array<i32>} : memref<50x512xi32, #tpu.memory_space<vmem>>, vector<16xi32>,
      tpu.vector_store %arg7[%swap3A_481, %swap3A_482], %gather3A_480 {strides = array<i32>} : memref<50x512xi32, #tpu.memory_space<vmem>>, vector<16xi32>,
      %add3A_484 = arith.constant 176 : i32
      %add3A_485 = vector.broadcast %add3A_484 : i32 to vector<16xi32>
      %add3A_486 = arith.addi %iota3A, %add3A_485 : vector<16xi32>
      %gather3A_487 = tpu.vector_load_idx %arg6[%add3A_486, %broadcast_in_dim3A_408] : memref<512x50xi32, #tpu.memory_space<vmem>>[vector<16xi32>, vector<16xi32>], vector<16xi32>,
      %swap3A_488 = arith.index_cast %add3A_407 : i32 to index
      %swap3A_489 = arith.constant 176 : index
      %swap3A_490 = tpu.vector_load %arg7[%swap3A_488, %swap3A_489] {strides = array<i32>} : memref<50x512xi32, #tpu.memory_space<vmem>>, vector<16xi32>,
      tpu.vector_store %arg7[%swap3A_488, %swap3A_489], %gather3A_487 {strides = array<i32>} : memref<50x512xi32, #tpu.memory_space<vmem>>, vector<16xi32>,
      %add3A_491 = arith.constant 192 : i32
      %add3A_492 = vector.broadcast %add3A_491 : i32 to vector<16xi32>
      %add3A_493 = arith.addi %iota3A, %add3A_492 : vector<16xi32>
      %gather3A_494 = tpu.vector_load_idx %arg6[%add3A_493, %broadcast_in_dim3A_408] : memref<512x50xi32, #tpu.memory_space<vmem>>[vector<16xi32>, vector<16xi32>], vector<16xi32>,
      %swap3A_495 = arith.index_cast %add3A_407 : i32 to index
      %swap3A_496 = arith.constant 192 : index
      %swap3A_497 = tpu.vector_load %arg7[%swap3A_495, %swap3A_496] {strides = array<i32>} : memref<50x512xi32, #tpu.memory_space<vmem>>, vector<16xi32>,
      tpu.vector_store %arg7[%swap3A_495, %swap3A_496], %gather3A_494 {strides = array<i32>} : memref<50x512xi32, #tpu.memory_space<vmem>>, vector<16xi32>,
      %add3A_498 = arith.constant 208 : i32
      %add3A_499 = vector.broadcast %add3A_498 : i32 to vector<16xi32>
      %add3A_500 = arith.addi %iota3A, %add3A_499 : vector<16xi32>
      %gather3A_501 = tpu.vector_load_idx %arg6[%add3A_500, %broadcast_in_dim3A_408] : memref<512x50xi32, #tpu.memory_space<vmem>>[vector<16xi32>, vector<16xi32>], vector<16xi32>,
      %swap3A_502 = arith.index_cast %add3A_407 : i32 to index
      %swap3A_503 = arith.constant 208 : index
      %swap3A_504 = tpu.vector_load %arg7[%swap3A_502, %swap3A_503] {strides = array<i32>} : memref<50x512xi32, #tpu.memory_space<vmem>>, vector<16xi32>,
      tpu.vector_store %arg7[%swap3A_502, %swap3A_503], %gather3A_501 {strides = array<i32>} : memref<50x512xi32, #tpu.memory_space<vmem>>, vector<16xi32>,
      %add3A_505 = arith.constant 224 : i32
      %add3A_506 = vector.broadcast %add3A_505 : i32 to vector<16xi32>
      %add3A_507 = arith.addi %iota3A, %add3A_506 : vector<16xi32>
      %gather3A_508 = tpu.vector_load_idx %arg6[%add3A_507, %broadcast_in_dim3A_408] : memref<512x50xi32, #tpu.memory_space<vmem>>[vector<16xi32>, vector<16xi32>], vector<16xi32>,
      %swap3A_509 = arith.index_cast %add3A_407 : i32 to index
      %swap3A_510 = arith.constant 224 : index
      %swap3A_511 = tpu.vector_load %arg7[%swap3A_509, %swap3A_510] {strides = array<i32>} : memref<50x512xi32, #tpu.memory_space<vmem>>, vector<16xi32>,
      tpu.vector_store %arg7[%swap3A_509, %swap3A_510], %gather3A_508 {strides = array<i32>} : memref<50x512xi32, #tpu.memory_space<vmem>>, vector<16xi32>,
      %add3A_512 = arith.constant 240 : i32
      %add3A_513 = vector.broadcast %add3A_512 : i32 to vector<16xi32>
      %add3A_514 = arith.addi %iota3A, %add3A_513 : vector<16xi32>
      %gather3A_515 = tpu.vector_load_idx %arg6[%add3A_514, %broadcast_in_dim3A_408] : memref<512x50xi32, #tpu.memory_space<vmem>>[vector<16xi32>, vector<16xi32>], vector<16xi32>,
      %swap3A_516 = arith.index_cast %add3A_407 : i32 to index
      %swap3A_517 = arith.constant 240 : index
      %swap3A_518 = tpu.vector_load %arg7[%swap3A_516, %swap3A_517] {strides = array<i32>} : memref<50x512xi32, #tpu.memory_space<vmem>>, vector<16xi32>,
      tpu.vector_store %arg7[%swap3A_516, %swap3A_517], %gather3A_515 {strides = array<i32>} : memref<50x512xi32, #tpu.memory_space<vmem>>, vector<16xi32>,
      %add3A_519 = arith.constant 256 : i32
      %add3A_520 = vector.broadcast %add3A_519 : i32 to vector<16xi32>
      %add3A_521 = arith.addi %iota3A, %add3A_520 : vector<16xi32>
      %gather3A_522 = tpu.vector_load_idx %arg6[%add3A_521, %broadcast_in_dim3A_408] : memref<512x50xi32, #tpu.memory_space<vmem>>[vector<16xi32>, vector<16xi32>], vector<16xi32>,
      %swap3A_523 = arith.index_cast %add3A_407 : i32 to index
      %swap3A_524 = arith.constant 256 : index
      %swap3A_525 = tpu.vector_load %arg7[%swap3A_523, %swap3A_524] {strides = array<i32>} : memref<50x512xi32, #tpu.memory_space<vmem>>, vector<16xi32>,
      tpu.vector_store %arg7[%swap3A_523, %swap3A_524], %gather3A_522 {strides = array<i32>} : memref<50x512xi32, #tpu.memory_space<vmem>>, vector<16xi32>,
      %add3A_526 = arith.constant 272 : i32
      %add3A_527 = vector.broadcast %add3A_526 : i32 to vector<16xi32>
      %add3A_528 = arith.addi %iota3A, %add3A_527 : vector<16xi32>
      %gather3A_529 = tpu.vector_load_idx %arg6[%add3A_528, %broadcast_in_dim3A_408] : memref<512x50xi32, #tpu.memory_space<vmem>>[vector<16xi32>, vector<16xi32>], vector<16xi32>,
      %swap3A_530 = arith.index_cast %add3A_407 : i32 to index
      %swap3A_531 = arith.constant 272 : index
      %swap3A_532 = tpu.vector_load %arg7[%swap3A_530, %swap3A_531] {strides = array<i32>} : memref<50x512xi32, #tpu.memory_space<vmem>>, vector<16xi32>,
      tpu.vector_store %arg7[%swap3A_530, %swap3A_531], %gather3A_529 {strides = array<i32>} : memref<50x512xi32, #tpu.memory_space<vmem>>, vector<16xi32>,
      %add3A_533 = arith.constant 288 : i32
      %add3A_534 = vector.broadcast %add3A_533 : i32 to vector<16xi32>
      %add3A_535 = arith.addi %iota3A, %add3A_534 : vector<16xi32>
      %gather3A_536 = tpu.vector_load_idx %arg6[%add3A_535, %broadcast_in_dim3A_408] : memref<512x50xi32, #tpu.memory_space<vmem>>[vector<16xi32>, vector<16xi32>], vector<16xi32>,
      %swap3A_537 = arith.index_cast %add3A_407 : i32 to index
      %swap3A_538 = arith.constant 288 : index
      %swap3A_539 = tpu.vector_load %arg7[%swap3A_537, %swap3A_538] {strides = array<i32>} : memref<50x512xi32, #tpu.memory_space<vmem>>, vector<16xi32>,
      tpu.vector_store %arg7[%swap3A_537, %swap3A_538], %gather3A_536 {strides = array<i32>} : memref<50x512xi32, #tpu.memory_space<vmem>>, vector<16xi32>,
      %add3A_540 = arith.constant 304 : i32
      %add3A_541 = vector.broadcast %add3A_540 : i32 to vector<16xi32>
      %add3A_542 = arith.addi %iota3A, %add3A_541 : vector<16xi32>
      %gather3A_543 = tpu.vector_load_idx %arg6[%add3A_542, %broadcast_in_dim3A_408] : memref<512x50xi32, #tpu.memory_space<vmem>>[vector<16xi32>, vector<16xi32>], vector<16xi32>,
      %swap3A_544 = arith.index_cast %add3A_407 : i32 to index
      %swap3A_545 = arith.constant 304 : index
      %swap3A_546 = tpu.vector_load %arg7[%swap3A_544, %swap3A_545] {strides = array<i32>} : memref<50x512xi32, #tpu.memory_space<vmem>>, vector<16xi32>,
      tpu.vector_store %arg7[%swap3A_544, %swap3A_545], %gather3A_543 {strides = array<i32>} : memref<50x512xi32, #tpu.memory_space<vmem>>, vector<16xi32>,
      %add3A_547 = arith.constant 320 : i32
      %add3A_548 = vector.broadcast %add3A_547 : i32 to vector<16xi32>
      %add3A_549 = arith.addi %iota3A, %add3A_548 : vector<16xi32>
      %gather3A_550 = tpu.vector_load_idx %arg6[%add3A_549, %broadcast_in_dim3A_408] : memref<512x50xi32, #tpu.memory_space<vmem>>[vector<16xi32>, vector<16xi32>], vector<16xi32>,
      %swap3A_551 = arith.index_cast %add3A_407 : i32 to index
      %swap3A_552 = arith.constant 320 : index
      %swap3A_553 = tpu.vector_load %arg7[%swap3A_551, %swap3A_552] {strides = array<i32>} : memref<50x512xi32, #tpu.memory_space<vmem>>, vector<16xi32>,
      tpu.vector_store %arg7[%swap3A_551, %swap3A_552], %gather3A_550 {strides = array<i32>} : memref<50x512xi32, #tpu.memory_space<vmem>>, vector<16xi32>,
      %add3A_554 = arith.constant 336 : i32
      %add3A_555 = vector.broadcast %add3A_554 : i32 to vector<16xi32>
      %add3A_556 = arith.addi %iota3A, %add3A_555 : vector<16xi32>
      %gather3A_557 = tpu.vector_load_idx %arg6[%add3A_556, %broadcast_in_dim3A_408] : memref<512x50xi32, #tpu.memory_space<vmem>>[vector<16xi32>, vector<16xi32>], vector<16xi32>,
      %swap3A_558 = arith.index_cast %add3A_407 : i32 to index
      %swap3A_559 = arith.constant 336 : index
      %swap3A_560 = tpu.vector_load %arg7[%swap3A_558, %swap3A_559] {strides = array<i32>} : memref<50x512xi32, #tpu.memory_space<vmem>>, vector<16xi32>,
      tpu.vector_store %arg7[%swap3A_558, %swap3A_559], %gather3A_557 {strides = array<i32>} : memref<50x512xi32, #tpu.memory_space<vmem>>, vector<16xi32>,
      %add3A_561 = arith.constant 352 : i32
      %add3A_562 = vector.broadcast %add3A_561 : i32 to vector<16xi32>
      %add3A_563 = arith.addi %iota3A, %add3A_562 : vector<16xi32>
      %gather3A_564 = tpu.vector_load_idx %arg6[%add3A_563, %broadcast_in_dim3A_408] : memref<512x50xi32, #tpu.memory_space<vmem>>[vector<16xi32>, vector<16xi32>], vector<16xi32>,
      %swap3A_565 = arith.index_cast %add3A_407 : i32 to index
      %swap3A_566 = arith.constant 352 : index
      %swap3A_567 = tpu.vector_load %arg7[%swap3A_565, %swap3A_566] {strides = array<i32>} : memref<50x512xi32, #tpu.memory_space<vmem>>, vector<16xi32>,
      tpu.vector_store %arg7[%swap3A_565, %swap3A_566], %gather3A_564 {strides = array<i32>} : memref<50x512xi32, #tpu.memory_space<vmem>>, vector<16xi32>,
      %add3A_568 = arith.constant 368 : i32
      %add3A_569 = vector.broadcast %add3A_568 : i32 to vector<16xi32>
      %add3A_570 = arith.addi %iota3A, %add3A_569 : vector<16xi32>
      %gather3A_571 = tpu.vector_load_idx %arg6[%add3A_570, %broadcast_in_dim3A_408] : memref<512x50xi32, #tpu.memory_space<vmem>>[vector<16xi32>, vector<16xi32>], vector<16xi32>,
      %swap3A_572 = arith.index_cast %add3A_407 : i32 to index
      %swap3A_573 = arith.constant 368 : index
      %swap3A_574 = tpu.vector_load %arg7[%swap3A_572, %swap3A_573] {strides = array<i32>} : memref<50x512xi32, #tpu.memory_space<vmem>>, vector<16xi32>,
      tpu.vector_store %arg7[%swap3A_572, %swap3A_573], %gather3A_571 {strides = array<i32>} : memref<50x512xi32, #tpu.memory_space<vmem>>, vector<16xi32>,
      %add3A_575 = arith.constant 384 : i32
      %add3A_576 = vector.broadcast %add3A_575 : i32 to vector<16xi32>
      %add3A_577 = arith.addi %iota3A, %add3A_576 : vector<16xi32>
      %gather3A_578 = tpu.vector_load_idx %arg6[%add3A_577, %broadcast_in_dim3A_408] : memref<512x50xi32, #tpu.memory_space<vmem>>[vector<16xi32>, vector<16xi32>], vector<16xi32>,
      %swap3A_579 = arith.index_cast %add3A_407 : i32 to index
      %swap3A_580 = arith.constant 384 : index
      %swap3A_581 = tpu.vector_load %arg7[%swap3A_579, %swap3A_580] {strides = array<i32>} : memref<50x512xi32, #tpu.memory_space<vmem>>, vector<16xi32>,
      tpu.vector_store %arg7[%swap3A_579, %swap3A_580], %gather3A_578 {strides = array<i32>} : memref<50x512xi32, #tpu.memory_space<vmem>>, vector<16xi32>,
      %add3A_582 = arith.constant 400 : i32
      %add3A_583 = vector.broadcast %add3A_582 : i32 to vector<16xi32>
      %add3A_584 = arith.addi %iota3A, %add3A_583 : vector<16xi32>
      %gather3A_585 = tpu.vector_load_idx %arg6[%add3A_584, %broadcast_in_dim3A_408] : memref<512x50xi32, #tpu.memory_space<vmem>>[vector<16xi32>, vector<16xi32>], vector<16xi32>,
      %swap3A_586 = arith.index_cast %add3A_407 : i32 to index
      %swap3A_587 = arith.constant 400 : index
      %swap3A_588 = tpu.vector_load %arg7[%swap3A_586, %swap3A_587] {strides = array<i32>} : memref<50x512xi32, #tpu.memory_space<vmem>>, vector<16xi32>,
      tpu.vector_store %arg7[%swap3A_586, %swap3A_587], %gather3A_585 {strides = array<i32>} : memref<50x512xi32, #tpu.memory_space<vmem>>, vector<16xi32>,
      %add3A_589 = arith.constant 416 : i32
      %add3A_590 = vector.broadcast %add3A_589 : i32 to vector<16xi32>
      %add3A_591 = arith.addi %iota3A, %add3A_590 : vector<16xi32>
      %gather3A_592 = tpu.vector_load_idx %arg6[%add3A_591, %broadcast_in_dim3A_408] : memref<512x50xi32, #tpu.memory_space<vmem>>[vector<16xi32>, vector<16xi32>], vector<16xi32>,
      %swap3A_593 = arith.index_cast %add3A_407 : i32 to index
      %swap3A_594 = arith.constant 416 : index
      %swap3A_595 = tpu.vector_load %arg7[%swap3A_593, %swap3A_594] {strides = array<i32>} : memref<50x512xi32, #tpu.memory_space<vmem>>, vector<16xi32>,
      tpu.vector_store %arg7[%swap3A_593, %swap3A_594], %gather3A_592 {strides = array<i32>} : memref<50x512xi32, #tpu.memory_space<vmem>>, vector<16xi32>,
      %add3A_596 = arith.constant 432 : i32
      %add3A_597 = vector.broadcast %add3A_596 : i32 to vector<16xi32>
      %add3A_598 = arith.addi %iota3A, %add3A_597 : vector<16xi32>
      %gather3A_599 = tpu.vector_load_idx %arg6[%add3A_598, %broadcast_in_dim3A_408] : memref<512x50xi32, #tpu.memory_space<vmem>>[vector<16xi32>, vector<16xi32>], vector<16xi32>,
      %swap3A_600 = arith.index_cast %add3A_407 : i32 to index
      %swap3A_601 = arith.constant 432 : index
      %swap3A_602 = tpu.vector_load %arg7[%swap3A_600, %swap3A_601] {strides = array<i32>} : memref<50x512xi32, #tpu.memory_space<vmem>>, vector<16xi32>,
      tpu.vector_store %arg7[%swap3A_600, %swap3A_601], %gather3A_599 {strides = array<i32>} : memref<50x512xi32, #tpu.memory_space<vmem>>, vector<16xi32>,
      %add3A_603 = arith.constant 448 : i32
      %add3A_604 = vector.broadcast %add3A_603 : i32 to vector<16xi32>
      %add3A_605 = arith.addi %iota3A, %add3A_604 : vector<16xi32>
      %gather3A_606 = tpu.vector_load_idx %arg6[%add3A_605, %broadcast_in_dim3A_408] : memref<512x50xi32, #tpu.memory_space<vmem>>[vector<16xi32>, vector<16xi32>], vector<16xi32>,
      %swap3A_607 = arith.index_cast %add3A_407 : i32 to index
      %swap3A_608 = arith.constant 448 : index
      %swap3A_609 = tpu.vector_load %arg7[%swap3A_607, %swap3A_608] {strides = array<i32>} : memref<50x512xi32, #tpu.memory_space<vmem>>, vector<16xi32>,
      tpu.vector_store %arg7[%swap3A_607, %swap3A_608], %gather3A_606 {strides = array<i32>} : memref<50x512xi32, #tpu.memory_space<vmem>>, vector<16xi32>,
      %add3A_610 = arith.constant 464 : i32
      %add3A_611 = vector.broadcast %add3A_610 : i32 to vector<16xi32>
      %add3A_612 = arith.addi %iota3A, %add3A_611 : vector<16xi32>
      %gather3A_613 = tpu.vector_load_idx %arg6[%add3A_612, %broadcast_in_dim3A_408] : memref<512x50xi32, #tpu.memory_space<vmem>>[vector<16xi32>, vector<16xi32>], vector<16xi32>,
      %swap3A_614 = arith.index_cast %add3A_407 : i32 to index
      %swap3A_615 = arith.constant 464 : index
      %swap3A_616 = tpu.vector_load %arg7[%swap3A_614, %swap3A_615] {strides = array<i32>} : memref<50x512xi32, #tpu.memory_space<vmem>>, vector<16xi32>,
      tpu.vector_store %arg7[%swap3A_614, %swap3A_615], %gather3A_613 {strides = array<i32>} : memref<50x512xi32, #tpu.memory_space<vmem>>, vector<16xi32>,
      %add3A_617 = arith.constant 480 : i32
      %add3A_618 = vector.broadcast %add3A_617 : i32 to vector<16xi32>
      %add3A_619 = arith.addi %iota3A, %add3A_618 : vector<16xi32>
      %gather3A_620 = tpu.vector_load_idx %arg6[%add3A_619, %broadcast_in_dim3A_408] : memref<512x50xi32, #tpu.memory_space<vmem>>[vector<16xi32>, vector<16xi32>], vector<16xi32>,
      %swap3A_621 = arith.index_cast %add3A_407 : i32 to index
      %swap3A_622 = arith.constant 480 : index
      %swap3A_623 = tpu.vector_load %arg7[%swap3A_621, %swap3A_622] {strides = array<i32>} : memref<50x512xi32, #tpu.memory_space<vmem>>, vector<16xi32>,
      tpu.vector_store %arg7[%swap3A_621, %swap3A_622], %gather3A_620 {strides = array<i32>} : memref<50x512xi32, #tpu.memory_space<vmem>>, vector<16xi32>,
      %add3A_624 = arith.constant 496 : i32
      %add3A_625 = vector.broadcast %add3A_624 : i32 to vector<16xi32>
      %add3A_626 = arith.addi %iota3A, %add3A_625 : vector<16xi32>
      %gather3A_627 = tpu.vector_load_idx %arg6[%add3A_626, %broadcast_in_dim3A_408] : memref<512x50xi32, #tpu.memory_space<vmem>>[vector<16xi32>, vector<16xi32>], vector<16xi32>,
      %swap3A_628 = arith.index_cast %add3A_407 : i32 to index
      %swap3A_629 = arith.constant 496 : index
      %swap3A_630 = tpu.vector_load %arg7[%swap3A_628, %swap3A_629] {strides = array<i32>} : memref<50x512xi32, #tpu.memory_space<vmem>>, vector<16xi32>,
      tpu.vector_store %arg7[%swap3A_628, %swap3A_629], %gather3A_627 {strides = array<i32>} : memref<50x512xi32, #tpu.memory_space<vmem>>, vector<16xi32>,
    }
    %scan3A_9 = arith.constant 50 : i32
    %add3A_10 = arith.constant 0 : i32
    %add3A_11 = vector.broadcast %add3A_10 : i32 to vector<16xi32>
    %add3A_12 = arith.addi %iota3A, %add3A_11 : vector<16xi32>
    %shift_right_arithmetic3A = arith.constant 3 : i32
    %shift_right_arithmetic3A_13 = vector.broadcast %shift_right_arithmetic3A : i32 to vector<16xi32>
    %shift_right_arithmetic3A_14 = arith.shrsi %add3A_12, %shift_right_arithmetic3A_13 : vector<16xi32>
    %add3A_15 = arith.constant 16 : i32
    %add3A_16 = vector.broadcast %add3A_15 : i32 to vector<16xi32>
    %add3A_17 = arith.addi %iota3A, %add3A_16 : vector<16xi32>
    %shift_right_arithmetic3A_18 = arith.constant 3 : i32
    %shift_right_arithmetic3A_19 = vector.broadcast %shift_right_arithmetic3A_18 : i32 to vector<16xi32>
    %shift_right_arithmetic3A_20 = arith.shrsi %add3A_17, %shift_right_arithmetic3A_19 : vector<16xi32>
    %add3A_21 = arith.constant 32 : i32
    %add3A_22 = vector.broadcast %add3A_21 : i32 to vector<16xi32>
    %add3A_23 = arith.addi %iota3A, %add3A_22 : vector<16xi32>
    %shift_right_arithmetic3A_24 = arith.constant 3 : i32
    %shift_right_arithmetic3A_25 = vector.broadcast %shift_right_arithmetic3A_24 : i32 to vector<16xi32>
    %shift_right_arithmetic3A_26 = arith.shrsi %add3A_23, %shift_right_arithmetic3A_25 : vector<16xi32>
    %add3A_27 = arith.constant 48 : i32
    %add3A_28 = vector.broadcast %add3A_27 : i32 to vector<16xi32>
    %add3A_29 = arith.addi %iota3A, %add3A_28 : vector<16xi32>
    %shift_right_arithmetic3A_30 = arith.constant 3 : i32
    %shift_right_arithmetic3A_31 = vector.broadcast %shift_right_arithmetic3A_30 : i32 to vector<16xi32>
    %shift_right_arithmetic3A_32 = arith.shrsi %add3A_29, %shift_right_arithmetic3A_31 : vector<16xi32>
    %add3A_33 = arith.constant 0 : i32
    %add3A_34 = vector.broadcast %add3A_33 : i32 to vector<16xi32>
    %add3A_35 = arith.addi %iota3A, %add3A_34 : vector<16xi32>
    %and3A = arith.constant 7 : i32
    %and3A_36 = vector.broadcast %and3A : i32 to vector<16xi32>
    %and3A_37 = arith.andi %add3A_35, %and3A_36 : vector<16xi32>
    %add3A_38 = arith.constant 16 : i32
    %add3A_39 = vector.broadcast %add3A_38 : i32 to vector<16xi32>
    %add3A_40 = arith.addi %iota3A, %add3A_39 : vector<16xi32>
    %and3A_41 = arith.constant 7 : i32
    %and3A_42 = vector.broadcast %and3A_41 : i32 to vector<16xi32>
    %and3A_43 = arith.andi %add3A_40, %and3A_42 : vector<16xi32>
    %add3A_44 = arith.constant 32 : i32
    %add3A_45 = vector.broadcast %add3A_44 : i32 to vector<16xi32>
    %add3A_46 = arith.addi %iota3A, %add3A_45 : vector<16xi32>
    %and3A_47 = arith.constant 7 : i32
    %and3A_48 = vector.broadcast %and3A_47 : i32 to vector<16xi32>
    %and3A_49 = arith.andi %add3A_46, %and3A_48 : vector<16xi32>
    %add3A_50 = arith.constant 48 : i32
    %add3A_51 = vector.broadcast %add3A_50 : i32 to vector<16xi32>
    %add3A_52 = arith.addi %iota3A, %add3A_51 : vector<16xi32>
    %and3A_53 = arith.constant 7 : i32
    %and3A_54 = vector.broadcast %and3A_53 : i32 to vector<16xi32>
    %and3A_55 = arith.andi %add3A_52, %and3A_54 : vector<16xi32>
    %broadcast_in_dim3A = arith.constant 0 : i32
    %broadcast_in_dim3A_56 = vector.broadcast %broadcast_in_dim3A : i32 to vector<16xi32>
    %dma_start3A = arith.constant 0 : i32
    %dma_start3A_57 = arith.constant 0 : i32
    %dma_start3A_58 = tpu.memref_slice %arg7[%dma_start3A, %dma_start3A_57] : memref<50x512xi32, #tpu.memory_space<vmem>> -> memref<1x128xi32, #tpu.memory_space<vmem>>
    %dma_start3A_59 = tpu.memref_squeeze %dma_start3A_58 : memref<1x128xi32, #tpu.memory_space<vmem>> -> memref<128xi32, #tpu.memory_space<vmem>>
    %dma_start3A_60 = arith.constant 0 : i32
    %dma_start3A_61 = arith.constant 0 : i32
    %dma_start3A_62 = tpu.memref_slice %arg3[%dma_start3A_60, %dma_start3A_61] : memref<1000000x64xf32, #tpu.memory_space<hbm>> -> memref<1000000x64xf32, #tpu.memory_space<hbm>>
    tpu.enqueue_indirect_dma source(%dma_start3A_62 : memref<1000000x64xf32, #tpu.memory_space<hbm>>) target(%arg8 : memref<128x64xf32, #tpu.memory_space<vmem>>) offsets(%dma_start3A_59 : memref<128xi32, #tpu.memory_space<vmem>>) semaphore(%arg16 : memref<!tpu.dma_semaphore, #tpu.memory_space<semaphore_mem>>)
    %dma_start3A_63 = arith.constant 0 : i32
    %dma_start3A_64 = arith.constant 128 : i32
    %dma_start3A_65 = tpu.memref_slice %arg7[%dma_start3A_63, %dma_start3A_64] : memref<50x512xi32, #tpu.memory_space<vmem>> -> memref<1x128xi32, #tpu.memory_space<vmem>>
    %dma_start3A_66 = tpu.memref_squeeze %dma_start3A_65 : memref<1x128xi32, #tpu.memory_space<vmem>> -> memref<128xi32, #tpu.memory_space<vmem>>
    %dma_start3A_67 = arith.constant 0 : i32
    %dma_start3A_68 = arith.constant 0 : i32
    %dma_start3A_69 = tpu.memref_slice %arg3[%dma_start3A_67, %dma_start3A_68] : memref<1000000x64xf32, #tpu.memory_space<hbm>> -> memref<1000000x64xf32, #tpu.memory_space<hbm>>
    tpu.enqueue_indirect_dma source(%dma_start3A_69 : memref<1000000x64xf32, #tpu.memory_space<hbm>>) target(%arg9 : memref<128x64xf32, #tpu.memory_space<vmem>>) offsets(%dma_start3A_66 : memref<128xi32, #tpu.memory_space<vmem>>) semaphore(%arg17 : memref<!tpu.dma_semaphore, #tpu.memory_space<semaphore_mem>>)
    %dma_start3A_70 = arith.constant 0 : i32
    %dma_start3A_71 = arith.constant 256 : i32
    %dma_start3A_72 = tpu.memref_slice %arg7[%dma_start3A_70, %dma_start3A_71] : memref<50x512xi32, #tpu.memory_space<vmem>> -> memref<1x128xi32, #tpu.memory_space<vmem>>
    %dma_start3A_73 = tpu.memref_squeeze %dma_start3A_72 : memref<1x128xi32, #tpu.memory_space<vmem>> -> memref<128xi32, #tpu.memory_space<vmem>>
    %dma_start3A_74 = arith.constant 0 : i32
    %dma_start3A_75 = arith.constant 0 : i32
    %dma_start3A_76 = tpu.memref_slice %arg3[%dma_start3A_74, %dma_start3A_75] : memref<1000000x64xf32, #tpu.memory_space<hbm>> -> memref<1000000x64xf32, #tpu.memory_space<hbm>>
    tpu.enqueue_indirect_dma source(%dma_start3A_76 : memref<1000000x64xf32, #tpu.memory_space<hbm>>) target(%arg10 : memref<128x64xf32, #tpu.memory_space<vmem>>) offsets(%dma_start3A_73 : memref<128xi32, #tpu.memory_space<vmem>>) semaphore(%arg18 : memref<!tpu.dma_semaphore, #tpu.memory_space<semaphore_mem>>)
    %dma_start3A_77 = arith.constant 0 : i32
    %dma_start3A_78 = arith.constant 384 : i32
    %dma_start3A_79 = tpu.memref_slice %arg7[%dma_start3A_77, %dma_start3A_78] : memref<50x512xi32, #tpu.memory_space<vmem>> -> memref<1x128xi32, #tpu.memory_space<vmem>>
    %dma_start3A_80 = tpu.memref_squeeze %dma_start3A_79 : memref<1x128xi32, #tpu.memory_space<vmem>> -> memref<128xi32, #tpu.memory_space<vmem>>
    %dma_start3A_81 = arith.constant 0 : i32
    %dma_start3A_82 = arith.constant 0 : i32
    %dma_start3A_83 = tpu.memref_slice %arg3[%dma_start3A_81, %dma_start3A_82] : memref<1000000x64xf32, #tpu.memory_space<hbm>> -> memref<1000000x64xf32, #tpu.memory_space<hbm>>
    tpu.enqueue_indirect_dma source(%dma_start3A_83 : memref<1000000x64xf32, #tpu.memory_space<hbm>>) target(%arg11 : memref<128x64xf32, #tpu.memory_space<vmem>>) offsets(%dma_start3A_80 : memref<128xi32, #tpu.memory_space<vmem>>) semaphore(%arg19 : memref<!tpu.dma_semaphore, #tpu.memory_space<semaphore_mem>>)
    %dma_wait3A = arith.constant 0 : i32
    %dma_wait3A_84 = arith.constant 0 : i32
    %dma_wait3A_85 = tpu.memref_slice %arg7[%dma_wait3A, %dma_wait3A_84] : memref<50x512xi32, #tpu.memory_space<vmem>> -> memref<1x128xi32, #tpu.memory_space<vmem>>
    %dma_wait3A_86 = tpu.memref_squeeze %dma_wait3A_85 : memref<1x128xi32, #tpu.memory_space<vmem>> -> memref<128xi32, #tpu.memory_space<vmem>>
    %dma_wait3A_87 = arith.constant 0 : i32
    %dma_wait3A_88 = arith.constant 0 : i32
    %dma_wait3A_89 = tpu.memref_slice %arg3[%dma_wait3A_87, %dma_wait3A_88] : memref<1000000x64xf32, #tpu.memory_space<hbm>> -> memref<1000000x64xf32, #tpu.memory_space<hbm>>
    tpu.wait_indirect_dma semaphore(%arg16 : memref<!tpu.dma_semaphore, #tpu.memory_space<semaphore_mem>>) src(%dma_wait3A_89 : memref<1000000x64xf32, #tpu.memory_space<hbm>>) dst(%arg8 : memref<128x64xf32, #tpu.memory_space<vmem>>)
    %parallel_loop3A = arith.constant 0 : i32
    %parallel_loop3A_90 = arith.constant 128 : i32
    %parallel_loop3A_91 = arith.constant 1 : i32
    scf.for %parallel_loop3A_403 = %parallel_loop3A to %parallel_loop3A_90 step %parallel_loop3A_91  : i32 {
      %parallel_loop3A_404 = vector.broadcast %parallel_loop3A_403 : i32 to vector<16xi32>
      %parallel_loop3A_405 = arith.addi %broadcast_in_dim3A_56, %parallel_loop3A_404 : vector<16xi32>
      %parallel_loop3A_406 = arith.index_cast %parallel_loop3A_403 : i32 to index
      %parallel_loop3A_407 = arith.constant 0 : index
      %parallel_loop3A_408 = tpu.vector_load %arg8[%parallel_loop3A_406, %parallel_loop3A_407] {strides = array<i32>} : memref<128x64xf32, #tpu.memory_space<vmem>>, vector<16xf32>,
      %parallel_loop3A_409 = vector.broadcast %squeeze3A : f32 to vector<16xf32>
      %parallel_loop3A_410 = arith.mulf %parallel_loop3A_408, %parallel_loop3A_409 : vector<16xf32>
      tpu.vector_store_idx %arg12[%shift_right_arithmetic3A_14, %broadcast_in_dim3A_56, %and3A_37, %parallel_loop3A_405], %parallel_loop3A_410 : memref<8x1x8x128xf32, #tpu.memory_space<vmem>>[vector<16xi32>, vector<16xi32>, vector<16xi32>, vector<16xi32>], vector<16xf32>,
      %parallel_loop3A_411 = arith.index_cast %parallel_loop3A_403 : i32 to index
      %parallel_loop3A_412 = arith.constant 16 : index
      %parallel_loop3A_413 = tpu.vector_load %arg8[%parallel_loop3A_411, %parallel_loop3A_412] {strides = array<i32>} : memref<128x64xf32, #tpu.memory_space<vmem>>, vector<16xf32>,
      %parallel_loop3A_414 = vector.broadcast %squeeze3A : f32 to vector<16xf32>
      %parallel_loop3A_415 = arith.mulf %parallel_loop3A_413, %parallel_loop3A_414 : vector<16xf32>
      tpu.vector_store_idx %arg12[%shift_right_arithmetic3A_20, %broadcast_in_dim3A_56, %and3A_43, %parallel_loop3A_405], %parallel_loop3A_415 : memref<8x1x8x128xf32, #tpu.memory_space<vmem>>[vector<16xi32>, vector<16xi32>, vector<16xi32>, vector<16xi32>], vector<16xf32>,
      %parallel_loop3A_416 = arith.index_cast %parallel_loop3A_403 : i32 to index
      %parallel_loop3A_417 = arith.constant 32 : index
      %parallel_loop3A_418 = tpu.vector_load %arg8[%parallel_loop3A_416, %parallel_loop3A_417] {strides = array<i32>} : memref<128x64xf32, #tpu.memory_space<vmem>>, vector<16xf32>,
      %parallel_loop3A_419 = vector.broadcast %squeeze3A : f32 to vector<16xf32>
      %parallel_loop3A_420 = arith.mulf %parallel_loop3A_418, %parallel_loop3A_419 : vector<16xf32>
      tpu.vector_store_idx %arg12[%shift_right_arithmetic3A_26, %broadcast_in_dim3A_56, %and3A_49, %parallel_loop3A_405], %parallel_loop3A_420 : memref<8x1x8x128xf32, #tpu.memory_space<vmem>>[vector<16xi32>, vector<16xi32>, vector<16xi32>, vector<16xi32>], vector<16xf32>,
      %parallel_loop3A_421 = arith.index_cast %parallel_loop3A_403 : i32 to index
      %parallel_loop3A_422 = arith.constant 48 : index
      %parallel_loop3A_423 = tpu.vector_load %arg8[%parallel_loop3A_421, %parallel_loop3A_422] {strides = array<i32>} : memref<128x64xf32, #tpu.memory_space<vmem>>, vector<16xf32>,
      %parallel_loop3A_424 = vector.broadcast %squeeze3A : f32 to vector<16xf32>
      %parallel_loop3A_425 = arith.mulf %parallel_loop3A_423, %parallel_loop3A_424 : vector<16xf32>
      tpu.vector_store_idx %arg12[%shift_right_arithmetic3A_32, %broadcast_in_dim3A_56, %and3A_55, %parallel_loop3A_405], %parallel_loop3A_425 : memref<8x1x8x128xf32, #tpu.memory_space<vmem>>[vector<16xi32>, vector<16xi32>, vector<16xi32>, vector<16xi32>], vector<16xf32>,
    } {sc.loop_unroll_factor = 2 : i64, sc.parallel_access}
    %dma_start3A_92 = arith.constant 1 : i32
    %dma_start3A_93 = arith.constant 0 : i32
    %dma_start3A_94 = tpu.memref_slice %arg7[%dma_start3A_92, %dma_start3A_93] : memref<50x512xi32, #tpu.memory_space<vmem>> -> memref<1x128xi32, #tpu.memory_space<vmem>>
    %dma_start3A_95 = tpu.memref_squeeze %dma_start3A_94 : memref<1x128xi32, #tpu.memory_space<vmem>> -> memref<128xi32, #tpu.memory_space<vmem>>
    %dma_start3A_96 = arith.constant 0 : i32
    %dma_start3A_97 = arith.constant 0 : i32
    %dma_start3A_98 = tpu.memref_slice %arg3[%dma_start3A_96, %dma_start3A_97] : memref<1000000x64xf32, #tpu.memory_space<hbm>> -> memref<1000000x64xf32, #tpu.memory_space<hbm>>
    tpu.enqueue_indirect_dma source(%dma_start3A_98 : memref<1000000x64xf32, #tpu.memory_space<hbm>>) target(%arg8 : memref<128x64xf32, #tpu.memory_space<vmem>>) offsets(%dma_start3A_95 : memref<128xi32, #tpu.memory_space<vmem>>) semaphore(%arg16 : memref<!tpu.dma_semaphore, #tpu.memory_space<semaphore_mem>>)
    %add3A_99 = arith.constant 0 : i32
    %add3A_100 = arith.addi %mul3A_5, %add3A_99 : i32
    %dma_start3A_101 = arith.constant 0 : i32
    %dma_start3A_102 = arith.constant 0 : i32
    %dma_start3A_103 = arith.constant 0 : i32
    %dma_start3A_104 = arith.constant 0 : i32
    %dma_start3A_105 = tpu.memref_slice %arg5[%dma_start3A_101, %dma_start3A_102, %add3A_100, %dma_start3A_103, %dma_start3A_104] : memref<50x8x128x8x128xf32, #tpu.memory_space<hbm>> -> memref<1x8x1x8x128xf32, #tpu.memory_space<hbm>>
    %dma_start3A_106 = tpu.memref_squeeze %dma_start3A_105 : memref<1x8x1x8x128xf32, #tpu.memory_space<hbm>> -> memref<8x1x8x128xf32, #tpu.memory_space<hbm>>
    %dma_start3A_107 = arith.constant 0 : i32
    %dma_start3A_108 = arith.constant 0 : i32
    %dma_start3A_109 = arith.constant 0 : i32
    %dma_start3A_110 = tpu.memref_slice %arg5[%dma_start3A_101, %dma_start3A_107, %add3A_100, %dma_start3A_108, %dma_start3A_109] : memref<50x8x128x8x128xf32, #tpu.memory_space<hbm>> -> memref<1x8x1x8x128xf32, #tpu.memory_space<hbm>>
    %dma_start3A_111 = tpu.memref_squeeze %dma_start3A_110 : memref<1x8x1x8x128xf32, #tpu.memory_space<hbm>> -> memref<8x1x8x128xf32, #tpu.memory_space<hbm>>
    tpu.enqueue_dma source(%arg12 : memref<8x1x8x128xf32, #tpu.memory_space<vmem>>) target(%dma_start3A_111 : memref<8x1x8x128xf32, #tpu.memory_space<hbm>>) target_semaphore(%arg20 : memref<!tpu.dma_semaphore, #tpu.memory_space<semaphore_mem>>)
    %dma_wait3A_112 = arith.constant 0 : i32
    %dma_wait3A_113 = arith.constant 0 : i32
    %dma_wait3A_114 = tpu.memref_slice %arg7[%dma_wait3A_112, %dma_wait3A_113] : memref<50x512xi32, #tpu.memory_space<vmem>> -> memref<1x128xi32, #tpu.memory_space<vmem>>
    %dma_wait3A_115 = tpu.memref_squeeze %dma_wait3A_114 : memref<1x128xi32, #tpu.memory_space<vmem>> -> memref<128xi32, #tpu.memory_space<vmem>>
    %dma_wait3A_116 = arith.constant 0 : i32
    %dma_wait3A_117 = arith.constant 0 : i32
    %dma_wait3A_118 = tpu.memref_slice %arg3[%dma_wait3A_116, %dma_wait3A_117] : memref<1000000x64xf32, #tpu.memory_space<hbm>> -> memref<1000000x64xf32, #tpu.memory_space<hbm>>
    tpu.wait_indirect_dma semaphore(%arg17 : memref<!tpu.dma_semaphore, #tpu.memory_space<semaphore_mem>>) src(%dma_wait3A_118 : memref<1000000x64xf32, #tpu.memory_space<hbm>>) dst(%arg9 : memref<128x64xf32, #tpu.memory_space<vmem>>)
    %parallel_loop3A_119 = arith.constant 0 : i32
    %parallel_loop3A_120 = arith.constant 128 : i32
    %parallel_loop3A_121 = arith.constant 1 : i32
    scf.for %parallel_loop3A_403 = %parallel_loop3A_119 to %parallel_loop3A_120 step %parallel_loop3A_121  : i32 {
      %parallel_loop3A_404 = vector.broadcast %parallel_loop3A_403 : i32 to vector<16xi32>
      %parallel_loop3A_405 = arith.addi %broadcast_in_dim3A_56, %parallel_loop3A_404 : vector<16xi32>
      %parallel_loop3A_406 = arith.index_cast %parallel_loop3A_403 : i32 to index
      %parallel_loop3A_407 = arith.constant 0 : index
      %parallel_loop3A_408 = tpu.vector_load %arg9[%parallel_loop3A_406, %parallel_loop3A_407] {strides = array<i32>} : memref<128x64xf32, #tpu.memory_space<vmem>>, vector<16xf32>,
      %parallel_loop3A_409 = vector.broadcast %squeeze3A : f32 to vector<16xf32>
      %parallel_loop3A_410 = arith.mulf %parallel_loop3A_408, %parallel_loop3A_409 : vector<16xf32>
      tpu.vector_store_idx %arg13[%shift_right_arithmetic3A_14, %broadcast_in_dim3A_56, %and3A_37, %parallel_loop3A_405], %parallel_loop3A_410 : memref<8x1x8x128xf32, #tpu.memory_space<vmem>>[vector<16xi32>, vector<16xi32>, vector<16xi32>, vector<16xi32>], vector<16xf32>,
      %parallel_loop3A_411 = arith.index_cast %parallel_loop3A_403 : i32 to index
      %parallel_loop3A_412 = arith.constant 16 : index
      %parallel_loop3A_413 = tpu.vector_load %arg9[%parallel_loop3A_411, %parallel_loop3A_412] {strides = array<i32>} : memref<128x64xf32, #tpu.memory_space<vmem>>, vector<16xf32>,
      %parallel_loop3A_414 = vector.broadcast %squeeze3A : f32 to vector<16xf32>
      %parallel_loop3A_415 = arith.mulf %parallel_loop3A_413, %parallel_loop3A_414 : vector<16xf32>
      tpu.vector_store_idx %arg13[%shift_right_arithmetic3A_20, %broadcast_in_dim3A_56, %and3A_43, %parallel_loop3A_405], %parallel_loop3A_415 : memref<8x1x8x128xf32, #tpu.memory_space<vmem>>[vector<16xi32>, vector<16xi32>, vector<16xi32>, vector<16xi32>], vector<16xf32>,
      %parallel_loop3A_416 = arith.index_cast %parallel_loop3A_403 : i32 to index
      %parallel_loop3A_417 = arith.constant 32 : index
      %parallel_loop3A_418 = tpu.vector_load %arg9[%parallel_loop3A_416, %parallel_loop3A_417] {strides = array<i32>} : memref<128x64xf32, #tpu.memory_space<vmem>>, vector<16xf32>,
      %parallel_loop3A_419 = vector.broadcast %squeeze3A : f32 to vector<16xf32>
      %parallel_loop3A_420 = arith.mulf %parallel_loop3A_418, %parallel_loop3A_419 : vector<16xf32>
      tpu.vector_store_idx %arg13[%shift_right_arithmetic3A_26, %broadcast_in_dim3A_56, %and3A_49, %parallel_loop3A_405], %parallel_loop3A_420 : memref<8x1x8x128xf32, #tpu.memory_space<vmem>>[vector<16xi32>, vector<16xi32>, vector<16xi32>, vector<16xi32>], vector<16xf32>,
      %parallel_loop3A_421 = arith.index_cast %parallel_loop3A_403 : i32 to index
      %parallel_loop3A_422 = arith.constant 48 : index
      %parallel_loop3A_423 = tpu.vector_load %arg9[%parallel_loop3A_421, %parallel_loop3A_422] {strides = array<i32>} : memref<128x64xf32, #tpu.memory_space<vmem>>, vector<16xf32>,
      %parallel_loop3A_424 = vector.broadcast %squeeze3A : f32 to vector<16xf32>
      %parallel_loop3A_425 = arith.mulf %parallel_loop3A_423, %parallel_loop3A_424 : vector<16xf32>
      tpu.vector_store_idx %arg13[%shift_right_arithmetic3A_32, %broadcast_in_dim3A_56, %and3A_55, %parallel_loop3A_405], %parallel_loop3A_425 : memref<8x1x8x128xf32, #tpu.memory_space<vmem>>[vector<16xi32>, vector<16xi32>, vector<16xi32>, vector<16xi32>], vector<16xf32>,
    } {sc.loop_unroll_factor = 2 : i64, sc.parallel_access}
    %dma_start3A_122 = arith.constant 1 : i32
    %dma_start3A_123 = arith.constant 128 : i32
    %dma_start3A_124 = tpu.memref_slice %arg7[%dma_start3A_122, %dma_start3A_123] : memref<50x512xi32, #tpu.memory_space<vmem>> -> memref<1x128xi32, #tpu.memory_space<vmem>>
    %dma_start3A_125 = tpu.memref_squeeze %dma_start3A_124 : memref<1x128xi32, #tpu.memory_space<vmem>> -> memref<128xi32, #tpu.memory_space<vmem>>
    %dma_start3A_126 = arith.constant 0 : i32
    %dma_start3A_127 = arith.constant 0 : i32
    %dma_start3A_128 = tpu.memref_slice %arg3[%dma_start3A_126, %dma_start3A_127] : memref<1000000x64xf32, #tpu.memory_space<hbm>> -> memref<1000000x64xf32, #tpu.memory_space<hbm>>
    tpu.enqueue_indirect_dma source(%dma_start3A_128 : memref<1000000x64xf32, #tpu.memory_space<hbm>>) target(%arg9 : memref<128x64xf32, #tpu.memory_space<vmem>>) offsets(%dma_start3A_125 : memref<128xi32, #tpu.memory_space<vmem>>) semaphore(%arg17 : memref<!tpu.dma_semaphore, #tpu.memory_space<semaphore_mem>>)
    %add3A_129 = arith.constant 1 : i32
    %add3A_130 = arith.addi %mul3A_5, %add3A_129 : i32
    %dma_start3A_131 = arith.constant 0 : i32
    %dma_start3A_132 = arith.constant 0 : i32
    %dma_start3A_133 = arith.constant 0 : i32
    %dma_start3A_134 = arith.constant 0 : i32
    %dma_start3A_135 = tpu.memref_slice %arg5[%dma_start3A_131, %dma_start3A_132, %add3A_130, %dma_start3A_133, %dma_start3A_134] : memref<50x8x128x8x128xf32, #tpu.memory_space<hbm>> -> memref<1x8x1x8x128xf32, #tpu.memory_space<hbm>>
    %dma_start3A_136 = tpu.memref_squeeze %dma_start3A_135 : memref<1x8x1x8x128xf32, #tpu.memory_space<hbm>> -> memref<8x1x8x128xf32, #tpu.memory_space<hbm>>
    %dma_start3A_137 = arith.constant 0 : i32
    %dma_start3A_138 = arith.constant 0 : i32
    %dma_start3A_139 = arith.constant 0 : i32
    %dma_start3A_140 = tpu.memref_slice %arg5[%dma_start3A_131, %dma_start3A_137, %add3A_130, %dma_start3A_138, %dma_start3A_139] : memref<50x8x128x8x128xf32, #tpu.memory_space<hbm>> -> memref<1x8x1x8x128xf32, #tpu.memory_space<hbm>>
    %dma_start3A_141 = tpu.memref_squeeze %dma_start3A_140 : memref<1x8x1x8x128xf32, #tpu.memory_space<hbm>> -> memref<8x1x8x128xf32, #tpu.memory_space<hbm>>
    tpu.enqueue_dma source(%arg13 : memref<8x1x8x128xf32, #tpu.memory_space<vmem>>) target(%dma_start3A_141 : memref<8x1x8x128xf32, #tpu.memory_space<hbm>>) target_semaphore(%arg21 : memref<!tpu.dma_semaphore, #tpu.memory_space<semaphore_mem>>)
    %dma_wait3A_142 = arith.constant 0 : i32
    %dma_wait3A_143 = arith.constant 0 : i32
    %dma_wait3A_144 = tpu.memref_slice %arg7[%dma_wait3A_142, %dma_wait3A_143] : memref<50x512xi32, #tpu.memory_space<vmem>> -> memref<1x128xi32, #tpu.memory_space<vmem>>
    %dma_wait3A_145 = tpu.memref_squeeze %dma_wait3A_144 : memref<1x128xi32, #tpu.memory_space<vmem>> -> memref<128xi32, #tpu.memory_space<vmem>>
    %dma_wait3A_146 = arith.constant 0 : i32
    %dma_wait3A_147 = arith.constant 0 : i32
    %dma_wait3A_148 = tpu.memref_slice %arg3[%dma_wait3A_146, %dma_wait3A_147] : memref<1000000x64xf32, #tpu.memory_space<hbm>> -> memref<1000000x64xf32, #tpu.memory_space<hbm>>
    tpu.wait_indirect_dma semaphore(%arg18 : memref<!tpu.dma_semaphore, #tpu.memory_space<semaphore_mem>>) src(%dma_wait3A_148 : memref<1000000x64xf32, #tpu.memory_space<hbm>>) dst(%arg10 : memref<128x64xf32, #tpu.memory_space<vmem>>)
    %parallel_loop3A_149 = arith.constant 0 : i32
    %parallel_loop3A_150 = arith.constant 128 : i32
    %parallel_loop3A_151 = arith.constant 1 : i32
    scf.for %parallel_loop3A_403 = %parallel_loop3A_149 to %parallel_loop3A_150 step %parallel_loop3A_151  : i32 {
      %parallel_loop3A_404 = vector.broadcast %parallel_loop3A_403 : i32 to vector<16xi32>
      %parallel_loop3A_405 = arith.addi %broadcast_in_dim3A_56, %parallel_loop3A_404 : vector<16xi32>
      %parallel_loop3A_406 = arith.index_cast %parallel_loop3A_403 : i32 to index
      %parallel_loop3A_407 = arith.constant 0 : index
      %parallel_loop3A_408 = tpu.vector_load %arg10[%parallel_loop3A_406, %parallel_loop3A_407] {strides = array<i32>} : memref<128x64xf32, #tpu.memory_space<vmem>>, vector<16xf32>,
      %parallel_loop3A_409 = vector.broadcast %squeeze3A : f32 to vector<16xf32>
      %parallel_loop3A_410 = arith.mulf %parallel_loop3A_408, %parallel_loop3A_409 : vector<16xf32>
      tpu.vector_store_idx %arg14[%shift_right_arithmetic3A_14, %broadcast_in_dim3A_56, %and3A_37, %parallel_loop3A_405], %parallel_loop3A_410 : memref<8x1x8x128xf32, #tpu.memory_space<vmem>>[vector<16xi32>, vector<16xi32>, vector<16xi32>, vector<16xi32>], vector<16xf32>,
      %parallel_loop3A_411 = arith.index_cast %parallel_loop3A_403 : i32 to index
      %parallel_loop3A_412 = arith.constant 16 : index
      %parallel_loop3A_413 = tpu.vector_load %arg10[%parallel_loop3A_411, %parallel_loop3A_412] {strides = array<i32>} : memref<128x64xf32, #tpu.memory_space<vmem>>, vector<16xf32>,
      %parallel_loop3A_414 = vector.broadcast %squeeze3A : f32 to vector<16xf32>
      %parallel_loop3A_415 = arith.mulf %parallel_loop3A_413, %parallel_loop3A_414 : vector<16xf32>
      tpu.vector_store_idx %arg14[%shift_right_arithmetic3A_20, %broadcast_in_dim3A_56, %and3A_43, %parallel_loop3A_405], %parallel_loop3A_415 : memref<8x1x8x128xf32, #tpu.memory_space<vmem>>[vector<16xi32>, vector<16xi32>, vector<16xi32>, vector<16xi32>], vector<16xf32>,
      %parallel_loop3A_416 = arith.index_cast %parallel_loop3A_403 : i32 to index
      %parallel_loop3A_417 = arith.constant 32 : index
      %parallel_loop3A_418 = tpu.vector_load %arg10[%parallel_loop3A_416, %parallel_loop3A_417] {strides = array<i32>} : memref<128x64xf32, #tpu.memory_space<vmem>>, vector<16xf32>,
      %parallel_loop3A_419 = vector.broadcast %squeeze3A : f32 to vector<16xf32>
      %parallel_loop3A_420 = arith.mulf %parallel_loop3A_418, %parallel_loop3A_419 : vector<16xf32>
      tpu.vector_store_idx %arg14[%shift_right_arithmetic3A_26, %broadcast_in_dim3A_56, %and3A_49, %parallel_loop3A_405], %parallel_loop3A_420 : memref<8x1x8x128xf32, #tpu.memory_space<vmem>>[vector<16xi32>, vector<16xi32>, vector<16xi32>, vector<16xi32>], vector<16xf32>,
      %parallel_loop3A_421 = arith.index_cast %parallel_loop3A_403 : i32 to index
      %parallel_loop3A_422 = arith.constant 48 : index
      %parallel_loop3A_423 = tpu.vector_load %arg10[%parallel_loop3A_421, %parallel_loop3A_422] {strides = array<i32>} : memref<128x64xf32, #tpu.memory_space<vmem>>, vector<16xf32>,
      %parallel_loop3A_424 = vector.broadcast %squeeze3A : f32 to vector<16xf32>
      %parallel_loop3A_425 = arith.mulf %parallel_loop3A_423, %parallel_loop3A_424 : vector<16xf32>
      tpu.vector_store_idx %arg14[%shift_right_arithmetic3A_32, %broadcast_in_dim3A_56, %and3A_55, %parallel_loop3A_405], %parallel_loop3A_425 : memref<8x1x8x128xf32, #tpu.memory_space<vmem>>[vector<16xi32>, vector<16xi32>, vector<16xi32>, vector<16xi32>], vector<16xf32>,
    } {sc.loop_unroll_factor = 2 : i64, sc.parallel_access}
    %dma_start3A_152 = arith.constant 1 : i32
    %dma_start3A_153 = arith.constant 256 : i32
    %dma_start3A_154 = tpu.memref_slice %arg7[%dma_start3A_152, %dma_start3A_153] : memref<50x512xi32, #tpu.memory_space<vmem>> -> memref<1x128xi32, #tpu.memory_space<vmem>>
    %dma_start3A_155 = tpu.memref_squeeze %dma_start3A_154 : memref<1x128xi32, #tpu.memory_space<vmem>> -> memref<128xi32, #tpu.memory_space<vmem>>
    %dma_start3A_156 = arith.constant 0 : i32
    %dma_start3A_157 = arith.constant 0 : i32
    %dma_start3A_158 = tpu.memref_slice %arg3[%dma_start3A_156, %dma_start3A_157] : memref<1000000x64xf32, #tpu.memory_space<hbm>> -> memref<1000000x64xf32, #tpu.memory_space<hbm>>
    tpu.enqueue_indirect_dma source(%dma_start3A_158 : memref<1000000x64xf32, #tpu.memory_space<hbm>>) target(%arg10 : memref<128x64xf32, #tpu.memory_space<vmem>>) offsets(%dma_start3A_155 : memref<128xi32, #tpu.memory_space<vmem>>) semaphore(%arg18 : memref<!tpu.dma_semaphore, #tpu.memory_space<semaphore_mem>>)
    %add3A_159 = arith.constant 2 : i32
    %add3A_160 = arith.addi %mul3A_5, %add3A_159 : i32
    %dma_start3A_161 = arith.constant 0 : i32
    %dma_start3A_162 = arith.constant 0 : i32
    %dma_start3A_163 = arith.constant 0 : i32
    %dma_start3A_164 = arith.constant 0 : i32
    %dma_start3A_165 = tpu.memref_slice %arg5[%dma_start3A_161, %dma_start3A_162, %add3A_160, %dma_start3A_163, %dma_start3A_164] : memref<50x8x128x8x128xf32, #tpu.memory_space<hbm>> -> memref<1x8x1x8x128xf32, #tpu.memory_space<hbm>>
    %dma_start3A_166 = tpu.memref_squeeze %dma_start3A_165 : memref<1x8x1x8x128xf32, #tpu.memory_space<hbm>> -> memref<8x1x8x128xf32, #tpu.memory_space<hbm>>
    %dma_start3A_167 = arith.constant 0 : i32
    %dma_start3A_168 = arith.constant 0 : i32
    %dma_start3A_169 = arith.constant 0 : i32
    %dma_start3A_170 = tpu.memref_slice %arg5[%dma_start3A_161, %dma_start3A_167, %add3A_160, %dma_start3A_168, %dma_start3A_169] : memref<50x8x128x8x128xf32, #tpu.memory_space<hbm>> -> memref<1x8x1x8x128xf32, #tpu.memory_space<hbm>>
    %dma_start3A_171 = tpu.memref_squeeze %dma_start3A_170 : memref<1x8x1x8x128xf32, #tpu.memory_space<hbm>> -> memref<8x1x8x128xf32, #tpu.memory_space<hbm>>
    tpu.enqueue_dma source(%arg14 : memref<8x1x8x128xf32, #tpu.memory_space<vmem>>) target(%dma_start3A_171 : memref<8x1x8x128xf32, #tpu.memory_space<hbm>>) target_semaphore(%arg22 : memref<!tpu.dma_semaphore, #tpu.memory_space<semaphore_mem>>)
    %dma_wait3A_172 = arith.constant 0 : i32
    %dma_wait3A_173 = arith.constant 0 : i32
    %dma_wait3A_174 = tpu.memref_slice %arg7[%dma_wait3A_172, %dma_wait3A_173] : memref<50x512xi32, #tpu.memory_space<vmem>> -> memref<1x128xi32, #tpu.memory_space<vmem>>
    %dma_wait3A_175 = tpu.memref_squeeze %dma_wait3A_174 : memref<1x128xi32, #tpu.memory_space<vmem>> -> memref<128xi32, #tpu.memory_space<vmem>>
    %dma_wait3A_176 = arith.constant 0 : i32
    %dma_wait3A_177 = arith.constant 0 : i32
    %dma_wait3A_178 = tpu.memref_slice %arg3[%dma_wait3A_176, %dma_wait3A_177] : memref<1000000x64xf32, #tpu.memory_space<hbm>> -> memref<1000000x64xf32, #tpu.memory_space<hbm>>
    tpu.wait_indirect_dma semaphore(%arg19 : memref<!tpu.dma_semaphore, #tpu.memory_space<semaphore_mem>>) src(%dma_wait3A_178 : memref<1000000x64xf32, #tpu.memory_space<hbm>>) dst(%arg11 : memref<128x64xf32, #tpu.memory_space<vmem>>)
    %parallel_loop3A_179 = arith.constant 0 : i32
    %parallel_loop3A_180 = arith.constant 128 : i32
    %parallel_loop3A_181 = arith.constant 1 : i32
    scf.for %parallel_loop3A_403 = %parallel_loop3A_179 to %parallel_loop3A_180 step %parallel_loop3A_181  : i32 {
      %parallel_loop3A_404 = vector.broadcast %parallel_loop3A_403 : i32 to vector<16xi32>
      %parallel_loop3A_405 = arith.addi %broadcast_in_dim3A_56, %parallel_loop3A_404 : vector<16xi32>
      %parallel_loop3A_406 = arith.index_cast %parallel_loop3A_403 : i32 to index
      %parallel_loop3A_407 = arith.constant 0 : index
      %parallel_loop3A_408 = tpu.vector_load %arg11[%parallel_loop3A_406, %parallel_loop3A_407] {strides = array<i32>} : memref<128x64xf32, #tpu.memory_space<vmem>>, vector<16xf32>,
      %parallel_loop3A_409 = vector.broadcast %squeeze3A : f32 to vector<16xf32>
      %parallel_loop3A_410 = arith.mulf %parallel_loop3A_408, %parallel_loop3A_409 : vector<16xf32>
      tpu.vector_store_idx %arg15[%shift_right_arithmetic3A_14, %broadcast_in_dim3A_56, %and3A_37, %parallel_loop3A_405], %parallel_loop3A_410 : memref<8x1x8x128xf32, #tpu.memory_space<vmem>>[vector<16xi32>, vector<16xi32>, vector<16xi32>, vector<16xi32>], vector<16xf32>,
      %parallel_loop3A_411 = arith.index_cast %parallel_loop3A_403 : i32 to index
      %parallel_loop3A_412 = arith.constant 16 : index
      %parallel_loop3A_413 = tpu.vector_load %arg11[%parallel_loop3A_411, %parallel_loop3A_412] {strides = array<i32>} : memref<128x64xf32, #tpu.memory_space<vmem>>, vector<16xf32>,
      %parallel_loop3A_414 = vector.broadcast %squeeze3A : f32 to vector<16xf32>
      %parallel_loop3A_415 = arith.mulf %parallel_loop3A_413, %parallel_loop3A_414 : vector<16xf32>
      tpu.vector_store_idx %arg15[%shift_right_arithmetic3A_20, %broadcast_in_dim3A_56, %and3A_43, %parallel_loop3A_405], %parallel_loop3A_415 : memref<8x1x8x128xf32, #tpu.memory_space<vmem>>[vector<16xi32>, vector<16xi32>, vector<16xi32>, vector<16xi32>], vector<16xf32>,
      %parallel_loop3A_416 = arith.index_cast %parallel_loop3A_403 : i32 to index
      %parallel_loop3A_417 = arith.constant 32 : index
      %parallel_loop3A_418 = tpu.vector_load %arg11[%parallel_loop3A_416, %parallel_loop3A_417] {strides = array<i32>} : memref<128x64xf32, #tpu.memory_space<vmem>>, vector<16xf32>,
      %parallel_loop3A_419 = vector.broadcast %squeeze3A : f32 to vector<16xf32>
      %parallel_loop3A_420 = arith.mulf %parallel_loop3A_418, %parallel_loop3A_419 : vector<16xf32>
      tpu.vector_store_idx %arg15[%shift_right_arithmetic3A_26, %broadcast_in_dim3A_56, %and3A_49, %parallel_loop3A_405], %parallel_loop3A_420 : memref<8x1x8x128xf32, #tpu.memory_space<vmem>>[vector<16xi32>, vector<16xi32>, vector<16xi32>, vector<16xi32>], vector<16xf32>,
      %parallel_loop3A_421 = arith.index_cast %parallel_loop3A_403 : i32 to index
      %parallel_loop3A_422 = arith.constant 48 : index
      %parallel_loop3A_423 = tpu.vector_load %arg11[%parallel_loop3A_421, %parallel_loop3A_422] {strides = array<i32>} : memref<128x64xf32, #tpu.memory_space<vmem>>, vector<16xf32>,
      %parallel_loop3A_424 = vector.broadcast %squeeze3A : f32 to vector<16xf32>
      %parallel_loop3A_425 = arith.mulf %parallel_loop3A_423, %parallel_loop3A_424 : vector<16xf32>
      tpu.vector_store_idx %arg15[%shift_right_arithmetic3A_32, %broadcast_in_dim3A_56, %and3A_55, %parallel_loop3A_405], %parallel_loop3A_425 : memref<8x1x8x128xf32, #tpu.memory_space<vmem>>[vector<16xi32>, vector<16xi32>, vector<16xi32>, vector<16xi32>], vector<16xf32>,
    } {sc.loop_unroll_factor = 2 : i64, sc.parallel_access}
    %dma_start3A_182 = arith.constant 1 : i32
    %dma_start3A_183 = arith.constant 384 : i32
    %dma_start3A_184 = tpu.memref_slice %arg7[%dma_start3A_182, %dma_start3A_183] : memref<50x512xi32, #tpu.memory_space<vmem>> -> memref<1x128xi32, #tpu.memory_space<vmem>>
    %dma_start3A_185 = tpu.memref_squeeze %dma_start3A_184 : memref<1x128xi32, #tpu.memory_space<vmem>> -> memref<128xi32, #tpu.memory_space<vmem>>
    %dma_start3A_186 = arith.constant 0 : i32
    %dma_start3A_187 = arith.constant 0 : i32
    %dma_start3A_188 = tpu.memref_slice %arg3[%dma_start3A_186, %dma_start3A_187] : memref<1000000x64xf32, #tpu.memory_space<hbm>> -> memref<1000000x64xf32, #tpu.memory_space<hbm>>
    tpu.enqueue_indirect_dma source(%dma_start3A_188 : memref<1000000x64xf32, #tpu.memory_space<hbm>>) target(%arg11 : memref<128x64xf32, #tpu.memory_space<vmem>>) offsets(%dma_start3A_185 : memref<128xi32, #tpu.memory_space<vmem>>) semaphore(%arg19 : memref<!tpu.dma_semaphore, #tpu.memory_space<semaphore_mem>>)
    %add3A_189 = arith.constant 3 : i32
    %add3A_190 = arith.addi %mul3A_5, %add3A_189 : i32
    %dma_start3A_191 = arith.constant 0 : i32
    %dma_start3A_192 = arith.constant 0 : i32
    %dma_start3A_193 = arith.constant 0 : i32
    %dma_start3A_194 = arith.constant 0 : i32
    %dma_start3A_195 = tpu.memref_slice %arg5[%dma_start3A_191, %dma_start3A_192, %add3A_190, %dma_start3A_193, %dma_start3A_194] : memref<50x8x128x8x128xf32, #tpu.memory_space<hbm>> -> memref<1x8x1x8x128xf32, #tpu.memory_space<hbm>>
    %dma_start3A_196 = tpu.memref_squeeze %dma_start3A_195 : memref<1x8x1x8x128xf32, #tpu.memory_space<hbm>> -> memref<8x1x8x128xf32, #tpu.memory_space<hbm>>
    %dma_start3A_197 = arith.constant 0 : i32
    %dma_start3A_198 = arith.constant 0 : i32
    %dma_start3A_199 = arith.constant 0 : i32
    %dma_start3A_200 = tpu.memref_slice %arg5[%dma_start3A_191, %dma_start3A_197, %add3A_190, %dma_start3A_198, %dma_start3A_199] : memref<50x8x128x8x128xf32, #tpu.memory_space<hbm>> -> memref<1x8x1x8x128xf32, #tpu.memory_space<hbm>>
    %dma_start3A_201 = tpu.memref_squeeze %dma_start3A_200 : memref<1x8x1x8x128xf32, #tpu.memory_space<hbm>> -> memref<8x1x8x128xf32, #tpu.memory_space<hbm>>
    tpu.enqueue_dma source(%arg15 : memref<8x1x8x128xf32, #tpu.memory_space<vmem>>) target(%dma_start3A_201 : memref<8x1x8x128xf32, #tpu.memory_space<hbm>>) target_semaphore(%arg23 : memref<!tpu.dma_semaphore, #tpu.memory_space<semaphore_mem>>)
    %scan3A_202 = arith.constant 0 : i32
    %scan3A_203 = arith.constant 48 : i32
    %scan3A_204 = arith.addi %scan3A_202, %scan3A_203 : i32
    %scan3A_205 = arith.constant 1 : i32
    scf.for %scan3A_403 = %scan3A_202 to %scan3A_204 step %scan3A_205  : i32 {
      %mul3A_404 = arith.constant 1 : i32
      %mul3A_405 = arith.muli %scan3A_403, %mul3A_404 : i32
      %add3A_406 = arith.constant 1 : i32
      %add3A_407 = arith.addi %add3A_406, %mul3A_405 : i32
      %mul3A_408 = arith.constant 4 : i32
      %mul3A_409 = arith.muli %add3A_407, %mul3A_408 : i32
      %add3A_410 = arith.constant 0 : i32
      %add3A_411 = arith.addi %mul3A_409, %add3A_410 : i32
      %dma_wait3A_412 = arith.constant 0 : i32
      %dma_wait3A_413 = arith.constant 0 : i32
      %dma_wait3A_414 = tpu.memref_slice %arg7[%dma_wait3A_412, %dma_wait3A_413] : memref<50x512xi32, #tpu.memory_space<vmem>> -> memref<1x128xi32, #tpu.memory_space<vmem>>
      %dma_wait3A_415 = tpu.memref_squeeze %dma_wait3A_414 : memref<1x128xi32, #tpu.memory_space<vmem>> -> memref<128xi32, #tpu.memory_space<vmem>>
      %dma_wait3A_416 = arith.constant 0 : i32
      %dma_wait3A_417 = arith.constant 0 : i32
      %dma_wait3A_418 = tpu.memref_slice %arg3[%dma_wait3A_416, %dma_wait3A_417] : memref<1000000x64xf32, #tpu.memory_space<hbm>> -> memref<1000000x64xf32, #tpu.memory_space<hbm>>
      tpu.wait_indirect_dma semaphore(%arg16 : memref<!tpu.dma_semaphore, #tpu.memory_space<semaphore_mem>>) src(%dma_wait3A_418 : memref<1000000x64xf32, #tpu.memory_space<hbm>>) dst(%arg8 : memref<128x64xf32, #tpu.memory_space<vmem>>)
      %dma_wait3A_419 = arith.constant 0 : i32
      %dma_wait3A_420 = arith.constant 0 : i32
      %dma_wait3A_421 = arith.constant 0 : i32
      %dma_wait3A_422 = arith.constant 0 : i32
      %dma_wait3A_423 = arith.constant 0 : i32
      %dma_wait3A_424 = tpu.memref_slice %arg5[%dma_wait3A_419, %dma_wait3A_420, %dma_wait3A_421, %dma_wait3A_422, %dma_wait3A_423] : memref<50x8x128x8x128xf32, #tpu.memory_space<hbm>> -> memref<1x8x1x8x128xf32, #tpu.memory_space<hbm>>
      %dma_wait3A_425 = tpu.memref_squeeze %dma_wait3A_424 : memref<1x8x1x8x128xf32, #tpu.memory_space<hbm>> -> memref<8x1x8x128xf32, #tpu.memory_space<hbm>>
      %dma_wait3A_426 = arith.constant 0 : i32
      %dma_wait3A_427 = arith.constant 0 : i32
      %dma_wait3A_428 = arith.constant 0 : i32
      %dma_wait3A_429 = arith.constant 0 : i32
      %dma_wait3A_430 = tpu.memref_slice %arg5[%dma_wait3A_419, %dma_wait3A_426, %dma_wait3A_427, %dma_wait3A_428, %dma_wait3A_429] : memref<50x8x128x8x128xf32, #tpu.memory_space<hbm>> -> memref<1x8x1x8x128xf32, #tpu.memory_space<hbm>>
      %dma_wait3A_431 = tpu.memref_squeeze %dma_wait3A_430 : memref<1x8x1x8x128xf32, #tpu.memory_space<hbm>> -> memref<8x1x8x128xf32, #tpu.memory_space<hbm>>
      tpu.wait_dma2 semaphore(%arg20 : memref<!tpu.dma_semaphore, #tpu.memory_space<semaphore_mem>>) src(%arg12 : memref<8x1x8x128xf32, #tpu.memory_space<vmem>>) dst(%dma_wait3A_431 : memref<8x1x8x128xf32, #tpu.memory_space<hbm>>)
      %parallel_loop3A_432 = arith.constant 0 : i32
      %parallel_loop3A_433 = arith.constant 128 : i32
      %parallel_loop3A_434 = arith.constant 1 : i32
      scf.for %parallel_loop3A_628 = %parallel_loop3A_432 to %parallel_loop3A_433 step %parallel_loop3A_434  : i32 {
        %parallel_loop3A_629 = vector.broadcast %parallel_loop3A_628 : i32 to vector<16xi32>
        %parallel_loop3A_630 = arith.addi %broadcast_in_dim3A_56, %parallel_loop3A_629 : vector<16xi32>
        %parallel_loop3A_631 = arith.index_cast %parallel_loop3A_628 : i32 to index
        %parallel_loop3A_632 = arith.constant 0 : index
        %parallel_loop3A_633 = tpu.vector_load %arg8[%parallel_loop3A_631, %parallel_loop3A_632] {strides = array<i32>} : memref<128x64xf32, #tpu.memory_space<vmem>>, vector<16xf32>,
        %parallel_loop3A_634 = vector.broadcast %squeeze3A : f32 to vector<16xf32>
        %parallel_loop3A_635 = arith.mulf %parallel_loop3A_633, %parallel_loop3A_634 : vector<16xf32>
        tpu.vector_store_idx %arg12[%shift_right_arithmetic3A_14, %broadcast_in_dim3A_56, %and3A_37, %parallel_loop3A_630], %parallel_loop3A_635 : memref<8x1x8x128xf32, #tpu.memory_space<vmem>>[vector<16xi32>, vector<16xi32>, vector<16xi32>, vector<16xi32>], vector<16xf32>,
        %parallel_loop3A_636 = arith.index_cast %parallel_loop3A_628 : i32 to index
        %parallel_loop3A_637 = arith.constant 16 : index
        %parallel_loop3A_638 = tpu.vector_load %arg8[%parallel_loop3A_636, %parallel_loop3A_637] {strides = array<i32>} : memref<128x64xf32, #tpu.memory_space<vmem>>, vector<16xf32>,
        %parallel_loop3A_639 = vector.broadcast %squeeze3A : f32 to vector<16xf32>
        %parallel_loop3A_640 = arith.mulf %parallel_loop3A_638, %parallel_loop3A_639 : vector<16xf32>
        tpu.vector_store_idx %arg12[%shift_right_arithmetic3A_20, %broadcast_in_dim3A_56, %and3A_43, %parallel_loop3A_630], %parallel_loop3A_640 : memref<8x1x8x128xf32, #tpu.memory_space<vmem>>[vector<16xi32>, vector<16xi32>, vector<16xi32>, vector<16xi32>], vector<16xf32>,
        %parallel_loop3A_641 = arith.index_cast %parallel_loop3A_628 : i32 to index
        %parallel_loop3A_642 = arith.constant 32 : index
        %parallel_loop3A_643 = tpu.vector_load %arg8[%parallel_loop3A_641, %parallel_loop3A_642] {strides = array<i32>} : memref<128x64xf32, #tpu.memory_space<vmem>>, vector<16xf32>,
        %parallel_loop3A_644 = vector.broadcast %squeeze3A : f32 to vector<16xf32>
        %parallel_loop3A_645 = arith.mulf %parallel_loop3A_643, %parallel_loop3A_644 : vector<16xf32>
        tpu.vector_store_idx %arg12[%shift_right_arithmetic3A_26, %broadcast_in_dim3A_56, %and3A_49, %parallel_loop3A_630], %parallel_loop3A_645 : memref<8x1x8x128xf32, #tpu.memory_space<vmem>>[vector<16xi32>, vector<16xi32>, vector<16xi32>, vector<16xi32>], vector<16xf32>,
        %parallel_loop3A_646 = arith.index_cast %parallel_loop3A_628 : i32 to index
        %parallel_loop3A_647 = arith.constant 48 : index
        %parallel_loop3A_648 = tpu.vector_load %arg8[%parallel_loop3A_646, %parallel_loop3A_647] {strides = array<i32>} : memref<128x64xf32, #tpu.memory_space<vmem>>, vector<16xf32>,
        %parallel_loop3A_649 = vector.broadcast %squeeze3A : f32 to vector<16xf32>
        %parallel_loop3A_650 = arith.mulf %parallel_loop3A_648, %parallel_loop3A_649 : vector<16xf32>
        tpu.vector_store_idx %arg12[%shift_right_arithmetic3A_32, %broadcast_in_dim3A_56, %and3A_55, %parallel_loop3A_630], %parallel_loop3A_650 : memref<8x1x8x128xf32, #tpu.memory_space<vmem>>[vector<16xi32>, vector<16xi32>, vector<16xi32>, vector<16xi32>], vector<16xf32>,
      } {sc.loop_unroll_factor = 2 : i64, sc.parallel_access}
      %add3A_435 = arith.constant 4 : i32
      %add3A_436 = arith.addi %add3A_411, %add3A_435 : i32
      %shift_right_arithmetic3A_437 = arith.constant 2 : i32
      %shift_right_arithmetic3A_438 = arith.shrsi %add3A_436, %shift_right_arithmetic3A_437 : i32
      %and3A_439 = arith.constant 3 : i32
      %and3A_440 = arith.andi %add3A_436, %and3A_439 : i32
      %mul3A_441 = arith.constant 128 : i32
      %mul3A_442 = arith.muli %and3A_440, %mul3A_441 : i32
      %dma_start3A_443 = tpu.memref_slice %arg7[%shift_right_arithmetic3A_438, %mul3A_442] : memref<50x512xi32, #tpu.memory_space<vmem>> -> memref<1x128xi32, #tpu.memory_space<vmem>>
      %dma_start3A_444 = tpu.memref_squeeze %dma_start3A_443 : memref<1x128xi32, #tpu.memory_space<vmem>> -> memref<128xi32, #tpu.memory_space<vmem>>
      %dma_start3A_445 = arith.constant 0 : i32
      %dma_start3A_446 = arith.constant 0 : i32
      %dma_start3A_447 = tpu.memref_slice %arg3[%dma_start3A_445, %dma_start3A_446] : memref<1000000x64xf32, #tpu.memory_space<hbm>> -> memref<1000000x64xf32, #tpu.memory_space<hbm>>
      tpu.enqueue_indirect_dma source(%dma_start3A_447 : memref<1000000x64xf32, #tpu.memory_space<hbm>>) target(%arg8 : memref<128x64xf32, #tpu.memory_space<vmem>>) offsets(%dma_start3A_444 : memref<128xi32, #tpu.memory_space<vmem>>) semaphore(%arg16 : memref<!tpu.dma_semaphore, #tpu.memory_space<semaphore_mem>>)
      %shift_right_arithmetic3A_448 = arith.constant 2 : i32
      %shift_right_arithmetic3A_449 = arith.shrsi %add3A_411, %shift_right_arithmetic3A_448 : i32
      %and3A_450 = arith.constant 3 : i32
      %and3A_451 = arith.andi %add3A_411, %and3A_450 : i32
      %add3A_452 = arith.addi %mul3A_5, %and3A_451 : i32
      %dma_start3A_453 = arith.constant 0 : i32
      %dma_start3A_454 = arith.constant 0 : i32
      %dma_start3A_455 = arith.constant 0 : i32
      %dma_start3A_456 = tpu.memref_slice %arg5[%shift_right_arithmetic3A_449, %dma_start3A_453, %add3A_452, %dma_start3A_454, %dma_start3A_455] : memref<50x8x128x8x128xf32, #tpu.memory_space<hbm>> -> memref<1x8x1x8x128xf32, #tpu.memory_space<hbm>>
      %dma_start3A_457 = tpu.memref_squeeze %dma_start3A_456 : memref<1x8x1x8x128xf32, #tpu.memory_space<hbm>> -> memref<8x1x8x128xf32, #tpu.memory_space<hbm>>
      %dma_start3A_458 = arith.constant 0 : i32
      %dma_start3A_459 = arith.constant 0 : i32
      %dma_start3A_460 = arith.constant 0 : i32
      %dma_start3A_461 = tpu.memref_slice %arg5[%shift_right_arithmetic3A_449, %dma_start3A_458, %add3A_452, %dma_start3A_459, %dma_start3A_460] : memref<50x8x128x8x128xf32, #tpu.memory_space<hbm>> -> memref<1x8x1x8x128xf32, #tpu.memory_space<hbm>>
      %dma_start3A_462 = tpu.memref_squeeze %dma_start3A_461 : memref<1x8x1x8x128xf32, #tpu.memory_space<hbm>> -> memref<8x1x8x128xf32, #tpu.memory_space<hbm>>
      tpu.enqueue_dma source(%arg12 : memref<8x1x8x128xf32, #tpu.memory_space<vmem>>) target(%dma_start3A_462 : memref<8x1x8x128xf32, #tpu.memory_space<hbm>>) target_semaphore(%arg20 : memref<!tpu.dma_semaphore, #tpu.memory_space<semaphore_mem>>)
      %mul3A_463 = arith.constant 4 : i32
      %mul3A_464 = arith.muli %add3A_407, %mul3A_463 : i32
      %add3A_465 = arith.constant 1 : i32
      %add3A_466 = arith.addi %mul3A_464, %add3A_465 : i32
      %dma_wait3A_467 = arith.constant 0 : i32
      %dma_wait3A_468 = arith.constant 0 : i32
      %dma_wait3A_469 = tpu.memref_slice %arg7[%dma_wait3A_467, %dma_wait3A_468] : memref<50x512xi32, #tpu.memory_space<vmem>> -> memref<1x128xi32, #tpu.memory_space<vmem>>
      %dma_wait3A_470 = tpu.memref_squeeze %dma_wait3A_469 : memref<1x128xi32, #tpu.memory_space<vmem>> -> memref<128xi32, #tpu.memory_space<vmem>>
      %dma_wait3A_471 = arith.constant 0 : i32
      %dma_wait3A_472 = arith.constant 0 : i32
      %dma_wait3A_473 = tpu.memref_slice %arg3[%dma_wait3A_471, %dma_wait3A_472] : memref<1000000x64xf32, #tpu.memory_space<hbm>> -> memref<1000000x64xf32, #tpu.memory_space<hbm>>
      tpu.wait_indirect_dma semaphore(%arg17 : memref<!tpu.dma_semaphore, #tpu.memory_space<semaphore_mem>>) src(%dma_wait3A_473 : memref<1000000x64xf32, #tpu.memory_space<hbm>>) dst(%arg9 : memref<128x64xf32, #tpu.memory_space<vmem>>)
      %dma_wait3A_474 = arith.constant 0 : i32
      %dma_wait3A_475 = arith.constant 0 : i32
      %dma_wait3A_476 = arith.constant 0 : i32
      %dma_wait3A_477 = arith.constant 0 : i32
      %dma_wait3A_478 = arith.constant 0 : i32
      %dma_wait3A_479 = tpu.memref_slice %arg5[%dma_wait3A_474, %dma_wait3A_475, %dma_wait3A_476, %dma_wait3A_477, %dma_wait3A_478] : memref<50x8x128x8x128xf32, #tpu.memory_space<hbm>> -> memref<1x8x1x8x128xf32, #tpu.memory_space<hbm>>
      %dma_wait3A_480 = tpu.memref_squeeze %dma_wait3A_479 : memref<1x8x1x8x128xf32, #tpu.memory_space<hbm>> -> memref<8x1x8x128xf32, #tpu.memory_space<hbm>>
      %dma_wait3A_481 = arith.constant 0 : i32
      %dma_wait3A_482 = arith.constant 0 : i32
      %dma_wait3A_483 = arith.constant 0 : i32
      %dma_wait3A_484 = arith.constant 0 : i32
      %dma_wait3A_485 = tpu.memref_slice %arg5[%dma_wait3A_474, %dma_wait3A_481, %dma_wait3A_482, %dma_wait3A_483, %dma_wait3A_484] : memref<50x8x128x8x128xf32, #tpu.memory_space<hbm>> -> memref<1x8x1x8x128xf32, #tpu.memory_space<hbm>>
      %dma_wait3A_486 = tpu.memref_squeeze %dma_wait3A_485 : memref<1x8x1x8x128xf32, #tpu.memory_space<hbm>> -> memref<8x1x8x128xf32, #tpu.memory_space<hbm>>
      tpu.wait_dma2 semaphore(%arg21 : memref<!tpu.dma_semaphore, #tpu.memory_space<semaphore_mem>>) src(%arg13 : memref<8x1x8x128xf32, #tpu.memory_space<vmem>>) dst(%dma_wait3A_486 : memref<8x1x8x128xf32, #tpu.memory_space<hbm>>)
      %parallel_loop3A_487 = arith.constant 0 : i32
      %parallel_loop3A_488 = arith.constant 128 : i32
      %parallel_loop3A_489 = arith.constant 1 : i32
      scf.for %parallel_loop3A_628 = %parallel_loop3A_487 to %parallel_loop3A_488 step %parallel_loop3A_489  : i32 {
        %parallel_loop3A_629 = vector.broadcast %parallel_loop3A_628 : i32 to vector<16xi32>
        %parallel_loop3A_630 = arith.addi %broadcast_in_dim3A_56, %parallel_loop3A_629 : vector<16xi32>
        %parallel_loop3A_631 = arith.index_cast %parallel_loop3A_628 : i32 to index
        %parallel_loop3A_632 = arith.constant 0 : index
        %parallel_loop3A_633 = tpu.vector_load %arg9[%parallel_loop3A_631, %parallel_loop3A_632] {strides = array<i32>} : memref<128x64xf32, #tpu.memory_space<vmem>>, vector<16xf32>,
        %parallel_loop3A_634 = vector.broadcast %squeeze3A : f32 to vector<16xf32>
        %parallel_loop3A_635 = arith.mulf %parallel_loop3A_633, %parallel_loop3A_634 : vector<16xf32>
        tpu.vector_store_idx %arg13[%shift_right_arithmetic3A_14, %broadcast_in_dim3A_56, %and3A_37, %parallel_loop3A_630], %parallel_loop3A_635 : memref<8x1x8x128xf32, #tpu.memory_space<vmem>>[vector<16xi32>, vector<16xi32>, vector<16xi32>, vector<16xi32>], vector<16xf32>,
        %parallel_loop3A_636 = arith.index_cast %parallel_loop3A_628 : i32 to index
        %parallel_loop3A_637 = arith.constant 16 : index
        %parallel_loop3A_638 = tpu.vector_load %arg9[%parallel_loop3A_636, %parallel_loop3A_637] {strides = array<i32>} : memref<128x64xf32, #tpu.memory_space<vmem>>, vector<16xf32>,
        %parallel_loop3A_639 = vector.broadcast %squeeze3A : f32 to vector<16xf32>
        %parallel_loop3A_640 = arith.mulf %parallel_loop3A_638, %parallel_loop3A_639 : vector<16xf32>
        tpu.vector_store_idx %arg13[%shift_right_arithmetic3A_20, %broadcast_in_dim3A_56, %and3A_43, %parallel_loop3A_630], %parallel_loop3A_640 : memref<8x1x8x128xf32, #tpu.memory_space<vmem>>[vector<16xi32>, vector<16xi32>, vector<16xi32>, vector<16xi32>], vector<16xf32>,
        %parallel_loop3A_641 = arith.index_cast %parallel_loop3A_628 : i32 to index
        %parallel_loop3A_642 = arith.constant 32 : index
        %parallel_loop3A_643 = tpu.vector_load %arg9[%parallel_loop3A_641, %parallel_loop3A_642] {strides = array<i32>} : memref<128x64xf32, #tpu.memory_space<vmem>>, vector<16xf32>,
        %parallel_loop3A_644 = vector.broadcast %squeeze3A : f32 to vector<16xf32>
        %parallel_loop3A_645 = arith.mulf %parallel_loop3A_643, %parallel_loop3A_644 : vector<16xf32>
        tpu.vector_store_idx %arg13[%shift_right_arithmetic3A_26, %broadcast_in_dim3A_56, %and3A_49, %parallel_loop3A_630], %parallel_loop3A_645 : memref<8x1x8x128xf32, #tpu.memory_space<vmem>>[vector<16xi32>, vector<16xi32>, vector<16xi32>, vector<16xi32>], vector<16xf32>,
        %parallel_loop3A_646 = arith.index_cast %parallel_loop3A_628 : i32 to index
        %parallel_loop3A_647 = arith.constant 48 : index
        %parallel_loop3A_648 = tpu.vector_load %arg9[%parallel_loop3A_646, %parallel_loop3A_647] {strides = array<i32>} : memref<128x64xf32, #tpu.memory_space<vmem>>, vector<16xf32>,
        %parallel_loop3A_649 = vector.broadcast %squeeze3A : f32 to vector<16xf32>
        %parallel_loop3A_650 = arith.mulf %parallel_loop3A_648, %parallel_loop3A_649 : vector<16xf32>
        tpu.vector_store_idx %arg13[%shift_right_arithmetic3A_32, %broadcast_in_dim3A_56, %and3A_55, %parallel_loop3A_630], %parallel_loop3A_650 : memref<8x1x8x128xf32, #tpu.memory_space<vmem>>[vector<16xi32>, vector<16xi32>, vector<16xi32>, vector<16xi32>], vector<16xf32>,
      } {sc.loop_unroll_factor = 2 : i64, sc.parallel_access}
      %add3A_490 = arith.constant 4 : i32
      %add3A_491 = arith.addi %add3A_466, %add3A_490 : i32
      %shift_right_arithmetic3A_492 = arith.constant 2 : i32
      %shift_right_arithmetic3A_493 = arith.shrsi %add3A_491, %shift_right_arithmetic3A_492 : i32
      %and3A_494 = arith.constant 3 : i32
      %and3A_495 = arith.andi %add3A_491, %and3A_494 : i32
      %mul3A_496 = arith.constant 128 : i32
      %mul3A_497 = arith.muli %and3A_495, %mul3A_496 : i32
      %dma_start3A_498 = tpu.memref_slice %arg7[%shift_right_arithmetic3A_493, %mul3A_497] : memref<50x512xi32, #tpu.memory_space<vmem>> -> memref<1x128xi32, #tpu.memory_space<vmem>>
      %dma_start3A_499 = tpu.memref_squeeze %dma_start3A_498 : memref<1x128xi32, #tpu.memory_space<vmem>> -> memref<128xi32, #tpu.memory_space<vmem>>
      %dma_start3A_500 = arith.constant 0 : i32
      %dma_start3A_501 = arith.constant 0 : i32
      %dma_start3A_502 = tpu.memref_slice %arg3[%dma_start3A_500, %dma_start3A_501] : memref<1000000x64xf32, #tpu.memory_space<hbm>> -> memref<1000000x64xf32, #tpu.memory_space<hbm>>
      tpu.enqueue_indirect_dma source(%dma_start3A_502 : memref<1000000x64xf32, #tpu.memory_space<hbm>>) target(%arg9 : memref<128x64xf32, #tpu.memory_space<vmem>>) offsets(%dma_start3A_499 : memref<128xi32, #tpu.memory_space<vmem>>) semaphore(%arg17 : memref<!tpu.dma_semaphore, #tpu.memory_space<semaphore_mem>>)
      %shift_right_arithmetic3A_503 = arith.constant 2 : i32
      %shift_right_arithmetic3A_504 = arith.shrsi %add3A_466, %shift_right_arithmetic3A_503 : i32
      %and3A_505 = arith.constant 3 : i32
      %and3A_506 = arith.andi %add3A_466, %and3A_505 : i32
      %add3A_507 = arith.addi %mul3A_5, %and3A_506 : i32
      %dma_start3A_508 = arith.constant 0 : i32
      %dma_start3A_509 = arith.constant 0 : i32
      %dma_start3A_510 = arith.constant 0 : i32
      %dma_start3A_511 = tpu.memref_slice %arg5[%shift_right_arithmetic3A_504, %dma_start3A_508, %add3A_507, %dma_start3A_509, %dma_start3A_510] : memref<50x8x128x8x128xf32, #tpu.memory_space<hbm>> -> memref<1x8x1x8x128xf32, #tpu.memory_space<hbm>>
      %dma_start3A_512 = tpu.memref_squeeze %dma_start3A_511 : memref<1x8x1x8x128xf32, #tpu.memory_space<hbm>> -> memref<8x1x8x128xf32, #tpu.memory_space<hbm>>
      %dma_start3A_513 = arith.constant 0 : i32
      %dma_start3A_514 = arith.constant 0 : i32
      %dma_start3A_515 = arith.constant 0 : i32
      %dma_start3A_516 = tpu.memref_slice %arg5[%shift_right_arithmetic3A_504, %dma_start3A_513, %add3A_507, %dma_start3A_514, %dma_start3A_515] : memref<50x8x128x8x128xf32, #tpu.memory_space<hbm>> -> memref<1x8x1x8x128xf32, #tpu.memory_space<hbm>>
      %dma_start3A_517 = tpu.memref_squeeze %dma_start3A_516 : memref<1x8x1x8x128xf32, #tpu.memory_space<hbm>> -> memref<8x1x8x128xf32, #tpu.memory_space<hbm>>
      tpu.enqueue_dma source(%arg13 : memref<8x1x8x128xf32, #tpu.memory_space<vmem>>) target(%dma_start3A_517 : memref<8x1x8x128xf32, #tpu.memory_space<hbm>>) target_semaphore(%arg21 : memref<!tpu.dma_semaphore, #tpu.memory_space<semaphore_mem>>)
      %mul3A_518 = arith.constant 4 : i32
      %mul3A_519 = arith.muli %add3A_407, %mul3A_518 : i32
      %add3A_520 = arith.constant 2 : i32
      %add3A_521 = arith.addi %mul3A_519, %add3A_520 : i32
      %dma_wait3A_522 = arith.constant 0 : i32
      %dma_wait3A_523 = arith.constant 0 : i32
      %dma_wait3A_524 = tpu.memref_slice %arg7[%dma_wait3A_522, %dma_wait3A_523] : memref<50x512xi32, #tpu.memory_space<vmem>> -> memref<1x128xi32, #tpu.memory_space<vmem>>
      %dma_wait3A_525 = tpu.memref_squeeze %dma_wait3A_524 : memref<1x128xi32, #tpu.memory_space<vmem>> -> memref<128xi32, #tpu.memory_space<vmem>>
      %dma_wait3A_526 = arith.constant 0 : i32
      %dma_wait3A_527 = arith.constant 0 : i32
      %dma_wait3A_528 = tpu.memref_slice %arg3[%dma_wait3A_526, %dma_wait3A_527] : memref<1000000x64xf32, #tpu.memory_space<hbm>> -> memref<1000000x64xf32, #tpu.memory_space<hbm>>
      tpu.wait_indirect_dma semaphore(%arg18 : memref<!tpu.dma_semaphore, #tpu.memory_space<semaphore_mem>>) src(%dma_wait3A_528 : memref<1000000x64xf32, #tpu.memory_space<hbm>>) dst(%arg10 : memref<128x64xf32, #tpu.memory_space<vmem>>)
      %dma_wait3A_529 = arith.constant 0 : i32
      %dma_wait3A_530 = arith.constant 0 : i32
      %dma_wait3A_531 = arith.constant 0 : i32
      %dma_wait3A_532 = arith.constant 0 : i32
      %dma_wait3A_533 = arith.constant 0 : i32
      %dma_wait3A_534 = tpu.memref_slice %arg5[%dma_wait3A_529, %dma_wait3A_530, %dma_wait3A_531, %dma_wait3A_532, %dma_wait3A_533] : memref<50x8x128x8x128xf32, #tpu.memory_space<hbm>> -> memref<1x8x1x8x128xf32, #tpu.memory_space<hbm>>
      %dma_wait3A_535 = tpu.memref_squeeze %dma_wait3A_534 : memref<1x8x1x8x128xf32, #tpu.memory_space<hbm>> -> memref<8x1x8x128xf32, #tpu.memory_space<hbm>>
      %dma_wait3A_536 = arith.constant 0 : i32
      %dma_wait3A_537 = arith.constant 0 : i32
      %dma_wait3A_538 = arith.constant 0 : i32
      %dma_wait3A_539 = arith.constant 0 : i32
      %dma_wait3A_540 = tpu.memref_slice %arg5[%dma_wait3A_529, %dma_wait3A_536, %dma_wait3A_537, %dma_wait3A_538, %dma_wait3A_539] : memref<50x8x128x8x128xf32, #tpu.memory_space<hbm>> -> memref<1x8x1x8x128xf32, #tpu.memory_space<hbm>>
      %dma_wait3A_541 = tpu.memref_squeeze %dma_wait3A_540 : memref<1x8x1x8x128xf32, #tpu.memory_space<hbm>> -> memref<8x1x8x128xf32, #tpu.memory_space<hbm>>
      tpu.wait_dma2 semaphore(%arg22 : memref<!tpu.dma_semaphore, #tpu.memory_space<semaphore_mem>>) src(%arg14 : memref<8x1x8x128xf32, #tpu.memory_space<vmem>>) dst(%dma_wait3A_541 : memref<8x1x8x128xf32, #tpu.memory_space<hbm>>)
      %parallel_loop3A_542 = arith.constant 0 : i32
      %parallel_loop3A_543 = arith.constant 128 : i32
      %parallel_loop3A_544 = arith.constant 1 : i32
      scf.for %parallel_loop3A_628 = %parallel_loop3A_542 to %parallel_loop3A_543 step %parallel_loop3A_544  : i32 {
        %parallel_loop3A_629 = vector.broadcast %parallel_loop3A_628 : i32 to vector<16xi32>
        %parallel_loop3A_630 = arith.addi %broadcast_in_dim3A_56, %parallel_loop3A_629 : vector<16xi32>
        %parallel_loop3A_631 = arith.index_cast %parallel_loop3A_628 : i32 to index
        %parallel_loop3A_632 = arith.constant 0 : index
        %parallel_loop3A_633 = tpu.vector_load %arg10[%parallel_loop3A_631, %parallel_loop3A_632] {strides = array<i32>} : memref<128x64xf32, #tpu.memory_space<vmem>>, vector<16xf32>,
        %parallel_loop3A_634 = vector.broadcast %squeeze3A : f32 to vector<16xf32>
        %parallel_loop3A_635 = arith.mulf %parallel_loop3A_633, %parallel_loop3A_634 : vector<16xf32>
        tpu.vector_store_idx %arg14[%shift_right_arithmetic3A_14, %broadcast_in_dim3A_56, %and3A_37, %parallel_loop3A_630], %parallel_loop3A_635 : memref<8x1x8x128xf32, #tpu.memory_space<vmem>>[vector<16xi32>, vector<16xi32>, vector<16xi32>, vector<16xi32>], vector<16xf32>,
        %parallel_loop3A_636 = arith.index_cast %parallel_loop3A_628 : i32 to index
        %parallel_loop3A_637 = arith.constant 16 : index
        %parallel_loop3A_638 = tpu.vector_load %arg10[%parallel_loop3A_636, %parallel_loop3A_637] {strides = array<i32>} : memref<128x64xf32, #tpu.memory_space<vmem>>, vector<16xf32>,
        %parallel_loop3A_639 = vector.broadcast %squeeze3A : f32 to vector<16xf32>
        %parallel_loop3A_640 = arith.mulf %parallel_loop3A_638, %parallel_loop3A_639 : vector<16xf32>
        tpu.vector_store_idx %arg14[%shift_right_arithmetic3A_20, %broadcast_in_dim3A_56, %and3A_43, %parallel_loop3A_630], %parallel_loop3A_640 : memref<8x1x8x128xf32, #tpu.memory_space<vmem>>[vector<16xi32>, vector<16xi32>, vector<16xi32>, vector<16xi32>], vector<16xf32>,
        %parallel_loop3A_641 = arith.index_cast %parallel_loop3A_628 : i32 to index
        %parallel_loop3A_642 = arith.constant 32 : index
        %parallel_loop3A_643 = tpu.vector_load %arg10[%parallel_loop3A_641, %parallel_loop3A_642] {strides = array<i32>} : memref<128x64xf32, #tpu.memory_space<vmem>>, vector<16xf32>,
        %parallel_loop3A_644 = vector.broadcast %squeeze3A : f32 to vector<16xf32>
        %parallel_loop3A_645 = arith.mulf %parallel_loop3A_643, %parallel_loop3A_644 : vector<16xf32>
        tpu.vector_store_idx %arg14[%shift_right_arithmetic3A_26, %broadcast_in_dim3A_56, %and3A_49, %parallel_loop3A_630], %parallel_loop3A_645 : memref<8x1x8x128xf32, #tpu.memory_space<vmem>>[vector<16xi32>, vector<16xi32>, vector<16xi32>, vector<16xi32>], vector<16xf32>,
        %parallel_loop3A_646 = arith.index_cast %parallel_loop3A_628 : i32 to index
        %parallel_loop3A_647 = arith.constant 48 : index
        %parallel_loop3A_648 = tpu.vector_load %arg10[%parallel_loop3A_646, %parallel_loop3A_647] {strides = array<i32>} : memref<128x64xf32, #tpu.memory_space<vmem>>, vector<16xf32>,
        %parallel_loop3A_649 = vector.broadcast %squeeze3A : f32 to vector<16xf32>
        %parallel_loop3A_650 = arith.mulf %parallel_loop3A_648, %parallel_loop3A_649 : vector<16xf32>
        tpu.vector_store_idx %arg14[%shift_right_arithmetic3A_32, %broadcast_in_dim3A_56, %and3A_55, %parallel_loop3A_630], %parallel_loop3A_650 : memref<8x1x8x128xf32, #tpu.memory_space<vmem>>[vector<16xi32>, vector<16xi32>, vector<16xi32>, vector<16xi32>], vector<16xf32>,
      } {sc.loop_unroll_factor = 2 : i64, sc.parallel_access}
      %add3A_545 = arith.constant 4 : i32
      %add3A_546 = arith.addi %add3A_521, %add3A_545 : i32
      %shift_right_arithmetic3A_547 = arith.constant 2 : i32
      %shift_right_arithmetic3A_548 = arith.shrsi %add3A_546, %shift_right_arithmetic3A_547 : i32
      %and3A_549 = arith.constant 3 : i32
      %and3A_550 = arith.andi %add3A_546, %and3A_549 : i32
      %mul3A_551 = arith.constant 128 : i32
      %mul3A_552 = arith.muli %and3A_550, %mul3A_551 : i32
      %dma_start3A_553 = tpu.memref_slice %arg7[%shift_right_arithmetic3A_548, %mul3A_552] : memref<50x512xi32, #tpu.memory_space<vmem>> -> memref<1x128xi32, #tpu.memory_space<vmem>>
      %dma_start3A_554 = tpu.memref_squeeze %dma_start3A_553 : memref<1x128xi32, #tpu.memory_space<vmem>> -> memref<128xi32, #tpu.memory_space<vmem>>
      %dma_start3A_555 = arith.constant 0 : i32
      %dma_start3A_556 = arith.constant 0 : i32
      %dma_start3A_557 = tpu.memref_slice %arg3[%dma_start3A_555, %dma_start3A_556] : memref<1000000x64xf32, #tpu.memory_space<hbm>> -> memref<1000000x64xf32, #tpu.memory_space<hbm>>
      tpu.enqueue_indirect_dma source(%dma_start3A_557 : memref<1000000x64xf32, #tpu.memory_space<hbm>>) target(%arg10 : memref<128x64xf32, #tpu.memory_space<vmem>>) offsets(%dma_start3A_554 : memref<128xi32, #tpu.memory_space<vmem>>) semaphore(%arg18 : memref<!tpu.dma_semaphore, #tpu.memory_space<semaphore_mem>>)
      %shift_right_arithmetic3A_558 = arith.constant 2 : i32
      %shift_right_arithmetic3A_559 = arith.shrsi %add3A_521, %shift_right_arithmetic3A_558 : i32
      %and3A_560 = arith.constant 3 : i32
      %and3A_561 = arith.andi %add3A_521, %and3A_560 : i32
      %add3A_562 = arith.addi %mul3A_5, %and3A_561 : i32
      %dma_start3A_563 = arith.constant 0 : i32
      %dma_start3A_564 = arith.constant 0 : i32
      %dma_start3A_565 = arith.constant 0 : i32
      %dma_start3A_566 = tpu.memref_slice %arg5[%shift_right_arithmetic3A_559, %dma_start3A_563, %add3A_562, %dma_start3A_564, %dma_start3A_565] : memref<50x8x128x8x128xf32, #tpu.memory_space<hbm>> -> memref<1x8x1x8x128xf32, #tpu.memory_space<hbm>>
      %dma_start3A_567 = tpu.memref_squeeze %dma_start3A_566 : memref<1x8x1x8x128xf32, #tpu.memory_space<hbm>> -> memref<8x1x8x128xf32, #tpu.memory_space<hbm>>
      %dma_start3A_568 = arith.constant 0 : i32
      %dma_start3A_569 = arith.constant 0 : i32
      %dma_start3A_570 = arith.constant 0 : i32
      %dma_start3A_571 = tpu.memref_slice %arg5[%shift_right_arithmetic3A_559, %dma_start3A_568, %add3A_562, %dma_start3A_569, %dma_start3A_570] : memref<50x8x128x8x128xf32, #tpu.memory_space<hbm>> -> memref<1x8x1x8x128xf32, #tpu.memory_space<hbm>>
      %dma_start3A_572 = tpu.memref_squeeze %dma_start3A_571 : memref<1x8x1x8x128xf32, #tpu.memory_space<hbm>> -> memref<8x1x8x128xf32, #tpu.memory_space<hbm>>
      tpu.enqueue_dma source(%arg14 : memref<8x1x8x128xf32, #tpu.memory_space<vmem>>) target(%dma_start3A_572 : memref<8x1x8x128xf32, #tpu.memory_space<hbm>>) target_semaphore(%arg22 : memref<!tpu.dma_semaphore, #tpu.memory_space<semaphore_mem>>)
      %mul3A_573 = arith.constant 4 : i32
      %mul3A_574 = arith.muli %add3A_407, %mul3A_573 : i32
      %add3A_575 = arith.constant 3 : i32
      %add3A_576 = arith.addi %mul3A_574, %add3A_575 : i32
      %dma_wait3A_577 = arith.constant 0 : i32
      %dma_wait3A_578 = arith.constant 0 : i32
      %dma_wait3A_579 = tpu.memref_slice %arg7[%dma_wait3A_577, %dma_wait3A_578] : memref<50x512xi32, #tpu.memory_space<vmem>> -> memref<1x128xi32, #tpu.memory_space<vmem>>
      %dma_wait3A_580 = tpu.memref_squeeze %dma_wait3A_579 : memref<1x128xi32, #tpu.memory_space<vmem>> -> memref<128xi32, #tpu.memory_space<vmem>>
      %dma_wait3A_581 = arith.constant 0 : i32
      %dma_wait3A_582 = arith.constant 0 : i32
      %dma_wait3A_583 = tpu.memref_slice %arg3[%dma_wait3A_581, %dma_wait3A_582] : memref<1000000x64xf32, #tpu.memory_space<hbm>> -> memref<1000000x64xf32, #tpu.memory_space<hbm>>
      tpu.wait_indirect_dma semaphore(%arg19 : memref<!tpu.dma_semaphore, #tpu.memory_space<semaphore_mem>>) src(%dma_wait3A_583 : memref<1000000x64xf32, #tpu.memory_space<hbm>>) dst(%arg11 : memref<128x64xf32, #tpu.memory_space<vmem>>)
      %dma_wait3A_584 = arith.constant 0 : i32
      %dma_wait3A_585 = arith.constant 0 : i32
      %dma_wait3A_586 = arith.constant 0 : i32
      %dma_wait3A_587 = arith.constant 0 : i32
      %dma_wait3A_588 = arith.constant 0 : i32
      %dma_wait3A_589 = tpu.memref_slice %arg5[%dma_wait3A_584, %dma_wait3A_585, %dma_wait3A_586, %dma_wait3A_587, %dma_wait3A_588] : memref<50x8x128x8x128xf32, #tpu.memory_space<hbm>> -> memref<1x8x1x8x128xf32, #tpu.memory_space<hbm>>
      %dma_wait3A_590 = tpu.memref_squeeze %dma_wait3A_589 : memref<1x8x1x8x128xf32, #tpu.memory_space<hbm>> -> memref<8x1x8x128xf32, #tpu.memory_space<hbm>>
      %dma_wait3A_591 = arith.constant 0 : i32
      %dma_wait3A_592 = arith.constant 0 : i32
      %dma_wait3A_593 = arith.constant 0 : i32
      %dma_wait3A_594 = arith.constant 0 : i32
      %dma_wait3A_595 = tpu.memref_slice %arg5[%dma_wait3A_584, %dma_wait3A_591, %dma_wait3A_592, %dma_wait3A_593, %dma_wait3A_594] : memref<50x8x128x8x128xf32, #tpu.memory_space<hbm>> -> memref<1x8x1x8x128xf32, #tpu.memory_space<hbm>>
      %dma_wait3A_596 = tpu.memref_squeeze %dma_wait3A_595 : memref<1x8x1x8x128xf32, #tpu.memory_space<hbm>> -> memref<8x1x8x128xf32, #tpu.memory_space<hbm>>
      tpu.wait_dma2 semaphore(%arg23 : memref<!tpu.dma_semaphore, #tpu.memory_space<semaphore_mem>>) src(%arg15 : memref<8x1x8x128xf32, #tpu.memory_space<vmem>>) dst(%dma_wait3A_596 : memref<8x1x8x128xf32, #tpu.memory_space<hbm>>)
      %parallel_loop3A_597 = arith.constant 0 : i32
      %parallel_loop3A_598 = arith.constant 128 : i32
      %parallel_loop3A_599 = arith.constant 1 : i32
      scf.for %parallel_loop3A_628 = %parallel_loop3A_597 to %parallel_loop3A_598 step %parallel_loop3A_599  : i32 {
        %parallel_loop3A_629 = vector.broadcast %parallel_loop3A_628 : i32 to vector<16xi32>
        %parallel_loop3A_630 = arith.addi %broadcast_in_dim3A_56, %parallel_loop3A_629 : vector<16xi32>
        %parallel_loop3A_631 = arith.index_cast %parallel_loop3A_628 : i32 to index
        %parallel_loop3A_632 = arith.constant 0 : index
        %parallel_loop3A_633 = tpu.vector_load %arg11[%parallel_loop3A_631, %parallel_loop3A_632] {strides = array<i32>} : memref<128x64xf32, #tpu.memory_space<vmem>>, vector<16xf32>,
        %parallel_loop3A_634 = vector.broadcast %squeeze3A : f32 to vector<16xf32>
        %parallel_loop3A_635 = arith.mulf %parallel_loop3A_633, %parallel_loop3A_634 : vector<16xf32>
        tpu.vector_store_idx %arg15[%shift_right_arithmetic3A_14, %broadcast_in_dim3A_56, %and3A_37, %parallel_loop3A_630], %parallel_loop3A_635 : memref<8x1x8x128xf32, #tpu.memory_space<vmem>>[vector<16xi32>, vector<16xi32>, vector<16xi32>, vector<16xi32>], vector<16xf32>,
        %parallel_loop3A_636 = arith.index_cast %parallel_loop3A_628 : i32 to index
        %parallel_loop3A_637 = arith.constant 16 : index
        %parallel_loop3A_638 = tpu.vector_load %arg11[%parallel_loop3A_636, %parallel_loop3A_637] {strides = array<i32>} : memref<128x64xf32, #tpu.memory_space<vmem>>, vector<16xf32>,
        %parallel_loop3A_639 = vector.broadcast %squeeze3A : f32 to vector<16xf32>
        %parallel_loop3A_640 = arith.mulf %parallel_loop3A_638, %parallel_loop3A_639 : vector<16xf32>
        tpu.vector_store_idx %arg15[%shift_right_arithmetic3A_20, %broadcast_in_dim3A_56, %and3A_43, %parallel_loop3A_630], %parallel_loop3A_640 : memref<8x1x8x128xf32, #tpu.memory_space<vmem>>[vector<16xi32>, vector<16xi32>, vector<16xi32>, vector<16xi32>], vector<16xf32>,
        %parallel_loop3A_641 = arith.index_cast %parallel_loop3A_628 : i32 to index
        %parallel_loop3A_642 = arith.constant 32 : index
        %parallel_loop3A_643 = tpu.vector_load %arg11[%parallel_loop3A_641, %parallel_loop3A_642] {strides = array<i32>} : memref<128x64xf32, #tpu.memory_space<vmem>>, vector<16xf32>,
        %parallel_loop3A_644 = vector.broadcast %squeeze3A : f32 to vector<16xf32>
        %parallel_loop3A_645 = arith.mulf %parallel_loop3A_643, %parallel_loop3A_644 : vector<16xf32>
        tpu.vector_store_idx %arg15[%shift_right_arithmetic3A_26, %broadcast_in_dim3A_56, %and3A_49, %parallel_loop3A_630], %parallel_loop3A_645 : memref<8x1x8x128xf32, #tpu.memory_space<vmem>>[vector<16xi32>, vector<16xi32>, vector<16xi32>, vector<16xi32>], vector<16xf32>,
        %parallel_loop3A_646 = arith.index_cast %parallel_loop3A_628 : i32 to index
        %parallel_loop3A_647 = arith.constant 48 : index
        %parallel_loop3A_648 = tpu.vector_load %arg11[%parallel_loop3A_646, %parallel_loop3A_647] {strides = array<i32>} : memref<128x64xf32, #tpu.memory_space<vmem>>, vector<16xf32>,
        %parallel_loop3A_649 = vector.broadcast %squeeze3A : f32 to vector<16xf32>
        %parallel_loop3A_650 = arith.mulf %parallel_loop3A_648, %parallel_loop3A_649 : vector<16xf32>
        tpu.vector_store_idx %arg15[%shift_right_arithmetic3A_32, %broadcast_in_dim3A_56, %and3A_55, %parallel_loop3A_630], %parallel_loop3A_650 : memref<8x1x8x128xf32, #tpu.memory_space<vmem>>[vector<16xi32>, vector<16xi32>, vector<16xi32>, vector<16xi32>], vector<16xf32>,
      } {sc.loop_unroll_factor = 2 : i64, sc.parallel_access}
      %add3A_600 = arith.constant 4 : i32
      %add3A_601 = arith.addi %add3A_576, %add3A_600 : i32
      %shift_right_arithmetic3A_602 = arith.constant 2 : i32
      %shift_right_arithmetic3A_603 = arith.shrsi %add3A_601, %shift_right_arithmetic3A_602 : i32
      %and3A_604 = arith.constant 3 : i32
      %and3A_605 = arith.andi %add3A_601, %and3A_604 : i32
      %mul3A_606 = arith.constant 128 : i32
      %mul3A_607 = arith.muli %and3A_605, %mul3A_606 : i32
      %dma_start3A_608 = tpu.memref_slice %arg7[%shift_right_arithmetic3A_603, %mul3A_607] : memref<50x512xi32, #tpu.memory_space<vmem>> -> memref<1x128xi32, #tpu.memory_space<vmem>>
      %dma_start3A_609 = tpu.memref_squeeze %dma_start3A_608 : memref<1x128xi32, #tpu.memory_space<vmem>> -> memref<128xi32, #tpu.memory_space<vmem>>
      %dma_start3A_610 = arith.constant 0 : i32
      %dma_start3A_611 = arith.constant 0 : i32
      %dma_start3A_612 = tpu.memref_slice %arg3[%dma_start3A_610, %dma_start3A_611] : memref<1000000x64xf32, #tpu.memory_space<hbm>> -> memref<1000000x64xf32, #tpu.memory_space<hbm>>
      tpu.enqueue_indirect_dma source(%dma_start3A_612 : memref<1000000x64xf32, #tpu.memory_space<hbm>>) target(%arg11 : memref<128x64xf32, #tpu.memory_space<vmem>>) offsets(%dma_start3A_609 : memref<128xi32, #tpu.memory_space<vmem>>) semaphore(%arg19 : memref<!tpu.dma_semaphore, #tpu.memory_space<semaphore_mem>>)
      %shift_right_arithmetic3A_613 = arith.constant 2 : i32
      %shift_right_arithmetic3A_614 = arith.shrsi %add3A_576, %shift_right_arithmetic3A_613 : i32
      %and3A_615 = arith.constant 3 : i32
      %and3A_616 = arith.andi %add3A_576, %and3A_615 : i32
      %add3A_617 = arith.addi %mul3A_5, %and3A_616 : i32
      %dma_start3A_618 = arith.constant 0 : i32
      %dma_start3A_619 = arith.constant 0 : i32
      %dma_start3A_620 = arith.constant 0 : i32
      %dma_start3A_621 = tpu.memref_slice %arg5[%shift_right_arithmetic3A_614, %dma_start3A_618, %add3A_617, %dma_start3A_619, %dma_start3A_620] : memref<50x8x128x8x128xf32, #tpu.memory_space<hbm>> -> memref<1x8x1x8x128xf32, #tpu.memory_space<hbm>>
      %dma_start3A_622 = tpu.memref_squeeze %dma_start3A_621 : memref<1x8x1x8x128xf32, #tpu.memory_space<hbm>> -> memref<8x1x8x128xf32, #tpu.memory_space<hbm>>
      %dma_start3A_623 = arith.constant 0 : i32
      %dma_start3A_624 = arith.constant 0 : i32
      %dma_start3A_625 = arith.constant 0 : i32
      %dma_start3A_626 = tpu.memref_slice %arg5[%shift_right_arithmetic3A_614, %dma_start3A_623, %add3A_617, %dma_start3A_624, %dma_start3A_625] : memref<50x8x128x8x128xf32, #tpu.memory_space<hbm>> -> memref<1x8x1x8x128xf32, #tpu.memory_space<hbm>>
      %dma_start3A_627 = tpu.memref_squeeze %dma_start3A_626 : memref<1x8x1x8x128xf32, #tpu.memory_space<hbm>> -> memref<8x1x8x128xf32, #tpu.memory_space<hbm>>
      tpu.enqueue_dma source(%arg15 : memref<8x1x8x128xf32, #tpu.memory_space<vmem>>) target(%dma_start3A_627 : memref<8x1x8x128xf32, #tpu.memory_space<hbm>>) target_semaphore(%arg23 : memref<!tpu.dma_semaphore, #tpu.memory_space<semaphore_mem>>)
    }
    %scan3A_206 = arith.constant 48 : i32
    %dma_wait3A_207 = arith.constant 0 : i32
    %dma_wait3A_208 = arith.constant 0 : i32
    %dma_wait3A_209 = tpu.memref_slice %arg7[%dma_wait3A_207, %dma_wait3A_208] : memref<50x512xi32, #tpu.memory_space<vmem>> -> memref<1x128xi32, #tpu.memory_space<vmem>>
    %dma_wait3A_210 = tpu.memref_squeeze %dma_wait3A_209 : memref<1x128xi32, #tpu.memory_space<vmem>> -> memref<128xi32, #tpu.memory_space<vmem>>
    %dma_wait3A_211 = arith.constant 0 : i32
    %dma_wait3A_212 = arith.constant 0 : i32
    %dma_wait3A_213 = tpu.memref_slice %arg3[%dma_wait3A_211, %dma_wait3A_212] : memref<1000000x64xf32, #tpu.memory_space<hbm>> -> memref<1000000x64xf32, #tpu.memory_space<hbm>>
    tpu.wait_indirect_dma semaphore(%arg16 : memref<!tpu.dma_semaphore, #tpu.memory_space<semaphore_mem>>) src(%dma_wait3A_213 : memref<1000000x64xf32, #tpu.memory_space<hbm>>) dst(%arg8 : memref<128x64xf32, #tpu.memory_space<vmem>>)
    %dma_wait3A_214 = arith.constant 0 : i32
    %dma_wait3A_215 = arith.constant 0 : i32
    %dma_wait3A_216 = arith.constant 0 : i32
    %dma_wait3A_217 = arith.constant 0 : i32
    %dma_wait3A_218 = arith.constant 0 : i32
    %dma_wait3A_219 = tpu.memref_slice %arg5[%dma_wait3A_214, %dma_wait3A_215, %dma_wait3A_216, %dma_wait3A_217, %dma_wait3A_218] : memref<50x8x128x8x128xf32, #tpu.memory_space<hbm>> -> memref<1x8x1x8x128xf32, #tpu.memory_space<hbm>>
    %dma_wait3A_220 = tpu.memref_squeeze %dma_wait3A_219 : memref<1x8x1x8x128xf32, #tpu.memory_space<hbm>> -> memref<8x1x8x128xf32, #tpu.memory_space<hbm>>
    %dma_wait3A_221 = arith.constant 0 : i32
    %dma_wait3A_222 = arith.constant 0 : i32
    %dma_wait3A_223 = arith.constant 0 : i32
    %dma_wait3A_224 = arith.constant 0 : i32
    %dma_wait3A_225 = tpu.memref_slice %arg5[%dma_wait3A_214, %dma_wait3A_221, %dma_wait3A_222, %dma_wait3A_223, %dma_wait3A_224] : memref<50x8x128x8x128xf32, #tpu.memory_space<hbm>> -> memref<1x8x1x8x128xf32, #tpu.memory_space<hbm>>
    %dma_wait3A_226 = tpu.memref_squeeze %dma_wait3A_225 : memref<1x8x1x8x128xf32, #tpu.memory_space<hbm>> -> memref<8x1x8x128xf32, #tpu.memory_space<hbm>>
    tpu.wait_dma2 semaphore(%arg20 : memref<!tpu.dma_semaphore, #tpu.memory_space<semaphore_mem>>) src(%arg12 : memref<8x1x8x128xf32, #tpu.memory_space<vmem>>) dst(%dma_wait3A_226 : memref<8x1x8x128xf32, #tpu.memory_space<hbm>>)
    %parallel_loop3A_227 = arith.constant 0 : i32
    %parallel_loop3A_228 = arith.constant 128 : i32
    %parallel_loop3A_229 = arith.constant 1 : i32
    scf.for %parallel_loop3A_403 = %parallel_loop3A_227 to %parallel_loop3A_228 step %parallel_loop3A_229  : i32 {
      %parallel_loop3A_404 = vector.broadcast %parallel_loop3A_403 : i32 to vector<16xi32>
      %parallel_loop3A_405 = arith.addi %broadcast_in_dim3A_56, %parallel_loop3A_404 : vector<16xi32>
      %parallel_loop3A_406 = arith.index_cast %parallel_loop3A_403 : i32 to index
      %parallel_loop3A_407 = arith.constant 0 : index
      %parallel_loop3A_408 = tpu.vector_load %arg8[%parallel_loop3A_406, %parallel_loop3A_407] {strides = array<i32>} : memref<128x64xf32, #tpu.memory_space<vmem>>, vector<16xf32>,
      %parallel_loop3A_409 = vector.broadcast %squeeze3A : f32 to vector<16xf32>
      %parallel_loop3A_410 = arith.mulf %parallel_loop3A_408, %parallel_loop3A_409 : vector<16xf32>
      tpu.vector_store_idx %arg12[%shift_right_arithmetic3A_14, %broadcast_in_dim3A_56, %and3A_37, %parallel_loop3A_405], %parallel_loop3A_410 : memref<8x1x8x128xf32, #tpu.memory_space<vmem>>[vector<16xi32>, vector<16xi32>, vector<16xi32>, vector<16xi32>], vector<16xf32>,
      %parallel_loop3A_411 = arith.index_cast %parallel_loop3A_403 : i32 to index
      %parallel_loop3A_412 = arith.constant 16 : index
      %parallel_loop3A_413 = tpu.vector_load %arg8[%parallel_loop3A_411, %parallel_loop3A_412] {strides = array<i32>} : memref<128x64xf32, #tpu.memory_space<vmem>>, vector<16xf32>,
      %parallel_loop3A_414 = vector.broadcast %squeeze3A : f32 to vector<16xf32>
      %parallel_loop3A_415 = arith.mulf %parallel_loop3A_413, %parallel_loop3A_414 : vector<16xf32>
      tpu.vector_store_idx %arg12[%shift_right_arithmetic3A_20, %broadcast_in_dim3A_56, %and3A_43, %parallel_loop3A_405], %parallel_loop3A_415 : memref<8x1x8x128xf32, #tpu.memory_space<vmem>>[vector<16xi32>, vector<16xi32>, vector<16xi32>, vector<16xi32>], vector<16xf32>,
      %parallel_loop3A_416 = arith.index_cast %parallel_loop3A_403 : i32 to index
      %parallel_loop3A_417 = arith.constant 32 : index
      %parallel_loop3A_418 = tpu.vector_load %arg8[%parallel_loop3A_416, %parallel_loop3A_417] {strides = array<i32>} : memref<128x64xf32, #tpu.memory_space<vmem>>, vector<16xf32>,
      %parallel_loop3A_419 = vector.broadcast %squeeze3A : f32 to vector<16xf32>
      %parallel_loop3A_420 = arith.mulf %parallel_loop3A_418, %parallel_loop3A_419 : vector<16xf32>
      tpu.vector_store_idx %arg12[%shift_right_arithmetic3A_26, %broadcast_in_dim3A_56, %and3A_49, %parallel_loop3A_405], %parallel_loop3A_420 : memref<8x1x8x128xf32, #tpu.memory_space<vmem>>[vector<16xi32>, vector<16xi32>, vector<16xi32>, vector<16xi32>], vector<16xf32>,
      %parallel_loop3A_421 = arith.index_cast %parallel_loop3A_403 : i32 to index
      %parallel_loop3A_422 = arith.constant 48 : index
      %parallel_loop3A_423 = tpu.vector_load %arg8[%parallel_loop3A_421, %parallel_loop3A_422] {strides = array<i32>} : memref<128x64xf32, #tpu.memory_space<vmem>>, vector<16xf32>,
      %parallel_loop3A_424 = vector.broadcast %squeeze3A : f32 to vector<16xf32>
      %parallel_loop3A_425 = arith.mulf %parallel_loop3A_423, %parallel_loop3A_424 : vector<16xf32>
      tpu.vector_store_idx %arg12[%shift_right_arithmetic3A_32, %broadcast_in_dim3A_56, %and3A_55, %parallel_loop3A_405], %parallel_loop3A_425 : memref<8x1x8x128xf32, #tpu.memory_space<vmem>>[vector<16xi32>, vector<16xi32>, vector<16xi32>, vector<16xi32>], vector<16xf32>,
    } {sc.loop_unroll_factor = 2 : i64, sc.parallel_access}
    %add3A_230 = arith.constant 0 : i32
    %add3A_231 = arith.addi %mul3A_5, %add3A_230 : i32
    %dma_start3A_232 = arith.constant 49 : i32
    %dma_start3A_233 = arith.constant 0 : i32
    %dma_start3A_234 = arith.constant 0 : i32
    %dma_start3A_235 = arith.constant 0 : i32
    %dma_start3A_236 = tpu.memref_slice %arg5[%dma_start3A_232, %dma_start3A_233, %add3A_231, %dma_start3A_234, %dma_start3A_235] : memref<50x8x128x8x128xf32, #tpu.memory_space<hbm>> -> memref<1x8x1x8x128xf32, #tpu.memory_space<hbm>>
    %dma_start3A_237 = tpu.memref_squeeze %dma_start3A_236 : memref<1x8x1x8x128xf32, #tpu.memory_space<hbm>> -> memref<8x1x8x128xf32, #tpu.memory_space<hbm>>
    %dma_start3A_238 = arith.constant 0 : i32
    %dma_start3A_239 = arith.constant 0 : i32
    %dma_start3A_240 = arith.constant 0 : i32
    %dma_start3A_241 = tpu.memref_slice %arg5[%dma_start3A_232, %dma_start3A_238, %add3A_231, %dma_start3A_239, %dma_start3A_240] : memref<50x8x128x8x128xf32, #tpu.memory_space<hbm>> -> memref<1x8x1x8x128xf32, #tpu.memory_space<hbm>>
    %dma_start3A_242 = tpu.memref_squeeze %dma_start3A_241 : memref<1x8x1x8x128xf32, #tpu.memory_space<hbm>> -> memref<8x1x8x128xf32, #tpu.memory_space<hbm>>
    tpu.enqueue_dma source(%arg12 : memref<8x1x8x128xf32, #tpu.memory_space<vmem>>) target(%dma_start3A_242 : memref<8x1x8x128xf32, #tpu.memory_space<hbm>>) target_semaphore(%arg20 : memref<!tpu.dma_semaphore, #tpu.memory_space<semaphore_mem>>)
    %dma_wait3A_243 = arith.constant 0 : i32
    %dma_wait3A_244 = arith.constant 0 : i32
    %dma_wait3A_245 = tpu.memref_slice %arg7[%dma_wait3A_243, %dma_wait3A_244] : memref<50x512xi32, #tpu.memory_space<vmem>> -> memref<1x128xi32, #tpu.memory_space<vmem>>
    %dma_wait3A_246 = tpu.memref_squeeze %dma_wait3A_245 : memref<1x128xi32, #tpu.memory_space<vmem>> -> memref<128xi32, #tpu.memory_space<vmem>>
    %dma_wait3A_247 = arith.constant 0 : i32
    %dma_wait3A_248 = arith.constant 0 : i32
    %dma_wait3A_249 = tpu.memref_slice %arg3[%dma_wait3A_247, %dma_wait3A_248] : memref<1000000x64xf32, #tpu.memory_space<hbm>> -> memref<1000000x64xf32, #tpu.memory_space<hbm>>
    tpu.wait_indirect_dma semaphore(%arg17 : memref<!tpu.dma_semaphore, #tpu.memory_space<semaphore_mem>>) src(%dma_wait3A_249 : memref<1000000x64xf32, #tpu.memory_space<hbm>>) dst(%arg9 : memref<128x64xf32, #tpu.memory_space<vmem>>)
    %dma_wait3A_250 = arith.constant 0 : i32
    %dma_wait3A_251 = arith.constant 0 : i32
    %dma_wait3A_252 = arith.constant 0 : i32
    %dma_wait3A_253 = arith.constant 0 : i32
    %dma_wait3A_254 = arith.constant 0 : i32
    %dma_wait3A_255 = tpu.memref_slice %arg5[%dma_wait3A_250, %dma_wait3A_251, %dma_wait3A_252, %dma_wait3A_253, %dma_wait3A_254] : memref<50x8x128x8x128xf32, #tpu.memory_space<hbm>> -> memref<1x8x1x8x128xf32, #tpu.memory_space<hbm>>
    %dma_wait3A_256 = tpu.memref_squeeze %dma_wait3A_255 : memref<1x8x1x8x128xf32, #tpu.memory_space<hbm>> -> memref<8x1x8x128xf32, #tpu.memory_space<hbm>>
    %dma_wait3A_257 = arith.constant 0 : i32
    %dma_wait3A_258 = arith.constant 0 : i32
    %dma_wait3A_259 = arith.constant 0 : i32
    %dma_wait3A_260 = arith.constant 0 : i32
    %dma_wait3A_261 = tpu.memref_slice %arg5[%dma_wait3A_250, %dma_wait3A_257, %dma_wait3A_258, %dma_wait3A_259, %dma_wait3A_260] : memref<50x8x128x8x128xf32, #tpu.memory_space<hbm>> -> memref<1x8x1x8x128xf32, #tpu.memory_space<hbm>>
    %dma_wait3A_262 = tpu.memref_squeeze %dma_wait3A_261 : memref<1x8x1x8x128xf32, #tpu.memory_space<hbm>> -> memref<8x1x8x128xf32, #tpu.memory_space<hbm>>
    tpu.wait_dma2 semaphore(%arg21 : memref<!tpu.dma_semaphore, #tpu.memory_space<semaphore_mem>>) src(%arg13 : memref<8x1x8x128xf32, #tpu.memory_space<vmem>>) dst(%dma_wait3A_262 : memref<8x1x8x128xf32, #tpu.memory_space<hbm>>)
    %parallel_loop3A_263 = arith.constant 0 : i32
    %parallel_loop3A_264 = arith.constant 128 : i32
    %parallel_loop3A_265 = arith.constant 1 : i32
    scf.for %parallel_loop3A_403 = %parallel_loop3A_263 to %parallel_loop3A_264 step %parallel_loop3A_265  : i32 {
      %parallel_loop3A_404 = vector.broadcast %parallel_loop3A_403 : i32 to vector<16xi32>
      %parallel_loop3A_405 = arith.addi %broadcast_in_dim3A_56, %parallel_loop3A_404 : vector<16xi32>
      %parallel_loop3A_406 = arith.index_cast %parallel_loop3A_403 : i32 to index
      %parallel_loop3A_407 = arith.constant 0 : index
      %parallel_loop3A_408 = tpu.vector_load %arg9[%parallel_loop3A_406, %parallel_loop3A_407] {strides = array<i32>} : memref<128x64xf32, #tpu.memory_space<vmem>>, vector<16xf32>,
      %parallel_loop3A_409 = vector.broadcast %squeeze3A : f32 to vector<16xf32>
      %parallel_loop3A_410 = arith.mulf %parallel_loop3A_408, %parallel_loop3A_409 : vector<16xf32>
      tpu.vector_store_idx %arg13[%shift_right_arithmetic3A_14, %broadcast_in_dim3A_56, %and3A_37, %parallel_loop3A_405], %parallel_loop3A_410 : memref<8x1x8x128xf32, #tpu.memory_space<vmem>>[vector<16xi32>, vector<16xi32>, vector<16xi32>, vector<16xi32>], vector<16xf32>,
      %parallel_loop3A_411 = arith.index_cast %parallel_loop3A_403 : i32 to index
      %parallel_loop3A_412 = arith.constant 16 : index
      %parallel_loop3A_413 = tpu.vector_load %arg9[%parallel_loop3A_411, %parallel_loop3A_412] {strides = array<i32>} : memref<128x64xf32, #tpu.memory_space<vmem>>, vector<16xf32>,
      %parallel_loop3A_414 = vector.broadcast %squeeze3A : f32 to vector<16xf32>
      %parallel_loop3A_415 = arith.mulf %parallel_loop3A_413, %parallel_loop3A_414 : vector<16xf32>
      tpu.vector_store_idx %arg13[%shift_right_arithmetic3A_20, %broadcast_in_dim3A_56, %and3A_43, %parallel_loop3A_405], %parallel_loop3A_415 : memref<8x1x8x128xf32, #tpu.memory_space<vmem>>[vector<16xi32>, vector<16xi32>, vector<16xi32>, vector<16xi32>], vector<16xf32>,
      %parallel_loop3A_416 = arith.index_cast %parallel_loop3A_403 : i32 to index
      %parallel_loop3A_417 = arith.constant 32 : index
      %parallel_loop3A_418 = tpu.vector_load %arg9[%parallel_loop3A_416, %parallel_loop3A_417] {strides = array<i32>} : memref<128x64xf32, #tpu.memory_space<vmem>>, vector<16xf32>,
      %parallel_loop3A_419 = vector.broadcast %squeeze3A : f32 to vector<16xf32>
      %parallel_loop3A_420 = arith.mulf %parallel_loop3A_418, %parallel_loop3A_419 : vector<16xf32>
      tpu.vector_store_idx %arg13[%shift_right_arithmetic3A_26, %broadcast_in_dim3A_56, %and3A_49, %parallel_loop3A_405], %parallel_loop3A_420 : memref<8x1x8x128xf32, #tpu.memory_space<vmem>>[vector<16xi32>, vector<16xi32>, vector<16xi32>, vector<16xi32>], vector<16xf32>,
      %parallel_loop3A_421 = arith.index_cast %parallel_loop3A_403 : i32 to index
      %parallel_loop3A_422 = arith.constant 48 : index
      %parallel_loop3A_423 = tpu.vector_load %arg9[%parallel_loop3A_421, %parallel_loop3A_422] {strides = array<i32>} : memref<128x64xf32, #tpu.memory_space<vmem>>, vector<16xf32>,
      %parallel_loop3A_424 = vector.broadcast %squeeze3A : f32 to vector<16xf32>
      %parallel_loop3A_425 = arith.mulf %parallel_loop3A_423, %parallel_loop3A_424 : vector<16xf32>
      tpu.vector_store_idx %arg13[%shift_right_arithmetic3A_32, %broadcast_in_dim3A_56, %and3A_55, %parallel_loop3A_405], %parallel_loop3A_425 : memref<8x1x8x128xf32, #tpu.memory_space<vmem>>[vector<16xi32>, vector<16xi32>, vector<16xi32>, vector<16xi32>], vector<16xf32>,
    } {sc.loop_unroll_factor = 2 : i64, sc.parallel_access}
    %add3A_266 = arith.constant 1 : i32
    %add3A_267 = arith.addi %mul3A_5, %add3A_266 : i32
    %dma_start3A_268 = arith.constant 49 : i32
    %dma_start3A_269 = arith.constant 0 : i32
    %dma_start3A_270 = arith.constant 0 : i32
    %dma_start3A_271 = arith.constant 0 : i32
    %dma_start3A_272 = tpu.memref_slice %arg5[%dma_start3A_268, %dma_start3A_269, %add3A_267, %dma_start3A_270, %dma_start3A_271] : memref<50x8x128x8x128xf32, #tpu.memory_space<hbm>> -> memref<1x8x1x8x128xf32, #tpu.memory_space<hbm>>
    %dma_start3A_273 = tpu.memref_squeeze %dma_start3A_272 : memref<1x8x1x8x128xf32, #tpu.memory_space<hbm>> -> memref<8x1x8x128xf32, #tpu.memory_space<hbm>>
    %dma_start3A_274 = arith.constant 0 : i32
    %dma_start3A_275 = arith.constant 0 : i32
    %dma_start3A_276 = arith.constant 0 : i32
    %dma_start3A_277 = tpu.memref_slice %arg5[%dma_start3A_268, %dma_start3A_274, %add3A_267, %dma_start3A_275, %dma_start3A_276] : memref<50x8x128x8x128xf32, #tpu.memory_space<hbm>> -> memref<1x8x1x8x128xf32, #tpu.memory_space<hbm>>
    %dma_start3A_278 = tpu.memref_squeeze %dma_start3A_277 : memref<1x8x1x8x128xf32, #tpu.memory_space<hbm>> -> memref<8x1x8x128xf32, #tpu.memory_space<hbm>>
    tpu.enqueue_dma source(%arg13 : memref<8x1x8x128xf32, #tpu.memory_space<vmem>>) target(%dma_start3A_278 : memref<8x1x8x128xf32, #tpu.memory_space<hbm>>) target_semaphore(%arg21 : memref<!tpu.dma_semaphore, #tpu.memory_space<semaphore_mem>>)
    %dma_wait3A_279 = arith.constant 0 : i32
    %dma_wait3A_280 = arith.constant 0 : i32
    %dma_wait3A_281 = tpu.memref_slice %arg7[%dma_wait3A_279, %dma_wait3A_280] : memref<50x512xi32, #tpu.memory_space<vmem>> -> memref<1x128xi32, #tpu.memory_space<vmem>>
    %dma_wait3A_282 = tpu.memref_squeeze %dma_wait3A_281 : memref<1x128xi32, #tpu.memory_space<vmem>> -> memref<128xi32, #tpu.memory_space<vmem>>
    %dma_wait3A_283 = arith.constant 0 : i32
    %dma_wait3A_284 = arith.constant 0 : i32
    %dma_wait3A_285 = tpu.memref_slice %arg3[%dma_wait3A_283, %dma_wait3A_284] : memref<1000000x64xf32, #tpu.memory_space<hbm>> -> memref<1000000x64xf32, #tpu.memory_space<hbm>>
    tpu.wait_indirect_dma semaphore(%arg18 : memref<!tpu.dma_semaphore, #tpu.memory_space<semaphore_mem>>) src(%dma_wait3A_285 : memref<1000000x64xf32, #tpu.memory_space<hbm>>) dst(%arg10 : memref<128x64xf32, #tpu.memory_space<vmem>>)
    %dma_wait3A_286 = arith.constant 0 : i32
    %dma_wait3A_287 = arith.constant 0 : i32
    %dma_wait3A_288 = arith.constant 0 : i32
    %dma_wait3A_289 = arith.constant 0 : i32
    %dma_wait3A_290 = arith.constant 0 : i32
    %dma_wait3A_291 = tpu.memref_slice %arg5[%dma_wait3A_286, %dma_wait3A_287, %dma_wait3A_288, %dma_wait3A_289, %dma_wait3A_290] : memref<50x8x128x8x128xf32, #tpu.memory_space<hbm>> -> memref<1x8x1x8x128xf32, #tpu.memory_space<hbm>>
    %dma_wait3A_292 = tpu.memref_squeeze %dma_wait3A_291 : memref<1x8x1x8x128xf32, #tpu.memory_space<hbm>> -> memref<8x1x8x128xf32, #tpu.memory_space<hbm>>
    %dma_wait3A_293 = arith.constant 0 : i32
    %dma_wait3A_294 = arith.constant 0 : i32
    %dma_wait3A_295 = arith.constant 0 : i32
    %dma_wait3A_296 = arith.constant 0 : i32
    %dma_wait3A_297 = tpu.memref_slice %arg5[%dma_wait3A_286, %dma_wait3A_293, %dma_wait3A_294, %dma_wait3A_295, %dma_wait3A_296] : memref<50x8x128x8x128xf32, #tpu.memory_space<hbm>> -> memref<1x8x1x8x128xf32, #tpu.memory_space<hbm>>
    %dma_wait3A_298 = tpu.memref_squeeze %dma_wait3A_297 : memref<1x8x1x8x128xf32, #tpu.memory_space<hbm>> -> memref<8x1x8x128xf32, #tpu.memory_space<hbm>>
    tpu.wait_dma2 semaphore(%arg22 : memref<!tpu.dma_semaphore, #tpu.memory_space<semaphore_mem>>) src(%arg14 : memref<8x1x8x128xf32, #tpu.memory_space<vmem>>) dst(%dma_wait3A_298 : memref<8x1x8x128xf32, #tpu.memory_space<hbm>>)
    %parallel_loop3A_299 = arith.constant 0 : i32
    %parallel_loop3A_300 = arith.constant 128 : i32
    %parallel_loop3A_301 = arith.constant 1 : i32
    scf.for %parallel_loop3A_403 = %parallel_loop3A_299 to %parallel_loop3A_300 step %parallel_loop3A_301  : i32 {
      %parallel_loop3A_404 = vector.broadcast %parallel_loop3A_403 : i32 to vector<16xi32>
      %parallel_loop3A_405 = arith.addi %broadcast_in_dim3A_56, %parallel_loop3A_404 : vector<16xi32>
      %parallel_loop3A_406 = arith.index_cast %parallel_loop3A_403 : i32 to index
      %parallel_loop3A_407 = arith.constant 0 : index
      %parallel_loop3A_408 = tpu.vector_load %arg10[%parallel_loop3A_406, %parallel_loop3A_407] {strides = array<i32>} : memref<128x64xf32, #tpu.memory_space<vmem>>, vector<16xf32>,
      %parallel_loop3A_409 = vector.broadcast %squeeze3A : f32 to vector<16xf32>
      %parallel_loop3A_410 = arith.mulf %parallel_loop3A_408, %parallel_loop3A_409 : vector<16xf32>
      tpu.vector_store_idx %arg14[%shift_right_arithmetic3A_14, %broadcast_in_dim3A_56, %and3A_37, %parallel_loop3A_405], %parallel_loop3A_410 : memref<8x1x8x128xf32, #tpu.memory_space<vmem>>[vector<16xi32>, vector<16xi32>, vector<16xi32>, vector<16xi32>], vector<16xf32>,
      %parallel_loop3A_411 = arith.index_cast %parallel_loop3A_403 : i32 to index
      %parallel_loop3A_412 = arith.constant 16 : index
      %parallel_loop3A_413 = tpu.vector_load %arg10[%parallel_loop3A_411, %parallel_loop3A_412] {strides = array<i32>} : memref<128x64xf32, #tpu.memory_space<vmem>>, vector<16xf32>,
      %parallel_loop3A_414 = vector.broadcast %squeeze3A : f32 to vector<16xf32>
      %parallel_loop3A_415 = arith.mulf %parallel_loop3A_413, %parallel_loop3A_414 : vector<16xf32>
      tpu.vector_store_idx %arg14[%shift_right_arithmetic3A_20, %broadcast_in_dim3A_56, %and3A_43, %parallel_loop3A_405], %parallel_loop3A_415 : memref<8x1x8x128xf32, #tpu.memory_space<vmem>>[vector<16xi32>, vector<16xi32>, vector<16xi32>, vector<16xi32>], vector<16xf32>,
      %parallel_loop3A_416 = arith.index_cast %parallel_loop3A_403 : i32 to index
      %parallel_loop3A_417 = arith.constant 32 : index
      %parallel_loop3A_418 = tpu.vector_load %arg10[%parallel_loop3A_416, %parallel_loop3A_417] {strides = array<i32>} : memref<128x64xf32, #tpu.memory_space<vmem>>, vector<16xf32>,
      %parallel_loop3A_419 = vector.broadcast %squeeze3A : f32 to vector<16xf32>
      %parallel_loop3A_420 = arith.mulf %parallel_loop3A_418, %parallel_loop3A_419 : vector<16xf32>
      tpu.vector_store_idx %arg14[%shift_right_arithmetic3A_26, %broadcast_in_dim3A_56, %and3A_49, %parallel_loop3A_405], %parallel_loop3A_420 : memref<8x1x8x128xf32, #tpu.memory_space<vmem>>[vector<16xi32>, vector<16xi32>, vector<16xi32>, vector<16xi32>], vector<16xf32>,
      %parallel_loop3A_421 = arith.index_cast %parallel_loop3A_403 : i32 to index
      %parallel_loop3A_422 = arith.constant 48 : index
      %parallel_loop3A_423 = tpu.vector_load %arg10[%parallel_loop3A_421, %parallel_loop3A_422] {strides = array<i32>} : memref<128x64xf32, #tpu.memory_space<vmem>>, vector<16xf32>,
      %parallel_loop3A_424 = vector.broadcast %squeeze3A : f32 to vector<16xf32>
      %parallel_loop3A_425 = arith.mulf %parallel_loop3A_423, %parallel_loop3A_424 : vector<16xf32>
      tpu.vector_store_idx %arg14[%shift_right_arithmetic3A_32, %broadcast_in_dim3A_56, %and3A_55, %parallel_loop3A_405], %parallel_loop3A_425 : memref<8x1x8x128xf32, #tpu.memory_space<vmem>>[vector<16xi32>, vector<16xi32>, vector<16xi32>, vector<16xi32>], vector<16xf32>,
    } {sc.loop_unroll_factor = 2 : i64, sc.parallel_access}
    %add3A_302 = arith.constant 2 : i32
    %add3A_303 = arith.addi %mul3A_5, %add3A_302 : i32
    %dma_start3A_304 = arith.constant 49 : i32
    %dma_start3A_305 = arith.constant 0 : i32
    %dma_start3A_306 = arith.constant 0 : i32
    %dma_start3A_307 = arith.constant 0 : i32
    %dma_start3A_308 = tpu.memref_slice %arg5[%dma_start3A_304, %dma_start3A_305, %add3A_303, %dma_start3A_306, %dma_start3A_307] : memref<50x8x128x8x128xf32, #tpu.memory_space<hbm>> -> memref<1x8x1x8x128xf32, #tpu.memory_space<hbm>>
    %dma_start3A_309 = tpu.memref_squeeze %dma_start3A_308 : memref<1x8x1x8x128xf32, #tpu.memory_space<hbm>> -> memref<8x1x8x128xf32, #tpu.memory_space<hbm>>
    %dma_start3A_310 = arith.constant 0 : i32
    %dma_start3A_311 = arith.constant 0 : i32
    %dma_start3A_312 = arith.constant 0 : i32
    %dma_start3A_313 = tpu.memref_slice %arg5[%dma_start3A_304, %dma_start3A_310, %add3A_303, %dma_start3A_311, %dma_start3A_312] : memref<50x8x128x8x128xf32, #tpu.memory_space<hbm>> -> memref<1x8x1x8x128xf32, #tpu.memory_space<hbm>>
    %dma_start3A_314 = tpu.memref_squeeze %dma_start3A_313 : memref<1x8x1x8x128xf32, #tpu.memory_space<hbm>> -> memref<8x1x8x128xf32, #tpu.memory_space<hbm>>
    tpu.enqueue_dma source(%arg14 : memref<8x1x8x128xf32, #tpu.memory_space<vmem>>) target(%dma_start3A_314 : memref<8x1x8x128xf32, #tpu.memory_space<hbm>>) target_semaphore(%arg22 : memref<!tpu.dma_semaphore, #tpu.memory_space<semaphore_mem>>)
    %dma_wait3A_315 = arith.constant 0 : i32
    %dma_wait3A_316 = arith.constant 0 : i32
    %dma_wait3A_317 = tpu.memref_slice %arg7[%dma_wait3A_315, %dma_wait3A_316] : memref<50x512xi32, #tpu.memory_space<vmem>> -> memref<1x128xi32, #tpu.memory_space<vmem>>
    %dma_wait3A_318 = tpu.memref_squeeze %dma_wait3A_317 : memref<1x128xi32, #tpu.memory_space<vmem>> -> memref<128xi32, #tpu.memory_space<vmem>>
    %dma_wait3A_319 = arith.constant 0 : i32
    %dma_wait3A_320 = arith.constant 0 : i32
    %dma_wait3A_321 = tpu.memref_slice %arg3[%dma_wait3A_319, %dma_wait3A_320] : memref<1000000x64xf32, #tpu.memory_space<hbm>> -> memref<1000000x64xf32, #tpu.memory_space<hbm>>
    tpu.wait_indirect_dma semaphore(%arg19 : memref<!tpu.dma_semaphore, #tpu.memory_space<semaphore_mem>>) src(%dma_wait3A_321 : memref<1000000x64xf32, #tpu.memory_space<hbm>>) dst(%arg11 : memref<128x64xf32, #tpu.memory_space<vmem>>)
    %dma_wait3A_322 = arith.constant 0 : i32
    %dma_wait3A_323 = arith.constant 0 : i32
    %dma_wait3A_324 = arith.constant 0 : i32
    %dma_wait3A_325 = arith.constant 0 : i32
    %dma_wait3A_326 = arith.constant 0 : i32
    %dma_wait3A_327 = tpu.memref_slice %arg5[%dma_wait3A_322, %dma_wait3A_323, %dma_wait3A_324, %dma_wait3A_325, %dma_wait3A_326] : memref<50x8x128x8x128xf32, #tpu.memory_space<hbm>> -> memref<1x8x1x8x128xf32, #tpu.memory_space<hbm>>
    %dma_wait3A_328 = tpu.memref_squeeze %dma_wait3A_327 : memref<1x8x1x8x128xf32, #tpu.memory_space<hbm>> -> memref<8x1x8x128xf32, #tpu.memory_space<hbm>>
    %dma_wait3A_329 = arith.constant 0 : i32
    %dma_wait3A_330 = arith.constant 0 : i32
    %dma_wait3A_331 = arith.constant 0 : i32
    %dma_wait3A_332 = arith.constant 0 : i32
    %dma_wait3A_333 = tpu.memref_slice %arg5[%dma_wait3A_322, %dma_wait3A_329, %dma_wait3A_330, %dma_wait3A_331, %dma_wait3A_332] : memref<50x8x128x8x128xf32, #tpu.memory_space<hbm>> -> memref<1x8x1x8x128xf32, #tpu.memory_space<hbm>>
    %dma_wait3A_334 = tpu.memref_squeeze %dma_wait3A_333 : memref<1x8x1x8x128xf32, #tpu.memory_space<hbm>> -> memref<8x1x8x128xf32, #tpu.memory_space<hbm>>
    tpu.wait_dma2 semaphore(%arg23 : memref<!tpu.dma_semaphore, #tpu.memory_space<semaphore_mem>>) src(%arg15 : memref<8x1x8x128xf32, #tpu.memory_space<vmem>>) dst(%dma_wait3A_334 : memref<8x1x8x128xf32, #tpu.memory_space<hbm>>)
    %parallel_loop3A_335 = arith.constant 0 : i32
    %parallel_loop3A_336 = arith.constant 128 : i32
    %parallel_loop3A_337 = arith.constant 1 : i32
    scf.for %parallel_loop3A_403 = %parallel_loop3A_335 to %parallel_loop3A_336 step %parallel_loop3A_337  : i32 {
      %parallel_loop3A_404 = vector.broadcast %parallel_loop3A_403 : i32 to vector<16xi32>
      %parallel_loop3A_405 = arith.addi %broadcast_in_dim3A_56, %parallel_loop3A_404 : vector<16xi32>
      %parallel_loop3A_406 = arith.index_cast %parallel_loop3A_403 : i32 to index
      %parallel_loop3A_407 = arith.constant 0 : index
      %parallel_loop3A_408 = tpu.vector_load %arg11[%parallel_loop3A_406, %parallel_loop3A_407] {strides = array<i32>} : memref<128x64xf32, #tpu.memory_space<vmem>>, vector<16xf32>,
      %parallel_loop3A_409 = vector.broadcast %squeeze3A : f32 to vector<16xf32>
      %parallel_loop3A_410 = arith.mulf %parallel_loop3A_408, %parallel_loop3A_409 : vector<16xf32>
      tpu.vector_store_idx %arg15[%shift_right_arithmetic3A_14, %broadcast_in_dim3A_56, %and3A_37, %parallel_loop3A_405], %parallel_loop3A_410 : memref<8x1x8x128xf32, #tpu.memory_space<vmem>>[vector<16xi32>, vector<16xi32>, vector<16xi32>, vector<16xi32>], vector<16xf32>,
      %parallel_loop3A_411 = arith.index_cast %parallel_loop3A_403 : i32 to index
      %parallel_loop3A_412 = arith.constant 16 : index
      %parallel_loop3A_413 = tpu.vector_load %arg11[%parallel_loop3A_411, %parallel_loop3A_412] {strides = array<i32>} : memref<128x64xf32, #tpu.memory_space<vmem>>, vector<16xf32>,
      %parallel_loop3A_414 = vector.broadcast %squeeze3A : f32 to vector<16xf32>
      %parallel_loop3A_415 = arith.mulf %parallel_loop3A_413, %parallel_loop3A_414 : vector<16xf32>
      tpu.vector_store_idx %arg15[%shift_right_arithmetic3A_20, %broadcast_in_dim3A_56, %and3A_43, %parallel_loop3A_405], %parallel_loop3A_415 : memref<8x1x8x128xf32, #tpu.memory_space<vmem>>[vector<16xi32>, vector<16xi32>, vector<16xi32>, vector<16xi32>], vector<16xf32>,
      %parallel_loop3A_416 = arith.index_cast %parallel_loop3A_403 : i32 to index
      %parallel_loop3A_417 = arith.constant 32 : index
      %parallel_loop3A_418 = tpu.vector_load %arg11[%parallel_loop3A_416, %parallel_loop3A_417] {strides = array<i32>} : memref<128x64xf32, #tpu.memory_space<vmem>>, vector<16xf32>,
      %parallel_loop3A_419 = vector.broadcast %squeeze3A : f32 to vector<16xf32>
      %parallel_loop3A_420 = arith.mulf %parallel_loop3A_418, %parallel_loop3A_419 : vector<16xf32>
      tpu.vector_store_idx %arg15[%shift_right_arithmetic3A_26, %broadcast_in_dim3A_56, %and3A_49, %parallel_loop3A_405], %parallel_loop3A_420 : memref<8x1x8x128xf32, #tpu.memory_space<vmem>>[vector<16xi32>, vector<16xi32>, vector<16xi32>, vector<16xi32>], vector<16xf32>,
      %parallel_loop3A_421 = arith.index_cast %parallel_loop3A_403 : i32 to index
      %parallel_loop3A_422 = arith.constant 48 : index
      %parallel_loop3A_423 = tpu.vector_load %arg11[%parallel_loop3A_421, %parallel_loop3A_422] {strides = array<i32>} : memref<128x64xf32, #tpu.memory_space<vmem>>, vector<16xf32>,
      %parallel_loop3A_424 = vector.broadcast %squeeze3A : f32 to vector<16xf32>
      %parallel_loop3A_425 = arith.mulf %parallel_loop3A_423, %parallel_loop3A_424 : vector<16xf32>
      tpu.vector_store_idx %arg15[%shift_right_arithmetic3A_32, %broadcast_in_dim3A_56, %and3A_55, %parallel_loop3A_405], %parallel_loop3A_425 : memref<8x1x8x128xf32, #tpu.memory_space<vmem>>[vector<16xi32>, vector<16xi32>, vector<16xi32>, vector<16xi32>], vector<16xf32>,
    } {sc.loop_unroll_factor = 2 : i64, sc.parallel_access}
    %add3A_338 = arith.constant 3 : i32
    %add3A_339 = arith.addi %mul3A_5, %add3A_338 : i32
    %dma_start3A_340 = arith.constant 49 : i32
    %dma_start3A_341 = arith.constant 0 : i32
    %dma_start3A_342 = arith.constant 0 : i32
    %dma_start3A_343 = arith.constant 0 : i32
    %dma_start3A_344 = tpu.memref_slice %arg5[%dma_start3A_340, %dma_start3A_341, %add3A_339, %dma_start3A_342, %dma_start3A_343] : memref<50x8x128x8x128xf32, #tpu.memory_space<hbm>> -> memref<1x8x1x8x128xf32, #tpu.memory_space<hbm>>
    %dma_start3A_345 = tpu.memref_squeeze %dma_start3A_344 : memref<1x8x1x8x128xf32, #tpu.memory_space<hbm>> -> memref<8x1x8x128xf32, #tpu.memory_space<hbm>>
    %dma_start3A_346 = arith.constant 0 : i32
    %dma_start3A_347 = arith.constant 0 : i32
    %dma_start3A_348 = arith.constant 0 : i32
    %dma_start3A_349 = tpu.memref_slice %arg5[%dma_start3A_340, %dma_start3A_346, %add3A_339, %dma_start3A_347, %dma_start3A_348] : memref<50x8x128x8x128xf32, #tpu.memory_space<hbm>> -> memref<1x8x1x8x128xf32, #tpu.memory_space<hbm>>
    %dma_start3A_350 = tpu.memref_squeeze %dma_start3A_349 : memref<1x8x1x8x128xf32, #tpu.memory_space<hbm>> -> memref<8x1x8x128xf32, #tpu.memory_space<hbm>>
    tpu.enqueue_dma source(%arg15 : memref<8x1x8x128xf32, #tpu.memory_space<vmem>>) target(%dma_start3A_350 : memref<8x1x8x128xf32, #tpu.memory_space<hbm>>) target_semaphore(%arg23 : memref<!tpu.dma_semaphore, #tpu.memory_space<semaphore_mem>>)
    %dma_wait3A_351 = arith.constant 0 : i32
    %dma_wait3A_352 = arith.constant 0 : i32
    %dma_wait3A_353 = arith.constant 0 : i32
    %dma_wait3A_354 = arith.constant 0 : i32
    %dma_wait3A_355 = arith.constant 0 : i32
    %dma_wait3A_356 = tpu.memref_slice %arg5[%dma_wait3A_351, %dma_wait3A_352, %dma_wait3A_353, %dma_wait3A_354, %dma_wait3A_355] : memref<50x8x128x8x128xf32, #tpu.memory_space<hbm>> -> memref<1x8x1x8x128xf32, #tpu.memory_space<hbm>>
    %dma_wait3A_357 = tpu.memref_squeeze %dma_wait3A_356 : memref<1x8x1x8x128xf32, #tpu.memory_space<hbm>> -> memref<8x1x8x128xf32, #tpu.memory_space<hbm>>
    %dma_wait3A_358 = arith.constant 0 : i32
    %dma_wait3A_359 = arith.constant 0 : i32
    %dma_wait3A_360 = arith.constant 0 : i32
    %dma_wait3A_361 = arith.constant 0 : i32
    %dma_wait3A_362 = tpu.memref_slice %arg5[%dma_wait3A_351, %dma_wait3A_358, %dma_wait3A_359, %dma_wait3A_360, %dma_wait3A_361] : memref<50x8x128x8x128xf32, #tpu.memory_space<hbm>> -> memref<1x8x1x8x128xf32, #tpu.memory_space<hbm>>
    %dma_wait3A_363 = tpu.memref_squeeze %dma_wait3A_362 : memref<1x8x1x8x128xf32, #tpu.memory_space<hbm>> -> memref<8x1x8x128xf32, #tpu.memory_space<hbm>>
    tpu.wait_dma2 semaphore(%arg20 : memref<!tpu.dma_semaphore, #tpu.memory_space<semaphore_mem>>) src(%arg12 : memref<8x1x8x128xf32, #tpu.memory_space<vmem>>) dst(%dma_wait3A_363 : memref<8x1x8x128xf32, #tpu.memory_space<hbm>>)
    %dma_wait3A_364 = arith.constant 0 : i32
    %dma_wait3A_365 = arith.constant 0 : i32
    %dma_wait3A_366 = arith.constant 0 : i32
    %dma_wait3A_367 = arith.constant 0 : i32
    %dma_wait3A_368 = arith.constant 0 : i32
    %dma_wait3A_369 = tpu.memref_slice %arg5[%dma_wait3A_364, %dma_wait3A_365, %dma_wait3A_366, %dma_wait3A_367, %dma_wait3A_368] : memref<50x8x128x8x128xf32, #tpu.memory_space<hbm>> -> memref<1x8x1x8x128xf32, #tpu.memory_space<hbm>>
    %dma_wait3A_370 = tpu.memref_squeeze %dma_wait3A_369 : memref<1x8x1x8x128xf32, #tpu.memory_space<hbm>> -> memref<8x1x8x128xf32, #tpu.memory_space<hbm>>
    %dma_wait3A_371 = arith.constant 0 : i32
    %dma_wait3A_372 = arith.constant 0 : i32
    %dma_wait3A_373 = arith.constant 0 : i32
    %dma_wait3A_374 = arith.constant 0 : i32
    %dma_wait3A_375 = tpu.memref_slice %arg5[%dma_wait3A_364, %dma_wait3A_371, %dma_wait3A_372, %dma_wait3A_373, %dma_wait3A_374] : memref<50x8x128x8x128xf32, #tpu.memory_space<hbm>> -> memref<1x8x1x8x128xf32, #tpu.memory_space<hbm>>
    %dma_wait3A_376 = tpu.memref_squeeze %dma_wait3A_375 : memref<1x8x1x8x128xf32, #tpu.memory_space<hbm>> -> memref<8x1x8x128xf32, #tpu.memory_space<hbm>>
    tpu.wait_dma2 semaphore(%arg21 : memref<!tpu.dma_semaphore, #tpu.memory_space<semaphore_mem>>) src(%arg13 : memref<8x1x8x128xf32, #tpu.memory_space<vmem>>) dst(%dma_wait3A_376 : memref<8x1x8x128xf32, #tpu.memory_space<hbm>>)
    %dma_wait3A_377 = arith.constant 0 : i32
    %dma_wait3A_378 = arith.constant 0 : i32
    %dma_wait3A_379 = arith.constant 0 : i32
    %dma_wait3A_380 = arith.constant 0 : i32
    %dma_wait3A_381 = arith.constant 0 : i32
    %dma_wait3A_382 = tpu.memref_slice %arg5[%dma_wait3A_377, %dma_wait3A_378, %dma_wait3A_379, %dma_wait3A_380, %dma_wait3A_381] : memref<50x8x128x8x128xf32, #tpu.memory_space<hbm>> -> memref<1x8x1x8x128xf32, #tpu.memory_space<hbm>>
    %dma_wait3A_383 = tpu.memref_squeeze %dma_wait3A_382 : memref<1x8x1x8x128xf32, #tpu.memory_space<hbm>> -> memref<8x1x8x128xf32, #tpu.memory_space<hbm>>
    %dma_wait3A_384 = arith.constant 0 : i32
    %dma_wait3A_385 = arith.constant 0 : i32
    %dma_wait3A_386 = arith.constant 0 : i32
    %dma_wait3A_387 = arith.constant 0 : i32
    %dma_wait3A_388 = tpu.memref_slice %arg5[%dma_wait3A_377, %dma_wait3A_384, %dma_wait3A_385, %dma_wait3A_386, %dma_wait3A_387] : memref<50x8x128x8x128xf32, #tpu.memory_space<hbm>> -> memref<1x8x1x8x128xf32, #tpu.memory_space<hbm>>
    %dma_wait3A_389 = tpu.memref_squeeze %dma_wait3A_388 : memref<1x8x1x8x128xf32, #tpu.memory_space<hbm>> -> memref<8x1x8x128xf32, #tpu.memory_space<hbm>>
    tpu.wait_dma2 semaphore(%arg22 : memref<!tpu.dma_semaphore, #tpu.memory_space<semaphore_mem>>) src(%arg14 : memref<8x1x8x128xf32, #tpu.memory_space<vmem>>) dst(%dma_wait3A_389 : memref<8x1x8x128xf32, #tpu.memory_space<hbm>>)
    %dma_wait3A_390 = arith.constant 0 : i32
    %dma_wait3A_391 = arith.constant 0 : i32
    %dma_wait3A_392 = arith.constant 0 : i32
    %dma_wait3A_393 = arith.constant 0 : i32
    %dma_wait3A_394 = arith.constant 0 : i32
    %dma_wait3A_395 = tpu.memref_slice %arg5[%dma_wait3A_390, %dma_wait3A_391, %dma_wait3A_392, %dma_wait3A_393, %dma_wait3A_394] : memref<50x8x128x8x128xf32, #tpu.memory_space<hbm>> -> memref<1x8x1x8x128xf32, #tpu.memory_space<hbm>>
    %dma_wait3A_396 = tpu.memref_squeeze %dma_wait3A_395 : memref<1x8x1x8x128xf32, #tpu.memory_space<hbm>> -> memref<8x1x8x128xf32, #tpu.memory_space<hbm>>
    %dma_wait3A_397 = arith.constant 0 : i32
    %dma_wait3A_398 = arith.constant 0 : i32
    %dma_wait3A_399 = arith.constant 0 : i32
    %dma_wait3A_400 = arith.constant 0 : i32
    %dma_wait3A_401 = tpu.memref_slice %arg5[%dma_wait3A_390, %dma_wait3A_397, %dma_wait3A_398, %dma_wait3A_399, %dma_wait3A_400] : memref<50x8x128x8x128xf32, #tpu.memory_space<hbm>> -> memref<1x8x1x8x128xf32, #tpu.memory_space<hbm>>
    %dma_wait3A_402 = tpu.memref_squeeze %dma_wait3A_401 : memref<1x8x1x8x128xf32, #tpu.memory_space<hbm>> -> memref<8x1x8x128xf32, #tpu.memory_space<hbm>>
    tpu.wait_dma2 semaphore(%arg23 : memref<!tpu.dma_semaphore, #tpu.memory_space<semaphore_mem>>) src(%arg15 : memref<8x1x8x128xf32, #tpu.memory_space<vmem>>) dst(%dma_wait3A_402 : memref<8x1x8x128xf32, #tpu.memory_space<hbm>>)
    return
  }
}

</mosaic_0001>

<sc_bundles>
// kernel: _embed.3.cloned.1.call-start
scs
__scs_entry_jumppad:
0x0: {  	(pc) =	sbr.rel $0x88, $3  }
0x1: {  	(tag) =	ssettag $0x0;
	lr =	simm.s32 $0x1  }
0x2: {  	[smem:$0x3F9F] =	sst lr;
	_ =	strace $0xD0000000  }
0x3: {  	_ = 	snop  }
0x4: {  	_ = 	snop  }
0x5: {  	_ = 	snop  }
0x6: {  	_ = 	snop  }
0x7: {  	_ = 	snop  }
__scs_overlays_trampoline_lowered:
0x8: {  	[smem:$0x3FAE] =	sst s0  }
0x9: {  	[smem:$0x3FAF] =	sst s1  }
0xa: {  	[smem:$0x3FB0] =	sst s2  }
0xb: {  	[smem:$0x3FB1] =	sst s3  }
0xc: {  	[smem:$0x3FB2] =	sst s4  }
0xd: {  	[smem:$0x3FB3] =	sst s5  }
0xe: {  	[smem:$0x3FB4] =	sst s6  }
0xf: {  	[smem:$0x3FB5] =	sst s7  }
0x10: {  	[smem:$0x3FB6] =	sst s8  }
0x11: {  	[smem:$0x3FB7] =	sst s9;
	s0 =	simm.s32 @!p0 $0x0  }
0x12: {  	s1 =	sld [smem:$0x3F9D];
	s0 =	simm.s32 @p0 $0x1  }
0x13: {  	[smem:$0x3FB8] =	sst s0;
	s0 =	simm.s32 @!p1 $0x0  }
0x14: {  	s2 =	sld [smem:$0x3F9C];
	s0 =	simm.s32 @p1 $0x1  }
0x15: {  	[smem:$0x3FB9] =	sst s0;
	s0 =	simm.s32 @!p2 $0x0  }
0x16: {  	s3 =	sld [smem:$0x3FDB];
	s0 =	simm.s32 @p2 $0x1  }
0x17: {  	s4 =	simm.s32 $0x1BF5;
	[smem:$0x3FBB] =	sst s0  }
0x18: {  	s0 =	sld [smem:$0x3F9E];
	_ =	swait.ge [sflag:s4], $0x0  }
0x19: {  	s7 =	sld [smem:$0x3F9F]  }
0x1a: {  	s8 =	sadd.s32 $0xFFFFE003, lr  }
0x1b: {  	s9 =	sadd.s32 $0xFFFFFEF7, lr;
	s5 =	simm.s32 $0xFFFFFFFF;
	p2 =	slt.u32 s8, $0xFFFFF086  }
0x1c: {  	p1 =	slt.u32 s9, $0xF7A;
	s5 =	simm.s32 @!p2 $0x0  }
0x1d: {  	s5 =	simm.s32 @p1 $0x1;
	p0 =	seq.s32 s7, s2  }
0x1e: {  	s7 =	smul.u32 @!p0 $0xF7A, s2;
	p2 =	seq.s32 @!p0 s5, $0x0  }
0x1f: {  	s9 =	smul.u32 $0xF7A, s1;
	s8 =	simm.s32 @!p0 $0x1BF5;
	p2 =	por !p2, p0  }
0x20: {  	[sflag:s8] =	ssyncset.s32 @!p0 $0xFFFFF086;
	s6 =	sadd.s32 @!p0 s3, s7;
	s7 =	simm.s32 @!p0 $0x108  }
0x21: {  	s3 =	sadd.s32 s3, s9;
	s6 =	sadd.s32 @!p0 $0x88, s6;
	s7 =	simm.s32 @p2 $0x1082  }
0x22: {  	[simem:s7], [sflag:s8] =	dma.local @!p0 [hbm:s6], $0xF7A  }
0x23: {  	s9 =	sor.u32 $0xD0000000, s2;
	s6 =	simm.s32 $0x108;
	_ =	swait.ge @!p0 [sflag:s8], $0x0  }
0x24: {  	s3 =	sadd.s32 $0x88, s3;
	s6 =	simm.s32 @!p1 $0x1082;
	[sflag:s4] =	ssyncset.s32 $0xFFFFF086  }
0x25: {  	[simem:s6], [sflag:s4] =	dma.local [hbm:s3], $0xF7A  }
0x26: {  	[smem:$0x3F9F] =	sst s1;
	(tag) =	ssettag s2;
	_ =	strace s9  }
0x27: {  	s1 =	sld [smem:$0x3FAF]  }
0x28: {  	s2 =	sld [smem:$0x3FB0]  }
0x29: {  	s4 =	sld [smem:$0x3FB2]  }
0x2a: {  	p0 =	seq.s32 s5, $0x0;
	s5 =	sld [smem:$0x3FB3]  }
0x2b: {  	s6 =	sld [smem:$0x3FB4]  }
0x2c: {  	s7 =	sld [smem:$0x3FB5]  }
0x2d: {  	s3 =	simm.s32 $0x108;
	s8 =	sld [smem:$0x3FB6]  }
0x2e: {  	s3 =	simm.s32 @!p0 $0x1082;
	s9 =	sld [smem:$0x3FB7]  }
0x2f: {  	lr =	sadd.s32 s0, s3;
	s0 =	sld [smem:$0x3FAE]  }
0x30: {  	s3 =	sld [smem:$0x3FB1]  }
0x31: {  	[smem:$0x3FBA] =	sst s10  }
0x32: {  	s10 =	sld [smem:$0x3FB8];
	_ =	sdelay $0x3  }
0x33: {  	p0 =	seq.s32 s10, $0x1;
	s10 =	sld [smem:$0x3FBA];
	_ =	sdelay $0x3  }
0x34: {  	[smem:$0x3FBA] =	sst s10  }
0x35: {  	s10 =	sld [smem:$0x3FB9];
	_ =	sdelay $0x3  }
0x36: {  	p1 =	seq.s32 s10, $0x1;
	s10 =	sld [smem:$0x3FBA];
	_ =	sdelay $0x3  }
0x37: {  	[smem:$0x3FBA] =	sst s10  }
0x38: {  	s10 =	sld [smem:$0x3FBB]  }
0x39: {  	_ = 	snop;
	(pc) =	sbr.ind lr, $3  }
0x3a: {  	_ = 	snop  }
0x3b: {  	_ = 	snop  }
0x3c: {  	p2 =	seq.s32 s10, $0x1;
	s10 =	sld [smem:$0x3FBA]  }
0x3d: {  	_ =	shalt  }
0x3e: {  	_ =	shalt  }
0x3f: {  	_ =	shalt  }
0x40: {  	_ =	shalt  }
0x41: {  	_ =	shalt  }
0x42: {  	_ =	shalt  }
0x43: {  	_ =	shalt  }
0x44: {  	_ =	shalt  }
0x45: {  	_ =	shalt  }
0x46: {  	_ =	shalt  }
0x47: {  	_ =	shalt  }
0x48: {  	_ =	shalt  }
0x49: {  	_ =	shalt  }
0x4a: {  	_ =	shalt  }
0x4b: {  	_ =	shalt  }
0x4c: {  	_ =	shalt  }
0x4d: {  	_ =	shalt  }
0x4e: {  	_ =	shalt  }
0x4f: {  	_ =	shalt  }
0x50: {  	_ =	shalt  }
0x51: {  	_ =	shalt  }
0x52: {  	_ =	shalt  }
0x53: {  	_ =	shalt  }
0x54: {  	_ =	shalt  }
0x55: {  	_ =	shalt  }
0x56: {  	_ =	shalt  }
0x57: {  	_ =	shalt  }
0x58: {  	_ =	shalt  }
0x59: {  	_ =	shalt  }
0x5a: {  	_ =	shalt  }
0x5b: {  	_ =	shalt  }
0x5c: {  	_ =	shalt  }
0x5d: {  	_ =	shalt  }
0x5e: {  	_ =	shalt  }
0x5f: {  	_ =	shalt  }
0x60: {  	_ =	shalt  }
0x61: {  	_ =	shalt  }
0x62: {  	_ =	shalt  }
0x63: {  	_ =	shalt  }
0x64: {  	_ =	shalt  }
0x65: {  	_ =	shalt  }
0x66: {  	_ =	shalt  }
0x67: {  	_ =	shalt  }
0x68: {  	_ =	shalt  }
0x69: {  	_ =	shalt  }
0x6a: {  	_ =	shalt  }
0x6b: {  	_ =	shalt  }
0x6c: {  	_ =	shalt  }
0x6d: {  	_ =	shalt  }
0x6e: {  	_ =	shalt  }
0x6f: {  	_ =	shalt  }
0x70: {  	_ =	shalt  }
0x71: {  	_ =	shalt  }
0x72: {  	_ =	shalt  }
0x73: {  	_ =	shalt  }
0x74: {  	_ =	shalt  }
0x75: {  	_ =	shalt  }
0x76: {  	_ =	shalt  }
0x77: {  	_ =	shalt  }
0x78: {  	_ =	shalt  }
0x79: {  	_ =	shalt  }
0x7a: {  	_ =	shalt  }
0x7b: {  	_ =	shalt  }
0x7c: {  	_ =	shalt  }
0x7d: {  	_ =	shalt  }
0x7e: {  	_ =	shalt  }
0x7f: {  	_ =	shalt  }
0x80: {  	_ =	shalt  }
0x81: {  	_ =	shalt  }
0x82: {  	_ =	shalt  }
0x83: {  	_ =	shalt  }
0x84: {  	_ =	shalt  }
0x85: {  	_ =	shalt  }
0x86: {  	_ =	shalt  }
0x87: {  	_ =	shalt  }
.Lfunc_end0:
.L_simem_size_0:
called_computation_lowered:
.L_overlay_start_0:
0x88: {  	s2 =	sld [smem:$0x3FD9]  }
0x89: {  	s3 =	sld [smem:$0x3FFE];
	_ =	sdelay $0x1  }
0x8a: {  	s1 =	srdreg.scid  }
0x8b: {  	s0 =	sand.u32 $0x1, s1  }
0x8c: {  	s17 =	sshll.u32 s0, $0xA;
	s2 =	sadd.s32 s3, s2  }
0x8d: {  	s2 =	sadd.s32 s2, s17  }
0x8e: {  	[smem:$0x3FC6] =	sst s2  }
0x8f: {  	_ = 	snop  }
0x90: {  	s2 =	sld [smem:$0x3FD0];
	(tm) =	ssettm $0x1  }
0x91: {  	s18 =	sld [smem:$0x3FFB];
	_ =	sdelay $0x3  }
0x92: {  	_ =	strace s18  }
0x93: {  	s3 =	sld [smem:$0x3FFC];
	_ =	sdelay $0x3  }
0x94: {  	_ =	strace s3  }
0x95: {  	s3 =	sld [smem:$0x3FFD];
	_ =	sdelay $0x3  }
0x96: {  	_ =	strace s3  }
0x97: {  	_ =	strace $0x8FFFFFFF  }
0x98: {  	s19 =	sld [smem:$0x3FDB];
	_ =	sdelay $0x1  }
0x99: {  	s4 =	simm.s32 $_scs_section_size  }
0x9a: {  	s5 =	simm.s32 $_size__tile_overlayer_lowered;
	s6 =	simm.s32 $_tile_overlayer_lowered  }
0x9b: {  	s22 =	simm.s32 $0x1BFF;
	s21 =	sshll.u32 s6, $0x1;
	s3 =	sadd.s32 s4, s19  }
0x9c: {  	s7 =	simm.s32 $0x0;
	s20 =	sshll.u32 s5, $0x1;
	s5 =	sadd.s32 s21, s3  }
0x9d: {  	[timem:s7], [sflag:s22] =	dma.local [hbm:s5], s20  }
0x9e: {  	_ =	swait.ge [sflag:s22], s20  }
0x9f: {  	s4 =	ssub.s32 $0x0, s20;
	[sflag:s22] =	ssyncset.done $0x0  }
0xa0: {  	[sflag:s22] =	ssyncadd.s32 s4;
	_ =	sdelay $0x1  }
0xa1: {  	s23 =	simm.s32 $0x1B8B  }
0xa2: {  	_ =	swait.ge [sflag:s23], $0x1  }
0xa3: {  	[sflag:s23] =	ssyncset.done $0x0  }
0xa4: {  	s25 =	simm.s32 $0x1B8E;
	s24 =	sld [smem:$0x3FFE];
	[sflag:s23] =	ssyncadd.s32 $0xFFFFFFFF  }
0xa5: {  	s26 =	simm.s32 $execute0_lowered;
	[smem:$0x3FD2] =	sst s25  }
0xa6: {  	s5 =	sshll.u32 s26, $0x1;
	_ =	strace $0x80000046;
	[dreg:$0x1] =	wrdreg $0xFFFFFFFF  }
0xa7: {  	s28 =	simm.s32 $_size_execute0_lowered;
	s3 =	sadd.s32 s3, s5;
	[dreg:$0x0] =	wrdreg $0x0  }
0xa8: {  	s5 =	sshll.u32 s28, $0x1;
	[dreg:$0x2] =	wrdreg s3  }
0xa9: {  	[dreg:$0x3] =	wrdreg s5  }
0xaa: {  	[dreg:$0x4] =	wrdreg $0xC0  }
0xab: {  	_ =	task [dreg:s7], $0x5FFFF  }
0xac: {  	[dreg:$0x1] =	wrdreg $0xFFFFFFFF  }
0xad: {  	[dreg:$0x0] =	wrdreg $0x60  }
0xae: {  	[dreg:$0x2] =	wrdreg s24  }
0xaf: {  	[dreg:$0x3] =	wrdreg s2  }
0xb0: {  	[dreg:$0x4] =	wrdreg $0x9  }
0xb1: {  	_ =	task.clear_ibuf [dreg:s7], $0x5FFFF;
	_ =	strace $0x90000046  }
0xb2: {  	s29 =	simm.s32 $0x9;
	_ =	strace $0x80000048  }
0xb3: {  	_ =	swait.ge [sflag:s29], $0x1  }
0xb4: {  	[sflag:s29] =	ssyncadd.s32 $0xFFFFFFFF  }
0xb5: {  	_ =	strace $0x90000048  }
0xb6: {  	_ =	sfence  }
0xb7: {  	s30 =	sld [smem:$0x0];
	_ =	sdelay $0x2  }
0xb8: {  	s31 =	sshll.u32 s1, $0xD;
	s1 =	sshrl.u32 s1, $0x2  }
0xb9: {  	s3 =	sand.u32 $0x4000, s31;
	s1 =	sadd.s32 s1, s30  }
0xba: {  	s0 =	sor.u32 s3, s0;
	s1 =	sshll.u32 s1, $0x11  }
0xbb: {  	s0 =	sor.u32 s1, s0  }
0xbc: {  	s0 =	sadd.s32 $0x8F2B, s0  }
0xbd: {  	[sflag:s0] =	ssyncadd.remote.s32 $0x1  }
0xbe: {  	_ =	sfence.sel $0xFFFF  }
0xbf: {  	[dreg:$0x0] =	wrdreg $0xFFFFFFFF;
	(pc) =	sbr.abs _section_cstart, $3  }
0xc0: {  	[dreg:$0x1] =	wrdreg $0xFFFFFFFF  }
0xc1: {  	_ =	task.clear_ibuf [dreg:s7], $0x2FFFF;
	_ =	strace $0x9FFFFFFF  }
0xc2: {  	(tm) =	ssettm $0x7FFFFFFF  }
0xc3: {  	_ =	shalt  }
tec
execute0_lowered:
.L_overlay_start_1:
0x0: {  	(tag) =	ssettag $0x1  }
0x1: {  	s0 =	srdreg.scid  }
0x2: {  	s2 =	stileid.u32;
	s1 =	rddreg [dreg:$0x0]  }
0x3: {  	s4 =	rddreg [dreg:$0x1];
	s17 =	simm.s32 $0x80;
	s14 =	simm.s32 $0x7100  }
0x4: {  	s28 =	simm.s32 $0x15400;
	s30 =	simm.s32 $0x400;
	s31 =	simm.s32 $0x20000  }
0x5: {  	v29 =	vlaneseq.u32;
	s18 =	simm.s32 $0x3;
	s0 =	sand.u32 $0x1, s0;
	s2 =	sshll.u32 s2, $0x1  }
0x6: {  	s29 =	simm.s32 $0x4;
	s15 =	simm.s32 $0x1B400;
	v0 =	vmul.u32 $0x38, v29;
	s5 =	sor.u32 s0, s2  }
0x7: {  	s2 =	simm.s32 $0x0;
	s3 =	smul.u32 $0xE00, s5;
	s5 =	sshll.u32 s5, $0x9  }
0x8: {  	s10 =	simm.s32 $0x8;
	v29 =	vmul.u32 $0x80, v29;
	[smem:$0x7FF] =	sst s2;
	v1 =	vadd.s32 $0x380, v0;
	s5 =	sadd.s32 s4, s5  }
0x9: {  	v2 =	vadd.s32 $0x700, v0;
	v3 =	vadd.s32 $0xA80, v0;
	v4 =	vadd.s32 $0xE00, v0;
	s6 =	sadd.s32 s3, s1;
	s3 =	sadd.s32 $0xF42A00, s1;
	s1 =	sadd.s32 $0x1C600, s1  }
0xa: {  	v5 =	vadd.s32 $0x1180, v0;
	v6 =	vadd.s32 $0x1500, v0;
	v7 =	vadd.s32 $0x1880, v0;
	_ =	strace $0x80000047;
	s21 =	sadd.s32 $0x80, s5;
	[dreg:$0x3] =	wrdreg s1  }
0xb: {  	s8 =	simm.s32 $0x0;
	v8 =	vor.u32 $0x1C00, v0;
	v9 =	vadd.s32 $0x1F80, v0;
	v10 =	vadd.s32 $0x2300, v0;
	s22 =	sadd.s32 $0x180, s5;
	[dreg:$0x5] =	wrdreg s21  }
0xc: {  	s0 =	ssub.s32 $0x2, s0;
	v11 =	vadd.s32 $0x2680, v0;
	v12 =	vadd.s32 $0x2A00, v0;
	v13 =	vadd.s32 $0x2D80, v0;
	s23 =	sadd.s32 $0x620080, s5;
	[dreg:$0x6] =	wrdreg s22  }
0xd: {  	s7 =	sshrl.u32 s0, $0x1;
	v14 =	vadd.s32 $0x3100, v0;
	v15 =	vadd.s32 $0x3480, v0;
	v16 =	vor.u32 $0x3800, v0;
	s24 =	sadd.s32 $0x620100, s5;
	[dreg:$0x7] =	wrdreg s23  }
0xe: {  	v17 =	vadd.s32 $0x3B80, v0;
	v18 =	vadd.s32 $0x3F00, v0;
	v19 =	vadd.s32 $0x4280, v0;
	s0 =	ssub.s32 s0, s7;
	s25 =	sadd.s32 $0x620000, s5;
	[dreg:$0x8] =	wrdreg s24  }
0xf: {  	v20 =	vadd.s32 $0x4600, v0;
	v21 =	vadd.s32 $0x4980, v0;
	v22 =	vadd.s32 $0x4D00, v0;
	s4 =	simm.s32 $0x6;
	s26 =	sadd.s32 $0x620180, s5;
	[dreg:$0x9] =	wrdreg s25  }
0x10: {  	v23 =	vadd.s32 $0x5080, v0;
	v24 =	vor.u32 $0x5400, v0;
	v25 =	vadd.s32 $0x5780, v0;
	s9 =	sadd.s32 $0x100, s5;
	s0 =	smax.u32 s0, $0x1;
	[dreg:$0xa] =	wrdreg s26  }
0x11: {  	v26 =	vadd.s32 $0x5B00, v0;
	v27 =	vadd.s32 $0x5E80, v0;
	v28 =	vadd.s32 $0x6200, v0;
	s20 =	sadd.s32 $0x600, s6;
	[dreg:$0xb] =	wrdreg s0;
	s26 =	simm.s32 $0x1  }
0x12: {  	v30 =	vadd.s32 $0x6580, v0;
	v31 =	vadd.s32 $0x6900, v0;
	v32 =	vadd.s32 $0x6C80, v0;
	s1 =	simm.s32 $0x2;
	s0 =	simm.s32 $0x17400;
	s24 =	simm.s32 $0x5  }
0x13: {  	v33 =	vor.u32 $0x800, v29;
	v34 =	vor.u32 $0x1000, v29;
	v35 =	vor.u32 $0x1800, v29;
	s6 =	simm.s32 $0x7;
	[dreg:$0x4] =	wrdreg s20;
	s20 =	simm.s32 $0x19400  }
.LBB2_1:
0x14: {  	[dreg:$0xc] =	wrdreg s8  }
0x15: {  	s7 =	rddreg [dreg:$0x3];
	s21 =	simm.s32 $0x1D400;
	s22 =	simm.s32 $0x9  }
0x16: {  	[tilespmem:s21], [sflag:$0x9] =	stream.linear.gather [hbm4b:s7+s2], $0x1, $0x38;
	[tilespmem:$0x1D410] =	vst v63  }
0x17: {  	v36 =	vmov s2;
	_ =	swait.ge [sflag:s22], $0x1  }
0x18: {  	v37 =	vand.u32 $0x3F, v36;
	[sflag:s22] =	ssyncset.done $0x0  }
0x19: {  	v38 =	vadd.s32 v0, v37;
	s23 =	rddreg [dreg:$0x4];
	[sflag:s22] =	ssyncadd.s32 $0xFFFFFFFF  }
0x1a: {  	v36 =	vld [tilespmem:$0x1D400];
	[tilespmem:s2], [sflag:$0x9] =	stream.linear.gather [hbm4b:s23+s2], $0x7000, $0x38  }
0x1b: {  	_ =	swait.ge [sflag:s22], $0x7000  }
0x1c: {  	[sflag:s22] =	ssyncset.done $0x0  }
0x1d: {  	[sflag:s22] =	ssyncadd.s32 $0xFFFF9000  }
0x1e: {  	v38 =	vld.idx.msk [tilespmem:v38+s2+$0x0], $0xffff  }
0x1f: {  	v39 =	vadd.s32 v1, v37;
	_ =	sdelay $0x3  }
0x20: {  	[tilespmem:s14+$0xFFFFFF00] =	vst v38  }
0x21: {  	v38 =	vld.idx.msk [tilespmem:v39+s2+$0x0], $0xffff  }
0x22: {  	v56 =	vadd.s32 v2, v37;
	_ =	sdelay $0x3  }
0x23: {  	[tilespmem:s14+$0xFFFFFF10] =	vst v38  }
0x24: {  	v38 =	vld.idx.msk [tilespmem:v56+s2+$0x0], $0xffff  }
0x25: {  	v57 =	vadd.s32 v3, v37;
	_ =	sdelay $0x3  }
0x26: {  	[tilespmem:s14+$0xFFFFFF20] =	vst v38  }
0x27: {  	v38 =	vld.idx.msk [tilespmem:v57+s2+$0x0], $0xffff  }
0x28: {  	v58 =	vadd.s32 v4, v37;
	_ =	sdelay $0x3  }
0x29: {  	[tilespmem:s14+$0xFFFFFF30] =	vst v38  }
0x2a: {  	v38 =	vld.idx.msk [tilespmem:v58+s2+$0x0], $0xffff  }
0x2b: {  	v59 =	vadd.s32 v5, v37;
	_ =	sdelay $0x3  }
0x2c: {  	[tilespmem:s14+$0xFFFFFF40] =	vst v38  }
0x2d: {  	v38 =	vld.idx.msk [tilespmem:v59+s2+$0x0], $0xffff  }
0x2e: {  	v60 =	vadd.s32 v6, v37;
	_ =	sdelay $0x3  }
0x2f: {  	[tilespmem:s14+$0xFFFFFF50] =	vst v38  }
0x30: {  	v38 =	vld.idx.msk [tilespmem:v60+s2+$0x0], $0xffff  }
0x31: {  	v61 =	vadd.s32 v7, v37;
	_ =	sdelay $0x3  }
0x32: {  	[tilespmem:s14+$0xFFFFFF60] =	vst v38  }
0x33: {  	v38 =	vld.idx.msk [tilespmem:v61+s2+$0x0], $0xffff  }
0x34: {  	v62 =	vadd.s32 v8, v37;
	_ =	sdelay $0x3  }
0x35: {  	[tilespmem:s14+$0xFFFFFF70] =	vst v38  }
0x36: {  	v38 =	vld.idx.msk [tilespmem:v62+s2+$0x0], $0xffff  }
0x37: {  	v63 =	vadd.s32 v9, v37;
	_ =	sdelay $0x3  }
0x38: {  	[tilespmem:s14+$0xFFFFFF80] =	vst v38  }
0x39: {  	v38 =	vld.idx.msk [tilespmem:v63+s2+$0x0], $0xffff  }
0x3a: {  	v42 =	vadd.s32 v10, v37;
	_ =	sdelay $0x3  }
0x3b: {  	[tilespmem:s14+$0xFFFFFF90] =	vst v38  }
0x3c: {  	v38 =	vld.idx.msk [tilespmem:v42+s2+$0x0], $0xffff  }
0x3d: {  	v43 =	vadd.s32 v11, v37;
	_ =	sdelay $0x3  }
0x3e: {  	[tilespmem:s14+$0xFFFFFFA0] =	vst v38  }
0x3f: {  	v38 =	vld.idx.msk [tilespmem:v43+s2+$0x0], $0xffff  }
0x40: {  	v44 =	vadd.s32 v12, v37;
	_ =	sdelay $0x3  }
0x41: {  	[tilespmem:s14+$0xFFFFFFB0] =	vst v38  }
0x42: {  	v38 =	vld.idx.msk [tilespmem:v44+s2+$0x0], $0xffff  }
0x43: {  	v45 =	vadd.s32 v13, v37;
	_ =	sdelay $0x3  }
0x44: {  	[tilespmem:s14+$0xFFFFFFC0] =	vst v38  }
0x45: {  	v38 =	vld.idx.msk [tilespmem:v45+s2+$0x0], $0xffff  }
0x46: {  	v46 =	vadd.s32 v14, v37;
	_ =	sdelay $0x3  }
0x47: {  	[tilespmem:s14+$0xFFFFFFD0] =	vst v38  }
0x48: {  	v38 =	vld.idx.msk [tilespmem:v46+s2+$0x0], $0xffff  }
0x49: {  	v47 =	vadd.s32 v15, v37;
	_ =	sdelay $0x3  }
0x4a: {  	[tilespmem:s14+$0xFFFFFFE0] =	vst v38  }
0x4b: {  	v38 =	vld.idx.msk [tilespmem:v47+s2+$0x0], $0xffff  }
0x4c: {  	v48 =	vadd.s32 v16, v37;
	_ =	sdelay $0x3  }
0x4d: {  	[tilespmem:s14+$0xFFFFFFF0] =	vst v38  }
0x4e: {  	v38 =	vld.idx.msk [tilespmem:v48+s2+$0x0], $0xffff  }
0x4f: {  	v49 =	vadd.s32 v17, v37;
	_ =	sdelay $0x3  }
0x50: {  	[tilespmem:s14+$0x0] =	vst v38  }
0x51: {  	v38 =	vld.idx.msk [tilespmem:v49+s2+$0x0], $0xffff  }
0x52: {  	v50 =	vadd.s32 v18, v37;
	_ =	sdelay $0x3  }
0x53: {  	[tilespmem:s14+$0x10] =	vst v38  }
0x54: {  	v38 =	vld.idx.msk [tilespmem:v50+s2+$0x0], $0xffff  }
0x55: {  	v51 =	vadd.s32 v19, v37;
	_ =	sdelay $0x3  }
0x56: {  	[tilespmem:s14+$0x20] =	vst v38  }
0x57: {  	v38 =	vld.idx.msk [tilespmem:v51+s2+$0x0], $0xffff  }
0x58: {  	v52 =	vadd.s32 v20, v37;
	_ =	sdelay $0x3  }
0x59: {  	[tilespmem:s14+$0x30] =	vst v38  }
0x5a: {  	v38 =	vld.idx.msk [tilespmem:v52+s2+$0x0], $0xffff  }
0x5b: {  	v53 =	vadd.s32 v21, v37;
	_ =	sdelay $0x3  }
0x5c: {  	[tilespmem:s14+$0x40] =	vst v38  }
0x5d: {  	v38 =	vld.idx.msk [tilespmem:v53+s2+$0x0], $0xffff  }
0x5e: {  	v54 =	vadd.s32 v22, v37;
	_ =	sdelay $0x3  }
0x5f: {  	[tilespmem:s14+$0x50] =	vst v38  }
0x60: {  	v38 =	vld.idx.msk [tilespmem:v54+s2+$0x0], $0xffff  }
0x61: {  	v55 =	vadd.s32 v23, v37;
	_ =	sdelay $0x3  }
0x62: {  	[tilespmem:s14+$0x60] =	vst v38  }
0x63: {  	v38 =	vld.idx.msk [tilespmem:v55+s2+$0x0], $0xffff  }
0x64: {  	v56 =	vadd.s32 v24, v37;
	_ =	sdelay $0x3  }
0x65: {  	[tilespmem:s14+$0x70] =	vst v38  }
0x66: {  	v38 =	vld.idx.msk [tilespmem:v56+s2+$0x0], $0xffff  }
0x67: {  	v57 =	vadd.s32 v25, v37;
	_ =	sdelay $0x3  }
0x68: {  	[tilespmem:s14+$0x80] =	vst v38  }
0x69: {  	v38 =	vld.idx.msk [tilespmem:v57+s2+$0x0], $0xffff  }
0x6a: {  	v58 =	vadd.s32 v26, v37;
	_ =	sdelay $0x3  }
0x6b: {  	[tilespmem:s14+$0x90] =	vst v38  }
0x6c: {  	v38 =	vld.idx.msk [tilespmem:v58+s2+$0x0], $0xffff  }
0x6d: {  	v59 =	vadd.s32 v27, v37;
	_ =	sdelay $0x3  }
0x6e: {  	[tilespmem:s14+$0xA0] =	vst v38  }
0x6f: {  	v38 =	vld.idx.msk [tilespmem:v59+s2+$0x0], $0xffff  }
0x70: {  	v60 =	vadd.s32 v28, v37;
	_ =	sdelay $0x3  }
0x71: {  	[tilespmem:s14+$0xB0] =	vst v38  }
0x72: {  	v38 =	vld.idx.msk [tilespmem:v60+s2+$0x0], $0xffff  }
0x73: {  	v61 =	vadd.s32 v30, v37;
	_ =	sdelay $0x3  }
0x74: {  	[tilespmem:s14+$0xC0] =	vst v38  }
0x75: {  	v38 =	vld.idx.msk [tilespmem:v61+s2+$0x0], $0xffff  }
0x76: {  	v62 =	vadd.s32 v31, v37;
	_ =	sdelay $0x3  }
0x77: {  	[tilespmem:s14+$0xD0] =	vst v38  }
0x78: {  	v38 =	vld.idx.msk [tilespmem:v62+s2+$0x0], $0xffff  }
0x79: {  	v63 =	vadd.s32 v32, v37;
	_ =	sdelay $0x3  }
0x7a: {  	s25 =	simm.s32 $0x1;
	[tilespmem:s14+$0xE0] =	vst v38  }
0x7b: {  	s13 =	simm.s32 $0x2;
	s12 =	simm.s32 $0x7100;
	v37 =	vmov s25;
	v38 =	vld.idx.msk [tilespmem:v63+s2+$0x0], $0xffff  }
.LBB2_2:
0x7c: {  	p0 =	sne.s32 s13, $0x31;
	v37 =	vand.u32 $0x3F, v37  }
0x7d: {  	v39 =	vadd.s32 v0, v37;
	_ =	sdelay $0x3  }
0x7e: {  	[tilespmem:s12+$0xF0] =	vst v38  }
0x7f: {  	v38 =	vld.idx.msk [tilespmem:v39+s2+$0x0], $0xffff;
	_ =	sdelay $0x1  }
0x80: {  	v39 =	vadd.s32 v1, v37;
	_ =	sdelay $0x2  }
0x81: {  	s12 =	sadd.s32 $0x200, s12  }
0x82: {  	[tilespmem:s12+$0xFFFFFF00] =	vst v38  }
0x83: {  	v38 =	vld.idx.msk [tilespmem:v39+s2+$0x0], $0xffff;
	_ =	sdelay $0x1  }
0x84: {  	v39 =	vadd.s32 v2, v37;
	_ =	sdelay $0x3  }
0x85: {  	[tilespmem:s12+$0xFFFFFF10] =	vst v38  }
0x86: {  	v38 =	vld.idx.msk [tilespmem:v39+s2+$0x0], $0xffff;
	_ =	sdelay $0x1  }
0x87: {  	v39 =	vadd.s32 v3, v37;
	_ =	sdelay $0x3  }
0x88: {  	[tilespmem:s12+$0xFFFFFF20] =	vst v38  }
0x89: {  	v38 =	vld.idx.msk [tilespmem:v39+s2+$0x0], $0xffff;
	_ =	sdelay $0x1  }
0x8a: {  	v39 =	vadd.s32 v4, v37;
	_ =	sdelay $0x3  }
0x8b: {  	[tilespmem:s12+$0xFFFFFF30] =	vst v38  }
0x8c: {  	v38 =	vld.idx.msk [tilespmem:v39+s2+$0x0], $0xffff;
	_ =	sdelay $0x1  }
0x8d: {  	v39 =	vadd.s32 v5, v37;
	_ =	sdelay $0x3  }
0x8e: {  	[tilespmem:s12+$0xFFFFFF40] =	vst v38  }
0x8f: {  	v38 =	vld.idx.msk [tilespmem:v39+s2+$0x0], $0xffff;
	_ =	sdelay $0x1  }
0x90: {  	v39 =	vadd.s32 v6, v37;
	_ =	sdelay $0x3  }
0x91: {  	[tilespmem:s12+$0xFFFFFF50] =	vst v38  }
0x92: {  	v38 =	vld.idx.msk [tilespmem:v39+s2+$0x0], $0xffff;
	_ =	sdelay $0x1  }
0x93: {  	v39 =	vadd.s32 v7, v37;
	_ =	sdelay $0x3  }
0x94: {  	[tilespmem:s12+$0xFFFFFF60] =	vst v38  }
0x95: {  	v38 =	vld.idx.msk [tilespmem:v39+s2+$0x0], $0xffff;
	_ =	sdelay $0x1  }
0x96: {  	v39 =	vadd.s32 v8, v37;
	_ =	sdelay $0x3  }
0x97: {  	[tilespmem:s12+$0xFFFFFF70] =	vst v38  }
0x98: {  	v38 =	vld.idx.msk [tilespmem:v39+s2+$0x0], $0xffff;
	_ =	sdelay $0x1  }
0x99: {  	v39 =	vadd.s32 v9, v37;
	_ =	sdelay $0x3  }
0x9a: {  	[tilespmem:s12+$0xFFFFFF80] =	vst v38  }
0x9b: {  	v38 =	vld.idx.msk [tilespmem:v39+s2+$0x0], $0xffff;
	_ =	sdelay $0x1  }
0x9c: {  	v39 =	vadd.s32 v10, v37;
	_ =	sdelay $0x3  }
0x9d: {  	[tilespmem:s12+$0xFFFFFF90] =	vst v38  }
0x9e: {  	v38 =	vld.idx.msk [tilespmem:v39+s2+$0x0], $0xffff;
	_ =	sdelay $0x1  }
0x9f: {  	v39 =	vadd.s32 v11, v37;
	_ =	sdelay $0x3  }
0xa0: {  	[tilespmem:s12+$0xFFFFFFA0] =	vst v38  }
0xa1: {  	v38 =	vld.idx.msk [tilespmem:v39+s2+$0x0], $0xffff;
	_ =	sdelay $0x1  }
0xa2: {  	v39 =	vadd.s32 v12, v37;
	_ =	sdelay $0x3  }
0xa3: {  	[tilespmem:s12+$0xFFFFFFB0] =	vst v38  }
0xa4: {  	v38 =	vld.idx.msk [tilespmem:v39+s2+$0x0], $0xffff;
	_ =	sdelay $0x1  }
0xa5: {  	v39 =	vadd.s32 v13, v37;
	_ =	sdelay $0x3  }
0xa6: {  	[tilespmem:s12+$0xFFFFFFC0] =	vst v38  }
0xa7: {  	v38 =	vld.idx.msk [tilespmem:v39+s2+$0x0], $0xffff;
	_ =	sdelay $0x1  }
0xa8: {  	v39 =	vadd.s32 v14, v37;
	_ =	sdelay $0x3  }
0xa9: {  	[tilespmem:s12+$0xFFFFFFD0] =	vst v38  }
0xaa: {  	v38 =	vld.idx.msk [tilespmem:v39+s2+$0x0], $0xffff;
	_ =	sdelay $0x1  }
0xab: {  	v39 =	vadd.s32 v15, v37;
	_ =	sdelay $0x3  }
0xac: {  	[tilespmem:s12+$0xFFFFFFE0] =	vst v38  }
0xad: {  	v38 =	vld.idx.msk [tilespmem:v39+s2+$0x0], $0xffff;
	_ =	sdelay $0x1  }
0xae: {  	v39 =	vadd.s32 v16, v37;
	_ =	sdelay $0x3  }
0xaf: {  	[tilespmem:s12+$0xFFFFFFF0] =	vst v38  }
0xb0: {  	v38 =	vld.idx.msk [tilespmem:v39+s2+$0x0], $0xffff;
	_ =	sdelay $0x1  }
0xb1: {  	v39 =	vadd.s32 v17, v37;
	_ =	sdelay $0x3  }
0xb2: {  	[tilespmem:s12+$0x0] =	vst v38  }
0xb3: {  	v38 =	vld.idx.msk [tilespmem:v39+s2+$0x0], $0xffff;
	_ =	sdelay $0x1  }
0xb4: {  	v39 =	vadd.s32 v18, v37;
	_ =	sdelay $0x3  }
0xb5: {  	[tilespmem:s12+$0x10] =	vst v38  }
0xb6: {  	v38 =	vld.idx.msk [tilespmem:v39+s2+$0x0], $0xffff;
	_ =	sdelay $0x1  }
0xb7: {  	v39 =	vadd.s32 v19, v37;
	_ =	sdelay $0x3  }
0xb8: {  	[tilespmem:s12+$0x20] =	vst v38  }
0xb9: {  	v38 =	vld.idx.msk [tilespmem:v39+s2+$0x0], $0xffff;
	_ =	sdelay $0x1  }
0xba: {  	v39 =	vadd.s32 v20, v37;
	_ =	sdelay $0x3  }
0xbb: {  	[tilespmem:s12+$0x30] =	vst v38  }
0xbc: {  	v38 =	vld.idx.msk [tilespmem:v39+s2+$0x0], $0xffff;
	_ =	sdelay $0x1  }
0xbd: {  	v39 =	vadd.s32 v21, v37;
	_ =	sdelay $0x3  }
0xbe: {  	[tilespmem:s12+$0x40] =	vst v38  }
0xbf: {  	v38 =	vld.idx.msk [tilespmem:v39+s2+$0x0], $0xffff;
	_ =	sdelay $0x1  }
0xc0: {  	v39 =	vadd.s32 v22, v37;
	_ =	sdelay $0x3  }
0xc1: {  	[tilespmem:s12+$0x50] =	vst v38  }
0xc2: {  	v38 =	vld.idx.msk [tilespmem:v39+s2+$0x0], $0xffff;
	_ =	sdelay $0x1  }
0xc3: {  	v39 =	vadd.s32 v23, v37;
	_ =	sdelay $0x3  }
0xc4: {  	[tilespmem:s12+$0x60] =	vst v38  }
0xc5: {  	v38 =	vld.idx.msk [tilespmem:v39+s2+$0x0], $0xffff;
	_ =	sdelay $0x1  }
0xc6: {  	v39 =	vadd.s32 v24, v37;
	_ =	sdelay $0x3  }
0xc7: {  	[tilespmem:s12+$0x70] =	vst v38  }
0xc8: {  	v38 =	vld.idx.msk [tilespmem:v39+s2+$0x0], $0xffff;
	_ =	sdelay $0x1  }
0xc9: {  	v39 =	vadd.s32 v25, v37;
	_ =	sdelay $0x3  }
0xca: {  	[tilespmem:s12+$0x80] =	vst v38  }
0xcb: {  	v38 =	vld.idx.msk [tilespmem:v39+s2+$0x0], $0xffff;
	_ =	sdelay $0x1  }
0xcc: {  	v39 =	vadd.s32 v26, v37;
	_ =	sdelay $0x3  }
0xcd: {  	[tilespmem:s12+$0x90] =	vst v38  }
0xce: {  	v38 =	vld.idx.msk [tilespmem:v39+s2+$0x0], $0xffff;
	_ =	sdelay $0x1  }
0xcf: {  	v39 =	vadd.s32 v27, v37;
	_ =	sdelay $0x3  }
0xd0: {  	[tilespmem:s12+$0xA0] =	vst v38  }
0xd1: {  	v38 =	vld.idx.msk [tilespmem:v39+s2+$0x0], $0xffff;
	_ =	sdelay $0x1  }
0xd2: {  	v39 =	vadd.s32 v28, v37;
	_ =	sdelay $0x3  }
0xd3: {  	[tilespmem:s12+$0xB0] =	vst v38  }
0xd4: {  	v38 =	vld.idx.msk [tilespmem:v39+s2+$0x0], $0xffff;
	_ =	sdelay $0x1  }
0xd5: {  	v39 =	vadd.s32 v30, v37;
	_ =	sdelay $0x3  }
0xd6: {  	[tilespmem:s12+$0xC0] =	vst v38  }
0xd7: {  	v38 =	vld.idx.msk [tilespmem:v39+s2+$0x0], $0xffff;
	_ =	sdelay $0x1  }
0xd8: {  	v39 =	vadd.s32 v31, v37;
	_ =	sdelay $0x3  }
0xd9: {  	[tilespmem:s12+$0xD0] =	vst v38  }
0xda: {  	v38 =	vld.idx.msk [tilespmem:v39+s2+$0x0], $0xffff;
	_ =	sdelay $0x1  }
0xdb: {  	v39 =	vadd.s32 v32, v37  }
.Ltmp0:
0xdc: {  	(pc) =	sbr.rel @p0 .LBB2_2-.Ltmp0, $3  }
0xdd: {  	_ =	sdelay $0x1  }
0xde: {  	[tilespmem:s12+$0xE0] =	vst v38  }
0xdf: {  	v37 =	vmov s13;
	s13 =	sadd.s32 $0x1, s13;
	v38 =	vld.idx.msk [tilespmem:v39+s2+$0x0], $0xffff  }
0xe0: {  	v37 =	vand.u32 $0x3F, v37  }
0xe1: {  	v39 =	vadd.s32 v0, v37;
	_ =	sdelay $0x3  }
0xe2: {  	[tilespmem:s12+$0xF0] =	vst v38  }
0xe3: {  	v38 =	vld.idx.msk [tilespmem:v39+s2+$0x0], $0xffff  }
0xe4: {  	v47 =	vadd.s32 v1, v37;
	_ =	sdelay $0x2  }
0xe5: {  	s11 =	sadd.s32 $0x200, s12  }
0xe6: {  	[tilespmem:s11+$0xFFFFFF00] =	vst v38  }
0xe7: {  	v38 =	vld.idx.msk [tilespmem:v47+s2+$0x0], $0xffff  }
0xe8: {  	v48 =	vadd.s32 v2, v37;
	_ =	sdelay $0x3  }
0xe9: {  	[tilespmem:s11+$0xFFFFFF10] =	vst v38  }
0xea: {  	v38 =	vld.idx.msk [tilespmem:v48+s2+$0x0], $0xffff  }
0xeb: {  	v49 =	vadd.s32 v3, v37;
	_ =	sdelay $0x3  }
0xec: {  	[tilespmem:s11+$0xFFFFFF20] =	vst v38  }
0xed: {  	v38 =	vld.idx.msk [tilespmem:v49+s2+$0x0], $0xffff  }
0xee: {  	v50 =	vadd.s32 v4, v37;
	_ =	sdelay $0x3  }
0xef: {  	[tilespmem:s11+$0xFFFFFF30] =	vst v38  }
0xf0: {  	v38 =	vld.idx.msk [tilespmem:v50+s2+$0x0], $0xffff  }
0xf1: {  	v51 =	vadd.s32 v5, v37;
	_ =	sdelay $0x3  }
0xf2: {  	[tilespmem:s11+$0xFFFFFF40] =	vst v38  }
0xf3: {  	v38 =	vld.idx.msk [tilespmem:v51+s2+$0x0], $0xffff  }
0xf4: {  	v52 =	vadd.s32 v6, v37;
	_ =	sdelay $0x3  }
0xf5: {  	[tilespmem:s11+$0xFFFFFF50] =	vst v38  }
0xf6: {  	v38 =	vld.idx.msk [tilespmem:v52+s2+$0x0], $0xffff  }
0xf7: {  	v53 =	vadd.s32 v7, v37;
	_ =	sdelay $0x3  }
0xf8: {  	[tilespmem:s11+$0xFFFFFF60] =	vst v38  }
0xf9: {  	v38 =	vld.idx.msk [tilespmem:v53+s2+$0x0], $0xffff  }
0xfa: {  	v54 =	vadd.s32 v8, v37;
	_ =	sdelay $0x3  }
0xfb: {  	[tilespmem:s11+$0xFFFFFF70] =	vst v38  }
0xfc: {  	v38 =	vld.idx.msk [tilespmem:v54+s2+$0x0], $0xffff  }
0xfd: {  	v55 =	vadd.s32 v9, v37;
	_ =	sdelay $0x3  }
0xfe: {  	[tilespmem:s11+$0xFFFFFF80] =	vst v38  }
0xff: {  	v38 =	vld.idx.msk [tilespmem:v55+s2+$0x0], $0xffff  }
0x100: {  	v56 =	vadd.s32 v10, v37;
	_ =	sdelay $0x3  }
0x101: {  	[tilespmem:s11+$0xFFFFFF90] =	vst v38  }
0x102: {  	v38 =	vld.idx.msk [tilespmem:v56+s2+$0x0], $0xffff  }
0x103: {  	v57 =	vadd.s32 v11, v37;
	_ =	sdelay $0x3  }
0x104: {  	[tilespmem:s11+$0xFFFFFFA0] =	vst v38  }
0x105: {  	v38 =	vld.idx.msk [tilespmem:v57+s2+$0x0], $0xffff  }
0x106: {  	v58 =	vadd.s32 v12, v37;
	_ =	sdelay $0x3  }
0x107: {  	[tilespmem:s11+$0xFFFFFFB0] =	vst v38  }
0x108: {  	v38 =	vld.idx.msk [tilespmem:v58+s2+$0x0], $0xffff  }
0x109: {  	v59 =	vadd.s32 v13, v37;
	_ =	sdelay $0x3  }
0x10a: {  	[tilespmem:s11+$0xFFFFFFC0] =	vst v38  }
0x10b: {  	v38 =	vld.idx.msk [tilespmem:v59+s2+$0x0], $0xffff  }
0x10c: {  	v60 =	vadd.s32 v14, v37;
	_ =	sdelay $0x3  }
0x10d: {  	[tilespmem:s11+$0xFFFFFFD0] =	vst v38  }
0x10e: {  	v38 =	vld.idx.msk [tilespmem:v60+s2+$0x0], $0xffff  }
0x10f: {  	v61 =	vadd.s32 v15, v37;
	_ =	sdelay $0x3  }
0x110: {  	[tilespmem:s11+$0xFFFFFFE0] =	vst v38  }
0x111: {  	v38 =	vld.idx.msk [tilespmem:v61+s2+$0x0], $0xffff  }
0x112: {  	v62 =	vadd.s32 v16, v37;
	_ =	sdelay $0x3  }
0x113: {  	[tilespmem:s11+$0xFFFFFFF0] =	vst v38  }
0x114: {  	v38 =	vld.idx.msk [tilespmem:v62+s2+$0x0], $0xffff  }
0x115: {  	v63 =	vadd.s32 v17, v37;
	_ =	sdelay $0x3  }
0x116: {  	[tilespmem:s11+$0x0] =	vst v38  }
0x117: {  	v38 =	vld.idx.msk [tilespmem:v63+s2+$0x0], $0xffff  }
0x118: {  	v42 =	vadd.s32 v18, v37;
	_ =	sdelay $0x3  }
0x119: {  	[tilespmem:s11+$0x10] =	vst v38  }
0x11a: {  	v38 =	vld.idx.msk [tilespmem:v42+s2+$0x0], $0xffff  }
0x11b: {  	v43 =	vadd.s32 v19, v37;
	_ =	sdelay $0x3  }
0x11c: {  	[tilespmem:s11+$0x20] =	vst v38  }
0x11d: {  	v38 =	vld.idx.msk [tilespmem:v43+s2+$0x0], $0xffff  }
0x11e: {  	v44 =	vadd.s32 v20, v37;
	_ =	sdelay $0x3  }
0x11f: {  	[tilespmem:s11+$0x30] =	vst v38  }
0x120: {  	v38 =	vld.idx.msk [tilespmem:v44+s2+$0x0], $0xffff  }
0x121: {  	v45 =	vadd.s32 v21, v37;
	_ =	sdelay $0x3  }
0x122: {  	[tilespmem:s11+$0x40] =	vst v38  }
0x123: {  	v38 =	vld.idx.msk [tilespmem:v45+s2+$0x0], $0xffff  }
0x124: {  	v46 =	vadd.s32 v22, v37;
	_ =	sdelay $0x3  }
0x125: {  	[tilespmem:s11+$0x50] =	vst v38  }
0x126: {  	v38 =	vld.idx.msk [tilespmem:v46+s2+$0x0], $0xffff  }
0x127: {  	v47 =	vadd.s32 v23, v37;
	_ =	sdelay $0x3  }
0x128: {  	[tilespmem:s11+$0x60] =	vst v38  }
0x129: {  	v38 =	vld.idx.msk [tilespmem:v47+s2+$0x0], $0xffff  }
0x12a: {  	v48 =	vadd.s32 v24, v37;
	_ =	sdelay $0x3  }
0x12b: {  	[tilespmem:s11+$0x70] =	vst v38  }
0x12c: {  	v38 =	vld.idx.msk [tilespmem:v48+s2+$0x0], $0xffff  }
0x12d: {  	v49 =	vadd.s32 v25, v37;
	_ =	sdelay $0x3  }
0x12e: {  	[tilespmem:s11+$0x80] =	vst v38  }
0x12f: {  	v38 =	vld.idx.msk [tilespmem:v49+s2+$0x0], $0xffff  }
0x130: {  	v50 =	vadd.s32 v26, v37;
	_ =	sdelay $0x3  }
0x131: {  	[tilespmem:s11+$0x90] =	vst v38  }
0x132: {  	v38 =	vld.idx.msk [tilespmem:v50+s2+$0x0], $0xffff  }
0x133: {  	v51 =	vadd.s32 v27, v37;
	_ =	sdelay $0x3  }
0x134: {  	[tilespmem:s11+$0xA0] =	vst v38  }
0x135: {  	v38 =	vld.idx.msk [tilespmem:v51+s2+$0x0], $0xffff  }
0x136: {  	v52 =	vadd.s32 v28, v37;
	_ =	sdelay $0x3  }
0x137: {  	[tilespmem:s11+$0xB0] =	vst v38  }
0x138: {  	v38 =	vld.idx.msk [tilespmem:v52+s2+$0x0], $0xffff  }
0x139: {  	v53 =	vadd.s32 v30, v37;
	_ =	sdelay $0x3  }
0x13a: {  	[tilespmem:s11+$0xC0] =	vst v38  }
0x13b: {  	v38 =	vld.idx.msk [tilespmem:v53+s2+$0x0], $0xffff  }
0x13c: {  	v54 =	vadd.s32 v31, v37;
	_ =	sdelay $0x3  }
0x13d: {  	[tilespmem:s11+$0xD0] =	vst v38  }
0x13e: {  	v38 =	vld.idx.msk [tilespmem:v54+s2+$0x0], $0xffff  }
0x13f: {  	v37 =	vadd.s32 v32, v37;
	_ =	sdelay $0x3  }
0x140: {  	[tilespmem:s11+$0xE0] =	vst v38  }
0x141: {  	v37 =	vld.idx.msk [tilespmem:v37+s2+$0x0], $0xffff;
	_ =	sdelay $0x4  }
0x142: {  	s7 =	simm.s32 $0x7000;
	s8 =	simm.s32 $0xD400;
	[tilespmem:s11+$0xF0] =	vst v37  }
0x143: {  	[tilespmem:s8], [sflag:$0x1] =	stream.indirect.gather [hbm4b:s3+s17], $0x40, s7, s17, $0xb8;
	[tilespmem:$0x1D410] =	vst v63  }
0x144: {  	s16 =	simm.s32 $0x7080;
	s19 =	simm.s32 $0xF400  }
0x145: {  	[tilespmem:s19], [sflag:$0x2] =	stream.indirect.gather [hbm4b:s3+s17], $0x40, s16, s17, $0xb8;
	[tilespmem:$0x1D410] =	vst v63  }
0x146: {  	s21 =	simm.s32 $0x11400  }
0x147: {  	[tilespmem:s21], [sflag:$0x3] =	stream.indirect.gather [hbm4b:s3+s17], $0x40, s14, s17, $0xb8;
	[tilespmem:$0x1D410] =	vst v63  }
0x148: {  	s22 =	simm.s32 $0x7180;
	s23 =	simm.s32 $0x13400  }
0x149: {  	[tilespmem:s23], [sflag:$0x4] =	stream.indirect.gather [hbm4b:s3+s17], $0x40, s22, s17, $0xb8;
	[tilespmem:$0x1D410] =	vst v63  }
0x14a: {  	s25 =	simm.s32 $0x1;
	_ =	swait.ge [sflag:s26], $0x2000  }
0x14b: {  	v55 =	vmov s25;
	[sflag:s26] =	ssyncset.done $0x0  }
0x14c: {  	v37 =	vand.u32 $0x7F, v55;
	s8 =	simm.s32 $0xD440;
	[sflag:s26] =	ssyncadd.s32 $0xFFFFE000  }
0x14d: {  	v44 =	vbroadcast v37, $0x0;
	v56 =	vld [tilespmem:s8+$0x0]  }
0x14e: {  	s12 =	simm.s32 $0x0  }
0x14f: {  	v57 =	vmov s12;
	v40 =	vor.u32 v29, v44  }
0x150: {  	v36 =	vbroadcast v36, $0x0;
	s13 =	simm.s32 $0x3;
	v37 =	vand.u32 $0x7E, v57  }
0x151: {  	v59 =	vmov s13;
	v39 =	vbroadcast v37, $0x0;
	v41 =	vld [tilespmem:s8+$0xFFFFFFC0]  }
0x152: {  	s12 =	simm.s32 $0xD4C0;
	v38 =	vand.u32 $0x7F, v59;
	v58 =	vmul.f32 v56, v36  }
0x153: {  	v37 =	vbroadcast v38, $0x0;
	v42 =	vor.u32 v29, v39;
	v60 =	vld [tilespmem:s12+$0x0]  }
0x154: {  	s16 =	simm.s32 $0x2;
	[tilespmem:v40+s28+$0x0] =	vst.idx.msk $0xffff, v58  }
0x155: {  	v61 =	vmov s16;
	v45 =	vor.u32 v29, v37;
	v43 =	vld [tilespmem:s8+$0x10]  }
0x156: {  	v38 =	vand.u32 $0x7E, v61;
	v41 =	vmul.f32 v41, v36  }
0x157: {  	v46 =	vor.u32 v33, v44;
	s19 =	simm.s32 $0x5;
	v38 =	vbroadcast v38, $0x0;
	v47 =	vld [tilespmem:s12+$0xFFFFFFC0]  }
0x158: {  	v62 =	vmov s19;
	[tilespmem:v42+s28+$0x0] =	vst.idx.msk $0xffff, v41;
	v40 =	vmul.f32 v60, v36  }
0x159: {  	s11 =	simm.s32 $0xD540;
	v48 =	vor.u32 v29, v38;
	v42 =	vand.u32 $0x7F, v62;
	v41 =	vld [tilespmem:s8+$0xFFFFFFD0]  }
0x15a: {  	v49 =	vld [tilespmem:s11+$0x0];
	[tilespmem:v45+s28+$0x0] =	vst.idx.msk $0xffff, v40;
	v40 =	vbroadcast v42, $0x0;
	v43 =	vmul.f32 v43, v36  }
0x15b: {  	v63 =	vor.u32 v33, v39  }
0x15c: {  	s21 =	simm.s32 $0x4;
	v55 =	vmul.f32 v47, v36;
	v56 =	vld [tilespmem:s12+$0x10];
	v58 =	vor.u32 v29, v40;
	[tilespmem:v46+s28+$0x0] =	vst.idx.msk $0xffff, v43  }
0x15d: {  	v57 =	vmov s21;
	v50 =	vld [tilespmem:s8+$0x20]  }
0x15e: {  	v59 =	vor.u32 v33, v37;
	[tilespmem:v48+s28+$0x0] =	vst.idx.msk $0xffff, v55;
	v51 =	vmul.f32 v41, v36;
	v46 =	vand.u32 $0x7E, v57  }
0x15f: {  	v60 =	vmul.f32 v49, v36;
	v53 =	vld [tilespmem:s12+$0xFFFFFFD0];
	v41 =	vbroadcast v46, $0x0;
	v46 =	vor.u32 v34, v44  }
0x160: {  	s22 =	simm.s32 $0x7;
	v52 =	vld [tilespmem:s11+$0xFFFFFFC0];
	[tilespmem:v63+s28+$0x0] =	vst.idx.msk $0xffff, v51  }
0x161: {  	v61 =	vmov s22;
	v54 =	vor.u32 v33, v38;
	v43 =	vmul.f32 v56, v36;
	v51 =	vld [tilespmem:s8+$0xFFFFFFE0];
	[tilespmem:v58+s28+$0x0] =	vst.idx.msk $0xffff, v60  }
0x162: {  	s13 =	simm.s32 $0xD5C0;
	v45 =	vand.u32 $0x7F, v61;
	v56 =	vld [tilespmem:s11+$0x10];
	v49 =	vor.u32 v29, v41;
	v62 =	vmul.f32 v50, v36  }
0x163: {  	v55 =	vld [tilespmem:s13+$0x0];
	v42 =	vbroadcast v45, $0x0;
	v45 =	vor.u32 v34, v39;
	[tilespmem:v59+s28+$0x0] =	vst.idx.msk $0xffff, v43  }
0x164: {  	s23 =	simm.s32 $0x6;
	v61 =	vmul.f32 v53, v36;
	v58 =	vor.u32 v33, v40;
	v57 =	vld [tilespmem:s12+$0x20];
	[tilespmem:v46+s28+$0x0] =	vst.idx.msk $0xffff, v62  }
0x165: {  	v63 =	vmul.f32 v52, v36;
	v52 =	vmov s23;
	v60 =	vor.u32 v29, v42;
	v59 =	vld [tilespmem:s8+$0x30]  }
0x166: {  	s16 =	simm.s32 $0xD640;
	[tilespmem:v54+s28+$0x0] =	vst.idx.msk $0xffff, v61;
	v51 =	vmul.f32 v51, v36;
	v50 =	vor.u32 v34, v37;
	v46 =	vand.u32 $0x7E, v52;
	v52 =	vld [tilespmem:s13+$0xFFFFFFC0]  }
0x167: {  	s25 =	simm.s32 $0x9;
	v47 =	vor.u32 v34, v38;
	v54 =	vld [tilespmem:s16+$0x0];
	v56 =	vmul.f32 v56, v36;
	[tilespmem:v49+s28+$0x0] =	vst.idx.msk $0xffff, v63;
	v43 =	vbroadcast v46, $0x0  }
0x168: {  	v48 =	vor.u32 v35, v44;
	v62 =	vmul.f32 v55, v36;
	[tilespmem:v45+s28+$0x0] =	vst.idx.msk $0xffff, v51;
	v63 =	vmov s25;
	v49 =	vld [tilespmem:s11+$0xFFFFFFD0]  }
0x169: {  	v45 =	vld [tilespmem:s12+$0xFFFFFFE0];
	v55 =	vmul.f32 v57, v36;
	v44 =	vand.u32 $0x7F, v63;
	[tilespmem:v58+s28+$0x0] =	vst.idx.msk $0xffff, v56;
	v53 =	vor.u32 v29, v43  }
0x16a: {  	s19 =	simm.s32 $0xA;
	s14 =	simm.s32 $0xD640;
	s21 =	simm.s32 $0x8;
	v51 =	vor.u32 v33, v41;
	v46 =	vld [tilespmem:s8+$0xFFFFFFF0];
	[tilespmem:v60+s28+$0x0] =	vst.idx.msk $0xffff, v62;
	v44 =	vbroadcast v44, $0x0;
	v56 =	vmul.f32 v59, v36  }
.LBB2_4:
0x16b: {  	v52 =	vmul.f32 v52, v36;
	v57 =	vld [tilespmem:s13+$0x10];
	[tilespmem:v50+s28+$0x0] =	vst.idx.msk $0xffff, v55  }
0x16c: {  	p0 =	slt.u32 s19, $0x7E;
	v55 =	vor.u32 v35, v39;
	v39 =	vmovc v38;
	v38 =	vmovc v41;
	v41 =	vmov v43;
	v58 =	vmov v42  }
0x16d: {  	v43 =	vmov s21;
	s21 =	smov.u32 s19;
	v59 =	vor.u32 v29, v44;
	v49 =	vmul.f32 v49, v36;
	v60 =	vld [tilespmem:s11+$0x20];
	[tilespmem:v48+s28+$0x0] =	vst.idx.msk $0xffff, v56;
	v42 =	vmovc v44  }
0x16e: {  	v43 =	vand.u32 $0x7E, v43;
	v56 =	vor.u32 v33, v58;
	[tilespmem:v53+s28+$0x0] =	vst.idx.msk $0xffff, v52;
	v44 =	vmul.f32 v45, v36;
	v61 =	vld [tilespmem:s12+$0x30]  }
.Ltmp1:
0x16f: {  	v50 =	vor.u32 v34, v40;
	v43 =	vbroadcast v43, $0x0;
	v52 =	vld [tilespmem:s16+$0xFFFFFFC0];
	[tilespmem:v51+s28+$0x0] =	vst.idx.msk $0xffff, v49;
	v46 =	vmul.f32 v46, v36;
	(pc) =	sbr.rel @p0 .LBB2_4-.Ltmp1, $4  }
0x170: {  	s7 =	sadd.s32 $0x1, s19;
	v48 =	vor.u32 v35, v37;
	v37 =	vmov v40;
	v51 =	vmul.f32 v54, v36;
	v49 =	vld [tilespmem:s13+$0xFFFFFFD0];
	[tilespmem:v47+s28+$0x0] =	vst.idx.msk $0xffff, v44  }
0x171: {  	v40 =	vmovc v58;
	v44 =	vmov s7;
	v53 =	vor.u32 v29, v43;
	v47 =	vmul.f32 v57, v36;
	v45 =	vld [tilespmem:s11+$0xFFFFFFE0];
	[tilespmem:v55+s28+$0x0] =	vst.idx.msk $0xffff, v46  }
0x172: {  	s16 =	sadd.s32 $0x80, s16;
	v44 =	vand.u32 $0x7F, v44;
	[tilespmem:v59+s28+$0x0] =	vst.idx.msk $0xffff, v51;
	v51 =	vor.u32 v33, v41;
	v55 =	vmul.f32 v60, v36;
	v46 =	vld [tilespmem:s12+$0xFFFFFFF0];
	s12 =	smov.u32 s11;
	s11 =	smov.u32 s13  }
0x173: {  	s19 =	sadd.s32 $0x2, s19;
	v44 =	vbroadcast v44, $0x0;
	s13 =	smov.u32 s14;
	s14 =	smov.u32 s16;
	v54 =	vld [tilespmem:s16+$0x0];
	[tilespmem:v56+s28+$0x0] =	vst.idx.msk $0xffff, v47;
	v47 =	vor.u32 v34, v38;
	v56 =	vmul.f32 v61, v36  }
0x174: {  	v57 =	vmov s21  }
0x175: {  	v57 =	vand.u32 $0x7E, v57  }
0x176: {  	v58 =	vld [tilespmem:s16+$0xFFFFFFC0];
	v57 =	vbroadcast v57, $0x0  }
0x177: {  	v59 =	vor.u32 v29, v44  }
0x178: {  	v60 =	vor.u32 v29, v57  }
0x179: {  	v52 =	vmul.f32 v52, v36  }
0x17a: {  	v54 =	vmul.f32 v54, v36  }
0x17b: {  	[tilespmem:v53+s28+$0x0] =	vst.idx.msk $0xffff, v52;
	v52 =	vld [tilespmem:s13+$0x10];
	v62 =	vmul.f32 v58, v36  }
0x17c: {  	v58 =	vld [tilespmem:s13+$0xFFFFFFD0];
	[tilespmem:v59+s28+$0x0] =	vst.idx.msk $0xffff, v54  }
0x17d: {  	v54 =	vor.u32 v33, v42;
	v59 =	vld [tilespmem:s14+$0x10];
	[tilespmem:v60+s28+$0x0] =	vst.idx.msk $0xffff, v62  }
0x17e: {  	v53 =	vor.u32 v33, v43;
	v60 =	vld [tilespmem:s14+$0xFFFFFFD0]  }
0x17f: {  	[tilespmem:v50+s28+$0x0] =	vst.idx.msk $0xffff, v55;
	v49 =	vmul.f32 v49, v36;
	v50 =	vor.u32 v33, v44  }
0x180: {  	[tilespmem:v48+s28+$0x0] =	vst.idx.msk $0xffff, v56;
	v63 =	vmul.f32 v52, v36;
	v52 =	vor.u32 v33, v57  }
0x181: {  	[tilespmem:v51+s28+$0x0] =	vst.idx.msk $0xffff, v49;
	v49 =	vld [tilespmem:s11+$0x20];
	v61 =	vmul.f32 v58, v36  }
0x182: {  	v39 =	vor.u32 v35, v39;
	v55 =	vld [tilespmem:s11+$0xFFFFFFE0];
	[tilespmem:v54+s28+$0x0] =	vst.idx.msk $0xffff, v63;
	v62 =	vmul.f32 v59, v36  }
0x183: {  	v54 =	vor.u32 v34, v40;
	v56 =	vld [tilespmem:s13+$0x20];
	[tilespmem:v53+s28+$0x0] =	vst.idx.msk $0xffff, v61;
	v63 =	vmul.f32 v60, v36  }
0x184: {  	v45 =	vmul.f32 v45, v36;
	v53 =	vor.u32 v34, v41;
	[tilespmem:v50+s28+$0x0] =	vst.idx.msk $0xffff, v62;
	v60 =	vld [tilespmem:s13+$0xFFFFFFE0]  }
0x185: {  	v48 =	vor.u32 v34, v42;
	v46 =	vmul.f32 v46, v36;
	v50 =	vld [tilespmem:s14+$0x20];
	[tilespmem:v52+s28+$0x0] =	vst.idx.msk $0xffff, v63  }
0x186: {  	[tilespmem:v47+s28+$0x0] =	vst.idx.msk $0xffff, v45;
	v47 =	vor.u32 v34, v43;
	v61 =	vmul.f32 v49, v36;
	v49 =	vld [tilespmem:s14+$0xFFFFFFE0]  }
0x187: {  	v51 =	vld [tilespmem:s12+$0x30];
	[tilespmem:v39+s28+$0x0] =	vst.idx.msk $0xffff, v46;
	v46 =	vor.u32 v34, v44;
	v62 =	vmul.f32 v55, v36  }
0x188: {  	[tilespmem:v54+s28+$0x0] =	vst.idx.msk $0xffff, v61;
	v54 =	vor.u32 v34, v57;
	v52 =	vld [tilespmem:s12+$0xFFFFFFF0];
	v63 =	vmul.f32 v56, v36  }
0x189: {  	v37 =	vor.u32 v35, v37;
	v59 =	vld [tilespmem:s11+$0x30];
	[tilespmem:v53+s28+$0x0] =	vst.idx.msk $0xffff, v62;
	v60 =	vmul.f32 v60, v36  }
0x18a: {  	v38 =	vor.u32 v35, v38;
	v53 =	vld [tilespmem:s11+$0xFFFFFFF0];
	[tilespmem:v48+s28+$0x0] =	vst.idx.msk $0xffff, v63;
	v61 =	vmul.f32 v50, v36  }
0x18b: {  	v40 =	vor.u32 v35, v40;
	v48 =	vld [tilespmem:s13+$0x30];
	[tilespmem:v47+s28+$0x0] =	vst.idx.msk $0xffff, v60;
	v62 =	vmul.f32 v49, v36  }
0x18c: {  	v41 =	vor.u32 v35, v41;
	v63 =	vmul.f32 v51, v36;
	[tilespmem:v46+s28+$0x0] =	vst.idx.msk $0xffff, v61;
	v49 =	vld [tilespmem:s13+$0xFFFFFFF0]  }
0x18d: {  	v58 =	vor.u32 v35, v42;
	v56 =	vmul.f32 v52, v36;
	v46 =	vld [tilespmem:s14+$0x30];
	[tilespmem:v54+s28+$0x0] =	vst.idx.msk $0xffff, v62  }
0x18e: {  	[tilespmem:v37+s28+$0x0] =	vst.idx.msk $0xffff, v63;
	v59 =	vmul.f32 v59, v36;
	v60 =	vor.u32 v35, v43;
	v61 =	vld [tilespmem:s14+$0xFFFFFFF0]  }
0x18f: {  	v63 =	vor.u32 v35, v44;
	[tilespmem:v38+s28+$0x0] =	vst.idx.msk $0xffff, v56;
	v62 =	vmul.f32 v53, v36  }
0x190: {  	v50 =	vor.u32 v35, v57;
	[tilespmem:v40+s28+$0x0] =	vst.idx.msk $0xffff, v59;
	v48 =	vmul.f32 v48, v36  }
0x191: {  	[tilespmem:v41+s28+$0x0] =	vst.idx.msk $0xffff, v62;
	v51 =	vmul.f32 v49, v36  }
0x192: {  	[tilespmem:v58+s28+$0x0] =	vst.idx.msk $0xffff, v48;
	v52 =	vmul.f32 v46, v36  }
0x193: {  	[tilespmem:v60+s28+$0x0] =	vst.idx.msk $0xffff, v51;
	v53 =	vmul.f32 v61, v36  }
0x194: {  	[tilespmem:v63+s28+$0x0] =	vst.idx.msk $0xffff, v52  }
0x195: {  	s7 =	simm.s32 $0xD400;
	s8 =	simm.s32 $0x7200;
	[tilespmem:v50+s28+$0x0] =	vst.idx.msk $0xffff, v53  }
0x196: {  	[tilespmem:s7], [sflag:$0x1] =	stream.indirect.gather [hbm4b:s3+s17], $0x40, s8, s17, $0xb8;
	[tilespmem:$0x1D410] =	vst v63  }
0x197: {  	_ = 	snop  }
0x198: {  	[hbm4b:s5+s30] =	stream.strided.scatter [tilespmem:s28], [sflag:$0x5], $0x2000, s31, s30, $0x38;
	[tilespmem:$0x1D410] =	vst v63  }
0x199: {  	s25 =	simm.s32 $0x1;
	_ =	swait.ge [sflag:s1], $0x2000  }
0x19a: {  	v54 =	vmov s25;
	[sflag:s1] =	ssyncset.done $0x0  }
0x19b: {  	v37 =	vand.u32 $0x7F, v54;
	s8 =	simm.s32 $0xF440;
	[sflag:s1] =	ssyncadd.s32 $0xFFFFE000  }
0x19c: {  	v44 =	vbroadcast v37, $0x0;
	v55 =	vld [tilespmem:s8+$0x0]  }
0x19d: {  	s12 =	simm.s32 $0x0  }
0x19e: {  	v56 =	vmov s12;
	v57 =	vor.u32 v29, v44  }
0x19f: {  	v37 =	vand.u32 $0x7E, v56  }
0x1a0: {  	s13 =	simm.s32 $0x3;
	v39 =	vbroadcast v37, $0x0;
	v58 =	vld [tilespmem:s8+$0xFFFFFFC0]  }
0x1a1: {  	v60 =	vmov s13;
	v59 =	vmul.f32 v55, v36  }
0x1a2: {  	s12 =	simm.s32 $0xF4C0;
	v61 =	vor.u32 v29, v39;
	v38 =	vand.u32 $0x7F, v60  }
0x1a3: {  	s16 =	simm.s32 $0x2;
	v37 =	vbroadcast v38, $0x0;
	v62 =	vld [tilespmem:s12+$0x0];
	[tilespmem:v57+s0+$0x0] =	vst.idx.msk $0xffff, v59  }
0x1a4: {  	v52 =	vmov s16;
	v63 =	vld [tilespmem:s8+$0x10]  }
0x1a5: {  	v38 =	vand.u32 $0x7E, v52;
	v53 =	vor.u32 v29, v37;
	v41 =	vmul.f32 v58, v36  }
0x1a6: {  	v54 =	vor.u32 v33, v44;
	v38 =	vbroadcast v38, $0x0;
	v55 =	vld [tilespmem:s12+$0xFFFFFFC0]  }
0x1a7: {  	s19 =	simm.s32 $0x5;
	[tilespmem:v61+s0+$0x0] =	vst.idx.msk $0xffff, v41  }
0x1a8: {  	v56 =	vmov s19;
	v40 =	vmul.f32 v62, v36;
	v57 =	vor.u32 v29, v38;
	v41 =	vld [tilespmem:s8+$0xFFFFFFD0]  }
0x1a9: {  	s11 =	simm.s32 $0xF540;
	v42 =	vand.u32 $0x7F, v56;
	v43 =	vmul.f32 v63, v36  }
0x1aa: {  	s21 =	simm.s32 $0x4;
	v45 =	vor.u32 v33, v39;
	v49 =	vld [tilespmem:s11+$0x0];
	[tilespmem:v53+s0+$0x0] =	vst.idx.msk $0xffff, v40;
	v40 =	vbroadcast v42, $0x0  }
0x1ab: {  	v59 =	vmov s21;
	v58 =	vmul.f32 v55, v36;
	[tilespmem:v54+s0+$0x0] =	vst.idx.msk $0xffff, v43;
	v43 =	vld [tilespmem:s12+$0x10]  }
0x1ac: {  	v46 =	vand.u32 $0x7E, v59;
	v47 =	vor.u32 v29, v40;
	v60 =	vld [tilespmem:s8+$0x20]  }
0x1ad: {  	v61 =	vld [tilespmem:s11+$0xFFFFFFC0];
	[tilespmem:v57+s0+$0x0] =	vst.idx.msk $0xffff, v58;
	v57 =	vor.u32 v33, v37;
	v56 =	vmul.f32 v41, v36;
	v41 =	vbroadcast v46, $0x0  }
0x1ae: {  	s22 =	simm.s32 $0x7;
	v62 =	vor.u32 v34, v44  }
0x1af: {  	v59 =	vmov s22;
	v58 =	vmul.f32 v49, v36;
	v63 =	vld [tilespmem:s12+$0xFFFFFFD0];
	[tilespmem:v45+s0+$0x0] =	vst.idx.msk $0xffff, v56;
	v49 =	vor.u32 v29, v41  }
0x1b0: {  	s13 =	simm.s32 $0xF5C0;
	v45 =	vand.u32 $0x7F, v59;
	v51 =	vld [tilespmem:s8+$0xFFFFFFE0];
	v43 =	vmul.f32 v43, v36  }
0x1b1: {  	v55 =	vld [tilespmem:s13+$0x0];
	[tilespmem:v47+s0+$0x0] =	vst.idx.msk $0xffff, v58;
	v54 =	vor.u32 v33, v38;
	v42 =	vbroadcast v45, $0x0;
	v60 =	vmul.f32 v60, v36  }
0x1b2: {  	v61 =	vmul.f32 v61, v36;
	v56 =	vld [tilespmem:s11+$0x10];
	v45 =	vor.u32 v34, v39;
	[tilespmem:v57+s0+$0x0] =	vst.idx.msk $0xffff, v43  }
0x1b3: {  	s23 =	simm.s32 $0x6;
	v47 =	vor.u32 v29, v42;
	[tilespmem:v62+s0+$0x0] =	vst.idx.msk $0xffff, v60;
	v57 =	vld [tilespmem:s12+$0x20]  }
0x1b4: {  	v63 =	vmul.f32 v63, v36;
	[tilespmem:v49+s0+$0x0] =	vst.idx.msk $0xffff, v61;
	v62 =	vmov s23;
	v60 =	vor.u32 v33, v40;
	v61 =	vld [tilespmem:s8+$0x30]  }
0x1b5: {  	s16 =	simm.s32 $0xF640;
	v50 =	vor.u32 v34, v37;
	v52 =	vld [tilespmem:s13+$0xFFFFFFC0];
	v51 =	vmul.f32 v51, v36;
	v46 =	vand.u32 $0x7E, v62  }
0x1b6: {  	s25 =	simm.s32 $0x9;
	v48 =	vor.u32 v35, v44;
	[tilespmem:v54+s0+$0x0] =	vst.idx.msk $0xffff, v63;
	v54 =	vld [tilespmem:s16+$0x0];
	v62 =	vmul.f32 v55, v36;
	v43 =	vbroadcast v46, $0x0  }
0x1b7: {  	v63 =	vmov s25;
	v56 =	vmul.f32 v56, v36;
	v49 =	vld [tilespmem:s11+$0xFFFFFFD0];
	[tilespmem:v45+s0+$0x0] =	vst.idx.msk $0xffff, v51;
	v51 =	vor.u32 v33, v41  }
0x1b8: {  	v44 =	vand.u32 $0x7F, v63;
	v45 =	vld [tilespmem:s12+$0xFFFFFFE0];
	[tilespmem:v47+s0+$0x0] =	vst.idx.msk $0xffff, v62;
	v53 =	vor.u32 v29, v43;
	v55 =	vmul.f32 v57, v36  }
0x1b9: {  	s14 =	simm.s32 $0xF640;
	s19 =	simm.s32 $0xA;
	s21 =	simm.s32 $0x8;
	v44 =	vbroadcast v44, $0x0;
	v46 =	vld [tilespmem:s8+$0xFFFFFFF0];
	v47 =	vor.u32 v34, v38;
	[tilespmem:v60+s0+$0x0] =	vst.idx.msk $0xffff, v56;
	v56 =	vmul.f32 v61, v36  }
.LBB2_6:
0x1ba: {  	v52 =	vmul.f32 v52, v36;
	v57 =	vld [tilespmem:s13+$0x10];
	[tilespmem:v50+s0+$0x0] =	vst.idx.msk $0xffff, v55  }
0x1bb: {  	p0 =	slt.u32 s19, $0x7E;
	v55 =	vor.u32 v35, v39;
	v39 =	vmovc v38;
	v38 =	vmovc v41;
	v41 =	vmov v43;
	v58 =	vmov v42  }
0x1bc: {  	v43 =	vmov s21;
	s21 =	smov.u32 s19;
	v59 =	vor.u32 v29, v44;
	v49 =	vmul.f32 v49, v36;
	v60 =	vld [tilespmem:s11+$0x20];
	[tilespmem:v48+s0+$0x0] =	vst.idx.msk $0xffff, v56;
	v42 =	vmovc v44  }
0x1bd: {  	v43 =	vand.u32 $0x7E, v43;
	v56 =	vor.u32 v33, v58;
	[tilespmem:v53+s0+$0x0] =	vst.idx.msk $0xffff, v52;
	v44 =	vmul.f32 v45, v36;
	v61 =	vld [tilespmem:s12+$0x30]  }
.Ltmp2:
0x1be: {  	v50 =	vor.u32 v34, v40;
	v43 =	vbroadcast v43, $0x0;
	v52 =	vld [tilespmem:s16+$0xFFFFFFC0];
	[tilespmem:v51+s0+$0x0] =	vst.idx.msk $0xffff, v49;
	v46 =	vmul.f32 v46, v36;
	(pc) =	sbr.rel @p0 .LBB2_6-.Ltmp2, $4  }
0x1bf: {  	s7 =	sadd.s32 $0x1, s19;
	v48 =	vor.u32 v35, v37;
	v37 =	vmov v40;
	v51 =	vmul.f32 v54, v36;
	v49 =	vld [tilespmem:s13+$0xFFFFFFD0];
	[tilespmem:v47+s0+$0x0] =	vst.idx.msk $0xffff, v44  }
0x1c0: {  	v40 =	vmovc v58;
	v44 =	vmov s7;
	v53 =	vor.u32 v29, v43;
	v47 =	vmul.f32 v57, v36;
	v45 =	vld [tilespmem:s11+$0xFFFFFFE0];
	[tilespmem:v55+s0+$0x0] =	vst.idx.msk $0xffff, v46  }
0x1c1: {  	s16 =	sadd.s32 $0x80, s16;
	v44 =	vand.u32 $0x7F, v44;
	[tilespmem:v59+s0+$0x0] =	vst.idx.msk $0xffff, v51;
	v51 =	vor.u32 v33, v41;
	v55 =	vmul.f32 v60, v36;
	v46 =	vld [tilespmem:s12+$0xFFFFFFF0];
	s12 =	smov.u32 s11;
	s11 =	smov.u32 s13  }
0x1c2: {  	s19 =	sadd.s32 $0x2, s19;
	v44 =	vbroadcast v44, $0x0;
	s13 =	smov.u32 s14;
	s14 =	smov.u32 s16;
	v54 =	vld [tilespmem:s16+$0x0];
	[tilespmem:v56+s0+$0x0] =	vst.idx.msk $0xffff, v47;
	v47 =	vor.u32 v34, v38;
	v56 =	vmul.f32 v61, v36  }
0x1c3: {  	v57 =	vmov s21  }
0x1c4: {  	v57 =	vand.u32 $0x7E, v57  }
0x1c5: {  	v58 =	vld [tilespmem:s16+$0xFFFFFFC0];
	v57 =	vbroadcast v57, $0x0  }
0x1c6: {  	v59 =	vor.u32 v29, v44  }
0x1c7: {  	v60 =	vor.u32 v29, v57  }
0x1c8: {  	v52 =	vmul.f32 v52, v36  }
0x1c9: {  	v54 =	vmul.f32 v54, v36  }
0x1ca: {  	[tilespmem:v53+s0+$0x0] =	vst.idx.msk $0xffff, v52;
	v52 =	vld [tilespmem:s13+$0x10];
	v62 =	vmul.f32 v58, v36  }
0x1cb: {  	v58 =	vld [tilespmem:s13+$0xFFFFFFD0];
	[tilespmem:v59+s0+$0x0] =	vst.idx.msk $0xffff, v54  }
0x1cc: {  	v54 =	vor.u32 v33, v42;
	v59 =	vld [tilespmem:s14+$0x10];
	[tilespmem:v60+s0+$0x0] =	vst.idx.msk $0xffff, v62  }
0x1cd: {  	v53 =	vor.u32 v33, v43;
	v60 =	vld [tilespmem:s14+$0xFFFFFFD0]  }
0x1ce: {  	[tilespmem:v50+s0+$0x0] =	vst.idx.msk $0xffff, v55;
	v49 =	vmul.f32 v49, v36;
	v50 =	vor.u32 v33, v44  }
0x1cf: {  	[tilespmem:v48+s0+$0x0] =	vst.idx.msk $0xffff, v56;
	v63 =	vmul.f32 v52, v36;
	v52 =	vor.u32 v33, v57  }
0x1d0: {  	[tilespmem:v51+s0+$0x0] =	vst.idx.msk $0xffff, v49;
	v49 =	vld [tilespmem:s11+$0x20];
	v61 =	vmul.f32 v58, v36  }
0x1d1: {  	v39 =	vor.u32 v35, v39;
	v55 =	vld [tilespmem:s11+$0xFFFFFFE0];
	[tilespmem:v54+s0+$0x0] =	vst.idx.msk $0xffff, v63;
	v62 =	vmul.f32 v59, v36  }
0x1d2: {  	v54 =	vor.u32 v34, v40;
	v56 =	vld [tilespmem:s13+$0x20];
	[tilespmem:v53+s0+$0x0] =	vst.idx.msk $0xffff, v61;
	v63 =	vmul.f32 v60, v36  }
0x1d3: {  	v45 =	vmul.f32 v45, v36;
	v53 =	vor.u32 v34, v41;
	[tilespmem:v50+s0+$0x0] =	vst.idx.msk $0xffff, v62;
	v60 =	vld [tilespmem:s13+$0xFFFFFFE0]  }
0x1d4: {  	v48 =	vor.u32 v34, v42;
	v46 =	vmul.f32 v46, v36;
	v50 =	vld [tilespmem:s14+$0x20];
	[tilespmem:v52+s0+$0x0] =	vst.idx.msk $0xffff, v63  }
0x1d5: {  	[tilespmem:v47+s0+$0x0] =	vst.idx.msk $0xffff, v45;
	v47 =	vor.u32 v34, v43;
	v61 =	vmul.f32 v49, v36;
	v49 =	vld [tilespmem:s14+$0xFFFFFFE0]  }
0x1d6: {  	v51 =	vld [tilespmem:s12+$0x30];
	[tilespmem:v39+s0+$0x0] =	vst.idx.msk $0xffff, v46;
	v46 =	vor.u32 v34, v44;
	v62 =	vmul.f32 v55, v36  }
0x1d7: {  	[tilespmem:v54+s0+$0x0] =	vst.idx.msk $0xffff, v61;
	v54 =	vor.u32 v34, v57;
	v52 =	vld [tilespmem:s12+$0xFFFFFFF0];
	v63 =	vmul.f32 v56, v36  }
0x1d8: {  	v37 =	vor.u32 v35, v37;
	v59 =	vld [tilespmem:s11+$0x30];
	[tilespmem:v53+s0+$0x0] =	vst.idx.msk $0xffff, v62;
	v60 =	vmul.f32 v60, v36  }
0x1d9: {  	v38 =	vor.u32 v35, v38;
	v53 =	vld [tilespmem:s11+$0xFFFFFFF0];
	[tilespmem:v48+s0+$0x0] =	vst.idx.msk $0xffff, v63;
	v61 =	vmul.f32 v50, v36  }
0x1da: {  	v40 =	vor.u32 v35, v40;
	v48 =	vld [tilespmem:s13+$0x30];
	[tilespmem:v47+s0+$0x0] =	vst.idx.msk $0xffff, v60;
	v62 =	vmul.f32 v49, v36  }
0x1db: {  	v41 =	vor.u32 v35, v41;
	v63 =	vmul.f32 v51, v36;
	[tilespmem:v46+s0+$0x0] =	vst.idx.msk $0xffff, v61;
	v49 =	vld [tilespmem:s13+$0xFFFFFFF0]  }
0x1dc: {  	v58 =	vor.u32 v35, v42;
	v56 =	vmul.f32 v52, v36;
	v46 =	vld [tilespmem:s14+$0x30];
	[tilespmem:v54+s0+$0x0] =	vst.idx.msk $0xffff, v62  }
0x1dd: {  	[tilespmem:v37+s0+$0x0] =	vst.idx.msk $0xffff, v63;
	v59 =	vmul.f32 v59, v36;
	v60 =	vor.u32 v35, v43;
	v61 =	vld [tilespmem:s14+$0xFFFFFFF0]  }
0x1de: {  	v63 =	vor.u32 v35, v44;
	[tilespmem:v38+s0+$0x0] =	vst.idx.msk $0xffff, v56;
	v62 =	vmul.f32 v53, v36  }
0x1df: {  	v50 =	vor.u32 v35, v57;
	[tilespmem:v40+s0+$0x0] =	vst.idx.msk $0xffff, v59;
	v48 =	vmul.f32 v48, v36  }
0x1e0: {  	[tilespmem:v41+s0+$0x0] =	vst.idx.msk $0xffff, v62;
	v51 =	vmul.f32 v49, v36  }
0x1e1: {  	[tilespmem:v58+s0+$0x0] =	vst.idx.msk $0xffff, v48;
	v52 =	vmul.f32 v46, v36  }
0x1e2: {  	[tilespmem:v60+s0+$0x0] =	vst.idx.msk $0xffff, v51;
	v53 =	vmul.f32 v61, v36  }
0x1e3: {  	[tilespmem:v63+s0+$0x0] =	vst.idx.msk $0xffff, v52  }
0x1e4: {  	s7 =	simm.s32 $0xF400;
	s8 =	simm.s32 $0x7280;
	[tilespmem:v50+s0+$0x0] =	vst.idx.msk $0xffff, v53  }
0x1e5: {  	[tilespmem:s7], [sflag:$0x2] =	stream.indirect.gather [hbm4b:s3+s17], $0x40, s8, s17, $0xb8;
	[tilespmem:$0x1D410] =	vst v63  }
0x1e6: {  	s23 =	rddreg [dreg:$0x5]  }
0x1e7: {  	[hbm4b:s23+s30] =	stream.strided.scatter [tilespmem:s0], [sflag:$0x6], $0x2000, s31, s30, $0x38;
	[tilespmem:$0x1D410] =	vst v63  }
0x1e8: {  	s25 =	simm.s32 $0x1;
	_ =	swait.ge [sflag:s18], $0x2000  }
0x1e9: {  	v54 =	vmov s25;
	[sflag:s18] =	ssyncset.done $0x0  }
0x1ea: {  	v37 =	vand.u32 $0x7F, v54;
	s8 =	simm.s32 $0x11440;
	[sflag:s18] =	ssyncadd.s32 $0xFFFFE000  }
0x1eb: {  	v44 =	vbroadcast v37, $0x0;
	v55 =	vld [tilespmem:s8+$0x0]  }
0x1ec: {  	s12 =	simm.s32 $0x0  }
0x1ed: {  	v56 =	vmov s12;
	v57 =	vor.u32 v29, v44  }
0x1ee: {  	v37 =	vand.u32 $0x7E, v56  }
0x1ef: {  	s13 =	simm.s32 $0x3;
	v39 =	vbroadcast v37, $0x0;
	v58 =	vld [tilespmem:s8+$0xFFFFFFC0]  }
0x1f0: {  	v60 =	vmov s13;
	v59 =	vmul.f32 v55, v36  }
0x1f1: {  	s12 =	simm.s32 $0x114C0;
	v61 =	vor.u32 v29, v39;
	v38 =	vand.u32 $0x7F, v60  }
0x1f2: {  	s16 =	simm.s32 $0x2;
	v37 =	vbroadcast v38, $0x0;
	v62 =	vld [tilespmem:s12+$0x0];
	[tilespmem:v57+s20+$0x0] =	vst.idx.msk $0xffff, v59  }
0x1f3: {  	v52 =	vmov s16;
	v63 =	vld [tilespmem:s8+$0x10]  }
0x1f4: {  	v38 =	vand.u32 $0x7E, v52;
	v53 =	vor.u32 v29, v37;
	v41 =	vmul.f32 v58, v36  }
0x1f5: {  	v54 =	vor.u32 v33, v44;
	v38 =	vbroadcast v38, $0x0;
	v55 =	vld [tilespmem:s12+$0xFFFFFFC0]  }
0x1f6: {  	s19 =	simm.s32 $0x5;
	[tilespmem:v61+s20+$0x0] =	vst.idx.msk $0xffff, v41  }
0x1f7: {  	v56 =	vmov s19;
	v40 =	vmul.f32 v62, v36;
	v57 =	vor.u32 v29, v38;
	v41 =	vld [tilespmem:s8+$0xFFFFFFD0]  }
0x1f8: {  	s11 =	simm.s32 $0x11540;
	v42 =	vand.u32 $0x7F, v56;
	v43 =	vmul.f32 v63, v36  }
0x1f9: {  	s21 =	simm.s32 $0x4;
	v45 =	vor.u32 v33, v39;
	v49 =	vld [tilespmem:s11+$0x0];
	[tilespmem:v53+s20+$0x0] =	vst.idx.msk $0xffff, v40;
	v40 =	vbroadcast v42, $0x0  }
0x1fa: {  	v59 =	vmov s21;
	v58 =	vmul.f32 v55, v36;
	[tilespmem:v54+s20+$0x0] =	vst.idx.msk $0xffff, v43;
	v43 =	vld [tilespmem:s12+$0x10]  }
0x1fb: {  	v46 =	vand.u32 $0x7E, v59;
	v47 =	vor.u32 v29, v40;
	v60 =	vld [tilespmem:s8+$0x20]  }
0x1fc: {  	v61 =	vld [tilespmem:s11+$0xFFFFFFC0];
	[tilespmem:v57+s20+$0x0] =	vst.idx.msk $0xffff, v58;
	v57 =	vor.u32 v33, v37;
	v56 =	vmul.f32 v41, v36;
	v41 =	vbroadcast v46, $0x0  }
0x1fd: {  	s22 =	simm.s32 $0x7;
	v62 =	vor.u32 v34, v44  }
0x1fe: {  	v59 =	vmov s22;
	v58 =	vmul.f32 v49, v36;
	v63 =	vld [tilespmem:s12+$0xFFFFFFD0];
	[tilespmem:v45+s20+$0x0] =	vst.idx.msk $0xffff, v56;
	v49 =	vor.u32 v29, v41  }
0x1ff: {  	s13 =	simm.s32 $0x115C0;
	v45 =	vand.u32 $0x7F, v59;
	v51 =	vld [tilespmem:s8+$0xFFFFFFE0];
	v43 =	vmul.f32 v43, v36  }
0x200: {  	v55 =	vld [tilespmem:s13+$0x0];
	[tilespmem:v47+s20+$0x0] =	vst.idx.msk $0xffff, v58;
	v54 =	vor.u32 v33, v38;
	v42 =	vbroadcast v45, $0x0;
	v60 =	vmul.f32 v60, v36  }
0x201: {  	v61 =	vmul.f32 v61, v36;
	v56 =	vld [tilespmem:s11+$0x10];
	v45 =	vor.u32 v34, v39;
	[tilespmem:v57+s20+$0x0] =	vst.idx.msk $0xffff, v43  }
0x202: {  	s23 =	simm.s32 $0x6;
	v47 =	vor.u32 v29, v42;
	[tilespmem:v62+s20+$0x0] =	vst.idx.msk $0xffff, v60;
	v57 =	vld [tilespmem:s12+$0x20]  }
0x203: {  	v63 =	vmul.f32 v63, v36;
	[tilespmem:v49+s20+$0x0] =	vst.idx.msk $0xffff, v61;
	v62 =	vmov s23;
	v60 =	vor.u32 v33, v40;
	v61 =	vld [tilespmem:s8+$0x30]  }
0x204: {  	s16 =	simm.s32 $0x11640;
	v50 =	vor.u32 v34, v37;
	v52 =	vld [tilespmem:s13+$0xFFFFFFC0];
	v51 =	vmul.f32 v51, v36;
	v46 =	vand.u32 $0x7E, v62  }
0x205: {  	s25 =	simm.s32 $0x9;
	v48 =	vor.u32 v35, v44;
	[tilespmem:v54+s20+$0x0] =	vst.idx.msk $0xffff, v63;
	v54 =	vld [tilespmem:s16+$0x0];
	v62 =	vmul.f32 v55, v36;
	v43 =	vbroadcast v46, $0x0  }
0x206: {  	v63 =	vmov s25;
	v56 =	vmul.f32 v56, v36;
	v49 =	vld [tilespmem:s11+$0xFFFFFFD0];
	[tilespmem:v45+s20+$0x0] =	vst.idx.msk $0xffff, v51;
	v51 =	vor.u32 v33, v41  }
0x207: {  	v44 =	vand.u32 $0x7F, v63;
	v45 =	vld [tilespmem:s12+$0xFFFFFFE0];
	[tilespmem:v47+s20+$0x0] =	vst.idx.msk $0xffff, v62;
	v53 =	vor.u32 v29, v43;
	v55 =	vmul.f32 v57, v36  }
0x208: {  	s14 =	simm.s32 $0x11640;
	s19 =	simm.s32 $0xA;
	s21 =	simm.s32 $0x8;
	v44 =	vbroadcast v44, $0x0;
	v46 =	vld [tilespmem:s8+$0xFFFFFFF0];
	v47 =	vor.u32 v34, v38;
	[tilespmem:v60+s20+$0x0] =	vst.idx.msk $0xffff, v56;
	v56 =	vmul.f32 v61, v36  }
.LBB2_8:
0x209: {  	v52 =	vmul.f32 v52, v36;
	v57 =	vld [tilespmem:s13+$0x10];
	[tilespmem:v50+s20+$0x0] =	vst.idx.msk $0xffff, v55  }
0x20a: {  	p0 =	slt.u32 s19, $0x7E;
	v55 =	vor.u32 v35, v39;
	v39 =	vmovc v38;
	v38 =	vmovc v41;
	v41 =	vmov v43;
	v58 =	vmov v42  }
0x20b: {  	v43 =	vmov s21;
	s21 =	smov.u32 s19;
	v59 =	vor.u32 v29, v44;
	v49 =	vmul.f32 v49, v36;
	v60 =	vld [tilespmem:s11+$0x20];
	[tilespmem:v48+s20+$0x0] =	vst.idx.msk $0xffff, v56;
	v42 =	vmovc v44  }
0x20c: {  	v43 =	vand.u32 $0x7E, v43;
	v56 =	vor.u32 v33, v58;
	[tilespmem:v53+s20+$0x0] =	vst.idx.msk $0xffff, v52;
	v44 =	vmul.f32 v45, v36;
	v61 =	vld [tilespmem:s12+$0x30]  }
.Ltmp3:
0x20d: {  	v50 =	vor.u32 v34, v40;
	v43 =	vbroadcast v43, $0x0;
	v52 =	vld [tilespmem:s16+$0xFFFFFFC0];
	[tilespmem:v51+s20+$0x0] =	vst.idx.msk $0xffff, v49;
	v46 =	vmul.f32 v46, v36;
	(pc) =	sbr.rel @p0 .LBB2_8-.Ltmp3, $4  }
0x20e: {  	s7 =	sadd.s32 $0x1, s19;
	v48 =	vor.u32 v35, v37;
	v37 =	vmov v40;
	v51 =	vmul.f32 v54, v36;
	v49 =	vld [tilespmem:s13+$0xFFFFFFD0];
	[tilespmem:v47+s20+$0x0] =	vst.idx.msk $0xffff, v44  }
0x20f: {  	v40 =	vmovc v58;
	v44 =	vmov s7;
	v53 =	vor.u32 v29, v43;
	v47 =	vmul.f32 v57, v36;
	v45 =	vld [tilespmem:s11+$0xFFFFFFE0];
	[tilespmem:v55+s20+$0x0] =	vst.idx.msk $0xffff, v46  }
0x210: {  	s16 =	sadd.s32 $0x80, s16;
	v44 =	vand.u32 $0x7F, v44;
	[tilespmem:v59+s20+$0x0] =	vst.idx.msk $0xffff, v51;
	v51 =	vor.u32 v33, v41;
	v55 =	vmul.f32 v60, v36;
	v46 =	vld [tilespmem:s12+$0xFFFFFFF0];
	s12 =	smov.u32 s11;
	s11 =	smov.u32 s13  }
0x211: {  	s19 =	sadd.s32 $0x2, s19;
	v44 =	vbroadcast v44, $0x0;
	s13 =	smov.u32 s14;
	s14 =	smov.u32 s16;
	v54 =	vld [tilespmem:s16+$0x0];
	[tilespmem:v56+s20+$0x0] =	vst.idx.msk $0xffff, v47;
	v47 =	vor.u32 v34, v38;
	v56 =	vmul.f32 v61, v36  }
0x212: {  	v57 =	vmov s21  }
0x213: {  	v57 =	vand.u32 $0x7E, v57  }
0x214: {  	v58 =	vld [tilespmem:s16+$0xFFFFFFC0];
	v57 =	vbroadcast v57, $0x0  }
0x215: {  	v59 =	vor.u32 v29, v44  }
0x216: {  	v60 =	vor.u32 v29, v57  }
0x217: {  	v52 =	vmul.f32 v52, v36  }
0x218: {  	v54 =	vmul.f32 v54, v36  }
0x219: {  	[tilespmem:v53+s20+$0x0] =	vst.idx.msk $0xffff, v52;
	v52 =	vld [tilespmem:s13+$0x10];
	v62 =	vmul.f32 v58, v36  }
0x21a: {  	v58 =	vld [tilespmem:s13+$0xFFFFFFD0];
	[tilespmem:v59+s20+$0x0] =	vst.idx.msk $0xffff, v54  }
0x21b: {  	v54 =	vor.u32 v33, v42;
	v59 =	vld [tilespmem:s14+$0x10];
	[tilespmem:v60+s20+$0x0] =	vst.idx.msk $0xffff, v62  }
0x21c: {  	v53 =	vor.u32 v33, v43;
	v60 =	vld [tilespmem:s14+$0xFFFFFFD0]  }
0x21d: {  	[tilespmem:v50+s20+$0x0] =	vst.idx.msk $0xffff, v55;
	v49 =	vmul.f32 v49, v36;
	v50 =	vor.u32 v33, v44  }
0x21e: {  	[tilespmem:v48+s20+$0x0] =	vst.idx.msk $0xffff, v56;
	v63 =	vmul.f32 v52, v36;
	v52 =	vor.u32 v33, v57  }
0x21f: {  	[tilespmem:v51+s20+$0x0] =	vst.idx.msk $0xffff, v49;
	v49 =	vld [tilespmem:s11+$0x20];
	v61 =	vmul.f32 v58, v36  }
0x220: {  	v39 =	vor.u32 v35, v39;
	v55 =	vld [tilespmem:s11+$0xFFFFFFE0];
	[tilespmem:v54+s20+$0x0] =	vst.idx.msk $0xffff, v63;
	v62 =	vmul.f32 v59, v36  }
0x221: {  	v54 =	vor.u32 v34, v40;
	v56 =	vld [tilespmem:s13+$0x20];
	[tilespmem:v53+s20+$0x0] =	vst.idx.msk $0xffff, v61;
	v63 =	vmul.f32 v60, v36  }
0x222: {  	v45 =	vmul.f32 v45, v36;
	v53 =	vor.u32 v34, v41;
	[tilespmem:v50+s20+$0x0] =	vst.idx.msk $0xffff, v62;
	v60 =	vld [tilespmem:s13+$0xFFFFFFE0]  }
0x223: {  	v48 =	vor.u32 v34, v42;
	v46 =	vmul.f32 v46, v36;
	v50 =	vld [tilespmem:s14+$0x20];
	[tilespmem:v52+s20+$0x0] =	vst.idx.msk $0xffff, v63  }
0x224: {  	[tilespmem:v47+s20+$0x0] =	vst.idx.msk $0xffff, v45;
	v47 =	vor.u32 v34, v43;
	v61 =	vmul.f32 v49, v36;
	v49 =	vld [tilespmem:s14+$0xFFFFFFE0]  }
0x225: {  	v51 =	vld [tilespmem:s12+$0x30];
	[tilespmem:v39+s20+$0x0] =	vst.idx.msk $0xffff, v46;
	v46 =	vor.u32 v34, v44;
	v62 =	vmul.f32 v55, v36  }
0x226: {  	[tilespmem:v54+s20+$0x0] =	vst.idx.msk $0xffff, v61;
	v54 =	vor.u32 v34, v57;
	v52 =	vld [tilespmem:s12+$0xFFFFFFF0];
	v63 =	vmul.f32 v56, v36  }
0x227: {  	v37 =	vor.u32 v35, v37;
	v59 =	vld [tilespmem:s11+$0x30];
	[tilespmem:v53+s20+$0x0] =	vst.idx.msk $0xffff, v62;
	v60 =	vmul.f32 v60, v36  }
0x228: {  	v38 =	vor.u32 v35, v38;
	v53 =	vld [tilespmem:s11+$0xFFFFFFF0];
	[tilespmem:v48+s20+$0x0] =	vst.idx.msk $0xffff, v63;
	v61 =	vmul.f32 v50, v36  }
0x229: {  	v40 =	vor.u32 v35, v40;
	v48 =	vld [tilespmem:s13+$0x30];
	[tilespmem:v47+s20+$0x0] =	vst.idx.msk $0xffff, v60;
	v62 =	vmul.f32 v49, v36  }
0x22a: {  	v41 =	vor.u32 v35, v41;
	v63 =	vmul.f32 v51, v36;
	[tilespmem:v46+s20+$0x0] =	vst.idx.msk $0xffff, v61;
	v49 =	vld [tilespmem:s13+$0xFFFFFFF0]  }
0x22b: {  	v58 =	vor.u32 v35, v42;
	v56 =	vmul.f32 v52, v36;
	v46 =	vld [tilespmem:s14+$0x30];
	[tilespmem:v54+s20+$0x0] =	vst.idx.msk $0xffff, v62  }
0x22c: {  	[tilespmem:v37+s20+$0x0] =	vst.idx.msk $0xffff, v63;
	v59 =	vmul.f32 v59, v36;
	v60 =	vor.u32 v35, v43;
	v61 =	vld [tilespmem:s14+$0xFFFFFFF0]  }
0x22d: {  	v63 =	vor.u32 v35, v44;
	[tilespmem:v38+s20+$0x0] =	vst.idx.msk $0xffff, v56;
	v62 =	vmul.f32 v53, v36  }
0x22e: {  	v50 =	vor.u32 v35, v57;
	[tilespmem:v40+s20+$0x0] =	vst.idx.msk $0xffff, v59;
	v48 =	vmul.f32 v48, v36  }
0x22f: {  	[tilespmem:v41+s20+$0x0] =	vst.idx.msk $0xffff, v62;
	v51 =	vmul.f32 v49, v36  }
0x230: {  	[tilespmem:v58+s20+$0x0] =	vst.idx.msk $0xffff, v48;
	v52 =	vmul.f32 v46, v36  }
0x231: {  	[tilespmem:v60+s20+$0x0] =	vst.idx.msk $0xffff, v51;
	v53 =	vmul.f32 v61, v36  }
0x232: {  	[tilespmem:v63+s20+$0x0] =	vst.idx.msk $0xffff, v52  }
0x233: {  	s7 =	simm.s32 $0x11400;
	s8 =	simm.s32 $0x7300;
	[tilespmem:v50+s20+$0x0] =	vst.idx.msk $0xffff, v53  }
0x234: {  	[tilespmem:s7], [sflag:$0x3] =	stream.indirect.gather [hbm4b:s3+s17], $0x40, s8, s17, $0xb8;
	[tilespmem:$0x1D410] =	vst v63  }
0x235: {  	_ = 	snop  }
0x236: {  	[hbm4b:s9+s30] =	stream.strided.scatter [tilespmem:s20], [sflag:$0x7], $0x2000, s31, s30, $0x38;
	[tilespmem:$0x1D410] =	vst v63  }
0x237: {  	s25 =	simm.s32 $0x1;
	_ =	swait.ge [sflag:s29], $0x2000  }
0x238: {  	v54 =	vmov s25;
	[sflag:s29] =	ssyncset.done $0x0  }
0x239: {  	v37 =	vand.u32 $0x7F, v54;
	s8 =	simm.s32 $0x13440;
	[sflag:s29] =	ssyncadd.s32 $0xFFFFE000  }
0x23a: {  	v44 =	vbroadcast v37, $0x0;
	v55 =	vld [tilespmem:s8+$0x0]  }
0x23b: {  	s12 =	simm.s32 $0x0  }
0x23c: {  	v56 =	vmov s12;
	v57 =	vor.u32 v29, v44  }
0x23d: {  	v37 =	vand.u32 $0x7E, v56  }
0x23e: {  	s13 =	simm.s32 $0x3;
	v39 =	vbroadcast v37, $0x0;
	v58 =	vld [tilespmem:s8+$0xFFFFFFC0]  }
0x23f: {  	v60 =	vmov s13;
	v59 =	vmul.f32 v55, v36  }
0x240: {  	s12 =	simm.s32 $0x134C0;
	v61 =	vor.u32 v29, v39;
	v38 =	vand.u32 $0x7F, v60  }
0x241: {  	s16 =	simm.s32 $0x2;
	v37 =	vbroadcast v38, $0x0;
	v62 =	vld [tilespmem:s12+$0x0];
	[tilespmem:v57+s15+$0x0] =	vst.idx.msk $0xffff, v59  }
0x242: {  	v52 =	vmov s16;
	v63 =	vld [tilespmem:s8+$0x10]  }
0x243: {  	v38 =	vand.u32 $0x7E, v52;
	v53 =	vor.u32 v29, v37;
	v41 =	vmul.f32 v58, v36  }
0x244: {  	v54 =	vor.u32 v33, v44;
	v38 =	vbroadcast v38, $0x0;
	v55 =	vld [tilespmem:s12+$0xFFFFFFC0]  }
0x245: {  	s19 =	simm.s32 $0x5;
	[tilespmem:v61+s15+$0x0] =	vst.idx.msk $0xffff, v41  }
0x246: {  	v56 =	vmov s19;
	v40 =	vmul.f32 v62, v36;
	v57 =	vor.u32 v29, v38;
	v41 =	vld [tilespmem:s8+$0xFFFFFFD0]  }
0x247: {  	s11 =	simm.s32 $0x13540;
	v42 =	vand.u32 $0x7F, v56;
	v43 =	vmul.f32 v63, v36  }
0x248: {  	s21 =	simm.s32 $0x4;
	v45 =	vor.u32 v33, v39;
	v49 =	vld [tilespmem:s11+$0x0];
	[tilespmem:v53+s15+$0x0] =	vst.idx.msk $0xffff, v40;
	v40 =	vbroadcast v42, $0x0  }
0x249: {  	v59 =	vmov s21;
	v58 =	vmul.f32 v55, v36;
	[tilespmem:v54+s15+$0x0] =	vst.idx.msk $0xffff, v43;
	v43 =	vld [tilespmem:s12+$0x10]  }
0x24a: {  	v46 =	vand.u32 $0x7E, v59;
	v47 =	vor.u32 v29, v40;
	v60 =	vld [tilespmem:s8+$0x20]  }
0x24b: {  	v61 =	vld [tilespmem:s11+$0xFFFFFFC0];
	[tilespmem:v57+s15+$0x0] =	vst.idx.msk $0xffff, v58;
	v57 =	vor.u32 v33, v37;
	v56 =	vmul.f32 v41, v36;
	v41 =	vbroadcast v46, $0x0  }
0x24c: {  	s22 =	simm.s32 $0x7;
	v62 =	vor.u32 v34, v44  }
0x24d: {  	v59 =	vmov s22;
	v58 =	vmul.f32 v49, v36;
	v63 =	vld [tilespmem:s12+$0xFFFFFFD0];
	[tilespmem:v45+s15+$0x0] =	vst.idx.msk $0xffff, v56;
	v49 =	vor.u32 v29, v41  }
0x24e: {  	s13 =	simm.s32 $0x135C0;
	v45 =	vand.u32 $0x7F, v59;
	v51 =	vld [tilespmem:s8+$0xFFFFFFE0];
	v43 =	vmul.f32 v43, v36  }
0x24f: {  	v55 =	vld [tilespmem:s13+$0x0];
	[tilespmem:v47+s15+$0x0] =	vst.idx.msk $0xffff, v58;
	v54 =	vor.u32 v33, v38;
	v42 =	vbroadcast v45, $0x0;
	v60 =	vmul.f32 v60, v36  }
0x250: {  	v61 =	vmul.f32 v61, v36;
	v56 =	vld [tilespmem:s11+$0x10];
	v45 =	vor.u32 v34, v39;
	[tilespmem:v57+s15+$0x0] =	vst.idx.msk $0xffff, v43  }
0x251: {  	s23 =	simm.s32 $0x6;
	v47 =	vor.u32 v29, v42;
	[tilespmem:v62+s15+$0x0] =	vst.idx.msk $0xffff, v60;
	v57 =	vld [tilespmem:s12+$0x20]  }
0x252: {  	v63 =	vmul.f32 v63, v36;
	[tilespmem:v49+s15+$0x0] =	vst.idx.msk $0xffff, v61;
	v62 =	vmov s23;
	v60 =	vor.u32 v33, v40;
	v61 =	vld [tilespmem:s8+$0x30]  }
0x253: {  	s16 =	simm.s32 $0x13640;
	v50 =	vor.u32 v34, v37;
	v52 =	vld [tilespmem:s13+$0xFFFFFFC0];
	v51 =	vmul.f32 v51, v36;
	v46 =	vand.u32 $0x7E, v62  }
0x254: {  	s25 =	simm.s32 $0x9;
	v48 =	vor.u32 v35, v44;
	[tilespmem:v54+s15+$0x0] =	vst.idx.msk $0xffff, v63;
	v54 =	vld [tilespmem:s16+$0x0];
	v62 =	vmul.f32 v55, v36;
	v43 =	vbroadcast v46, $0x0  }
0x255: {  	v63 =	vmov s25;
	v56 =	vmul.f32 v56, v36;
	v49 =	vld [tilespmem:s11+$0xFFFFFFD0];
	[tilespmem:v45+s15+$0x0] =	vst.idx.msk $0xffff, v51;
	v51 =	vor.u32 v33, v41  }
0x256: {  	v44 =	vand.u32 $0x7F, v63;
	v45 =	vld [tilespmem:s12+$0xFFFFFFE0];
	[tilespmem:v47+s15+$0x0] =	vst.idx.msk $0xffff, v62;
	v53 =	vor.u32 v29, v43;
	v55 =	vmul.f32 v57, v36  }
0x257: {  	s14 =	simm.s32 $0x13640;
	s19 =	simm.s32 $0xA;
	s21 =	simm.s32 $0x8;
	v44 =	vbroadcast v44, $0x0;
	v46 =	vld [tilespmem:s8+$0xFFFFFFF0];
	v47 =	vor.u32 v34, v38;
	[tilespmem:v60+s15+$0x0] =	vst.idx.msk $0xffff, v56;
	v56 =	vmul.f32 v61, v36  }
.LBB2_10:
0x258: {  	v52 =	vmul.f32 v52, v36;
	v57 =	vld [tilespmem:s13+$0x10];
	[tilespmem:v50+s15+$0x0] =	vst.idx.msk $0xffff, v55  }
0x259: {  	p0 =	slt.u32 s19, $0x7E;
	v55 =	vor.u32 v35, v39;
	v39 =	vmovc v38;
	v38 =	vmovc v41;
	v41 =	vmov v43;
	v58 =	vmov v42  }
0x25a: {  	v43 =	vmov s21;
	s21 =	smov.u32 s19;
	v59 =	vor.u32 v29, v44;
	v49 =	vmul.f32 v49, v36;
	v60 =	vld [tilespmem:s11+$0x20];
	[tilespmem:v48+s15+$0x0] =	vst.idx.msk $0xffff, v56;
	v42 =	vmovc v44  }
0x25b: {  	v43 =	vand.u32 $0x7E, v43;
	v56 =	vor.u32 v33, v58;
	[tilespmem:v53+s15+$0x0] =	vst.idx.msk $0xffff, v52;
	v44 =	vmul.f32 v45, v36;
	v61 =	vld [tilespmem:s12+$0x30]  }
.Ltmp4:
0x25c: {  	v50 =	vor.u32 v34, v40;
	v43 =	vbroadcast v43, $0x0;
	v52 =	vld [tilespmem:s16+$0xFFFFFFC0];
	[tilespmem:v51+s15+$0x0] =	vst.idx.msk $0xffff, v49;
	v46 =	vmul.f32 v46, v36;
	(pc) =	sbr.rel @p0 .LBB2_10-.Ltmp4, $4  }
0x25d: {  	s7 =	sadd.s32 $0x1, s19;
	v48 =	vor.u32 v35, v37;
	v37 =	vmov v40;
	v51 =	vmul.f32 v54, v36;
	v49 =	vld [tilespmem:s13+$0xFFFFFFD0];
	[tilespmem:v47+s15+$0x0] =	vst.idx.msk $0xffff, v44  }
0x25e: {  	v40 =	vmovc v58;
	v44 =	vmov s7;
	v53 =	vor.u32 v29, v43;
	v47 =	vmul.f32 v57, v36;
	v45 =	vld [tilespmem:s11+$0xFFFFFFE0];
	[tilespmem:v55+s15+$0x0] =	vst.idx.msk $0xffff, v46  }
0x25f: {  	s16 =	sadd.s32 $0x80, s16;
	v44 =	vand.u32 $0x7F, v44;
	[tilespmem:v59+s15+$0x0] =	vst.idx.msk $0xffff, v51;
	v51 =	vor.u32 v33, v41;
	v55 =	vmul.f32 v60, v36;
	v46 =	vld [tilespmem:s12+$0xFFFFFFF0];
	s12 =	smov.u32 s11;
	s11 =	smov.u32 s13  }
0x260: {  	s19 =	sadd.s32 $0x2, s19;
	v44 =	vbroadcast v44, $0x0;
	s13 =	smov.u32 s14;
	s14 =	smov.u32 s16;
	v54 =	vld [tilespmem:s16+$0x0];
	[tilespmem:v56+s15+$0x0] =	vst.idx.msk $0xffff, v47;
	v47 =	vor.u32 v34, v38;
	v56 =	vmul.f32 v61, v36  }
0x261: {  	v57 =	vmov s21  }
0x262: {  	v57 =	vand.u32 $0x7E, v57  }
0x263: {  	v58 =	vld [tilespmem:s16+$0xFFFFFFC0];
	v57 =	vbroadcast v57, $0x0  }
0x264: {  	v59 =	vor.u32 v29, v44  }
0x265: {  	v60 =	vor.u32 v29, v57  }
0x266: {  	v52 =	vmul.f32 v52, v36  }
0x267: {  	v54 =	vmul.f32 v54, v36  }
0x268: {  	[tilespmem:v53+s15+$0x0] =	vst.idx.msk $0xffff, v52;
	v52 =	vld [tilespmem:s13+$0x10];
	v62 =	vmul.f32 v58, v36  }
0x269: {  	v58 =	vld [tilespmem:s13+$0xFFFFFFD0];
	[tilespmem:v59+s15+$0x0] =	vst.idx.msk $0xffff, v54  }
0x26a: {  	v54 =	vor.u32 v33, v42;
	v59 =	vld [tilespmem:s14+$0x10];
	[tilespmem:v60+s15+$0x0] =	vst.idx.msk $0xffff, v62  }
0x26b: {  	v53 =	vor.u32 v33, v43;
	v60 =	vld [tilespmem:s14+$0xFFFFFFD0]  }
0x26c: {  	[tilespmem:v50+s15+$0x0] =	vst.idx.msk $0xffff, v55;
	v49 =	vmul.f32 v49, v36;
	v50 =	vor.u32 v33, v44  }
0x26d: {  	[tilespmem:v48+s15+$0x0] =	vst.idx.msk $0xffff, v56;
	v63 =	vmul.f32 v52, v36;
	v52 =	vor.u32 v33, v57  }
0x26e: {  	[tilespmem:v51+s15+$0x0] =	vst.idx.msk $0xffff, v49;
	v49 =	vld [tilespmem:s11+$0x20];
	v61 =	vmul.f32 v58, v36  }
0x26f: {  	v39 =	vor.u32 v35, v39;
	v55 =	vld [tilespmem:s11+$0xFFFFFFE0];
	[tilespmem:v54+s15+$0x0] =	vst.idx.msk $0xffff, v63;
	v62 =	vmul.f32 v59, v36  }
0x270: {  	v54 =	vor.u32 v34, v40;
	v56 =	vld [tilespmem:s13+$0x20];
	[tilespmem:v53+s15+$0x0] =	vst.idx.msk $0xffff, v61;
	v63 =	vmul.f32 v60, v36  }
0x271: {  	v45 =	vmul.f32 v45, v36;
	v53 =	vor.u32 v34, v41;
	v58 =	vld [tilespmem:s13+$0xFFFFFFE0];
	[tilespmem:v50+s15+$0x0] =	vst.idx.msk $0xffff, v62  }
0x272: {  	v48 =	vor.u32 v34, v42;
	v46 =	vmul.f32 v46, v36;
	v50 =	vld [tilespmem:s14+$0x20];
	[tilespmem:v52+s15+$0x0] =	vst.idx.msk $0xffff, v63  }
0x273: {  	[tilespmem:v47+s15+$0x0] =	vst.idx.msk $0xffff, v45;
	v47 =	vor.u32 v34, v43;
	v59 =	vmul.f32 v49, v36;
	v60 =	vld [tilespmem:s14+$0xFFFFFFE0]  }
0x274: {  	[tilespmem:v39+s15+$0x0] =	vst.idx.msk $0xffff, v46;
	v46 =	vor.u32 v34, v44;
	v61 =	vld [tilespmem:s12+$0x30];
	v62 =	vmul.f32 v55, v36  }
0x275: {  	[tilespmem:v54+s15+$0x0] =	vst.idx.msk $0xffff, v59;
	v54 =	vor.u32 v34, v57;
	v52 =	vld [tilespmem:s12+$0xFFFFFFF0];
	v63 =	vmul.f32 v56, v36  }
0x276: {  	v37 =	vor.u32 v35, v37;
	v55 =	vld [tilespmem:s11+$0x30];
	[tilespmem:v53+s15+$0x0] =	vst.idx.msk $0xffff, v62;
	v56 =	vmul.f32 v58, v36  }
0x277: {  	v38 =	vor.u32 v35, v38;
	v53 =	vld [tilespmem:s11+$0xFFFFFFF0];
	[tilespmem:v48+s15+$0x0] =	vst.idx.msk $0xffff, v63;
	v58 =	vmul.f32 v50, v36  }
0x278: {  	v59 =	vor.u32 v35, v40;
	v48 =	vld [tilespmem:s13+$0x30];
	[tilespmem:v47+s15+$0x0] =	vst.idx.msk $0xffff, v56;
	v60 =	vmul.f32 v60, v36  }
0x279: {  	v61 =	vmul.f32 v61, v36;
	v62 =	vor.u32 v35, v41;
	v63 =	vld [tilespmem:s13+$0xFFFFFFF0];
	[tilespmem:v46+s15+$0x0] =	vst.idx.msk $0xffff, v58  }
0x27a: {  	v51 =	vor.u32 v35, v42;
	v50 =	vmul.f32 v52, v36;
	v46 =	vld [tilespmem:s14+$0x30];
	[tilespmem:v54+s15+$0x0] =	vst.idx.msk $0xffff, v60  }
0x27b: {  	[tilespmem:v37+s15+$0x0] =	vst.idx.msk $0xffff, v61;
	v52 =	vmul.f32 v55, v36;
	v54 =	vor.u32 v35, v43;
	v55 =	vld [tilespmem:s14+$0xFFFFFFF0]  }
0x27c: {  	v58 =	vor.u32 v35, v44;
	v56 =	vmul.f32 v53, v36;
	[tilespmem:v38+s15+$0x0] =	vst.idx.msk $0xffff, v50  }
0x27d: {  	[tilespmem:v59+s15+$0x0] =	vst.idx.msk $0xffff, v52;
	v59 =	vmul.f32 v48, v36;
	v60 =	vor.u32 v35, v57  }
0x27e: {  	[tilespmem:v62+s15+$0x0] =	vst.idx.msk $0xffff, v56;
	v61 =	vmul.f32 v63, v36  }
0x27f: {  	[tilespmem:v51+s15+$0x0] =	vst.idx.msk $0xffff, v59;
	v62 =	vmul.f32 v46, v36  }
0x280: {  	[tilespmem:v54+s15+$0x0] =	vst.idx.msk $0xffff, v61;
	v63 =	vmul.f32 v55, v36  }
0x281: {  	[tilespmem:v58+s15+$0x0] =	vst.idx.msk $0xffff, v62  }
0x282: {  	s7 =	simm.s32 $0x13400;
	s8 =	simm.s32 $0x7380;
	[tilespmem:v60+s15+$0x0] =	vst.idx.msk $0xffff, v63  }
0x283: {  	[tilespmem:s7], [sflag:$0x4] =	stream.indirect.gather [hbm4b:s3+s17], $0x40, s8, s17, $0xb8;
	[tilespmem:$0x1D410] =	vst v63  }
0x284: {  	s12 =	simm.s32 $0x0;
	s13 =	simm.s32 $0x0;
	s25 =	rddreg [dreg:$0x6]  }
0x285: {  	[hbm4b:s25+s30] =	stream.strided.scatter [tilespmem:s15], [sflag:$0x8], $0x2000, s31, s30, $0x38;
	[tilespmem:$0x1D410] =	vst v63  }
.LBB2_12:
0x286: {  	_ =	swait.ge [sflag:s26], $0x2000  }
0x287: {  	[sflag:s26] =	ssyncset.done $0x0  }
0x288: {  	[sflag:s26] =	ssyncadd.s32 $0xFFFFE000  }
0x289: {  	s7 =	simm.s32 $0x1;
	_ =	swait.ge [sflag:s24], $0x2000  }
0x28a: {  	v37 =	vmov s7;
	[sflag:s24] =	ssyncset.done $0x0  }
0x28b: {  	s19 =	simm.s32 $0xD440;
	v37 =	vand.u32 $0x7F, v37;
	[sflag:s24] =	ssyncadd.s32 $0xFFFFE000  }
0x28c: {  	v44 =	vbroadcast v37, $0x0;
	v38 =	vld [tilespmem:s19+$0x0];
	_ =	sdelay $0x1  }
0x28d: {  	v57 =	vmov s12;
	v40 =	vor.u32 v29, v44  }
0x28e: {  	v37 =	vand.u32 $0x7E, v57  }
0x28f: {  	s8 =	simm.s32 $0x3;
	v39 =	vbroadcast v37, $0x0;
	v41 =	vld [tilespmem:s19+$0xFFFFFFC0]  }
0x290: {  	v59 =	vmov s8;
	v58 =	vmul.f32 v38, v36  }
0x291: {  	s14 =	simm.s32 $0xD4C0;
	v42 =	vor.u32 v29, v39;
	v38 =	vand.u32 $0x7F, v59  }
0x292: {  	s11 =	simm.s32 $0x2;
	v60 =	vld [tilespmem:s14+$0x0];
	v37 =	vbroadcast v38, $0x0;
	[tilespmem:v40+s28+$0x0] =	vst.idx.msk $0xffff, v58  }
0x293: {  	v61 =	vmov s11;
	v43 =	vld [tilespmem:s19+$0x10]  }
0x294: {  	v41 =	vmul.f32 v41, v36;
	v38 =	vand.u32 $0x7E, v61;
	v45 =	vor.u32 v29, v37  }
0x295: {  	v46 =	vor.u32 v33, v44;
	v47 =	vld [tilespmem:s14+$0xFFFFFFC0];
	v38 =	vbroadcast v38, $0x0  }
0x296: {  	s16 =	simm.s32 $0x5;
	[tilespmem:v42+s28+$0x0] =	vst.idx.msk $0xffff, v41  }
0x297: {  	v62 =	vmov s16;
	v40 =	vmul.f32 v60, v36;
	v41 =	vld [tilespmem:s19+$0xFFFFFFD0];
	v48 =	vor.u32 v29, v38  }
0x298: {  	s11 =	simm.s32 $0xD540;
	v42 =	vand.u32 $0x7F, v62;
	v43 =	vmul.f32 v43, v36  }
0x299: {  	v63 =	vor.u32 v33, v39;
	v49 =	vld [tilespmem:s11+$0x0];
	[tilespmem:v45+s28+$0x0] =	vst.idx.msk $0xffff, v40;
	v40 =	vbroadcast v42, $0x0  }
0x29a: {  	s21 =	simm.s32 $0x4;
	v55 =	vmul.f32 v47, v36;
	v56 =	vld [tilespmem:s14+$0x10];
	[tilespmem:v46+s28+$0x0] =	vst.idx.msk $0xffff, v43  }
0x29b: {  	v57 =	vmov s21;
	v58 =	vor.u32 v29, v40;
	v50 =	vld [tilespmem:s19+$0x20]  }
0x29c: {  	v59 =	vor.u32 v33, v37;
	v51 =	vmul.f32 v41, v36;
	[tilespmem:v48+s28+$0x0] =	vst.idx.msk $0xffff, v55;
	v46 =	vand.u32 $0x7E, v57  }
0x29d: {  	s22 =	simm.s32 $0x7;
	v53 =	vld [tilespmem:s14+$0xFFFFFFD0];
	v41 =	vbroadcast v46, $0x0;
	v46 =	vor.u32 v34, v44  }
0x29e: {  	v52 =	vld [tilespmem:s11+$0xFFFFFFC0];
	v61 =	vmov s22;
	v60 =	vmul.f32 v49, v36;
	[tilespmem:v63+s28+$0x0] =	vst.idx.msk $0xffff, v51  }
0x29f: {  	s16 =	simm.s32 $0xD5C0;
	v54 =	vor.u32 v33, v38;
	v45 =	vand.u32 $0x7F, v61;
	v51 =	vld [tilespmem:s19+$0xFFFFFFE0];
	v43 =	vmul.f32 v56, v36  }
0x2a0: {  	v55 =	vld [tilespmem:s16+$0x0];
	v42 =	vbroadcast v45, $0x0;
	v49 =	vor.u32 v29, v41;
	[tilespmem:v58+s28+$0x0] =	vst.idx.msk $0xffff, v60;
	v62 =	vmul.f32 v50, v36  }
0x2a1: {  	v45 =	vor.u32 v34, v39;
	[tilespmem:v59+s28+$0x0] =	vst.idx.msk $0xffff, v43;
	v56 =	vld [tilespmem:s11+$0x10]  }
0x2a2: {  	s23 =	simm.s32 $0x6;
	v60 =	vor.u32 v29, v42;
	v61 =	vmul.f32 v53, v36;
	v57 =	vld [tilespmem:s14+$0x20];
	[tilespmem:v46+s28+$0x0] =	vst.idx.msk $0xffff, v62  }
0x2a3: {  	v63 =	vmul.f32 v52, v36;
	v52 =	vmov s23;
	v58 =	vor.u32 v33, v40;
	v59 =	vld [tilespmem:s19+$0x30]  }
0x2a4: {  	s21 =	simm.s32 $0xD640;
	v51 =	vmul.f32 v51, v36;
	v50 =	vor.u32 v34, v37;
	[tilespmem:v54+s28+$0x0] =	vst.idx.msk $0xffff, v61;
	v46 =	vand.u32 $0x7E, v52;
	v52 =	vld [tilespmem:s16+$0xFFFFFFC0]  }
0x2a5: {  	s25 =	simm.s32 $0x9;
	v47 =	vor.u32 v34, v38;
	v54 =	vld [tilespmem:s21+$0x0];
	[tilespmem:v49+s28+$0x0] =	vst.idx.msk $0xffff, v63;
	v62 =	vmul.f32 v55, v36;
	v43 =	vbroadcast v46, $0x0  }
0x2a6: {  	v48 =	vor.u32 v35, v44;
	[tilespmem:v45+s28+$0x0] =	vst.idx.msk $0xffff, v51;
	v63 =	vmov s25;
	v49 =	vld [tilespmem:s11+$0xFFFFFFD0];
	v56 =	vmul.f32 v56, v36  }
0x2a7: {  	v45 =	vld [tilespmem:s14+$0xFFFFFFE0];
	v44 =	vand.u32 $0x7F, v63;
	[tilespmem:v60+s28+$0x0] =	vst.idx.msk $0xffff, v62;
	v53 =	vor.u32 v29, v43;
	v55 =	vmul.f32 v57, v36  }
0x2a8: {  	s22 =	simm.s32 $0xA;
	s23 =	simm.s32 $0x8;
	v51 =	vor.u32 v33, v41;
	v46 =	vld [tilespmem:s19+$0xFFFFFFF0];
	s19 =	simm.s32 $0xD640;
	v44 =	vbroadcast v44, $0x0;
	[tilespmem:v58+s28+$0x0] =	vst.idx.msk $0xffff, v56;
	v56 =	vmul.f32 v59, v36  }
.LBB2_13:
0x2a9: {  	v52 =	vmul.f32 v52, v36;
	v57 =	vld [tilespmem:s16+$0x10];
	[tilespmem:v50+s28+$0x0] =	vst.idx.msk $0xffff, v55  }
0x2aa: {  	p0 =	slt.u32 s22, $0x7E;
	v55 =	vor.u32 v35, v39;
	v39 =	vmovc v38;
	v38 =	vmovc v41;
	v41 =	vmov v43;
	v58 =	vmov v42  }
0x2ab: {  	v43 =	vmov s23;
	s23 =	smov.u32 s22;
	v59 =	vor.u32 v29, v44;
	v49 =	vmul.f32 v49, v36;
	v60 =	vld [tilespmem:s11+$0x20];
	[tilespmem:v48+s28+$0x0] =	vst.idx.msk $0xffff, v56;
	v42 =	vmovc v44  }
0x2ac: {  	v43 =	vand.u32 $0x7E, v43;
	v56 =	vor.u32 v33, v58;
	[tilespmem:v53+s28+$0x0] =	vst.idx.msk $0xffff, v52;
	v44 =	vmul.f32 v45, v36;
	v61 =	vld [tilespmem:s14+$0x30]  }
.Ltmp5:
0x2ad: {  	v50 =	vor.u32 v34, v40;
	v43 =	vbroadcast v43, $0x0;
	v52 =	vld [tilespmem:s21+$0xFFFFFFC0];
	[tilespmem:v51+s28+$0x0] =	vst.idx.msk $0xffff, v49;
	v46 =	vmul.f32 v46, v36;
	(pc) =	sbr.rel @p0 .LBB2_13-.Ltmp5, $4  }
0x2ae: {  	s7 =	sadd.s32 $0x1, s22;
	v48 =	vor.u32 v35, v37;
	v37 =	vmov v40;
	v51 =	vmul.f32 v54, v36;
	v49 =	vld [tilespmem:s16+$0xFFFFFFD0];
	[tilespmem:v47+s28+$0x0] =	vst.idx.msk $0xffff, v44  }
0x2af: {  	v40 =	vmovc v58;
	v44 =	vmov s7;
	v53 =	vor.u32 v29, v43;
	v47 =	vmul.f32 v57, v36;
	v45 =	vld [tilespmem:s11+$0xFFFFFFE0];
	[tilespmem:v55+s28+$0x0] =	vst.idx.msk $0xffff, v46  }
0x2b0: {  	s21 =	sadd.s32 $0x80, s21;
	v44 =	vand.u32 $0x7F, v44;
	[tilespmem:v59+s28+$0x0] =	vst.idx.msk $0xffff, v51;
	v51 =	vor.u32 v33, v41;
	v55 =	vmul.f32 v60, v36;
	v46 =	vld [tilespmem:s14+$0xFFFFFFF0];
	s14 =	smov.u32 s11;
	s11 =	smov.u32 s16  }
0x2b1: {  	s22 =	sadd.s32 $0x2, s22;
	v44 =	vbroadcast v44, $0x0;
	s16 =	smov.u32 s19;
	s19 =	smov.u32 s21;
	v54 =	vld [tilespmem:s21+$0x0];
	[tilespmem:v56+s28+$0x0] =	vst.idx.msk $0xffff, v47;
	v47 =	vor.u32 v34, v38;
	v56 =	vmul.f32 v61, v36  }
0x2b2: {  	v57 =	vmov s23  }
0x2b3: {  	v57 =	vand.u32 $0x7E, v57  }
0x2b4: {  	v58 =	vld [tilespmem:s21+$0xFFFFFFC0];
	v57 =	vbroadcast v57, $0x0  }
0x2b5: {  	v59 =	vor.u32 v29, v44  }
0x2b6: {  	v60 =	vor.u32 v29, v57  }
0x2b7: {  	v52 =	vmul.f32 v52, v36  }
0x2b8: {  	v54 =	vmul.f32 v54, v36  }
0x2b9: {  	[tilespmem:v53+s28+$0x0] =	vst.idx.msk $0xffff, v52;
	v52 =	vld [tilespmem:s16+$0x10];
	v62 =	vmul.f32 v58, v36  }
0x2ba: {  	v58 =	vld [tilespmem:s16+$0xFFFFFFD0];
	[tilespmem:v59+s28+$0x0] =	vst.idx.msk $0xffff, v54  }
0x2bb: {  	v54 =	vor.u32 v33, v42;
	v59 =	vld [tilespmem:s19+$0x10];
	[tilespmem:v60+s28+$0x0] =	vst.idx.msk $0xffff, v62  }
0x2bc: {  	v53 =	vor.u32 v33, v43;
	v60 =	vld [tilespmem:s19+$0xFFFFFFD0]  }
0x2bd: {  	[tilespmem:v50+s28+$0x0] =	vst.idx.msk $0xffff, v55;
	v49 =	vmul.f32 v49, v36;
	v50 =	vor.u32 v33, v44  }
0x2be: {  	[tilespmem:v48+s28+$0x0] =	vst.idx.msk $0xffff, v56;
	v63 =	vmul.f32 v52, v36;
	v52 =	vor.u32 v33, v57  }
0x2bf: {  	[tilespmem:v51+s28+$0x0] =	vst.idx.msk $0xffff, v49;
	v49 =	vld [tilespmem:s11+$0x20];
	v61 =	vmul.f32 v58, v36  }
0x2c0: {  	v39 =	vor.u32 v35, v39;
	v55 =	vld [tilespmem:s11+$0xFFFFFFE0];
	[tilespmem:v54+s28+$0x0] =	vst.idx.msk $0xffff, v63;
	v62 =	vmul.f32 v59, v36  }
0x2c1: {  	v54 =	vor.u32 v34, v40;
	v56 =	vld [tilespmem:s16+$0x20];
	[tilespmem:v53+s28+$0x0] =	vst.idx.msk $0xffff, v61;
	v63 =	vmul.f32 v60, v36  }
0x2c2: {  	v45 =	vmul.f32 v45, v36;
	v53 =	vor.u32 v34, v41;
	[tilespmem:v50+s28+$0x0] =	vst.idx.msk $0xffff, v62;
	v60 =	vld [tilespmem:s16+$0xFFFFFFE0]  }
0x2c3: {  	v48 =	vor.u32 v34, v42;
	v46 =	vmul.f32 v46, v36;
	v50 =	vld [tilespmem:s19+$0x20];
	[tilespmem:v52+s28+$0x0] =	vst.idx.msk $0xffff, v63  }
0x2c4: {  	[tilespmem:v47+s28+$0x0] =	vst.idx.msk $0xffff, v45;
	v47 =	vor.u32 v34, v43;
	v61 =	vmul.f32 v49, v36;
	v49 =	vld [tilespmem:s19+$0xFFFFFFE0]  }
0x2c5: {  	v51 =	vld [tilespmem:s14+$0x30];
	[tilespmem:v39+s28+$0x0] =	vst.idx.msk $0xffff, v46;
	v46 =	vor.u32 v34, v44;
	v62 =	vmul.f32 v55, v36  }
0x2c6: {  	[tilespmem:v54+s28+$0x0] =	vst.idx.msk $0xffff, v61;
	v54 =	vor.u32 v34, v57;
	v52 =	vld [tilespmem:s14+$0xFFFFFFF0];
	v63 =	vmul.f32 v56, v36  }
0x2c7: {  	v37 =	vor.u32 v35, v37;
	v59 =	vld [tilespmem:s11+$0x30];
	[tilespmem:v53+s28+$0x0] =	vst.idx.msk $0xffff, v62;
	v60 =	vmul.f32 v60, v36  }
0x2c8: {  	v38 =	vor.u32 v35, v38;
	v53 =	vld [tilespmem:s11+$0xFFFFFFF0];
	[tilespmem:v48+s28+$0x0] =	vst.idx.msk $0xffff, v63;
	v61 =	vmul.f32 v50, v36  }
0x2c9: {  	v40 =	vor.u32 v35, v40;
	v48 =	vld [tilespmem:s16+$0x30];
	[tilespmem:v47+s28+$0x0] =	vst.idx.msk $0xffff, v60;
	v62 =	vmul.f32 v49, v36  }
0x2ca: {  	v41 =	vor.u32 v35, v41;
	v63 =	vmul.f32 v51, v36;
	[tilespmem:v46+s28+$0x0] =	vst.idx.msk $0xffff, v61;
	v49 =	vld [tilespmem:s16+$0xFFFFFFF0]  }
0x2cb: {  	v58 =	vor.u32 v35, v42;
	v56 =	vmul.f32 v52, v36;
	v46 =	vld [tilespmem:s19+$0x30];
	[tilespmem:v54+s28+$0x0] =	vst.idx.msk $0xffff, v62  }
0x2cc: {  	[tilespmem:v37+s28+$0x0] =	vst.idx.msk $0xffff, v63;
	v59 =	vmul.f32 v59, v36;
	v60 =	vor.u32 v35, v43;
	v61 =	vld [tilespmem:s19+$0xFFFFFFF0]  }
0x2cd: {  	v63 =	vor.u32 v35, v44;
	[tilespmem:v38+s28+$0x0] =	vst.idx.msk $0xffff, v56;
	v62 =	vmul.f32 v53, v36  }
0x2ce: {  	v50 =	vor.u32 v35, v57;
	[tilespmem:v40+s28+$0x0] =	vst.idx.msk $0xffff, v59;
	v48 =	vmul.f32 v48, v36  }
0x2cf: {  	[tilespmem:v41+s28+$0x0] =	vst.idx.msk $0xffff, v62;
	v51 =	vmul.f32 v49, v36  }
0x2d0: {  	s13 =	sadd.s32 $0x1, s13;
	[tilespmem:v58+s28+$0x0] =	vst.idx.msk $0xffff, v48;
	v52 =	vmul.f32 v46, v36  }
0x2d1: {  	s7 =	sshll.u32 s13, $0x9;
	[tilespmem:v60+s28+$0x0] =	vst.idx.msk $0xffff, v51;
	v53 =	vmul.f32 v61, v36  }
0x2d2: {  	s14 =	sand.u32 $0x3FFFFE00, s7;
	[tilespmem:v63+s28+$0x0] =	vst.idx.msk $0xffff, v52  }
0x2d3: {  	s8 =	simm.s32 $0xD400;
	s7 =	sadd.s32 $0x7200, s14;
	s16 =	sshll.u32 s13, $0x11;
	[tilespmem:v50+s28+$0x0] =	vst.idx.msk $0xffff, v53  }
0x2d4: {  	[tilespmem:s8], [sflag:$0x1] =	stream.indirect.gather [hbm4b:s3+s17], $0x40, s7, s17, $0xb8;
	[tilespmem:$0x1D410] =	vst v63  }
0x2d5: {  	s8 =	sadd.s32 s16, s5  }
0x2d6: {  	[hbm4b:s8+s30] =	stream.strided.scatter [tilespmem:s28], [sflag:$0x5], $0x2000, s31, s30, $0x38;
	[tilespmem:$0x1D410] =	vst v63  }
0x2d7: {  	_ =	swait.ge [sflag:s1], $0x2000  }
0x2d8: {  	[sflag:s1] =	ssyncset.done $0x0  }
0x2d9: {  	[sflag:s1] =	ssyncadd.s32 $0xFFFFE000  }
0x2da: {  	s11 =	simm.s32 $0x1;
	_ =	swait.ge [sflag:s4], $0x2000  }
0x2db: {  	v54 =	vmov s11;
	[sflag:s4] =	ssyncset.done $0x0  }
0x2dc: {  	s21 =	simm.s32 $0xF440;
	v37 =	vand.u32 $0x7F, v54;
	[sflag:s4] =	ssyncadd.s32 $0xFFFFE000  }
0x2dd: {  	v44 =	vbroadcast v37, $0x0;
	v55 =	vld [tilespmem:s21+$0x0]  }
0x2de: {  	s19 =	simm.s32 $0x0  }
0x2df: {  	v56 =	vmov s19;
	v57 =	vor.u32 v29, v44  }
0x2e0: {  	v37 =	vand.u32 $0x7E, v56  }
0x2e1: {  	s22 =	simm.s32 $0x3;
	v39 =	vbroadcast v37, $0x0;
	v58 =	vld [tilespmem:s21+$0xFFFFFFC0]  }
0x2e2: {  	v60 =	vmov s22;
	v59 =	vmul.f32 v55, v36  }
0x2e3: {  	s11 =	simm.s32 $0xF4C0;
	v61 =	vor.u32 v29, v39;
	v38 =	vand.u32 $0x7F, v60  }
0x2e4: {  	s23 =	simm.s32 $0x2;
	v37 =	vbroadcast v38, $0x0;
	v62 =	vld [tilespmem:s11+$0x0];
	[tilespmem:v57+s0+$0x0] =	vst.idx.msk $0xffff, v59  }
0x2e5: {  	v52 =	vmov s23;
	v63 =	vld [tilespmem:s21+$0x10]  }
0x2e6: {  	v38 =	vand.u32 $0x7E, v52;
	v53 =	vor.u32 v29, v37;
	v41 =	vmul.f32 v58, v36  }
0x2e7: {  	v54 =	vor.u32 v33, v44;
	v38 =	vbroadcast v38, $0x0;
	v55 =	vld [tilespmem:s11+$0xFFFFFFC0]  }
0x2e8: {  	s25 =	simm.s32 $0x5;
	[tilespmem:v61+s0+$0x0] =	vst.idx.msk $0xffff, v41  }
0x2e9: {  	v56 =	vmov s25;
	v40 =	vmul.f32 v62, v36;
	v57 =	vor.u32 v29, v38;
	v41 =	vld [tilespmem:s21+$0xFFFFFFD0]  }
0x2ea: {  	v42 =	vand.u32 $0x7F, v56;
	s22 =	simm.s32 $0xF540;
	v43 =	vmul.f32 v63, v36  }
0x2eb: {  	v45 =	vor.u32 v33, v39;
	s8 =	simm.s32 $0x4;
	v49 =	vld [tilespmem:s22+$0x0];
	[tilespmem:v53+s0+$0x0] =	vst.idx.msk $0xffff, v40;
	v40 =	vbroadcast v42, $0x0  }
0x2ec: {  	v59 =	vmov s8;
	v58 =	vmul.f32 v55, v36;
	[tilespmem:v54+s0+$0x0] =	vst.idx.msk $0xffff, v43;
	v43 =	vld [tilespmem:s11+$0x10]  }
0x2ed: {  	v46 =	vand.u32 $0x7E, v59;
	v47 =	vor.u32 v29, v40;
	v60 =	vld [tilespmem:s21+$0x20]  }
0x2ee: {  	v61 =	vld [tilespmem:s22+$0xFFFFFFC0];
	[tilespmem:v57+s0+$0x0] =	vst.idx.msk $0xffff, v58;
	v57 =	vor.u32 v33, v37;
	v56 =	vmul.f32 v41, v36;
	v41 =	vbroadcast v46, $0x0  }
0x2ef: {  	s19 =	simm.s32 $0x7;
	v62 =	vor.u32 v34, v44  }
0x2f0: {  	v59 =	vmov s19;
	v58 =	vmul.f32 v49, v36;
	v63 =	vld [tilespmem:s11+$0xFFFFFFD0];
	[tilespmem:v45+s0+$0x0] =	vst.idx.msk $0xffff, v56;
	v49 =	vor.u32 v29, v41  }
0x2f1: {  	s19 =	simm.s32 $0xF5C0;
	v45 =	vand.u32 $0x7F, v59;
	v51 =	vld [tilespmem:s21+$0xFFFFFFE0];
	v43 =	vmul.f32 v43, v36  }
0x2f2: {  	v55 =	vld [tilespmem:s19+$0x0];
	[tilespmem:v47+s0+$0x0] =	vst.idx.msk $0xffff, v58;
	v54 =	vor.u32 v33, v38;
	v42 =	vbroadcast v45, $0x0;
	v60 =	vmul.f32 v60, v36  }
0x2f3: {  	v61 =	vmul.f32 v61, v36;
	v56 =	vld [tilespmem:s22+$0x10];
	v45 =	vor.u32 v34, v39;
	[tilespmem:v57+s0+$0x0] =	vst.idx.msk $0xffff, v43  }
0x2f4: {  	s23 =	simm.s32 $0x6;
	v47 =	vor.u32 v29, v42;
	[tilespmem:v62+s0+$0x0] =	vst.idx.msk $0xffff, v60;
	v57 =	vld [tilespmem:s11+$0x20]  }
0x2f5: {  	v63 =	vmul.f32 v63, v36;
	[tilespmem:v49+s0+$0x0] =	vst.idx.msk $0xffff, v61;
	v62 =	vmov s23;
	v60 =	vor.u32 v33, v40;
	v61 =	vld [tilespmem:s21+$0x30]  }
0x2f6: {  	v50 =	vor.u32 v34, v37;
	v52 =	vld [tilespmem:s19+$0xFFFFFFC0];
	v51 =	vmul.f32 v51, v36;
	v46 =	vand.u32 $0x7E, v62  }
0x2f7: {  	s25 =	simm.s32 $0x9;
	v48 =	vor.u32 v35, v44;
	[tilespmem:v54+s0+$0x0] =	vst.idx.msk $0xffff, v63;
	v49 =	vld [tilespmem:s22+$0xFFFFFFD0];
	v62 =	vmul.f32 v55, v36;
	v43 =	vbroadcast v46, $0x0  }
0x2f8: {  	v63 =	vmov s25;
	v56 =	vmul.f32 v56, v36;
	[tilespmem:v45+s0+$0x0] =	vst.idx.msk $0xffff, v51;
	v45 =	vld [tilespmem:s11+$0xFFFFFFE0];
	s23 =	simm.s32 $0xF640;
	v51 =	vor.u32 v33, v41  }
0x2f9: {  	v44 =	vand.u32 $0x7F, v63;
	v54 =	vld [tilespmem:s23+$0x0];
	[tilespmem:v47+s0+$0x0] =	vst.idx.msk $0xffff, v62;
	v53 =	vor.u32 v29, v43;
	v55 =	vmul.f32 v57, v36  }
0x2fa: {  	s7 =	simm.s32 $0x8;
	s25 =	simm.s32 $0xA;
	v44 =	vbroadcast v44, $0x0;
	v46 =	vld [tilespmem:s21+$0xFFFFFFF0];
	s21 =	simm.s32 $0xF640;
	v47 =	vor.u32 v34, v38;
	[tilespmem:v60+s0+$0x0] =	vst.idx.msk $0xffff, v56;
	v56 =	vmul.f32 v61, v36  }
.LBB2_15:
0x2fb: {  	v52 =	vmul.f32 v52, v36;
	v57 =	vld [tilespmem:s19+$0x10];
	[tilespmem:v50+s0+$0x0] =	vst.idx.msk $0xffff, v55  }
0x2fc: {  	p0 =	slt.u32 s25, $0x7E;
	v55 =	vor.u32 v35, v39;
	v39 =	vmovc v38;
	v38 =	vmovc v41;
	v41 =	vmov v43;
	v58 =	vmov v42  }
0x2fd: {  	v43 =	vmov s7;
	s7 =	smov.u32 s25;
	v59 =	vor.u32 v29, v44;
	v49 =	vmul.f32 v49, v36;
	v60 =	vld [tilespmem:s22+$0x20];
	[tilespmem:v48+s0+$0x0] =	vst.idx.msk $0xffff, v56;
	v42 =	vmovc v44  }
0x2fe: {  	v43 =	vand.u32 $0x7E, v43;
	v56 =	vor.u32 v33, v58;
	[tilespmem:v53+s0+$0x0] =	vst.idx.msk $0xffff, v52;
	v44 =	vmul.f32 v45, v36;
	v61 =	vld [tilespmem:s11+$0x30]  }
.Ltmp6:
0x2ff: {  	v50 =	vor.u32 v34, v40;
	v43 =	vbroadcast v43, $0x0;
	v52 =	vld [tilespmem:s23+$0xFFFFFFC0];
	[tilespmem:v51+s0+$0x0] =	vst.idx.msk $0xffff, v49;
	v46 =	vmul.f32 v46, v36;
	(pc) =	sbr.rel @p0 .LBB2_15-.Ltmp6, $4  }
0x300: {  	s8 =	sadd.s32 $0x1, s25;
	v48 =	vor.u32 v35, v37;
	v37 =	vmov v40;
	v51 =	vmul.f32 v54, v36;
	v49 =	vld [tilespmem:s19+$0xFFFFFFD0];
	[tilespmem:v47+s0+$0x0] =	vst.idx.msk $0xffff, v44  }
0x301: {  	v40 =	vmovc v58;
	v44 =	vmov s8;
	v53 =	vor.u32 v29, v43;
	v47 =	vmul.f32 v57, v36;
	v45 =	vld [tilespmem:s22+$0xFFFFFFE0];
	[tilespmem:v55+s0+$0x0] =	vst.idx.msk $0xffff, v46  }
0x302: {  	s23 =	sadd.s32 $0x80, s23;
	v44 =	vand.u32 $0x7F, v44;
	[tilespmem:v59+s0+$0x0] =	vst.idx.msk $0xffff, v51;
	v51 =	vor.u32 v33, v41;
	v55 =	vmul.f32 v60, v36;
	v46 =	vld [tilespmem:s11+$0xFFFFFFF0];
	s11 =	smov.u32 s22;
	s22 =	smov.u32 s19  }
0x303: {  	s25 =	sadd.s32 $0x2, s25;
	v44 =	vbroadcast v44, $0x0;
	s19 =	smov.u32 s21;
	s21 =	smov.u32 s23;
	v54 =	vld [tilespmem:s23+$0x0];
	[tilespmem:v56+s0+$0x0] =	vst.idx.msk $0xffff, v47;
	v47 =	vor.u32 v34, v38;
	v56 =	vmul.f32 v61, v36  }
0x304: {  	v57 =	vmov s7  }
0x305: {  	v57 =	vand.u32 $0x7E, v57  }
0x306: {  	v58 =	vld [tilespmem:s23+$0xFFFFFFC0];
	v57 =	vbroadcast v57, $0x0  }
0x307: {  	v59 =	vor.u32 v29, v44  }
0x308: {  	v60 =	vor.u32 v29, v57  }
0x309: {  	v52 =	vmul.f32 v52, v36  }
0x30a: {  	v54 =	vmul.f32 v54, v36  }
0x30b: {  	[tilespmem:v53+s0+$0x0] =	vst.idx.msk $0xffff, v52;
	v52 =	vld [tilespmem:s19+$0x10];
	v62 =	vmul.f32 v58, v36  }
0x30c: {  	v58 =	vld [tilespmem:s19+$0xFFFFFFD0];
	[tilespmem:v59+s0+$0x0] =	vst.idx.msk $0xffff, v54  }
0x30d: {  	v54 =	vor.u32 v33, v42;
	v59 =	vld [tilespmem:s21+$0x10];
	[tilespmem:v60+s0+$0x0] =	vst.idx.msk $0xffff, v62  }
0x30e: {  	v53 =	vor.u32 v33, v43;
	v60 =	vld [tilespmem:s21+$0xFFFFFFD0]  }
0x30f: {  	[tilespmem:v50+s0+$0x0] =	vst.idx.msk $0xffff, v55;
	v49 =	vmul.f32 v49, v36;
	v50 =	vor.u32 v33, v44  }
0x310: {  	[tilespmem:v48+s0+$0x0] =	vst.idx.msk $0xffff, v56;
	v63 =	vmul.f32 v52, v36;
	v52 =	vor.u32 v33, v57  }
0x311: {  	[tilespmem:v51+s0+$0x0] =	vst.idx.msk $0xffff, v49;
	v49 =	vld [tilespmem:s22+$0x20];
	v61 =	vmul.f32 v58, v36  }
0x312: {  	v39 =	vor.u32 v35, v39;
	v55 =	vld [tilespmem:s22+$0xFFFFFFE0];
	[tilespmem:v54+s0+$0x0] =	vst.idx.msk $0xffff, v63;
	v62 =	vmul.f32 v59, v36  }
0x313: {  	v54 =	vor.u32 v34, v40;
	v56 =	vld [tilespmem:s19+$0x20];
	[tilespmem:v53+s0+$0x0] =	vst.idx.msk $0xffff, v61;
	v63 =	vmul.f32 v60, v36  }
0x314: {  	v45 =	vmul.f32 v45, v36;
	v53 =	vor.u32 v34, v41;
	[tilespmem:v50+s0+$0x0] =	vst.idx.msk $0xffff, v62;
	v60 =	vld [tilespmem:s19+$0xFFFFFFE0]  }
0x315: {  	v48 =	vor.u32 v34, v42;
	v46 =	vmul.f32 v46, v36;
	v50 =	vld [tilespmem:s21+$0x20];
	[tilespmem:v52+s0+$0x0] =	vst.idx.msk $0xffff, v63  }
0x316: {  	[tilespmem:v47+s0+$0x0] =	vst.idx.msk $0xffff, v45;
	v47 =	vor.u32 v34, v43;
	v61 =	vmul.f32 v49, v36;
	v49 =	vld [tilespmem:s21+$0xFFFFFFE0]  }
0x317: {  	v51 =	vld [tilespmem:s11+$0x30];
	[tilespmem:v39+s0+$0x0] =	vst.idx.msk $0xffff, v46;
	v46 =	vor.u32 v34, v44;
	v62 =	vmul.f32 v55, v36  }
0x318: {  	[tilespmem:v54+s0+$0x0] =	vst.idx.msk $0xffff, v61;
	v54 =	vor.u32 v34, v57;
	v52 =	vld [tilespmem:s11+$0xFFFFFFF0];
	v63 =	vmul.f32 v56, v36  }
0x319: {  	v37 =	vor.u32 v35, v37;
	v59 =	vld [tilespmem:s22+$0x30];
	[tilespmem:v53+s0+$0x0] =	vst.idx.msk $0xffff, v62;
	v60 =	vmul.f32 v60, v36  }
0x31a: {  	v38 =	vor.u32 v35, v38;
	v53 =	vld [tilespmem:s22+$0xFFFFFFF0];
	[tilespmem:v48+s0+$0x0] =	vst.idx.msk $0xffff, v63;
	v61 =	vmul.f32 v50, v36  }
0x31b: {  	v40 =	vor.u32 v35, v40;
	v48 =	vld [tilespmem:s19+$0x30];
	[tilespmem:v47+s0+$0x0] =	vst.idx.msk $0xffff, v60;
	v62 =	vmul.f32 v49, v36  }
0x31c: {  	v41 =	vor.u32 v35, v41;
	v63 =	vmul.f32 v51, v36;
	[tilespmem:v46+s0+$0x0] =	vst.idx.msk $0xffff, v61;
	v49 =	vld [tilespmem:s19+$0xFFFFFFF0]  }
0x31d: {  	v58 =	vor.u32 v35, v42;
	v56 =	vmul.f32 v52, v36;
	v46 =	vld [tilespmem:s21+$0x30];
	[tilespmem:v54+s0+$0x0] =	vst.idx.msk $0xffff, v62  }
0x31e: {  	[tilespmem:v37+s0+$0x0] =	vst.idx.msk $0xffff, v63;
	v59 =	vmul.f32 v59, v36;
	v60 =	vor.u32 v35, v43;
	v61 =	vld [tilespmem:s21+$0xFFFFFFF0]  }
0x31f: {  	v63 =	vor.u32 v35, v44;
	[tilespmem:v38+s0+$0x0] =	vst.idx.msk $0xffff, v56;
	v62 =	vmul.f32 v53, v36  }
0x320: {  	v50 =	vor.u32 v35, v57;
	[tilespmem:v40+s0+$0x0] =	vst.idx.msk $0xffff, v59;
	v48 =	vmul.f32 v48, v36  }
0x321: {  	[tilespmem:v41+s0+$0x0] =	vst.idx.msk $0xffff, v62;
	v51 =	vmul.f32 v49, v36  }
0x322: {  	[tilespmem:v58+s0+$0x0] =	vst.idx.msk $0xffff, v48;
	v52 =	vmul.f32 v46, v36  }
0x323: {  	[tilespmem:v60+s0+$0x0] =	vst.idx.msk $0xffff, v51;
	v53 =	vmul.f32 v61, v36  }
0x324: {  	[tilespmem:v63+s0+$0x0] =	vst.idx.msk $0xffff, v52  }
0x325: {  	s25 =	sadd.s32 $0x7280, s14;
	s8 =	simm.s32 $0xF400;
	[tilespmem:v50+s0+$0x0] =	vst.idx.msk $0xffff, v53  }
0x326: {  	[tilespmem:s8], [sflag:$0x2] =	stream.indirect.gather [hbm4b:s3+s17], $0x40, s25, s17, $0xb8;
	[tilespmem:$0x1D410] =	vst v63  }
0x327: {  	s8 =	rddreg [dreg:$0x5]  }
0x328: {  	s7 =	sadd.s32 s16, s8  }
0x329: {  	[hbm4b:s7+s30] =	stream.strided.scatter [tilespmem:s0], [sflag:$0x6], $0x2000, s31, s30, $0x38;
	[tilespmem:$0x1D410] =	vst v63  }
0x32a: {  	_ =	swait.ge [sflag:s18], $0x2000  }
0x32b: {  	[sflag:s18] =	ssyncset.done $0x0  }
0x32c: {  	[sflag:s18] =	ssyncadd.s32 $0xFFFFE000  }
0x32d: {  	s11 =	simm.s32 $0x1;
	_ =	swait.ge [sflag:s6], $0x2000  }
0x32e: {  	v54 =	vmov s11;
	[sflag:s6] =	ssyncset.done $0x0  }
0x32f: {  	s21 =	simm.s32 $0x11440;
	v37 =	vand.u32 $0x7F, v54;
	[sflag:s6] =	ssyncadd.s32 $0xFFFFE000  }
0x330: {  	v44 =	vbroadcast v37, $0x0;
	v55 =	vld [tilespmem:s21+$0x0]  }
0x331: {  	s19 =	simm.s32 $0x0  }
0x332: {  	v56 =	vmov s19;
	v57 =	vor.u32 v29, v44  }
0x333: {  	v37 =	vand.u32 $0x7E, v56  }
0x334: {  	s22 =	simm.s32 $0x3;
	v39 =	vbroadcast v37, $0x0;
	v58 =	vld [tilespmem:s21+$0xFFFFFFC0]  }
0x335: {  	v60 =	vmov s22;
	v59 =	vmul.f32 v55, v36  }
0x336: {  	s11 =	simm.s32 $0x114C0;
	v61 =	vor.u32 v29, v39;
	v38 =	vand.u32 $0x7F, v60  }
0x337: {  	s23 =	simm.s32 $0x2;
	v37 =	vbroadcast v38, $0x0;
	v62 =	vld [tilespmem:s11+$0x0];
	[tilespmem:v57+s20+$0x0] =	vst.idx.msk $0xffff, v59  }
0x338: {  	v52 =	vmov s23;
	v63 =	vld [tilespmem:s21+$0x10]  }
0x339: {  	v38 =	vand.u32 $0x7E, v52;
	v53 =	vor.u32 v29, v37;
	v41 =	vmul.f32 v58, v36  }
0x33a: {  	v54 =	vor.u32 v33, v44;
	v38 =	vbroadcast v38, $0x0;
	v55 =	vld [tilespmem:s11+$0xFFFFFFC0]  }
0x33b: {  	s25 =	simm.s32 $0x5;
	[tilespmem:v61+s20+$0x0] =	vst.idx.msk $0xffff, v41  }
0x33c: {  	v56 =	vmov s25;
	v40 =	vmul.f32 v62, v36;
	v57 =	vor.u32 v29, v38;
	v41 =	vld [tilespmem:s21+$0xFFFFFFD0]  }
0x33d: {  	s22 =	simm.s32 $0x11540;
	v42 =	vand.u32 $0x7F, v56;
	v43 =	vmul.f32 v63, v36  }
0x33e: {  	v45 =	vor.u32 v33, v39;
	s8 =	simm.s32 $0x4;
	v49 =	vld [tilespmem:s22+$0x0];
	[tilespmem:v53+s20+$0x0] =	vst.idx.msk $0xffff, v40;
	v40 =	vbroadcast v42, $0x0  }
0x33f: {  	v59 =	vmov s8;
	v58 =	vmul.f32 v55, v36;
	[tilespmem:v54+s20+$0x0] =	vst.idx.msk $0xffff, v43;
	v43 =	vld [tilespmem:s11+$0x10]  }
0x340: {  	v46 =	vand.u32 $0x7E, v59;
	v47 =	vor.u32 v29, v40;
	v60 =	vld [tilespmem:s21+$0x20]  }
0x341: {  	v61 =	vld [tilespmem:s22+$0xFFFFFFC0];
	[tilespmem:v57+s20+$0x0] =	vst.idx.msk $0xffff, v58;
	v57 =	vor.u32 v33, v37;
	v56 =	vmul.f32 v41, v36;
	v41 =	vbroadcast v46, $0x0  }
0x342: {  	s19 =	simm.s32 $0x7;
	v62 =	vor.u32 v34, v44  }
0x343: {  	v59 =	vmov s19;
	v58 =	vmul.f32 v49, v36;
	v63 =	vld [tilespmem:s11+$0xFFFFFFD0];
	[tilespmem:v45+s20+$0x0] =	vst.idx.msk $0xffff, v56;
	v49 =	vor.u32 v29, v41  }
0x344: {  	s19 =	simm.s32 $0x115C0;
	v45 =	vand.u32 $0x7F, v59;
	v51 =	vld [tilespmem:s21+$0xFFFFFFE0];
	v43 =	vmul.f32 v43, v36  }
0x345: {  	v55 =	vld [tilespmem:s19+$0x0];
	[tilespmem:v47+s20+$0x0] =	vst.idx.msk $0xffff, v58;
	v54 =	vor.u32 v33, v38;
	v42 =	vbroadcast v45, $0x0;
	v60 =	vmul.f32 v60, v36  }
0x346: {  	v61 =	vmul.f32 v61, v36;
	v56 =	vld [tilespmem:s22+$0x10];
	v45 =	vor.u32 v34, v39;
	[tilespmem:v57+s20+$0x0] =	vst.idx.msk $0xffff, v43  }
0x347: {  	s23 =	simm.s32 $0x6;
	v47 =	vor.u32 v29, v42;
	[tilespmem:v62+s20+$0x0] =	vst.idx.msk $0xffff, v60;
	v57 =	vld [tilespmem:s11+$0x20]  }
0x348: {  	v63 =	vmul.f32 v63, v36;
	[tilespmem:v49+s20+$0x0] =	vst.idx.msk $0xffff, v61;
	v62 =	vmov s23;
	v60 =	vor.u32 v33, v40;
	v61 =	vld [tilespmem:s21+$0x30]  }
0x349: {  	v50 =	vor.u32 v34, v37;
	v52 =	vld [tilespmem:s19+$0xFFFFFFC0];
	v51 =	vmul.f32 v51, v36;
	v46 =	vand.u32 $0x7E, v62  }
0x34a: {  	v48 =	vor.u32 v35, v44;
	s25 =	simm.s32 $0x9;
	[tilespmem:v54+s20+$0x0] =	vst.idx.msk $0xffff, v63;
	v49 =	vld [tilespmem:s22+$0xFFFFFFD0];
	v62 =	vmul.f32 v55, v36;
	v43 =	vbroadcast v46, $0x0  }
0x34b: {  	v63 =	vmov s25;
	v56 =	vmul.f32 v56, v36;
	[tilespmem:v45+s20+$0x0] =	vst.idx.msk $0xffff, v51;
	v45 =	vld [tilespmem:s11+$0xFFFFFFE0];
	s23 =	simm.s32 $0x11640;
	v51 =	vor.u32 v33, v41  }
0x34c: {  	v44 =	vand.u32 $0x7F, v63;
	v54 =	vld [tilespmem:s23+$0x0];
	[tilespmem:v47+s20+$0x0] =	vst.idx.msk $0xffff, v62;
	v53 =	vor.u32 v29, v43;
	v55 =	vmul.f32 v57, v36  }
0x34d: {  	s7 =	simm.s32 $0x8;
	s25 =	simm.s32 $0xA;
	v44 =	vbroadcast v44, $0x0;
	v46 =	vld [tilespmem:s21+$0xFFFFFFF0];
	s21 =	simm.s32 $0x11640;
	v47 =	vor.u32 v34, v38;
	[tilespmem:v60+s20+$0x0] =	vst.idx.msk $0xffff, v56;
	v56 =	vmul.f32 v61, v36  }
.LBB2_17:
0x34e: {  	v52 =	vmul.f32 v52, v36;
	v57 =	vld [tilespmem:s19+$0x10];
	[tilespmem:v50+s20+$0x0] =	vst.idx.msk $0xffff, v55  }
0x34f: {  	p0 =	slt.u32 s25, $0x7E;
	v55 =	vor.u32 v35, v39;
	v39 =	vmovc v38;
	v38 =	vmovc v41;
	v41 =	vmov v43;
	v58 =	vmov v42  }
0x350: {  	v43 =	vmov s7;
	s7 =	smov.u32 s25;
	v59 =	vor.u32 v29, v44;
	v49 =	vmul.f32 v49, v36;
	v60 =	vld [tilespmem:s22+$0x20];
	[tilespmem:v48+s20+$0x0] =	vst.idx.msk $0xffff, v56;
	v42 =	vmovc v44  }
0x351: {  	v43 =	vand.u32 $0x7E, v43;
	v56 =	vor.u32 v33, v58;
	[tilespmem:v53+s20+$0x0] =	vst.idx.msk $0xffff, v52;
	v44 =	vmul.f32 v45, v36;
	v61 =	vld [tilespmem:s11+$0x30]  }
.Ltmp7:
0x352: {  	v50 =	vor.u32 v34, v40;
	v43 =	vbroadcast v43, $0x0;
	v52 =	vld [tilespmem:s23+$0xFFFFFFC0];
	[tilespmem:v51+s20+$0x0] =	vst.idx.msk $0xffff, v49;
	v46 =	vmul.f32 v46, v36;
	(pc) =	sbr.rel @p0 .LBB2_17-.Ltmp7, $4  }
0x353: {  	s8 =	sadd.s32 $0x1, s25;
	v48 =	vor.u32 v35, v37;
	v37 =	vmov v40;
	v51 =	vmul.f32 v54, v36;
	v49 =	vld [tilespmem:s19+$0xFFFFFFD0];
	[tilespmem:v47+s20+$0x0] =	vst.idx.msk $0xffff, v44  }
0x354: {  	v40 =	vmovc v58;
	v44 =	vmov s8;
	v53 =	vor.u32 v29, v43;
	v47 =	vmul.f32 v57, v36;
	v45 =	vld [tilespmem:s22+$0xFFFFFFE0];
	[tilespmem:v55+s20+$0x0] =	vst.idx.msk $0xffff, v46  }
0x355: {  	s23 =	sadd.s32 $0x80, s23;
	v44 =	vand.u32 $0x7F, v44;
	[tilespmem:v59+s20+$0x0] =	vst.idx.msk $0xffff, v51;
	v51 =	vor.u32 v33, v41;
	v55 =	vmul.f32 v60, v36;
	v46 =	vld [tilespmem:s11+$0xFFFFFFF0];
	s11 =	smov.u32 s22;
	s22 =	smov.u32 s19  }
0x356: {  	s25 =	sadd.s32 $0x2, s25;
	v44 =	vbroadcast v44, $0x0;
	s19 =	smov.u32 s21;
	s21 =	smov.u32 s23;
	v54 =	vld [tilespmem:s23+$0x0];
	[tilespmem:v56+s20+$0x0] =	vst.idx.msk $0xffff, v47;
	v47 =	vor.u32 v34, v38;
	v56 =	vmul.f32 v61, v36  }
0x357: {  	v57 =	vmov s7  }
0x358: {  	v57 =	vand.u32 $0x7E, v57  }
0x359: {  	v58 =	vld [tilespmem:s23+$0xFFFFFFC0];
	v57 =	vbroadcast v57, $0x0  }
0x35a: {  	v59 =	vor.u32 v29, v44  }
0x35b: {  	v60 =	vor.u32 v29, v57  }
0x35c: {  	v52 =	vmul.f32 v52, v36  }
0x35d: {  	v54 =	vmul.f32 v54, v36  }
0x35e: {  	[tilespmem:v53+s20+$0x0] =	vst.idx.msk $0xffff, v52;
	v52 =	vld [tilespmem:s19+$0x10];
	v62 =	vmul.f32 v58, v36  }
0x35f: {  	v58 =	vld [tilespmem:s19+$0xFFFFFFD0];
	[tilespmem:v59+s20+$0x0] =	vst.idx.msk $0xffff, v54  }
0x360: {  	v54 =	vor.u32 v33, v42;
	v59 =	vld [tilespmem:s21+$0x10];
	[tilespmem:v60+s20+$0x0] =	vst.idx.msk $0xffff, v62  }
0x361: {  	v53 =	vor.u32 v33, v43;
	v60 =	vld [tilespmem:s21+$0xFFFFFFD0]  }
0x362: {  	[tilespmem:v50+s20+$0x0] =	vst.idx.msk $0xffff, v55;
	v49 =	vmul.f32 v49, v36;
	v50 =	vor.u32 v33, v44  }
0x363: {  	[tilespmem:v48+s20+$0x0] =	vst.idx.msk $0xffff, v56;
	v63 =	vmul.f32 v52, v36;
	v52 =	vor.u32 v33, v57  }
0x364: {  	[tilespmem:v51+s20+$0x0] =	vst.idx.msk $0xffff, v49;
	v49 =	vld [tilespmem:s22+$0x20];
	v61 =	vmul.f32 v58, v36  }
0x365: {  	v39 =	vor.u32 v35, v39;
	v55 =	vld [tilespmem:s22+$0xFFFFFFE0];
	[tilespmem:v54+s20+$0x0] =	vst.idx.msk $0xffff, v63;
	v62 =	vmul.f32 v59, v36  }
0x366: {  	v54 =	vor.u32 v34, v40;
	v56 =	vld [tilespmem:s19+$0x20];
	[tilespmem:v53+s20+$0x0] =	vst.idx.msk $0xffff, v61;
	v63 =	vmul.f32 v60, v36  }
0x367: {  	v45 =	vmul.f32 v45, v36;
	v53 =	vor.u32 v34, v41;
	[tilespmem:v50+s20+$0x0] =	vst.idx.msk $0xffff, v62;
	v60 =	vld [tilespmem:s19+$0xFFFFFFE0]  }
0x368: {  	v48 =	vor.u32 v34, v42;
	v46 =	vmul.f32 v46, v36;
	v50 =	vld [tilespmem:s21+$0x20];
	[tilespmem:v52+s20+$0x0] =	vst.idx.msk $0xffff, v63  }
0x369: {  	[tilespmem:v47+s20+$0x0] =	vst.idx.msk $0xffff, v45;
	v47 =	vor.u32 v34, v43;
	v61 =	vmul.f32 v49, v36;
	v49 =	vld [tilespmem:s21+$0xFFFFFFE0]  }
0x36a: {  	v51 =	vld [tilespmem:s11+$0x30];
	[tilespmem:v39+s20+$0x0] =	vst.idx.msk $0xffff, v46;
	v46 =	vor.u32 v34, v44;
	v62 =	vmul.f32 v55, v36  }
0x36b: {  	[tilespmem:v54+s20+$0x0] =	vst.idx.msk $0xffff, v61;
	v54 =	vor.u32 v34, v57;
	v52 =	vld [tilespmem:s11+$0xFFFFFFF0];
	v63 =	vmul.f32 v56, v36  }
0x36c: {  	v37 =	vor.u32 v35, v37;
	v59 =	vld [tilespmem:s22+$0x30];
	[tilespmem:v53+s20+$0x0] =	vst.idx.msk $0xffff, v62;
	v60 =	vmul.f32 v60, v36  }
0x36d: {  	v38 =	vor.u32 v35, v38;
	v53 =	vld [tilespmem:s22+$0xFFFFFFF0];
	[tilespmem:v48+s20+$0x0] =	vst.idx.msk $0xffff, v63;
	v61 =	vmul.f32 v50, v36  }
0x36e: {  	v40 =	vor.u32 v35, v40;
	v48 =	vld [tilespmem:s19+$0x30];
	[tilespmem:v47+s20+$0x0] =	vst.idx.msk $0xffff, v60;
	v62 =	vmul.f32 v49, v36  }
0x36f: {  	v41 =	vor.u32 v35, v41;
	v63 =	vmul.f32 v51, v36;
	[tilespmem:v46+s20+$0x0] =	vst.idx.msk $0xffff, v61;
	v49 =	vld [tilespmem:s19+$0xFFFFFFF0]  }
0x370: {  	v58 =	vor.u32 v35, v42;
	v56 =	vmul.f32 v52, v36;
	v46 =	vld [tilespmem:s21+$0x30];
	[tilespmem:v54+s20+$0x0] =	vst.idx.msk $0xffff, v62  }
0x371: {  	[tilespmem:v37+s20+$0x0] =	vst.idx.msk $0xffff, v63;
	v59 =	vmul.f32 v59, v36;
	v60 =	vor.u32 v35, v43;
	v61 =	vld [tilespmem:s21+$0xFFFFFFF0]  }
0x372: {  	v63 =	vor.u32 v35, v44;
	[tilespmem:v38+s20+$0x0] =	vst.idx.msk $0xffff, v56;
	v62 =	vmul.f32 v53, v36  }
0x373: {  	v50 =	vor.u32 v35, v57;
	[tilespmem:v40+s20+$0x0] =	vst.idx.msk $0xffff, v59;
	v48 =	vmul.f32 v48, v36  }
0x374: {  	[tilespmem:v41+s20+$0x0] =	vst.idx.msk $0xffff, v62;
	v51 =	vmul.f32 v49, v36  }
0x375: {  	[tilespmem:v58+s20+$0x0] =	vst.idx.msk $0xffff, v48;
	v52 =	vmul.f32 v46, v36  }
0x376: {  	[tilespmem:v60+s20+$0x0] =	vst.idx.msk $0xffff, v51;
	v53 =	vmul.f32 v61, v36  }
0x377: {  	[tilespmem:v63+s20+$0x0] =	vst.idx.msk $0xffff, v52  }
0x378: {  	s25 =	sadd.s32 $0x7300, s14;
	s8 =	simm.s32 $0x11400;
	[tilespmem:v50+s20+$0x0] =	vst.idx.msk $0xffff, v53  }
0x379: {  	[tilespmem:s8], [sflag:$0x3] =	stream.indirect.gather [hbm4b:s3+s17], $0x40, s25, s17, $0xb8;
	[tilespmem:$0x1D410] =	vst v63  }
0x37a: {  	s8 =	sadd.s32 s16, s9  }
0x37b: {  	[hbm4b:s8+s30] =	stream.strided.scatter [tilespmem:s20], [sflag:$0x7], $0x2000, s31, s30, $0x38;
	[tilespmem:$0x1D410] =	vst v63  }
0x37c: {  	_ =	swait.ge [sflag:s29], $0x2000  }
0x37d: {  	[sflag:s29] =	ssyncset.done $0x0  }
0x37e: {  	[sflag:s29] =	ssyncadd.s32 $0xFFFFE000  }
0x37f: {  	s11 =	simm.s32 $0x1;
	_ =	swait.ge [sflag:s10], $0x2000  }
0x380: {  	v54 =	vmov s11;
	[sflag:s10] =	ssyncset.done $0x0  }
0x381: {  	s21 =	simm.s32 $0x13440;
	v37 =	vand.u32 $0x7F, v54;
	[sflag:s10] =	ssyncadd.s32 $0xFFFFE000  }
0x382: {  	v44 =	vbroadcast v37, $0x0;
	v55 =	vld [tilespmem:s21+$0x0]  }
0x383: {  	s19 =	simm.s32 $0x0  }
0x384: {  	v56 =	vmov s19;
	v57 =	vor.u32 v29, v44  }
0x385: {  	v37 =	vand.u32 $0x7E, v56  }
0x386: {  	s22 =	simm.s32 $0x3;
	v39 =	vbroadcast v37, $0x0;
	v58 =	vld [tilespmem:s21+$0xFFFFFFC0]  }
0x387: {  	v60 =	vmov s22;
	v59 =	vmul.f32 v55, v36  }
0x388: {  	s11 =	simm.s32 $0x134C0;
	v61 =	vor.u32 v29, v39;
	v38 =	vand.u32 $0x7F, v60  }
0x389: {  	s23 =	simm.s32 $0x2;
	v37 =	vbroadcast v38, $0x0;
	v62 =	vld [tilespmem:s11+$0x0];
	[tilespmem:v57+s15+$0x0] =	vst.idx.msk $0xffff, v59  }
0x38a: {  	v52 =	vmov s23;
	v63 =	vld [tilespmem:s21+$0x10]  }
0x38b: {  	v38 =	vand.u32 $0x7E, v52;
	v53 =	vor.u32 v29, v37;
	v41 =	vmul.f32 v58, v36  }
0x38c: {  	v54 =	vor.u32 v33, v44;
	v38 =	vbroadcast v38, $0x0;
	v55 =	vld [tilespmem:s11+$0xFFFFFFC0]  }
0x38d: {  	s25 =	simm.s32 $0x5;
	[tilespmem:v61+s15+$0x0] =	vst.idx.msk $0xffff, v41  }
0x38e: {  	v56 =	vmov s25;
	v40 =	vmul.f32 v62, v36;
	v57 =	vor.u32 v29, v38;
	v41 =	vld [tilespmem:s21+$0xFFFFFFD0]  }
0x38f: {  	s22 =	simm.s32 $0x13540;
	v42 =	vand.u32 $0x7F, v56;
	v43 =	vmul.f32 v63, v36  }
0x390: {  	v45 =	vor.u32 v33, v39;
	s8 =	simm.s32 $0x4;
	v49 =	vld [tilespmem:s22+$0x0];
	[tilespmem:v53+s15+$0x0] =	vst.idx.msk $0xffff, v40;
	v40 =	vbroadcast v42, $0x0  }
0x391: {  	v59 =	vmov s8;
	v58 =	vmul.f32 v55, v36;
	[tilespmem:v54+s15+$0x0] =	vst.idx.msk $0xffff, v43;
	v43 =	vld [tilespmem:s11+$0x10]  }
0x392: {  	v46 =	vand.u32 $0x7E, v59;
	v47 =	vor.u32 v29, v40;
	v60 =	vld [tilespmem:s21+$0x20]  }
0x393: {  	v61 =	vld [tilespmem:s22+$0xFFFFFFC0];
	[tilespmem:v57+s15+$0x0] =	vst.idx.msk $0xffff, v58;
	v57 =	vor.u32 v33, v37;
	v56 =	vmul.f32 v41, v36;
	v41 =	vbroadcast v46, $0x0  }
0x394: {  	s19 =	simm.s32 $0x7;
	v62 =	vor.u32 v34, v44  }
0x395: {  	v59 =	vmov s19;
	v58 =	vmul.f32 v49, v36;
	v63 =	vld [tilespmem:s11+$0xFFFFFFD0];
	[tilespmem:v45+s15+$0x0] =	vst.idx.msk $0xffff, v56;
	v49 =	vor.u32 v29, v41  }
0x396: {  	s19 =	simm.s32 $0x135C0;
	v45 =	vand.u32 $0x7F, v59;
	v51 =	vld [tilespmem:s21+$0xFFFFFFE0];
	v43 =	vmul.f32 v43, v36  }
0x397: {  	v55 =	vld [tilespmem:s19+$0x0];
	[tilespmem:v47+s15+$0x0] =	vst.idx.msk $0xffff, v58;
	v54 =	vor.u32 v33, v38;
	v42 =	vbroadcast v45, $0x0;
	v60 =	vmul.f32 v60, v36  }
0x398: {  	v61 =	vmul.f32 v61, v36;
	v56 =	vld [tilespmem:s22+$0x10];
	v45 =	vor.u32 v34, v39;
	[tilespmem:v57+s15+$0x0] =	vst.idx.msk $0xffff, v43  }
0x399: {  	s23 =	simm.s32 $0x6;
	v47 =	vor.u32 v29, v42;
	[tilespmem:v62+s15+$0x0] =	vst.idx.msk $0xffff, v60;
	v57 =	vld [tilespmem:s11+$0x20]  }
0x39a: {  	v63 =	vmul.f32 v63, v36;
	[tilespmem:v49+s15+$0x0] =	vst.idx.msk $0xffff, v61;
	v62 =	vmov s23;
	v60 =	vor.u32 v33, v40;
	v61 =	vld [tilespmem:s21+$0x30]  }
0x39b: {  	v50 =	vor.u32 v34, v37;
	v52 =	vld [tilespmem:s19+$0xFFFFFFC0];
	v51 =	vmul.f32 v51, v36;
	v46 =	vand.u32 $0x7E, v62  }
0x39c: {  	v48 =	vor.u32 v35, v44;
	s25 =	simm.s32 $0x9;
	[tilespmem:v54+s15+$0x0] =	vst.idx.msk $0xffff, v63;
	v49 =	vld [tilespmem:s22+$0xFFFFFFD0];
	v62 =	vmul.f32 v55, v36;
	v43 =	vbroadcast v46, $0x0  }
0x39d: {  	v63 =	vmov s25;
	v56 =	vmul.f32 v56, v36;
	[tilespmem:v45+s15+$0x0] =	vst.idx.msk $0xffff, v51;
	v45 =	vld [tilespmem:s11+$0xFFFFFFE0];
	s23 =	simm.s32 $0x13640;
	v51 =	vor.u32 v33, v41  }
0x39e: {  	v44 =	vand.u32 $0x7F, v63;
	v54 =	vld [tilespmem:s23+$0x0];
	[tilespmem:v47+s15+$0x0] =	vst.idx.msk $0xffff, v62;
	v53 =	vor.u32 v29, v43;
	v55 =	vmul.f32 v57, v36  }
0x39f: {  	s7 =	simm.s32 $0x8;
	s25 =	simm.s32 $0xA;
	v44 =	vbroadcast v44, $0x0;
	v46 =	vld [tilespmem:s21+$0xFFFFFFF0];
	s21 =	simm.s32 $0x13640;
	v47 =	vor.u32 v34, v38;
	[tilespmem:v60+s15+$0x0] =	vst.idx.msk $0xffff, v56;
	v56 =	vmul.f32 v61, v36  }
.LBB2_19:
0x3a0: {  	v52 =	vmul.f32 v52, v36;
	v57 =	vld [tilespmem:s19+$0x10];
	[tilespmem:v50+s15+$0x0] =	vst.idx.msk $0xffff, v55  }
0x3a1: {  	p0 =	slt.u32 s25, $0x7E;
	v55 =	vor.u32 v35, v39;
	v39 =	vmovc v38;
	v38 =	vmovc v41;
	v41 =	vmov v43;
	v58 =	vmov v42  }
0x3a2: {  	v43 =	vmov s7;
	s7 =	smov.u32 s25;
	v59 =	vor.u32 v29, v44;
	v49 =	vmul.f32 v49, v36;
	v60 =	vld [tilespmem:s22+$0x20];
	[tilespmem:v48+s15+$0x0] =	vst.idx.msk $0xffff, v56;
	v42 =	vmovc v44  }
0x3a3: {  	v43 =	vand.u32 $0x7E, v43;
	v56 =	vor.u32 v33, v58;
	[tilespmem:v53+s15+$0x0] =	vst.idx.msk $0xffff, v52;
	v44 =	vmul.f32 v45, v36;
	v61 =	vld [tilespmem:s11+$0x30]  }
.Ltmp8:
0x3a4: {  	v50 =	vor.u32 v34, v40;
	v43 =	vbroadcast v43, $0x0;
	v52 =	vld [tilespmem:s23+$0xFFFFFFC0];
	[tilespmem:v51+s15+$0x0] =	vst.idx.msk $0xffff, v49;
	v46 =	vmul.f32 v46, v36;
	(pc) =	sbr.rel @p0 .LBB2_19-.Ltmp8, $4  }
0x3a5: {  	s8 =	sadd.s32 $0x1, s25;
	v48 =	vor.u32 v35, v37;
	v37 =	vmov v40;
	v51 =	vmul.f32 v54, v36;
	v49 =	vld [tilespmem:s19+$0xFFFFFFD0];
	[tilespmem:v47+s15+$0x0] =	vst.idx.msk $0xffff, v44  }
0x3a6: {  	v40 =	vmovc v58;
	v44 =	vmov s8;
	v53 =	vor.u32 v29, v43;
	v47 =	vmul.f32 v57, v36;
	v45 =	vld [tilespmem:s22+$0xFFFFFFE0];
	[tilespmem:v55+s15+$0x0] =	vst.idx.msk $0xffff, v46  }
0x3a7: {  	s23 =	sadd.s32 $0x80, s23;
	v44 =	vand.u32 $0x7F, v44;
	[tilespmem:v59+s15+$0x0] =	vst.idx.msk $0xffff, v51;
	v51 =	vor.u32 v33, v41;
	v55 =	vmul.f32 v60, v36;
	v46 =	vld [tilespmem:s11+$0xFFFFFFF0];
	s11 =	smov.u32 s22;
	s22 =	smov.u32 s19  }
0x3a8: {  	s25 =	sadd.s32 $0x2, s25;
	v44 =	vbroadcast v44, $0x0;
	s19 =	smov.u32 s21;
	s21 =	smov.u32 s23;
	v54 =	vld [tilespmem:s23+$0x0];
	[tilespmem:v56+s15+$0x0] =	vst.idx.msk $0xffff, v47;
	v47 =	vor.u32 v34, v38;
	v56 =	vmul.f32 v61, v36  }
0x3a9: {  	v57 =	vmov s7  }
0x3aa: {  	v57 =	vand.u32 $0x7E, v57  }
0x3ab: {  	v58 =	vld [tilespmem:s23+$0xFFFFFFC0];
	v57 =	vbroadcast v57, $0x0  }
0x3ac: {  	v59 =	vor.u32 v29, v44  }
0x3ad: {  	v60 =	vor.u32 v29, v57  }
0x3ae: {  	v52 =	vmul.f32 v52, v36  }
0x3af: {  	v54 =	vmul.f32 v54, v36  }
0x3b0: {  	[tilespmem:v53+s15+$0x0] =	vst.idx.msk $0xffff, v52;
	v52 =	vld [tilespmem:s19+$0x10];
	v62 =	vmul.f32 v58, v36  }
0x3b1: {  	v58 =	vld [tilespmem:s19+$0xFFFFFFD0];
	[tilespmem:v59+s15+$0x0] =	vst.idx.msk $0xffff, v54  }
0x3b2: {  	v54 =	vor.u32 v33, v42;
	v59 =	vld [tilespmem:s21+$0x10];
	[tilespmem:v60+s15+$0x0] =	vst.idx.msk $0xffff, v62  }
0x3b3: {  	v53 =	vor.u32 v33, v43;
	v60 =	vld [tilespmem:s21+$0xFFFFFFD0]  }
0x3b4: {  	[tilespmem:v50+s15+$0x0] =	vst.idx.msk $0xffff, v55;
	v49 =	vmul.f32 v49, v36;
	v50 =	vor.u32 v33, v44  }
0x3b5: {  	[tilespmem:v48+s15+$0x0] =	vst.idx.msk $0xffff, v56;
	v63 =	vmul.f32 v52, v36;
	v52 =	vor.u32 v33, v57  }
0x3b6: {  	[tilespmem:v51+s15+$0x0] =	vst.idx.msk $0xffff, v49;
	v49 =	vld [tilespmem:s22+$0x20];
	v61 =	vmul.f32 v58, v36  }
0x3b7: {  	v39 =	vor.u32 v35, v39;
	v55 =	vld [tilespmem:s22+$0xFFFFFFE0];
	[tilespmem:v54+s15+$0x0] =	vst.idx.msk $0xffff, v63;
	v62 =	vmul.f32 v59, v36  }
0x3b8: {  	v54 =	vor.u32 v34, v40;
	v56 =	vld [tilespmem:s19+$0x20];
	[tilespmem:v53+s15+$0x0] =	vst.idx.msk $0xffff, v61;
	v63 =	vmul.f32 v60, v36  }
0x3b9: {  	v45 =	vmul.f32 v45, v36;
	v53 =	vor.u32 v34, v41;
	v58 =	vld [tilespmem:s19+$0xFFFFFFE0];
	[tilespmem:v50+s15+$0x0] =	vst.idx.msk $0xffff, v62  }
0x3ba: {  	v48 =	vor.u32 v34, v42;
	v46 =	vmul.f32 v46, v36;
	v50 =	vld [tilespmem:s21+$0x20];
	[tilespmem:v52+s15+$0x0] =	vst.idx.msk $0xffff, v63  }
0x3bb: {  	[tilespmem:v47+s15+$0x0] =	vst.idx.msk $0xffff, v45;
	v47 =	vor.u32 v34, v43;
	v59 =	vmul.f32 v49, v36;
	v60 =	vld [tilespmem:s21+$0xFFFFFFE0]  }
0x3bc: {  	[tilespmem:v39+s15+$0x0] =	vst.idx.msk $0xffff, v46;
	v46 =	vor.u32 v34, v44;
	v61 =	vld [tilespmem:s11+$0x30];
	v62 =	vmul.f32 v55, v36  }
0x3bd: {  	[tilespmem:v54+s15+$0x0] =	vst.idx.msk $0xffff, v59;
	v54 =	vor.u32 v34, v57;
	v52 =	vld [tilespmem:s11+$0xFFFFFFF0];
	v63 =	vmul.f32 v56, v36  }
0x3be: {  	v37 =	vor.u32 v35, v37;
	v55 =	vld [tilespmem:s22+$0x30];
	[tilespmem:v53+s15+$0x0] =	vst.idx.msk $0xffff, v62;
	v56 =	vmul.f32 v58, v36  }
0x3bf: {  	v38 =	vor.u32 v35, v38;
	v53 =	vld [tilespmem:s22+$0xFFFFFFF0];
	[tilespmem:v48+s15+$0x0] =	vst.idx.msk $0xffff, v63;
	v58 =	vmul.f32 v50, v36  }
0x3c0: {  	v59 =	vor.u32 v35, v40;
	v48 =	vld [tilespmem:s19+$0x30];
	[tilespmem:v47+s15+$0x0] =	vst.idx.msk $0xffff, v56;
	v60 =	vmul.f32 v60, v36  }
0x3c1: {  	v61 =	vmul.f32 v61, v36;
	v62 =	vor.u32 v35, v41;
	v63 =	vld [tilespmem:s19+$0xFFFFFFF0];
	[tilespmem:v46+s15+$0x0] =	vst.idx.msk $0xffff, v58  }
0x3c2: {  	v51 =	vor.u32 v35, v42;
	v50 =	vmul.f32 v52, v36;
	v46 =	vld [tilespmem:s21+$0x30];
	[tilespmem:v54+s15+$0x0] =	vst.idx.msk $0xffff, v60  }
0x3c3: {  	[tilespmem:v37+s15+$0x0] =	vst.idx.msk $0xffff, v61;
	v52 =	vmul.f32 v55, v36;
	v54 =	vor.u32 v35, v43;
	v55 =	vld [tilespmem:s21+$0xFFFFFFF0]  }
0x3c4: {  	v58 =	vor.u32 v35, v44;
	v56 =	vmul.f32 v53, v36;
	[tilespmem:v38+s15+$0x0] =	vst.idx.msk $0xffff, v50  }
0x3c5: {  	[tilespmem:v59+s15+$0x0] =	vst.idx.msk $0xffff, v52;
	v59 =	vmul.f32 v48, v36;
	v60 =	vor.u32 v35, v57  }
0x3c6: {  	[tilespmem:v62+s15+$0x0] =	vst.idx.msk $0xffff, v56;
	v61 =	vmul.f32 v63, v36  }
0x3c7: {  	[tilespmem:v51+s15+$0x0] =	vst.idx.msk $0xffff, v59;
	v62 =	vmul.f32 v46, v36  }
0x3c8: {  	[tilespmem:v54+s15+$0x0] =	vst.idx.msk $0xffff, v61;
	v63 =	vmul.f32 v55, v36  }
0x3c9: {  	p0 =	sne.s32 s13, $0x30;
	[tilespmem:v58+s15+$0x0] =	vst.idx.msk $0xffff, v62  }
.Ltmp9:
0x3ca: {  	s23 =	sadd.s32 $0x7380, s14;
	s8 =	simm.s32 $0x13400;
	[tilespmem:v60+s15+$0x0] =	vst.idx.msk $0xffff, v63;
	(pc) =	sbr.rel @p0 .LBB2_12-.Ltmp9, $4  }
0x3cb: {  	[tilespmem:s8], [sflag:$0x4] =	stream.indirect.gather [hbm4b:s3+s17], $0x40, s23, s17, $0xb8;
	[tilespmem:$0x1D410] =	vst v63  }
0x3cc: {  	s25 =	rddreg [dreg:$0x6]  }
0x3cd: {  	s7 =	sadd.s32 s16, s25  }
0x3ce: {  	[hbm4b:s7+s30] =	stream.strided.scatter [tilespmem:s15], [sflag:$0x8], $0x2000, s31, s30, $0x38;
	[tilespmem:$0x1D410] =	vst v63  }
0x3cf: {  	_ =	swait.ge [sflag:s26], $0x2000  }
0x3d0: {  	[sflag:s26] =	ssyncset.done $0x0  }
0x3d1: {  	[sflag:s26] =	ssyncadd.s32 $0xFFFFE000  }
0x3d2: {  	s7 =	simm.s32 $0x1;
	_ =	swait.ge [sflag:s24], $0x2000  }
0x3d3: {  	v37 =	vmov s7;
	[sflag:s24] =	ssyncset.done $0x0  }
0x3d4: {  	s14 =	simm.s32 $0xD440;
	v37 =	vand.u32 $0x7F, v37;
	[sflag:s24] =	ssyncadd.s32 $0xFFFFE000  }
0x3d5: {  	v44 =	vbroadcast v37, $0x0;
	v38 =	vld [tilespmem:s14+$0x0]  }
0x3d6: {  	s12 =	simm.s32 $0x0  }
0x3d7: {  	v57 =	vmov s12;
	v40 =	vor.u32 v29, v44  }
0x3d8: {  	v37 =	vand.u32 $0x7E, v57  }
0x3d9: {  	s13 =	simm.s32 $0x3;
	v39 =	vbroadcast v37, $0x0;
	v41 =	vld [tilespmem:s14+$0xFFFFFFC0]  }
0x3da: {  	v59 =	vmov s13;
	v58 =	vmul.f32 v38, v36  }
0x3db: {  	s11 =	simm.s32 $0xD4C0;
	v42 =	vor.u32 v29, v39;
	v38 =	vand.u32 $0x7F, v59  }
0x3dc: {  	s16 =	simm.s32 $0x2;
	v60 =	vld [tilespmem:s11+$0x0];
	v37 =	vbroadcast v38, $0x0;
	[tilespmem:v40+s28+$0x0] =	vst.idx.msk $0xffff, v58  }
0x3dd: {  	v61 =	vmov s16;
	v43 =	vld [tilespmem:s14+$0x10]  }
0x3de: {  	v41 =	vmul.f32 v41, v36;
	v38 =	vand.u32 $0x7E, v61;
	v45 =	vor.u32 v29, v37  }
0x3df: {  	v46 =	vor.u32 v33, v44;
	v47 =	vld [tilespmem:s11+$0xFFFFFFC0];
	v38 =	vbroadcast v38, $0x0  }
0x3e0: {  	s19 =	simm.s32 $0x5;
	[tilespmem:v42+s28+$0x0] =	vst.idx.msk $0xffff, v41  }
0x3e1: {  	v62 =	vmov s19;
	v40 =	vmul.f32 v60, v36;
	v41 =	vld [tilespmem:s14+$0xFFFFFFD0];
	v48 =	vor.u32 v29, v38  }
0x3e2: {  	s12 =	simm.s32 $0xD540;
	v42 =	vand.u32 $0x7F, v62;
	v43 =	vmul.f32 v43, v36  }
0x3e3: {  	v63 =	vor.u32 v33, v39;
	v49 =	vld [tilespmem:s12+$0x0];
	[tilespmem:v45+s28+$0x0] =	vst.idx.msk $0xffff, v40;
	v40 =	vbroadcast v42, $0x0  }
0x3e4: {  	s21 =	simm.s32 $0x4;
	v55 =	vmul.f32 v47, v36;
	v56 =	vld [tilespmem:s11+$0x10];
	[tilespmem:v46+s28+$0x0] =	vst.idx.msk $0xffff, v43  }
0x3e5: {  	v57 =	vmov s21;
	v58 =	vor.u32 v29, v40;
	v50 =	vld [tilespmem:s14+$0x20]  }
0x3e6: {  	v59 =	vor.u32 v33, v37;
	v51 =	vmul.f32 v41, v36;
	[tilespmem:v48+s28+$0x0] =	vst.idx.msk $0xffff, v55;
	v46 =	vand.u32 $0x7E, v57  }
0x3e7: {  	s22 =	simm.s32 $0x7;
	v53 =	vld [tilespmem:s11+$0xFFFFFFD0];
	v41 =	vbroadcast v46, $0x0;
	v46 =	vor.u32 v34, v44  }
0x3e8: {  	v52 =	vld [tilespmem:s12+$0xFFFFFFC0];
	v61 =	vmov s22;
	v60 =	vmul.f32 v49, v36;
	[tilespmem:v63+s28+$0x0] =	vst.idx.msk $0xffff, v51  }
0x3e9: {  	s13 =	simm.s32 $0xD5C0;
	v54 =	vor.u32 v33, v38;
	v45 =	vand.u32 $0x7F, v61;
	v51 =	vld [tilespmem:s14+$0xFFFFFFE0];
	v43 =	vmul.f32 v56, v36  }
0x3ea: {  	v55 =	vld [tilespmem:s13+$0x0];
	v42 =	vbroadcast v45, $0x0;
	v49 =	vor.u32 v29, v41;
	[tilespmem:v58+s28+$0x0] =	vst.idx.msk $0xffff, v60;
	v62 =	vmul.f32 v50, v36  }
0x3eb: {  	v45 =	vor.u32 v34, v39;
	[tilespmem:v59+s28+$0x0] =	vst.idx.msk $0xffff, v43;
	v56 =	vld [tilespmem:s12+$0x10]  }
0x3ec: {  	s23 =	simm.s32 $0x6;
	v60 =	vor.u32 v29, v42;
	v61 =	vmul.f32 v53, v36;
	v57 =	vld [tilespmem:s11+$0x20];
	[tilespmem:v46+s28+$0x0] =	vst.idx.msk $0xffff, v62  }
0x3ed: {  	v63 =	vmul.f32 v52, v36;
	v52 =	vmov s23;
	v58 =	vor.u32 v33, v40;
	v59 =	vld [tilespmem:s14+$0x30]  }
0x3ee: {  	s16 =	simm.s32 $0xD640;
	v51 =	vmul.f32 v51, v36;
	v50 =	vor.u32 v34, v37;
	[tilespmem:v54+s28+$0x0] =	vst.idx.msk $0xffff, v61;
	v46 =	vand.u32 $0x7E, v52;
	v52 =	vld [tilespmem:s13+$0xFFFFFFC0]  }
0x3ef: {  	s25 =	simm.s32 $0x9;
	v47 =	vor.u32 v34, v38;
	v54 =	vld [tilespmem:s16+$0x0];
	[tilespmem:v49+s28+$0x0] =	vst.idx.msk $0xffff, v63;
	v62 =	vmul.f32 v55, v36;
	v43 =	vbroadcast v46, $0x0  }
0x3f0: {  	v48 =	vor.u32 v35, v44;
	[tilespmem:v45+s28+$0x0] =	vst.idx.msk $0xffff, v51;
	v63 =	vmov s25;
	v49 =	vld [tilespmem:s12+$0xFFFFFFD0];
	v56 =	vmul.f32 v56, v36  }
0x3f1: {  	v45 =	vld [tilespmem:s11+$0xFFFFFFE0];
	v44 =	vand.u32 $0x7F, v63;
	[tilespmem:v60+s28+$0x0] =	vst.idx.msk $0xffff, v62;
	v53 =	vor.u32 v29, v43;
	v55 =	vmul.f32 v57, v36  }
0x3f2: {  	s7 =	simm.s32 $0x8;
	s19 =	simm.s32 $0xA;
	v51 =	vor.u32 v33, v41;
	v46 =	vld [tilespmem:s14+$0xFFFFFFF0];
	s14 =	simm.s32 $0xD640;
	v44 =	vbroadcast v44, $0x0;
	[tilespmem:v58+s28+$0x0] =	vst.idx.msk $0xffff, v56;
	v56 =	vmul.f32 v59, v36  }
.LBB2_22:
0x3f3: {  	v52 =	vmul.f32 v52, v36;
	v57 =	vld [tilespmem:s13+$0x10];
	[tilespmem:v50+s28+$0x0] =	vst.idx.msk $0xffff, v55  }
0x3f4: {  	p0 =	slt.u32 s19, $0x7E;
	v55 =	vor.u32 v35, v39;
	v39 =	vmovc v38;
	v38 =	vmovc v41;
	v41 =	vmov v43;
	v58 =	vmov v42  }
0x3f5: {  	v43 =	vmov s7;
	s7 =	smov.u32 s19;
	v59 =	vor.u32 v29, v44;
	v49 =	vmul.f32 v49, v36;
	v60 =	vld [tilespmem:s12+$0x20];
	[tilespmem:v48+s28+$0x0] =	vst.idx.msk $0xffff, v56;
	v42 =	vmovc v44  }
0x3f6: {  	v43 =	vand.u32 $0x7E, v43;
	v56 =	vor.u32 v33, v58;
	[tilespmem:v53+s28+$0x0] =	vst.idx.msk $0xffff, v52;
	v44 =	vmul.f32 v45, v36;
	v61 =	vld [tilespmem:s11+$0x30]  }
.Ltmp10:
0x3f7: {  	v50 =	vor.u32 v34, v40;
	v43 =	vbroadcast v43, $0x0;
	v52 =	vld [tilespmem:s16+$0xFFFFFFC0];
	[tilespmem:v51+s28+$0x0] =	vst.idx.msk $0xffff, v49;
	v46 =	vmul.f32 v46, v36;
	(pc) =	sbr.rel @p0 .LBB2_22-.Ltmp10, $4  }
0x3f8: {  	s8 =	sadd.s32 $0x1, s19;
	v48 =	vor.u32 v35, v37;
	v37 =	vmov v40;
	v51 =	vmul.f32 v54, v36;
	v49 =	vld [tilespmem:s13+$0xFFFFFFD0];
	[tilespmem:v47+s28+$0x0] =	vst.idx.msk $0xffff, v44  }
0x3f9: {  	v40 =	vmovc v58;
	v44 =	vmov s8;
	v53 =	vor.u32 v29, v43;
	v47 =	vmul.f32 v57, v36;
	v45 =	vld [tilespmem:s12+$0xFFFFFFE0];
	[tilespmem:v55+s28+$0x0] =	vst.idx.msk $0xffff, v46  }
0x3fa: {  	s16 =	sadd.s32 $0x80, s16;
	v44 =	vand.u32 $0x7F, v44;
	[tilespmem:v59+s28+$0x0] =	vst.idx.msk $0xffff, v51;
	v51 =	vor.u32 v33, v41;
	v55 =	vmul.f32 v60, v36;
	v46 =	vld [tilespmem:s11+$0xFFFFFFF0];
	s11 =	smov.u32 s12;
	s12 =	smov.u32 s13  }
0x3fb: {  	s19 =	sadd.s32 $0x2, s19;
	v44 =	vbroadcast v44, $0x0;
	s13 =	smov.u32 s14;
	s14 =	smov.u32 s16;
	v54 =	vld [tilespmem:s16+$0x0];
	[tilespmem:v56+s28+$0x0] =	vst.idx.msk $0xffff, v47;
	v47 =	vor.u32 v34, v38;
	v56 =	vmul.f32 v61, v36  }
0x3fc: {  	v57 =	vmov s7  }
0x3fd: {  	v57 =	vand.u32 $0x7E, v57  }
0x3fe: {  	v58 =	vld [tilespmem:s16+$0xFFFFFFC0];
	v57 =	vbroadcast v57, $0x0  }
0x3ff: {  	v59 =	vor.u32 v29, v44  }
0x400: {  	v60 =	vor.u32 v29, v57  }
0x401: {  	v52 =	vmul.f32 v52, v36  }
0x402: {  	v54 =	vmul.f32 v54, v36  }
0x403: {  	[tilespmem:v53+s28+$0x0] =	vst.idx.msk $0xffff, v52;
	v52 =	vld [tilespmem:s13+$0x10];
	v62 =	vmul.f32 v58, v36  }
0x404: {  	v58 =	vld [tilespmem:s13+$0xFFFFFFD0];
	[tilespmem:v59+s28+$0x0] =	vst.idx.msk $0xffff, v54  }
0x405: {  	v54 =	vor.u32 v33, v42;
	v59 =	vld [tilespmem:s14+$0x10];
	[tilespmem:v60+s28+$0x0] =	vst.idx.msk $0xffff, v62  }
0x406: {  	v53 =	vor.u32 v33, v43;
	v60 =	vld [tilespmem:s14+$0xFFFFFFD0]  }
0x407: {  	[tilespmem:v50+s28+$0x0] =	vst.idx.msk $0xffff, v55;
	v49 =	vmul.f32 v49, v36;
	v50 =	vor.u32 v33, v44  }
0x408: {  	[tilespmem:v48+s28+$0x0] =	vst.idx.msk $0xffff, v56;
	v63 =	vmul.f32 v52, v36;
	v52 =	vor.u32 v33, v57  }
0x409: {  	[tilespmem:v51+s28+$0x0] =	vst.idx.msk $0xffff, v49;
	v49 =	vld [tilespmem:s12+$0x20];
	v61 =	vmul.f32 v58, v36  }
0x40a: {  	v39 =	vor.u32 v35, v39;
	v55 =	vld [tilespmem:s12+$0xFFFFFFE0];
	[tilespmem:v54+s28+$0x0] =	vst.idx.msk $0xffff, v63;
	v62 =	vmul.f32 v59, v36  }
0x40b: {  	v54 =	vor.u32 v34, v40;
	v56 =	vld [tilespmem:s13+$0x20];
	[tilespmem:v53+s28+$0x0] =	vst.idx.msk $0xffff, v61;
	v63 =	vmul.f32 v60, v36  }
0x40c: {  	v45 =	vmul.f32 v45, v36;
	v53 =	vor.u32 v34, v41;
	[tilespmem:v50+s28+$0x0] =	vst.idx.msk $0xffff, v62;
	v60 =	vld [tilespmem:s13+$0xFFFFFFE0]  }
0x40d: {  	v48 =	vor.u32 v34, v42;
	v46 =	vmul.f32 v46, v36;
	v50 =	vld [tilespmem:s14+$0x20];
	[tilespmem:v52+s28+$0x0] =	vst.idx.msk $0xffff, v63  }
0x40e: {  	[tilespmem:v47+s28+$0x0] =	vst.idx.msk $0xffff, v45;
	v47 =	vor.u32 v34, v43;
	v61 =	vmul.f32 v49, v36;
	v49 =	vld [tilespmem:s14+$0xFFFFFFE0]  }
0x40f: {  	v51 =	vld [tilespmem:s11+$0x30];
	[tilespmem:v39+s28+$0x0] =	vst.idx.msk $0xffff, v46;
	v46 =	vor.u32 v34, v44;
	v62 =	vmul.f32 v55, v36  }
0x410: {  	[tilespmem:v54+s28+$0x0] =	vst.idx.msk $0xffff, v61;
	v54 =	vor.u32 v34, v57;
	v52 =	vld [tilespmem:s11+$0xFFFFFFF0];
	v63 =	vmul.f32 v56, v36  }
0x411: {  	v37 =	vor.u32 v35, v37;
	v59 =	vld [tilespmem:s12+$0x30];
	[tilespmem:v53+s28+$0x0] =	vst.idx.msk $0xffff, v62;
	v60 =	vmul.f32 v60, v36  }
0x412: {  	v38 =	vor.u32 v35, v38;
	v53 =	vld [tilespmem:s12+$0xFFFFFFF0];
	[tilespmem:v48+s28+$0x0] =	vst.idx.msk $0xffff, v63;
	v61 =	vmul.f32 v50, v36  }
0x413: {  	v40 =	vor.u32 v35, v40;
	v48 =	vld [tilespmem:s13+$0x30];
	[tilespmem:v47+s28+$0x0] =	vst.idx.msk $0xffff, v60;
	v62 =	vmul.f32 v49, v36  }
0x414: {  	v41 =	vor.u32 v35, v41;
	v63 =	vmul.f32 v51, v36;
	[tilespmem:v46+s28+$0x0] =	vst.idx.msk $0xffff, v61;
	v49 =	vld [tilespmem:s13+$0xFFFFFFF0]  }
0x415: {  	v58 =	vor.u32 v35, v42;
	v56 =	vmul.f32 v52, v36;
	v46 =	vld [tilespmem:s14+$0x30];
	[tilespmem:v54+s28+$0x0] =	vst.idx.msk $0xffff, v62  }
0x416: {  	[tilespmem:v37+s28+$0x0] =	vst.idx.msk $0xffff, v63;
	v59 =	vmul.f32 v59, v36;
	v60 =	vor.u32 v35, v43;
	v61 =	vld [tilespmem:s14+$0xFFFFFFF0]  }
0x417: {  	v63 =	vor.u32 v35, v44;
	[tilespmem:v38+s28+$0x0] =	vst.idx.msk $0xffff, v56;
	v62 =	vmul.f32 v53, v36  }
0x418: {  	v50 =	vor.u32 v35, v57;
	[tilespmem:v40+s28+$0x0] =	vst.idx.msk $0xffff, v59;
	v48 =	vmul.f32 v48, v36  }
0x419: {  	[tilespmem:v41+s28+$0x0] =	vst.idx.msk $0xffff, v62;
	v51 =	vmul.f32 v49, v36  }
0x41a: {  	[tilespmem:v58+s28+$0x0] =	vst.idx.msk $0xffff, v48;
	v52 =	vmul.f32 v46, v36  }
0x41b: {  	[tilespmem:v60+s28+$0x0] =	vst.idx.msk $0xffff, v51;
	v53 =	vmul.f32 v61, v36  }
0x41c: {  	[tilespmem:v63+s28+$0x0] =	vst.idx.msk $0xffff, v52  }
0x41d: {  	[tilespmem:v50+s28+$0x0] =	vst.idx.msk $0xffff, v53  }
0x41e: {  	s23 =	rddreg [dreg:$0x9]  }
0x41f: {  	[hbm4b:s23+s30] =	stream.strided.scatter [tilespmem:s28], [sflag:$0x5], $0x2000, s31, s30, $0x38;
	[tilespmem:$0x1D410] =	vst v63  }
0x420: {  	_ =	swait.ge [sflag:s1], $0x2000  }
0x421: {  	[sflag:s1] =	ssyncset.done $0x0  }
0x422: {  	[sflag:s1] =	ssyncadd.s32 $0xFFFFE000  }
0x423: {  	s25 =	simm.s32 $0x1;
	_ =	swait.ge [sflag:s4], $0x2000  }
0x424: {  	v54 =	vmov s25;
	[sflag:s4] =	ssyncset.done $0x0  }
0x425: {  	s8 =	simm.s32 $0xF440;
	v37 =	vand.u32 $0x7F, v54;
	[sflag:s4] =	ssyncadd.s32 $0xFFFFE000  }
0x426: {  	v44 =	vbroadcast v37, $0x0;
	v55 =	vld [tilespmem:s8+$0x0]  }
0x427: {  	s12 =	simm.s32 $0x0  }
0x428: {  	v56 =	vmov s12;
	v57 =	vor.u32 v29, v44  }
0x429: {  	v37 =	vand.u32 $0x7E, v56  }
0x42a: {  	s13 =	simm.s32 $0x3;
	v39 =	vbroadcast v37, $0x0;
	v58 =	vld [tilespmem:s8+$0xFFFFFFC0]  }
0x42b: {  	v60 =	vmov s13;
	v59 =	vmul.f32 v55, v36  }
0x42c: {  	s11 =	simm.s32 $0xF4C0;
	v61 =	vor.u32 v29, v39;
	v38 =	vand.u32 $0x7F, v60  }
0x42d: {  	s16 =	simm.s32 $0x2;
	v37 =	vbroadcast v38, $0x0;
	v62 =	vld [tilespmem:s11+$0x0];
	[tilespmem:v57+s0+$0x0] =	vst.idx.msk $0xffff, v59  }
0x42e: {  	v52 =	vmov s16;
	v63 =	vld [tilespmem:s8+$0x10]  }
0x42f: {  	v38 =	vand.u32 $0x7E, v52;
	v53 =	vor.u32 v29, v37;
	v41 =	vmul.f32 v58, v36  }
0x430: {  	v54 =	vor.u32 v33, v44;
	v38 =	vbroadcast v38, $0x0;
	v55 =	vld [tilespmem:s11+$0xFFFFFFC0]  }
0x431: {  	s19 =	simm.s32 $0x5;
	[tilespmem:v61+s0+$0x0] =	vst.idx.msk $0xffff, v41  }
0x432: {  	v56 =	vmov s19;
	v40 =	vmul.f32 v62, v36;
	v57 =	vor.u32 v29, v38;
	v41 =	vld [tilespmem:s8+$0xFFFFFFD0]  }
0x433: {  	s12 =	simm.s32 $0xF540;
	v42 =	vand.u32 $0x7F, v56;
	v43 =	vmul.f32 v63, v36  }
0x434: {  	s21 =	simm.s32 $0x4;
	v45 =	vor.u32 v33, v39;
	v49 =	vld [tilespmem:s12+$0x0];
	[tilespmem:v53+s0+$0x0] =	vst.idx.msk $0xffff, v40;
	v40 =	vbroadcast v42, $0x0  }
0x435: {  	v59 =	vmov s21;
	v58 =	vmul.f32 v55, v36;
	[tilespmem:v54+s0+$0x0] =	vst.idx.msk $0xffff, v43;
	v43 =	vld [tilespmem:s11+$0x10]  }
0x436: {  	v46 =	vand.u32 $0x7E, v59;
	v47 =	vor.u32 v29, v40;
	v60 =	vld [tilespmem:s8+$0x20]  }
0x437: {  	v61 =	vld [tilespmem:s12+$0xFFFFFFC0];
	[tilespmem:v57+s0+$0x0] =	vst.idx.msk $0xffff, v58;
	v57 =	vor.u32 v33, v37;
	v56 =	vmul.f32 v41, v36;
	v41 =	vbroadcast v46, $0x0  }
0x438: {  	s22 =	simm.s32 $0x7;
	v62 =	vor.u32 v34, v44  }
0x439: {  	v59 =	vmov s22;
	v58 =	vmul.f32 v49, v36;
	v63 =	vld [tilespmem:s11+$0xFFFFFFD0];
	[tilespmem:v45+s0+$0x0] =	vst.idx.msk $0xffff, v56;
	v49 =	vor.u32 v29, v41  }
0x43a: {  	s13 =	simm.s32 $0xF5C0;
	v45 =	vand.u32 $0x7F, v59;
	v51 =	vld [tilespmem:s8+$0xFFFFFFE0];
	v43 =	vmul.f32 v43, v36  }
0x43b: {  	v55 =	vld [tilespmem:s13+$0x0];
	[tilespmem:v47+s0+$0x0] =	vst.idx.msk $0xffff, v58;
	v54 =	vor.u32 v33, v38;
	v42 =	vbroadcast v45, $0x0;
	v60 =	vmul.f32 v60, v36  }
0x43c: {  	v61 =	vmul.f32 v61, v36;
	v56 =	vld [tilespmem:s12+$0x10];
	v45 =	vor.u32 v34, v39;
	[tilespmem:v57+s0+$0x0] =	vst.idx.msk $0xffff, v43  }
0x43d: {  	s23 =	simm.s32 $0x6;
	v47 =	vor.u32 v29, v42;
	[tilespmem:v62+s0+$0x0] =	vst.idx.msk $0xffff, v60;
	v57 =	vld [tilespmem:s11+$0x20]  }
0x43e: {  	v63 =	vmul.f32 v63, v36;
	[tilespmem:v49+s0+$0x0] =	vst.idx.msk $0xffff, v61;
	v62 =	vmov s23;
	v60 =	vor.u32 v33, v40;
	v61 =	vld [tilespmem:s8+$0x30]  }
0x43f: {  	s16 =	simm.s32 $0xF640;
	v50 =	vor.u32 v34, v37;
	v52 =	vld [tilespmem:s13+$0xFFFFFFC0];
	v51 =	vmul.f32 v51, v36;
	v46 =	vand.u32 $0x7E, v62  }
0x440: {  	s25 =	simm.s32 $0x9;
	v48 =	vor.u32 v35, v44;
	[tilespmem:v54+s0+$0x0] =	vst.idx.msk $0xffff, v63;
	v54 =	vld [tilespmem:s16+$0x0];
	v62 =	vmul.f32 v55, v36;
	v43 =	vbroadcast v46, $0x0  }
0x441: {  	v63 =	vmov s25;
	v56 =	vmul.f32 v56, v36;
	v49 =	vld [tilespmem:s12+$0xFFFFFFD0];
	[tilespmem:v45+s0+$0x0] =	vst.idx.msk $0xffff, v51;
	v51 =	vor.u32 v33, v41  }
0x442: {  	v44 =	vand.u32 $0x7F, v63;
	v45 =	vld [tilespmem:s11+$0xFFFFFFE0];
	[tilespmem:v47+s0+$0x0] =	vst.idx.msk $0xffff, v62;
	v53 =	vor.u32 v29, v43;
	v55 =	vmul.f32 v57, v36  }
0x443: {  	s7 =	simm.s32 $0x8;
	s14 =	simm.s32 $0xF640;
	s19 =	simm.s32 $0xA;
	v44 =	vbroadcast v44, $0x0;
	v46 =	vld [tilespmem:s8+$0xFFFFFFF0];
	v47 =	vor.u32 v34, v38;
	[tilespmem:v60+s0+$0x0] =	vst.idx.msk $0xffff, v56;
	v56 =	vmul.f32 v61, v36  }
.LBB2_24:
0x444: {  	v52 =	vmul.f32 v52, v36;
	v57 =	vld [tilespmem:s13+$0x10];
	[tilespmem:v50+s0+$0x0] =	vst.idx.msk $0xffff, v55  }
0x445: {  	p0 =	slt.u32 s19, $0x7E;
	v55 =	vor.u32 v35, v39;
	v39 =	vmovc v38;
	v38 =	vmovc v41;
	v41 =	vmov v43;
	v58 =	vmov v42  }
0x446: {  	v43 =	vmov s7;
	s7 =	smov.u32 s19;
	v59 =	vor.u32 v29, v44;
	v49 =	vmul.f32 v49, v36;
	v60 =	vld [tilespmem:s12+$0x20];
	[tilespmem:v48+s0+$0x0] =	vst.idx.msk $0xffff, v56;
	v42 =	vmovc v44  }
0x447: {  	v43 =	vand.u32 $0x7E, v43;
	v56 =	vor.u32 v33, v58;
	[tilespmem:v53+s0+$0x0] =	vst.idx.msk $0xffff, v52;
	v44 =	vmul.f32 v45, v36;
	v61 =	vld [tilespmem:s11+$0x30]  }
.Ltmp11:
0x448: {  	v50 =	vor.u32 v34, v40;
	v43 =	vbroadcast v43, $0x0;
	v52 =	vld [tilespmem:s16+$0xFFFFFFC0];
	[tilespmem:v51+s0+$0x0] =	vst.idx.msk $0xffff, v49;
	v46 =	vmul.f32 v46, v36;
	(pc) =	sbr.rel @p0 .LBB2_24-.Ltmp11, $4  }
0x449: {  	s8 =	sadd.s32 $0x1, s19;
	v48 =	vor.u32 v35, v37;
	v37 =	vmov v40;
	v51 =	vmul.f32 v54, v36;
	v49 =	vld [tilespmem:s13+$0xFFFFFFD0];
	[tilespmem:v47+s0+$0x0] =	vst.idx.msk $0xffff, v44  }
0x44a: {  	v40 =	vmovc v58;
	v44 =	vmov s8;
	v53 =	vor.u32 v29, v43;
	v47 =	vmul.f32 v57, v36;
	v45 =	vld [tilespmem:s12+$0xFFFFFFE0];
	[tilespmem:v55+s0+$0x0] =	vst.idx.msk $0xffff, v46  }
0x44b: {  	s16 =	sadd.s32 $0x80, s16;
	v44 =	vand.u32 $0x7F, v44;
	[tilespmem:v59+s0+$0x0] =	vst.idx.msk $0xffff, v51;
	v51 =	vor.u32 v33, v41;
	v55 =	vmul.f32 v60, v36;
	v46 =	vld [tilespmem:s11+$0xFFFFFFF0];
	s11 =	smov.u32 s12;
	s12 =	smov.u32 s13  }
0x44c: {  	s19 =	sadd.s32 $0x2, s19;
	v44 =	vbroadcast v44, $0x0;
	s13 =	smov.u32 s14;
	s14 =	smov.u32 s16;
	v54 =	vld [tilespmem:s16+$0x0];
	[tilespmem:v56+s0+$0x0] =	vst.idx.msk $0xffff, v47;
	v47 =	vor.u32 v34, v38;
	v56 =	vmul.f32 v61, v36  }
0x44d: {  	v57 =	vmov s7  }
0x44e: {  	v57 =	vand.u32 $0x7E, v57  }
0x44f: {  	v58 =	vld [tilespmem:s16+$0xFFFFFFC0];
	v57 =	vbroadcast v57, $0x0  }
0x450: {  	v59 =	vor.u32 v29, v44  }
0x451: {  	v60 =	vor.u32 v29, v57  }
0x452: {  	v52 =	vmul.f32 v52, v36  }
0x453: {  	v54 =	vmul.f32 v54, v36  }
0x454: {  	[tilespmem:v53+s0+$0x0] =	vst.idx.msk $0xffff, v52;
	v52 =	vld [tilespmem:s13+$0x10];
	v62 =	vmul.f32 v58, v36  }
0x455: {  	v58 =	vld [tilespmem:s13+$0xFFFFFFD0];
	[tilespmem:v59+s0+$0x0] =	vst.idx.msk $0xffff, v54  }
0x456: {  	v54 =	vor.u32 v33, v42;
	v59 =	vld [tilespmem:s14+$0x10];
	[tilespmem:v60+s0+$0x0] =	vst.idx.msk $0xffff, v62  }
0x457: {  	v53 =	vor.u32 v33, v43;
	v60 =	vld [tilespmem:s14+$0xFFFFFFD0]  }
0x458: {  	[tilespmem:v50+s0+$0x0] =	vst.idx.msk $0xffff, v55;
	v49 =	vmul.f32 v49, v36;
	v50 =	vor.u32 v33, v44  }
0x459: {  	[tilespmem:v48+s0+$0x0] =	vst.idx.msk $0xffff, v56;
	v63 =	vmul.f32 v52, v36;
	v52 =	vor.u32 v33, v57  }
0x45a: {  	[tilespmem:v51+s0+$0x0] =	vst.idx.msk $0xffff, v49;
	v49 =	vld [tilespmem:s12+$0x20];
	v61 =	vmul.f32 v58, v36  }
0x45b: {  	v39 =	vor.u32 v35, v39;
	v55 =	vld [tilespmem:s12+$0xFFFFFFE0];
	[tilespmem:v54+s0+$0x0] =	vst.idx.msk $0xffff, v63;
	v62 =	vmul.f32 v59, v36  }
0x45c: {  	v54 =	vor.u32 v34, v40;
	v56 =	vld [tilespmem:s13+$0x20];
	[tilespmem:v53+s0+$0x0] =	vst.idx.msk $0xffff, v61;
	v63 =	vmul.f32 v60, v36  }
0x45d: {  	v45 =	vmul.f32 v45, v36;
	v53 =	vor.u32 v34, v41;
	[tilespmem:v50+s0+$0x0] =	vst.idx.msk $0xffff, v62;
	v60 =	vld [tilespmem:s13+$0xFFFFFFE0]  }
0x45e: {  	v48 =	vor.u32 v34, v42;
	v46 =	vmul.f32 v46, v36;
	v50 =	vld [tilespmem:s14+$0x20];
	[tilespmem:v52+s0+$0x0] =	vst.idx.msk $0xffff, v63  }
0x45f: {  	[tilespmem:v47+s0+$0x0] =	vst.idx.msk $0xffff, v45;
	v47 =	vor.u32 v34, v43;
	v61 =	vmul.f32 v49, v36;
	v49 =	vld [tilespmem:s14+$0xFFFFFFE0]  }
0x460: {  	v51 =	vld [tilespmem:s11+$0x30];
	[tilespmem:v39+s0+$0x0] =	vst.idx.msk $0xffff, v46;
	v46 =	vor.u32 v34, v44;
	v62 =	vmul.f32 v55, v36  }
0x461: {  	[tilespmem:v54+s0+$0x0] =	vst.idx.msk $0xffff, v61;
	v54 =	vor.u32 v34, v57;
	v52 =	vld [tilespmem:s11+$0xFFFFFFF0];
	v63 =	vmul.f32 v56, v36  }
0x462: {  	v37 =	vor.u32 v35, v37;
	v59 =	vld [tilespmem:s12+$0x30];
	[tilespmem:v53+s0+$0x0] =	vst.idx.msk $0xffff, v62;
	v60 =	vmul.f32 v60, v36  }
0x463: {  	v38 =	vor.u32 v35, v38;
	v53 =	vld [tilespmem:s12+$0xFFFFFFF0];
	[tilespmem:v48+s0+$0x0] =	vst.idx.msk $0xffff, v63;
	v61 =	vmul.f32 v50, v36  }
0x464: {  	v40 =	vor.u32 v35, v40;
	v48 =	vld [tilespmem:s13+$0x30];
	[tilespmem:v47+s0+$0x0] =	vst.idx.msk $0xffff, v60;
	v62 =	vmul.f32 v49, v36  }
0x465: {  	v41 =	vor.u32 v35, v41;
	v63 =	vmul.f32 v51, v36;
	[tilespmem:v46+s0+$0x0] =	vst.idx.msk $0xffff, v61;
	v49 =	vld [tilespmem:s13+$0xFFFFFFF0]  }
0x466: {  	v58 =	vor.u32 v35, v42;
	v56 =	vmul.f32 v52, v36;
	v46 =	vld [tilespmem:s14+$0x30];
	[tilespmem:v54+s0+$0x0] =	vst.idx.msk $0xffff, v62  }
0x467: {  	[tilespmem:v37+s0+$0x0] =	vst.idx.msk $0xffff, v63;
	v59 =	vmul.f32 v59, v36;
	v60 =	vor.u32 v35, v43;
	v61 =	vld [tilespmem:s14+$0xFFFFFFF0]  }
0x468: {  	v63 =	vor.u32 v35, v44;
	[tilespmem:v38+s0+$0x0] =	vst.idx.msk $0xffff, v56;
	v62 =	vmul.f32 v53, v36  }
0x469: {  	v50 =	vor.u32 v35, v57;
	[tilespmem:v40+s0+$0x0] =	vst.idx.msk $0xffff, v59;
	v48 =	vmul.f32 v48, v36  }
0x46a: {  	[tilespmem:v41+s0+$0x0] =	vst.idx.msk $0xffff, v62;
	v51 =	vmul.f32 v49, v36  }
0x46b: {  	[tilespmem:v58+s0+$0x0] =	vst.idx.msk $0xffff, v48;
	v52 =	vmul.f32 v46, v36  }
0x46c: {  	[tilespmem:v60+s0+$0x0] =	vst.idx.msk $0xffff, v51;
	v53 =	vmul.f32 v61, v36  }
0x46d: {  	[tilespmem:v63+s0+$0x0] =	vst.idx.msk $0xffff, v52  }
0x46e: {  	[tilespmem:v50+s0+$0x0] =	vst.idx.msk $0xffff, v53  }
0x46f: {  	s23 =	rddreg [dreg:$0x7]  }
0x470: {  	[hbm4b:s23+s30] =	stream.strided.scatter [tilespmem:s0], [sflag:$0x6], $0x2000, s31, s30, $0x38;
	[tilespmem:$0x1D410] =	vst v63  }
0x471: {  	_ =	swait.ge [sflag:s18], $0x2000  }
0x472: {  	[sflag:s18] =	ssyncset.done $0x0  }
0x473: {  	[sflag:s18] =	ssyncadd.s32 $0xFFFFE000  }
0x474: {  	s25 =	simm.s32 $0x1;
	_ =	swait.ge [sflag:s6], $0x2000  }
0x475: {  	v54 =	vmov s25;
	[sflag:s6] =	ssyncset.done $0x0  }
0x476: {  	s8 =	simm.s32 $0x11440;
	v37 =	vand.u32 $0x7F, v54;
	[sflag:s6] =	ssyncadd.s32 $0xFFFFE000  }
0x477: {  	v44 =	vbroadcast v37, $0x0;
	v55 =	vld [tilespmem:s8+$0x0]  }
0x478: {  	s12 =	simm.s32 $0x0  }
0x479: {  	v56 =	vmov s12;
	v57 =	vor.u32 v29, v44  }
0x47a: {  	v37 =	vand.u32 $0x7E, v56  }
0x47b: {  	s13 =	simm.s32 $0x3;
	v39 =	vbroadcast v37, $0x0;
	v58 =	vld [tilespmem:s8+$0xFFFFFFC0]  }
0x47c: {  	v60 =	vmov s13;
	v59 =	vmul.f32 v55, v36  }
0x47d: {  	s11 =	simm.s32 $0x114C0;
	v61 =	vor.u32 v29, v39;
	v38 =	vand.u32 $0x7F, v60  }
0x47e: {  	s16 =	simm.s32 $0x2;
	v37 =	vbroadcast v38, $0x0;
	v62 =	vld [tilespmem:s11+$0x0];
	[tilespmem:v57+s20+$0x0] =	vst.idx.msk $0xffff, v59  }
0x47f: {  	v52 =	vmov s16;
	v63 =	vld [tilespmem:s8+$0x10]  }
0x480: {  	v38 =	vand.u32 $0x7E, v52;
	v53 =	vor.u32 v29, v37;
	v41 =	vmul.f32 v58, v36  }
0x481: {  	v54 =	vor.u32 v33, v44;
	v38 =	vbroadcast v38, $0x0;
	v55 =	vld [tilespmem:s11+$0xFFFFFFC0]  }
0x482: {  	s19 =	simm.s32 $0x5;
	[tilespmem:v61+s20+$0x0] =	vst.idx.msk $0xffff, v41  }
0x483: {  	v56 =	vmov s19;
	v40 =	vmul.f32 v62, v36;
	v57 =	vor.u32 v29, v38;
	v41 =	vld [tilespmem:s8+$0xFFFFFFD0]  }
0x484: {  	s12 =	simm.s32 $0x11540;
	v42 =	vand.u32 $0x7F, v56;
	v43 =	vmul.f32 v63, v36  }
0x485: {  	s21 =	simm.s32 $0x4;
	v45 =	vor.u32 v33, v39;
	v49 =	vld [tilespmem:s12+$0x0];
	[tilespmem:v53+s20+$0x0] =	vst.idx.msk $0xffff, v40;
	v40 =	vbroadcast v42, $0x0  }
0x486: {  	v59 =	vmov s21;
	v58 =	vmul.f32 v55, v36;
	[tilespmem:v54+s20+$0x0] =	vst.idx.msk $0xffff, v43;
	v43 =	vld [tilespmem:s11+$0x10]  }
0x487: {  	v46 =	vand.u32 $0x7E, v59;
	v47 =	vor.u32 v29, v40;
	v60 =	vld [tilespmem:s8+$0x20]  }
0x488: {  	v61 =	vld [tilespmem:s12+$0xFFFFFFC0];
	[tilespmem:v57+s20+$0x0] =	vst.idx.msk $0xffff, v58;
	v57 =	vor.u32 v33, v37;
	v56 =	vmul.f32 v41, v36;
	v41 =	vbroadcast v46, $0x0  }
0x489: {  	s22 =	simm.s32 $0x7;
	v62 =	vor.u32 v34, v44  }
0x48a: {  	v59 =	vmov s22;
	v58 =	vmul.f32 v49, v36;
	v63 =	vld [tilespmem:s11+$0xFFFFFFD0];
	[tilespmem:v45+s20+$0x0] =	vst.idx.msk $0xffff, v56;
	v49 =	vor.u32 v29, v41  }
0x48b: {  	s13 =	simm.s32 $0x115C0;
	v45 =	vand.u32 $0x7F, v59;
	v51 =	vld [tilespmem:s8+$0xFFFFFFE0];
	v43 =	vmul.f32 v43, v36  }
0x48c: {  	v55 =	vld [tilespmem:s13+$0x0];
	[tilespmem:v47+s20+$0x0] =	vst.idx.msk $0xffff, v58;
	v54 =	vor.u32 v33, v38;
	v42 =	vbroadcast v45, $0x0;
	v60 =	vmul.f32 v60, v36  }
0x48d: {  	v61 =	vmul.f32 v61, v36;
	v56 =	vld [tilespmem:s12+$0x10];
	v45 =	vor.u32 v34, v39;
	[tilespmem:v57+s20+$0x0] =	vst.idx.msk $0xffff, v43  }
0x48e: {  	s23 =	simm.s32 $0x6;
	v47 =	vor.u32 v29, v42;
	[tilespmem:v62+s20+$0x0] =	vst.idx.msk $0xffff, v60;
	v57 =	vld [tilespmem:s11+$0x20]  }
0x48f: {  	v63 =	vmul.f32 v63, v36;
	[tilespmem:v49+s20+$0x0] =	vst.idx.msk $0xffff, v61;
	v62 =	vmov s23;
	v60 =	vor.u32 v33, v40;
	v61 =	vld [tilespmem:s8+$0x30]  }
0x490: {  	s16 =	simm.s32 $0x11640;
	v50 =	vor.u32 v34, v37;
	v52 =	vld [tilespmem:s13+$0xFFFFFFC0];
	v51 =	vmul.f32 v51, v36;
	v46 =	vand.u32 $0x7E, v62  }
0x491: {  	s25 =	simm.s32 $0x9;
	v48 =	vor.u32 v35, v44;
	[tilespmem:v54+s20+$0x0] =	vst.idx.msk $0xffff, v63;
	v54 =	vld [tilespmem:s16+$0x0];
	v62 =	vmul.f32 v55, v36;
	v43 =	vbroadcast v46, $0x0  }
0x492: {  	v63 =	vmov s25;
	v56 =	vmul.f32 v56, v36;
	v49 =	vld [tilespmem:s12+$0xFFFFFFD0];
	[tilespmem:v45+s20+$0x0] =	vst.idx.msk $0xffff, v51;
	v51 =	vor.u32 v33, v41  }
0x493: {  	v44 =	vand.u32 $0x7F, v63;
	v45 =	vld [tilespmem:s11+$0xFFFFFFE0];
	[tilespmem:v47+s20+$0x0] =	vst.idx.msk $0xffff, v62;
	v53 =	vor.u32 v29, v43;
	v55 =	vmul.f32 v57, v36  }
0x494: {  	s7 =	simm.s32 $0x8;
	s14 =	simm.s32 $0x11640;
	s19 =	simm.s32 $0xA;
	v44 =	vbroadcast v44, $0x0;
	v46 =	vld [tilespmem:s8+$0xFFFFFFF0];
	v47 =	vor.u32 v34, v38;
	[tilespmem:v60+s20+$0x0] =	vst.idx.msk $0xffff, v56;
	v56 =	vmul.f32 v61, v36  }
.LBB2_26:
0x495: {  	v52 =	vmul.f32 v52, v36;
	v57 =	vld [tilespmem:s13+$0x10];
	[tilespmem:v50+s20+$0x0] =	vst.idx.msk $0xffff, v55  }
0x496: {  	p0 =	slt.u32 s19, $0x7E;
	v55 =	vor.u32 v35, v39;
	v39 =	vmovc v38;
	v38 =	vmovc v41;
	v41 =	vmov v43;
	v58 =	vmov v42  }
0x497: {  	v43 =	vmov s7;
	s7 =	smov.u32 s19;
	v59 =	vor.u32 v29, v44;
	v49 =	vmul.f32 v49, v36;
	v60 =	vld [tilespmem:s12+$0x20];
	[tilespmem:v48+s20+$0x0] =	vst.idx.msk $0xffff, v56;
	v42 =	vmovc v44  }
0x498: {  	v43 =	vand.u32 $0x7E, v43;
	v56 =	vor.u32 v33, v58;
	[tilespmem:v53+s20+$0x0] =	vst.idx.msk $0xffff, v52;
	v44 =	vmul.f32 v45, v36;
	v61 =	vld [tilespmem:s11+$0x30]  }
.Ltmp12:
0x499: {  	v50 =	vor.u32 v34, v40;
	v43 =	vbroadcast v43, $0x0;
	v52 =	vld [tilespmem:s16+$0xFFFFFFC0];
	[tilespmem:v51+s20+$0x0] =	vst.idx.msk $0xffff, v49;
	v46 =	vmul.f32 v46, v36;
	(pc) =	sbr.rel @p0 .LBB2_26-.Ltmp12, $4  }
0x49a: {  	s8 =	sadd.s32 $0x1, s19;
	v48 =	vor.u32 v35, v37;
	v37 =	vmov v40;
	v51 =	vmul.f32 v54, v36;
	v49 =	vld [tilespmem:s13+$0xFFFFFFD0];
	[tilespmem:v47+s20+$0x0] =	vst.idx.msk $0xffff, v44  }
0x49b: {  	v40 =	vmovc v58;
	v44 =	vmov s8;
	v53 =	vor.u32 v29, v43;
	v47 =	vmul.f32 v57, v36;
	v45 =	vld [tilespmem:s12+$0xFFFFFFE0];
	[tilespmem:v55+s20+$0x0] =	vst.idx.msk $0xffff, v46  }
0x49c: {  	s16 =	sadd.s32 $0x80, s16;
	v44 =	vand.u32 $0x7F, v44;
	[tilespmem:v59+s20+$0x0] =	vst.idx.msk $0xffff, v51;
	v51 =	vor.u32 v33, v41;
	v55 =	vmul.f32 v60, v36;
	v46 =	vld [tilespmem:s11+$0xFFFFFFF0];
	s11 =	smov.u32 s12;
	s12 =	smov.u32 s13  }
0x49d: {  	s19 =	sadd.s32 $0x2, s19;
	v44 =	vbroadcast v44, $0x0;
	s13 =	smov.u32 s14;
	s14 =	smov.u32 s16;
	v54 =	vld [tilespmem:s16+$0x0];
	[tilespmem:v56+s20+$0x0] =	vst.idx.msk $0xffff, v47;
	v47 =	vor.u32 v34, v38;
	v56 =	vmul.f32 v61, v36  }
0x49e: {  	v57 =	vmov s7  }
0x49f: {  	v57 =	vand.u32 $0x7E, v57  }
0x4a0: {  	v58 =	vld [tilespmem:s16+$0xFFFFFFC0];
	v57 =	vbroadcast v57, $0x0  }
0x4a1: {  	v59 =	vor.u32 v29, v44  }
0x4a2: {  	v60 =	vor.u32 v29, v57  }
0x4a3: {  	v52 =	vmul.f32 v52, v36  }
0x4a4: {  	v54 =	vmul.f32 v54, v36  }
0x4a5: {  	[tilespmem:v53+s20+$0x0] =	vst.idx.msk $0xffff, v52;
	v52 =	vld [tilespmem:s13+$0x10];
	v62 =	vmul.f32 v58, v36  }
0x4a6: {  	v58 =	vld [tilespmem:s13+$0xFFFFFFD0];
	[tilespmem:v59+s20+$0x0] =	vst.idx.msk $0xffff, v54  }
0x4a7: {  	v54 =	vor.u32 v33, v42;
	v59 =	vld [tilespmem:s14+$0x10];
	[tilespmem:v60+s20+$0x0] =	vst.idx.msk $0xffff, v62  }
0x4a8: {  	v53 =	vor.u32 v33, v43;
	v60 =	vld [tilespmem:s14+$0xFFFFFFD0]  }
0x4a9: {  	[tilespmem:v50+s20+$0x0] =	vst.idx.msk $0xffff, v55;
	v49 =	vmul.f32 v49, v36;
	v50 =	vor.u32 v33, v44  }
0x4aa: {  	[tilespmem:v48+s20+$0x0] =	vst.idx.msk $0xffff, v56;
	v63 =	vmul.f32 v52, v36;
	v52 =	vor.u32 v33, v57  }
0x4ab: {  	[tilespmem:v51+s20+$0x0] =	vst.idx.msk $0xffff, v49;
	v49 =	vld [tilespmem:s12+$0x20];
	v61 =	vmul.f32 v58, v36  }
0x4ac: {  	v39 =	vor.u32 v35, v39;
	v55 =	vld [tilespmem:s12+$0xFFFFFFE0];
	[tilespmem:v54+s20+$0x0] =	vst.idx.msk $0xffff, v63;
	v62 =	vmul.f32 v59, v36  }
0x4ad: {  	v54 =	vor.u32 v34, v40;
	v56 =	vld [tilespmem:s13+$0x20];
	[tilespmem:v53+s20+$0x0] =	vst.idx.msk $0xffff, v61;
	v63 =	vmul.f32 v60, v36  }
0x4ae: {  	v45 =	vmul.f32 v45, v36;
	v53 =	vor.u32 v34, v41;
	[tilespmem:v50+s20+$0x0] =	vst.idx.msk $0xffff, v62;
	v60 =	vld [tilespmem:s13+$0xFFFFFFE0]  }
0x4af: {  	v48 =	vor.u32 v34, v42;
	v46 =	vmul.f32 v46, v36;
	v50 =	vld [tilespmem:s14+$0x20];
	[tilespmem:v52+s20+$0x0] =	vst.idx.msk $0xffff, v63  }
0x4b0: {  	[tilespmem:v47+s20+$0x0] =	vst.idx.msk $0xffff, v45;
	v47 =	vor.u32 v34, v43;
	v61 =	vmul.f32 v49, v36;
	v49 =	vld [tilespmem:s14+$0xFFFFFFE0]  }
0x4b1: {  	v51 =	vld [tilespmem:s11+$0x30];
	[tilespmem:v39+s20+$0x0] =	vst.idx.msk $0xffff, v46;
	v46 =	vor.u32 v34, v44;
	v62 =	vmul.f32 v55, v36  }
0x4b2: {  	[tilespmem:v54+s20+$0x0] =	vst.idx.msk $0xffff, v61;
	v54 =	vor.u32 v34, v57;
	v52 =	vld [tilespmem:s11+$0xFFFFFFF0];
	v63 =	vmul.f32 v56, v36  }
0x4b3: {  	v37 =	vor.u32 v35, v37;
	v59 =	vld [tilespmem:s12+$0x30];
	[tilespmem:v53+s20+$0x0] =	vst.idx.msk $0xffff, v62;
	v60 =	vmul.f32 v60, v36  }
0x4b4: {  	v38 =	vor.u32 v35, v38;
	v53 =	vld [tilespmem:s12+$0xFFFFFFF0];
	[tilespmem:v48+s20+$0x0] =	vst.idx.msk $0xffff, v63;
	v61 =	vmul.f32 v50, v36  }
0x4b5: {  	v40 =	vor.u32 v35, v40;
	v48 =	vld [tilespmem:s13+$0x30];
	[tilespmem:v47+s20+$0x0] =	vst.idx.msk $0xffff, v60;
	v62 =	vmul.f32 v49, v36  }
0x4b6: {  	v41 =	vor.u32 v35, v41;
	v63 =	vmul.f32 v51, v36;
	[tilespmem:v46+s20+$0x0] =	vst.idx.msk $0xffff, v61;
	v49 =	vld [tilespmem:s13+$0xFFFFFFF0]  }
0x4b7: {  	v58 =	vor.u32 v35, v42;
	v56 =	vmul.f32 v52, v36;
	v46 =	vld [tilespmem:s14+$0x30];
	[tilespmem:v54+s20+$0x0] =	vst.idx.msk $0xffff, v62  }
0x4b8: {  	[tilespmem:v37+s20+$0x0] =	vst.idx.msk $0xffff, v63;
	v59 =	vmul.f32 v59, v36;
	v60 =	vor.u32 v35, v43;
	v61 =	vld [tilespmem:s14+$0xFFFFFFF0]  }
0x4b9: {  	v63 =	vor.u32 v35, v44;
	[tilespmem:v38+s20+$0x0] =	vst.idx.msk $0xffff, v56;
	v62 =	vmul.f32 v53, v36  }
0x4ba: {  	v50 =	vor.u32 v35, v57;
	[tilespmem:v40+s20+$0x0] =	vst.idx.msk $0xffff, v59;
	v48 =	vmul.f32 v48, v36  }
0x4bb: {  	[tilespmem:v41+s20+$0x0] =	vst.idx.msk $0xffff, v62;
	v51 =	vmul.f32 v49, v36  }
0x4bc: {  	[tilespmem:v58+s20+$0x0] =	vst.idx.msk $0xffff, v48;
	v52 =	vmul.f32 v46, v36  }
0x4bd: {  	[tilespmem:v60+s20+$0x0] =	vst.idx.msk $0xffff, v51;
	v53 =	vmul.f32 v61, v36  }
0x4be: {  	[tilespmem:v63+s20+$0x0] =	vst.idx.msk $0xffff, v52  }
0x4bf: {  	[tilespmem:v50+s20+$0x0] =	vst.idx.msk $0xffff, v53  }
0x4c0: {  	s23 =	rddreg [dreg:$0x8]  }
0x4c1: {  	[hbm4b:s23+s30] =	stream.strided.scatter [tilespmem:s20], [sflag:$0x7], $0x2000, s31, s30, $0x38;
	[tilespmem:$0x1D410] =	vst v63  }
0x4c2: {  	_ =	swait.ge [sflag:s29], $0x2000  }
0x4c3: {  	[sflag:s29] =	ssyncset.done $0x0  }
0x4c4: {  	[sflag:s29] =	ssyncadd.s32 $0xFFFFE000  }
0x4c5: {  	s25 =	simm.s32 $0x1;
	_ =	swait.ge [sflag:s10], $0x2000  }
0x4c6: {  	v54 =	vmov s25;
	[sflag:s10] =	ssyncset.done $0x0  }
0x4c7: {  	s8 =	simm.s32 $0x13440;
	v37 =	vand.u32 $0x7F, v54;
	[sflag:s10] =	ssyncadd.s32 $0xFFFFE000  }
0x4c8: {  	v44 =	vbroadcast v37, $0x0;
	v55 =	vld [tilespmem:s8+$0x0]  }
0x4c9: {  	s12 =	simm.s32 $0x0  }
0x4ca: {  	v56 =	vmov s12;
	v57 =	vor.u32 v29, v44  }
0x4cb: {  	v37 =	vand.u32 $0x7E, v56  }
0x4cc: {  	s13 =	simm.s32 $0x3;
	v39 =	vbroadcast v37, $0x0;
	v58 =	vld [tilespmem:s8+$0xFFFFFFC0]  }
0x4cd: {  	v60 =	vmov s13;
	v59 =	vmul.f32 v55, v36  }
0x4ce: {  	s11 =	simm.s32 $0x134C0;
	v61 =	vor.u32 v29, v39;
	v38 =	vand.u32 $0x7F, v60  }
0x4cf: {  	s16 =	simm.s32 $0x2;
	v37 =	vbroadcast v38, $0x0;
	v62 =	vld [tilespmem:s11+$0x0];
	[tilespmem:v57+s15+$0x0] =	vst.idx.msk $0xffff, v59  }
0x4d0: {  	v52 =	vmov s16;
	v63 =	vld [tilespmem:s8+$0x10]  }
0x4d1: {  	v38 =	vand.u32 $0x7E, v52;
	v53 =	vor.u32 v29, v37;
	v41 =	vmul.f32 v58, v36  }
0x4d2: {  	v54 =	vor.u32 v33, v44;
	v38 =	vbroadcast v38, $0x0;
	v55 =	vld [tilespmem:s11+$0xFFFFFFC0]  }
0x4d3: {  	s19 =	simm.s32 $0x5;
	[tilespmem:v61+s15+$0x0] =	vst.idx.msk $0xffff, v41  }
0x4d4: {  	v56 =	vmov s19;
	v40 =	vmul.f32 v62, v36;
	v57 =	vor.u32 v29, v38;
	v41 =	vld [tilespmem:s8+$0xFFFFFFD0]  }
0x4d5: {  	s12 =	simm.s32 $0x13540;
	v42 =	vand.u32 $0x7F, v56;
	v43 =	vmul.f32 v63, v36  }
0x4d6: {  	s21 =	simm.s32 $0x4;
	v45 =	vor.u32 v33, v39;
	v49 =	vld [tilespmem:s12+$0x0];
	[tilespmem:v53+s15+$0x0] =	vst.idx.msk $0xffff, v40;
	v40 =	vbroadcast v42, $0x0  }
0x4d7: {  	v59 =	vmov s21;
	v58 =	vmul.f32 v55, v36;
	[tilespmem:v54+s15+$0x0] =	vst.idx.msk $0xffff, v43;
	v43 =	vld [tilespmem:s11+$0x10]  }
0x4d8: {  	v46 =	vand.u32 $0x7E, v59;
	v47 =	vor.u32 v29, v40;
	v60 =	vld [tilespmem:s8+$0x20]  }
0x4d9: {  	v61 =	vld [tilespmem:s12+$0xFFFFFFC0];
	[tilespmem:v57+s15+$0x0] =	vst.idx.msk $0xffff, v58;
	v57 =	vor.u32 v33, v37;
	v56 =	vmul.f32 v41, v36;
	v41 =	vbroadcast v46, $0x0  }
0x4da: {  	s22 =	simm.s32 $0x7;
	v62 =	vor.u32 v34, v44  }
0x4db: {  	v59 =	vmov s22;
	v58 =	vmul.f32 v49, v36;
	v63 =	vld [tilespmem:s11+$0xFFFFFFD0];
	[tilespmem:v45+s15+$0x0] =	vst.idx.msk $0xffff, v56;
	v49 =	vor.u32 v29, v41  }
0x4dc: {  	s13 =	simm.s32 $0x135C0;
	v45 =	vand.u32 $0x7F, v59;
	v51 =	vld [tilespmem:s8+$0xFFFFFFE0];
	v43 =	vmul.f32 v43, v36  }
0x4dd: {  	v55 =	vld [tilespmem:s13+$0x0];
	[tilespmem:v47+s15+$0x0] =	vst.idx.msk $0xffff, v58;
	v54 =	vor.u32 v33, v38;
	v42 =	vbroadcast v45, $0x0;
	v60 =	vmul.f32 v60, v36  }
0x4de: {  	v61 =	vmul.f32 v61, v36;
	v56 =	vld [tilespmem:s12+$0x10];
	v45 =	vor.u32 v34, v39;
	[tilespmem:v57+s15+$0x0] =	vst.idx.msk $0xffff, v43  }
0x4df: {  	s23 =	simm.s32 $0x6;
	v47 =	vor.u32 v29, v42;
	[tilespmem:v62+s15+$0x0] =	vst.idx.msk $0xffff, v60;
	v57 =	vld [tilespmem:s11+$0x20]  }
0x4e0: {  	v63 =	vmul.f32 v63, v36;
	[tilespmem:v49+s15+$0x0] =	vst.idx.msk $0xffff, v61;
	v62 =	vmov s23;
	v60 =	vor.u32 v33, v40;
	v61 =	vld [tilespmem:s8+$0x30]  }
0x4e1: {  	s16 =	simm.s32 $0x13640;
	v50 =	vor.u32 v34, v37;
	v52 =	vld [tilespmem:s13+$0xFFFFFFC0];
	v51 =	vmul.f32 v51, v36;
	v46 =	vand.u32 $0x7E, v62  }
0x4e2: {  	s25 =	simm.s32 $0x9;
	v48 =	vor.u32 v35, v44;
	[tilespmem:v54+s15+$0x0] =	vst.idx.msk $0xffff, v63;
	v54 =	vld [tilespmem:s16+$0x0];
	v62 =	vmul.f32 v55, v36;
	v43 =	vbroadcast v46, $0x0  }
0x4e3: {  	v63 =	vmov s25;
	v56 =	vmul.f32 v56, v36;
	v49 =	vld [tilespmem:s12+$0xFFFFFFD0];
	[tilespmem:v45+s15+$0x0] =	vst.idx.msk $0xffff, v51;
	v51 =	vor.u32 v33, v41  }
0x4e4: {  	v44 =	vand.u32 $0x7F, v63;
	v45 =	vld [tilespmem:s11+$0xFFFFFFE0];
	[tilespmem:v47+s15+$0x0] =	vst.idx.msk $0xffff, v62;
	v53 =	vor.u32 v29, v43;
	v55 =	vmul.f32 v57, v36  }
0x4e5: {  	s7 =	simm.s32 $0x8;
	s14 =	simm.s32 $0x13640;
	s19 =	simm.s32 $0xA;
	v44 =	vbroadcast v44, $0x0;
	v46 =	vld [tilespmem:s8+$0xFFFFFFF0];
	v47 =	vor.u32 v34, v38;
	[tilespmem:v60+s15+$0x0] =	vst.idx.msk $0xffff, v56;
	v56 =	vmul.f32 v61, v36  }
.LBB2_28:
0x4e6: {  	v52 =	vmul.f32 v52, v36;
	v57 =	vld [tilespmem:s13+$0x10];
	[tilespmem:v50+s15+$0x0] =	vst.idx.msk $0xffff, v55  }
0x4e7: {  	p0 =	slt.u32 s19, $0x7E;
	v55 =	vor.u32 v35, v39;
	v39 =	vmovc v38;
	v38 =	vmovc v41;
	v41 =	vmov v43;
	v58 =	vmov v42  }
0x4e8: {  	v43 =	vmov s7;
	s7 =	smov.u32 s19;
	v59 =	vor.u32 v29, v44;
	v49 =	vmul.f32 v49, v36;
	v60 =	vld [tilespmem:s12+$0x20];
	[tilespmem:v48+s15+$0x0] =	vst.idx.msk $0xffff, v56;
	v42 =	vmovc v44  }
0x4e9: {  	v43 =	vand.u32 $0x7E, v43;
	v56 =	vor.u32 v33, v58;
	[tilespmem:v53+s15+$0x0] =	vst.idx.msk $0xffff, v52;
	v44 =	vmul.f32 v45, v36;
	v61 =	vld [tilespmem:s11+$0x30]  }
.Ltmp13:
0x4ea: {  	v50 =	vor.u32 v34, v40;
	v43 =	vbroadcast v43, $0x0;
	v52 =	vld [tilespmem:s16+$0xFFFFFFC0];
	[tilespmem:v51+s15+$0x0] =	vst.idx.msk $0xffff, v49;
	v46 =	vmul.f32 v46, v36;
	(pc) =	sbr.rel @p0 .LBB2_28-.Ltmp13, $4  }
0x4eb: {  	s8 =	sadd.s32 $0x1, s19;
	v48 =	vor.u32 v35, v37;
	v37 =	vmov v40;
	v51 =	vmul.f32 v54, v36;
	v49 =	vld [tilespmem:s13+$0xFFFFFFD0];
	[tilespmem:v47+s15+$0x0] =	vst.idx.msk $0xffff, v44  }
0x4ec: {  	v40 =	vmovc v58;
	v44 =	vmov s8;
	v53 =	vor.u32 v29, v43;
	v47 =	vmul.f32 v57, v36;
	v45 =	vld [tilespmem:s12+$0xFFFFFFE0];
	[tilespmem:v55+s15+$0x0] =	vst.idx.msk $0xffff, v46  }
0x4ed: {  	s16 =	sadd.s32 $0x80, s16;
	v44 =	vand.u32 $0x7F, v44;
	[tilespmem:v59+s15+$0x0] =	vst.idx.msk $0xffff, v51;
	v51 =	vor.u32 v33, v41;
	v55 =	vmul.f32 v60, v36;
	v46 =	vld [tilespmem:s11+$0xFFFFFFF0];
	s11 =	smov.u32 s12;
	s12 =	smov.u32 s13  }
0x4ee: {  	s19 =	sadd.s32 $0x2, s19;
	v44 =	vbroadcast v44, $0x0;
	s13 =	smov.u32 s14;
	s14 =	smov.u32 s16;
	v54 =	vld [tilespmem:s16+$0x0];
	[tilespmem:v56+s15+$0x0] =	vst.idx.msk $0xffff, v47;
	v47 =	vor.u32 v34, v38;
	v56 =	vmul.f32 v61, v36  }
0x4ef: {  	v57 =	vmov s7  }
0x4f0: {  	v57 =	vand.u32 $0x7E, v57  }
0x4f1: {  	v58 =	vld [tilespmem:s16+$0xFFFFFFC0];
	v57 =	vbroadcast v57, $0x0  }
0x4f2: {  	v59 =	vor.u32 v29, v44  }
0x4f3: {  	v60 =	vor.u32 v29, v57  }
0x4f4: {  	v52 =	vmul.f32 v52, v36  }
0x4f5: {  	v54 =	vmul.f32 v54, v36  }
0x4f6: {  	[tilespmem:v53+s15+$0x0] =	vst.idx.msk $0xffff, v52;
	v52 =	vld [tilespmem:s13+$0x10];
	v62 =	vmul.f32 v58, v36  }
0x4f7: {  	v58 =	vld [tilespmem:s13+$0xFFFFFFD0];
	[tilespmem:v59+s15+$0x0] =	vst.idx.msk $0xffff, v54  }
0x4f8: {  	v54 =	vor.u32 v33, v42;
	v59 =	vld [tilespmem:s14+$0x10];
	[tilespmem:v60+s15+$0x0] =	vst.idx.msk $0xffff, v62  }
0x4f9: {  	v53 =	vor.u32 v33, v43;
	v60 =	vld [tilespmem:s14+$0xFFFFFFD0]  }
0x4fa: {  	[tilespmem:v50+s15+$0x0] =	vst.idx.msk $0xffff, v55;
	v49 =	vmul.f32 v49, v36;
	v50 =	vor.u32 v33, v44  }
0x4fb: {  	[tilespmem:v48+s15+$0x0] =	vst.idx.msk $0xffff, v56;
	v63 =	vmul.f32 v52, v36;
	v52 =	vor.u32 v33, v57  }
0x4fc: {  	[tilespmem:v51+s15+$0x0] =	vst.idx.msk $0xffff, v49;
	v49 =	vld [tilespmem:s12+$0x20];
	v61 =	vmul.f32 v58, v36  }
0x4fd: {  	v39 =	vor.u32 v35, v39;
	v55 =	vld [tilespmem:s12+$0xFFFFFFE0];
	[tilespmem:v54+s15+$0x0] =	vst.idx.msk $0xffff, v63;
	v62 =	vmul.f32 v59, v36  }
0x4fe: {  	v54 =	vor.u32 v34, v40;
	v56 =	vld [tilespmem:s13+$0x20];
	[tilespmem:v53+s15+$0x0] =	vst.idx.msk $0xffff, v61;
	v63 =	vmul.f32 v60, v36  }
0x4ff: {  	v45 =	vmul.f32 v45, v36;
	v53 =	vor.u32 v34, v41;
	v58 =	vld [tilespmem:s13+$0xFFFFFFE0];
	[tilespmem:v50+s15+$0x0] =	vst.idx.msk $0xffff, v62  }
0x500: {  	v48 =	vor.u32 v34, v42;
	v46 =	vmul.f32 v46, v36;
	v50 =	vld [tilespmem:s14+$0x20];
	[tilespmem:v52+s15+$0x0] =	vst.idx.msk $0xffff, v63  }
0x501: {  	[tilespmem:v47+s15+$0x0] =	vst.idx.msk $0xffff, v45;
	v47 =	vor.u32 v34, v43;
	v59 =	vmul.f32 v49, v36;
	v60 =	vld [tilespmem:s14+$0xFFFFFFE0]  }
0x502: {  	[tilespmem:v39+s15+$0x0] =	vst.idx.msk $0xffff, v46;
	v46 =	vor.u32 v34, v44;
	v61 =	vld [tilespmem:s11+$0x30];
	v62 =	vmul.f32 v55, v36  }
0x503: {  	[tilespmem:v54+s15+$0x0] =	vst.idx.msk $0xffff, v59;
	v54 =	vor.u32 v34, v57;
	v52 =	vld [tilespmem:s11+$0xFFFFFFF0];
	v63 =	vmul.f32 v56, v36  }
0x504: {  	v37 =	vor.u32 v35, v37;
	v55 =	vld [tilespmem:s12+$0x30];
	[tilespmem:v53+s15+$0x0] =	vst.idx.msk $0xffff, v62;
	v56 =	vmul.f32 v58, v36  }
0x505: {  	v38 =	vor.u32 v35, v38;
	v53 =	vld [tilespmem:s12+$0xFFFFFFF0];
	[tilespmem:v48+s15+$0x0] =	vst.idx.msk $0xffff, v63;
	v58 =	vmul.f32 v50, v36  }
0x506: {  	v59 =	vor.u32 v35, v40;
	v48 =	vld [tilespmem:s13+$0x30];
	[tilespmem:v47+s15+$0x0] =	vst.idx.msk $0xffff, v56;
	v60 =	vmul.f32 v60, v36  }
0x507: {  	v61 =	vmul.f32 v61, v36;
	v62 =	vor.u32 v35, v41;
	v63 =	vld [tilespmem:s13+$0xFFFFFFF0];
	[tilespmem:v46+s15+$0x0] =	vst.idx.msk $0xffff, v58  }
0x508: {  	v51 =	vor.u32 v35, v42;
	v50 =	vmul.f32 v52, v36;
	v46 =	vld [tilespmem:s14+$0x30];
	[tilespmem:v54+s15+$0x0] =	vst.idx.msk $0xffff, v60  }
0x509: {  	[tilespmem:v37+s15+$0x0] =	vst.idx.msk $0xffff, v61;
	v52 =	vmul.f32 v55, v36;
	v54 =	vor.u32 v35, v43;
	v55 =	vld [tilespmem:s14+$0xFFFFFFF0]  }
0x50a: {  	v58 =	vor.u32 v35, v44;
	v56 =	vmul.f32 v53, v36;
	[tilespmem:v38+s15+$0x0] =	vst.idx.msk $0xffff, v50  }
0x50b: {  	[tilespmem:v59+s15+$0x0] =	vst.idx.msk $0xffff, v52;
	v59 =	vmul.f32 v48, v36;
	v60 =	vor.u32 v35, v57  }
0x50c: {  	[tilespmem:v62+s15+$0x0] =	vst.idx.msk $0xffff, v56;
	v61 =	vmul.f32 v63, v36  }
0x50d: {  	[tilespmem:v51+s15+$0x0] =	vst.idx.msk $0xffff, v59;
	v62 =	vmul.f32 v46, v36  }
0x50e: {  	[tilespmem:v54+s15+$0x0] =	vst.idx.msk $0xffff, v61;
	v63 =	vmul.f32 v55, v36  }
0x50f: {  	[tilespmem:v58+s15+$0x0] =	vst.idx.msk $0xffff, v62  }
0x510: {  	[tilespmem:v60+s15+$0x0] =	vst.idx.msk $0xffff, v63  }
0x511: {  	s23 =	rddreg [dreg:$0xa]  }
0x512: {  	[hbm4b:s23+s30] =	stream.strided.scatter [tilespmem:s15], [sflag:$0x8], $0x2000, s31, s30, $0x38;
	[tilespmem:$0x1D410] =	vst v63  }
0x513: {  	_ =	swait.ge [sflag:s24], $0x2000  }
0x514: {  	[sflag:s24] =	ssyncset.done $0x0  }
0x515: {  	[sflag:s24] =	ssyncadd.s32 $0xFFFFE000  }
0x516: {  	_ =	swait.ge [sflag:s4], $0x2000  }
0x517: {  	[sflag:s4] =	ssyncset.done $0x0  }
0x518: {  	[sflag:s4] =	ssyncadd.s32 $0xFFFFE000  }
0x519: {  	_ =	swait.ge [sflag:s6], $0x2000  }
0x51a: {  	[sflag:s6] =	ssyncset.done $0x0  }
0x51b: {  	[sflag:s6] =	ssyncadd.s32 $0xFFFFE000  }
0x51c: {  	_ =	swait.ge [sflag:s10], $0x2000  }
0x51d: {  	s8 =	rddreg [dreg:$0xc]  }
0x51e: {  	s25 =	rddreg [dreg:$0xb];
	s8 =	sadd.s32 $0x1, s8  }
0x51f: {  	p0 =	sne.s32 s8, s25  }
.Ltmp14:
0x520: {  	_ = 	snop;
	(pc) =	sbr.rel @p0 .LBB2_1-.Ltmp14, $3  }
0x521: {  	_ =	sdelay $0x1  }
0x522: {  	[sflag:s10] =	ssyncset.done $0x0  }
0x523: {  	s14 =	simm.s32 $0x7100;
	[sflag:s10] =	ssyncadd.s32 $0xFFFFE000  }
0x524: {  	_ =	sfence.sel $0x180000  }
0x525: {  	[bflag:$0x0] =	sbarrier.arrive $0xFFFF  }
0x526: {  	_ =	strace $0x90000047  }
0x527: {  	s0 =	stileid.u32;
	[bflag:$0x2] =	sbarrier.arrive $0xFFFF  }
0x528: {  	p0 =	sne.s32 s0, $0x0;
	s0 =	rddreg [dreg:$0x2]  }
0x529: {  	s0 =	sadd.s32 @!p0 $0x100000, s0  }
0x52a: {  	[sflag:s0] =	ssyncadd.tile.s32 @!p0 $0x1;
	_ =	shalt  }
.Lfunc_end2:
_tile_overlayer_lowered:
.L_overlay_start_2:
0x52b: {  	(tag) =	ssettag $0x2  }
0x52c: {  	s0 =	rddreg [dreg:$0x0];
	s2 =	stileid.u32  }
0x52d: {  	s1 =	rddreg [dreg:$0x1];
	p0 =	sne.s32 s2, $0x0  }
0x52e: {  	s3 =	rddreg [dreg:$0x2];
	[bflag:$0x3] =	sbarrier.arrive $0xFFFF;
	s2 =	simm.s32 @!p0 $0x1C09  }
0x52f: {  	[timem:s3], [sflag:s2] =	dma.local @!p0 [hbm:s0], s1  }
0x530: {  	s0 =	simm.s32 @!p0 $0x9  }
0x531: {  	_ =	swait.ge @!p0 [sflag:s0], s1  }
0x532: {  	s1 =	ssub.s32 @!p0 $0x0, s1;
	[sflag:s0] =	ssyncset.done @!p0 $0x0  }
0x533: {  	[sflag:s0] =	ssyncadd.s32 @!p0 s1  }
0x534: {  	[bflag:$0x3] =	sbarrier.arrive $0xFFFF  }
0x535: {  	_ =	shalt  }

</sc_bundles>
